<compile_context>
chip_gen: v7x
topology: tpu7x:2x2x1
jax: 0.10.2.dev20260603
libtpu: 0.0.44.dev20260713+nightly
codegen_flags: <defaults>
</compile_context>

<pallas_src>
import functools
import math

import jax
import jax.numpy as jnp
from jax import lax
from jax.experimental import pallas as pl
from jax.experimental.pallas import tpu as pltpu
from jax.experimental.pallas import tpu_sc as plsc

N = 10000
B = 100
E = 320000
C = 128
DM = 256
L = 8
H = 4
DH = C // H
NPG = N // B
P = 128
NP = B * P
NSC = 2
NSUB = 16
NW = NSC * NSUB
EC = 128
KB = 16
CH = 80
NBLK = CH // KB
EPAD = NW * EC * CH
ACC_R = NP + P
ZR = ACC_R // NSUB
WR = NP // NSUB
G = 10
RG = G * P


def _ln(x, g, b):
    mu = jnp.mean(x, axis=-1, keepdims=True)
    xc = x - mu
    var = jnp.mean(xc * xc, axis=-1, keepdims=True)
    return xc * lax.rsqrt(var + 1e-5) * g + b


def _dot(a, b):
    return jnp.dot(a, b, preferred_element_type=jnp.float32)



def _temb_body(t_ref, w1, b1, w2, b2, out_ref):
    tf = t_ref[...]
    io = lax.broadcasted_iota(jnp.int32, (1, C // 2), 1).astype(jnp.float32)
    freqs = jnp.exp(io * (-math.log(10000.0) / (C // 2)))
    a = tf * freqs
    temb = jnp.concatenate([jnp.sin(a), jnp.cos(a)], axis=1)
    hh = jnp.maximum(_dot(temb, w1[...]) + b1[...], 0.0)
    out_ref[...] = _dot(hh, w2[...]) + b2[...]


def _temb(t_f, w1, b1, w2, b2):
    return pl.pallas_call(
        _temb_body,
        out_shape=jax.ShapeDtypeStruct((B, DM), jnp.float32),
    )(t_f, w1, b1, w2, b2)


def _inproj_body(xt_ref, te_ref, w_ref, b_ref, out_ref):
    rows = [xt_ref[j * P:(j + 1) * P, :] + te_ref[0, j] for j in range(G)]
    xin = jnp.concatenate(rows, axis=0)
    out_ref[...] = _dot(xin, w_ref[...]) + b_ref[...]


def _inproj(x_tp, temb, w, b):
    return pl.pallas_call(
        _inproj_body,
        grid=(B // G,),
        in_specs=[
            pl.BlockSpec((RG, DM), lambda i: (i, 0)),
            pl.BlockSpec((1, G, DM), lambda i: (i, 0, 0)),
            pl.BlockSpec((DM, C), lambda i: (0, 0)),
            pl.BlockSpec((1, C), lambda i: (0, 0)),
        ],
        out_specs=pl.BlockSpec((RG, C), lambda i: (i, 0)),
        out_shape=jax.ShapeDtypeStruct((NP, C), jnp.float32),
    )(x_tp, temb, w, b)


def _layer_body(eps_ref, x_ref, agg_ref,
                gw1, gb1, gw2, gb2,
                wq, bq, wk, bk, wv, bv, wo, bo,
                fw1, fb1, fw2, fb2,
                g1, b1, g2, b2, g3, b3, out_ref):
    x = x_ref[...]
    agg = agg_ref[0] + agg_ref[1]
    e1 = 1.0 + eps_ref[0]
    z = e1 * x + agg
    hg = jnp.maximum(_dot(z, gw1[...]) + gb1[...], 0.0)
    hg = _dot(hg, gw2[...]) + gb2[...]
    hg = _ln(hg + x, g1[...], b1[...])

    q = _dot(x, wq[...]) + bq[...]
    k = _dot(x, wk[...]) + bk[...]
    v = _dot(x, wv[...]) + bv[...]
    lane = lax.broadcasted_iota(jnp.int32, (P, C), 1)
    hmasks = [(lane // DH) == h for h in range(H)]
    smask = lax.broadcasted_iota(jnp.int32, (P, P), 1) >= NPG
    scale = 1.0 / math.sqrt(DH)
    outs = []
    for j in range(G):
        qj = q[j * P:(j + 1) * P, :]
        kj = k[j * P:(j + 1) * P, :]
        vj = v[j * P:(j + 1) * P, :]
        oj = None
        for h in range(H):
            kh = jnp.where(hmasks[h], kj, 0.0)
            s = lax.dot_general(qj, kh, (((1,), (1,)), ((), ())),
                                preferred_element_type=jnp.float32) * scale
            s = jnp.where(smask, -1e30, s)
            m = jnp.max(s, axis=-1, keepdims=True)
            p_ = jnp.exp(s - m)
            p_ = p_ / jnp.sum(p_, axis=-1, keepdims=True)
            vh = jnp.where(hmasks[h], vj, 0.0)
            contrib = _dot(p_, vh)
            oj = contrib if oj is None else oj + contrib
        outs.append(oj)
    o = jnp.concatenate(outs, axis=0)
    ha = _dot(o, wo[...]) + bo[...]
    ha = _ln(ha + x, g2[...], b2[...])

    out = hg + ha
    hid = jnp.maximum(_dot(out, fw1[...]) + fb1[...], 0.0)
    out = out + _dot(hid, fw2[...]) + fb2[...]
    out_ref[...] = _ln(out, g3[...], b3[...])


def _layer(eps, x, agg2, gw1, gb1, gw2, gb2, wq, bq, wk, bk, wv, bv, wo, bo,
           fw1, fb1, fw2, fb2, g1, b1, g2, b2, g3, b3):
    full = lambda r, c: pl.BlockSpec((r, c), lambda i: (0, 0))
    return pl.pallas_call(
        _layer_body,
        grid=(B // G,),
        in_specs=[
            pl.BlockSpec(memory_space=pltpu.SMEM),
            pl.BlockSpec((RG, C), lambda i: (i, 0)),
            pl.BlockSpec((NSC, RG, C), lambda i: (0, i, 0)),
            full(C, C), full(1, C), full(C, C), full(1, C),
            full(C, C), full(1, C), full(C, C), full(1, C),
            full(C, C), full(1, C), full(C, C), full(1, C),
            full(C, 2 * C), full(1, 2 * C), full(2 * C, C), full(1, C),
            full(1, C), full(1, C), full(1, C), full(1, C),
            full(1, C), full(1, C),
        ],
        out_specs=pl.BlockSpec((RG, C), lambda i: (i, 0)),
        out_shape=jax.ShapeDtypeStruct((NP, C), jnp.float32),
    )(eps, x, agg2, gw1, gb1, gw2, gb2, wq, bq, wk, bk, wv, bv, wo, bo,
      fw1, fb1, fw2, fb2, g1, b1, g2, b2, g3, b3)


def _outproj_body(x_ref, w_ref, b_ref, out_ref):
    out_ref[...] = _dot(x_ref[...], w_ref[...]) + b_ref[...]


def _outproj(x, w, b):
    return pl.pallas_call(
        _outproj_body,
        grid=(B // G,),
        in_specs=[
            pl.BlockSpec((RG, C), lambda i: (i, 0)),
            pl.BlockSpec((C, C), lambda i: (0, 0)),
            pl.BlockSpec((1, C), lambda i: (0, 0)),
        ],
        out_specs=pl.BlockSpec((RG, C), lambda i: (i, 0)),
        out_shape=jax.ShapeDtypeStruct((NP, C), jnp.float32),
    )(x, w, b)



def _sc_agg(x_p, src_i, dst_i, zrows):
    mesh = plsc.VectorSubcoreMesh(core_axis_name="c", subcore_axis_name="s")

    @functools.partial(
        pl.kernel,
        out_type=jax.ShapeDtypeStruct((NSC, NP, C), jnp.float32),
        mesh=mesh,
        scratch_types=[
            pltpu.VMEM((2 * KB, EC), jnp.int32),
            pltpu.VMEM((2 * KB, EC), jnp.int32),
            pltpu.VMEM((EC, C), jnp.float32),
            pltpu.VMEM_SHARED((ACC_R, C), jnp.float32),
            pltpu.SemaphoreType.DMA,
            pltpu.SemaphoreType.DMA,
        ],
    )
    def agg_kernel(x_hbm, src_hbm, dst_hbm, z_hbm, out_hbm,
                   src_v, dst_v, gbuf, acc, sem, isem):
        cid = lax.axis_index("c")
        sid = lax.axis_index("s")
        wid = cid * NSUB + sid

        def stage(bi):
            half = (bi % 2) * KB
            pltpu.async_copy(src_hbm.at[wid, pl.ds(bi * KB, KB)],
                             src_v.at[pl.ds(half, KB)], isem)
            pltpu.async_copy(dst_hbm.at[wid, pl.ds(bi * KB, KB)],
                             dst_v.at[pl.ds(half, KB)], isem)

        def stage_wait(bi):
            half = (bi % 2) * KB
            pltpu.make_async_copy(src_hbm.at[wid, pl.ds(bi * KB, KB)],
                                  src_v.at[pl.ds(half, KB)], isem).wait()
            pltpu.make_async_copy(dst_hbm.at[wid, pl.ds(bi * KB, KB)],
                                  dst_v.at[pl.ds(half, KB)], isem).wait()

        stage(0)
        pltpu.sync_copy(z_hbm, acc.at[pl.ds(sid * ZR, ZR)])
        plsc.subcore_barrier()

        def blk(bi, carry):
            stage_wait(bi)

            @pl.when(bi + 1 < NBLK)
            def _():
                stage(bi + 1)

            half = (bi % 2) * KB

            def body(r, c2):
                pltpu.async_copy(x_hbm.at[src_v.at[half + r]],
                                 gbuf, sem).wait()
                pltpu.sync_copy(gbuf, acc.at[dst_v.at[half + r]], add=True)
                return c2

            lax.fori_loop(0, KB, body, 0)
            return carry

        lax.fori_loop(0, NBLK, blk, 0)
        plsc.subcore_barrier()
        pltpu.sync_copy(acc.at[pl.ds(sid * WR, WR)],
                        out_hbm.at[cid, pl.ds(sid * WR, WR)])

    return agg_kernel(x_p, src_i, dst_i, zrows)



def kernel(x_t, edge_index, batch, num_nodes, t, time_W1, time_b1, time_W2,
           time_b2, in_W, in_b, out_W, out_b, gin_eps, gin_W1, gin_b1,
           gin_W2, gin_b2, Wq, bq, Wk, bk, Wv, bv, Wo, bo, ffn_W1, ffn_b1,
           ffn_W2, ffn_b2, n1_g, n1_b, n2_g, n2_b, n3_g, n3_b):
    r = lambda a: a.reshape(1, -1)

    src = edge_index[0]
    dst = edge_index[1]
    srcp = (src // NPG) * P + (src % NPG)
    dstp = (dst // NPG) * P + (dst % NPG)
    pad = EPAD - E
    srcp = jnp.concatenate([srcp, jnp.zeros((pad,), jnp.int32)])
    dstp = jnp.concatenate(
        [dstp, NP + (jnp.arange(pad, dtype=jnp.int32) % P)])
    src_i = srcp.reshape(NW, CH, EC)
    dst_i = dstp.reshape(NW, CH, EC)
    zrows = jnp.zeros((ZR, C), jnp.float32)

    x_tp = (jnp.zeros((B, P, DM), jnp.float32)
            .at[:, :NPG, :].set(x_t.reshape(B, NPG, DM))
            .reshape(NP, DM))
    t_f = t.astype(jnp.float32).reshape(B, 1)

    temb = _temb(t_f, time_W1, r(time_b1), time_W2, r(time_b2))
    h = _inproj(x_tp, temb.reshape(B // G, G, DM), in_W, r(in_b))
    for l in range(L):
        agg2 = _sc_agg(h, src_i, dst_i, zrows)
        h = _layer(gin_eps[l:l + 1], h, agg2,
                   gin_W1[l], r(gin_b1[l]), gin_W2[l], r(gin_b2[l]),
                   Wq[l], r(bq[l]), Wk[l], r(bk[l]), Wv[l], r(bv[l]),
                   Wo[l], r(bo[l]),
                   ffn_W1[l], r(ffn_b1[l]), ffn_W2[l], r(ffn_b2[l]),
                   r(n1_g[l]), r(n1_b[l]), r(n2_g[l]), r(n2_b[l]),
                   r(n3_g[l]), r(n3_b[l]))
    outp = _outproj(h, out_W, r(out_b))
    return outp.reshape(B, P, C)[:, :NPG, :].reshape(N, C)

# --- scband reference (transcript-rebuilt; emitter-appended) ---
"""Pipeline reference for scband-denoise-gps-9844065042714 (READ-ONLY COPY).

The authoritative reference and input builder live on the scoring server;
editing this copy changes nothing except your own understanding.
"""

import jax, jax.numpy as jnp
import numpy as np
import math

N = 10000
B = 100
E = 320000
C = 128
D_MODEL = 256
L = 8
H = 4

FLOAT_KEYS = ['x_t', 'time_W1', 'time_b1', 'time_W2', 'time_b2', 'in_W', 'in_b', 'out_W', 'out_b', 'gin_eps', 'gin_W1', 'gin_b1', 'gin_W2', 'gin_b2', 'Wq', 'bq', 'Wk', 'bk', 'Wv', 'bv', 'Wo', 'bo', 'ffn_W1', 'ffn_b1', 'ffn_W2', 'ffn_b2', 'n1_g', 'n1_b', 'n2_g', 'n2_b', 'n3_g', 'n3_b']


def setup_inputs(seed=0):
    key = jax.random.key(seed)
    ks = jax.random.split(key, 64)
    inp = {}
    inp['x_t'] = jax.random.normal(ks[0], (N, D_MODEL), jnp.float32)
    inp['edge_index'] = jax.random.randint(ks[1], (2, E), 0, N, dtype=jnp.int32)
    inp['batch'] = jnp.repeat(jnp.arange(B, dtype=jnp.int32), N // B)
    inp['num_nodes'] = jnp.full((B,), N // B, dtype=jnp.int32)
    inp['t'] = jax.random.randint(ks[2], (B,), 0, 1000, dtype=jnp.int32)
    inp['time_W1'] = jax.random.normal(ks[3], (C, C), jnp.float32) * (1.0 / math.sqrt(C))
    inp['time_b1'] = jnp.zeros((C,), jnp.float32)
    inp['time_W2'] = jax.random.normal(ks[4], (C, D_MODEL), jnp.float32) * (1.0 / math.sqrt(C))
    inp['time_b2'] = jnp.zeros((D_MODEL,), jnp.float32)
    inp['in_W'] = jax.random.normal(ks[5], (D_MODEL, C), jnp.float32) * (1.0 / math.sqrt(D_MODEL))
    inp['in_b'] = jnp.zeros((C,), jnp.float32)
    inp['out_W'] = jax.random.normal(ks[6], (C, C), jnp.float32) * (1.0 / math.sqrt(C))
    inp['out_b'] = jnp.zeros((C,), jnp.float32)
    inp['gin_eps'] = jnp.zeros((L,), jnp.float32)
    inp['gin_W1'] = jax.random.normal(ks[7], (L, C, C), jnp.float32) * (1.0 / math.sqrt(C))
    inp['gin_b1'] = jnp.zeros((L, C), jnp.float32)
    inp['gin_W2'] = jax.random.normal(ks[8], (L, C, C), jnp.float32) * (1.0 / math.sqrt(C))
    inp['gin_b2'] = jnp.zeros((L, C), jnp.float32)
    for i, nm in enumerate(['Wq', 'Wk', 'Wv', 'Wo']):
        inp[nm] = jax.random.normal(ks[9 + i], (L, C, C), jnp.float32) * (1.0 / math.sqrt(C))
        inp['b' + nm[1].lower()] = jnp.zeros((L, C), jnp.float32)
    inp['ffn_W1'] = jax.random.normal(ks[13], (L, C, 2 * C), jnp.float32) * (1.0 / math.sqrt(C))
    inp['ffn_b1'] = jnp.zeros((L, 2 * C), jnp.float32)
    inp['ffn_W2'] = jax.random.normal(ks[14], (L, 2 * C, C), jnp.float32) * (1.0 / math.sqrt(2 * C))
    inp['ffn_b2'] = jnp.zeros((L, C), jnp.float32)
    for i in (1, 2, 3):
        inp['n%d_g' % i] = jnp.ones((L, C), jnp.float32)
        inp['n%d_b' % i] = jnp.zeros((L, C), jnp.float32)
    return inp


def _ln(x, g, b):
    mu = jnp.mean(x, axis=-1, keepdims=True)
    var = jnp.var(x, axis=-1, keepdims=True)
    return (x - mu) / jnp.sqrt(var + 1e-5) * g + b


def _forward(fl, edge_index, num_nodes, t):
    half = C // 2
    freqs = jnp.exp(-math.log(10000.0) * jnp.arange(half, dtype=jnp.float32) / half)
    a = t[:, None].astype(jnp.float32) * freqs[None, :]
    t_emb = jnp.concatenate([jnp.sin(a), jnp.cos(a)], axis=-1)
    t_emb = jnp.maximum(t_emb @ fl['time_W1'] + fl['time_b1'], 0.0) @ fl['time_W2'] + fl['time_b2']
    t_exp = jnp.repeat(t_emb, num_nodes, axis=0, total_repeat_length=N)
    x_in = fl['x_t'] + t_exp
    h = x_in @ fl['in_W'] + fl['in_b']
    src = edge_index[0]
    dst = edge_index[1]
    n_per = N // B
    dh = C // H
    for l in range(L):
        x = h
        agg = jnp.zeros((N, C), x.dtype).at[dst].add(x[src])
        hg = (1.0 + fl['gin_eps'][l]) * x + agg
        hg = jnp.maximum(hg @ fl['gin_W1'][l] + fl['gin_b1'][l], 0.0) @ fl['gin_W2'][l] + fl['gin_b2'][l]
        hg = _ln(hg + x, fl['n1_g'][l], fl['n1_b'][l])
        xb = x.reshape(B, n_per, C)
        q = (xb @ fl['Wq'][l] + fl['bq'][l]).reshape(B, n_per, H, dh).transpose(0, 2, 1, 3)
        k = (xb @ fl['Wk'][l] + fl['bk'][l]).reshape(B, n_per, H, dh).transpose(0, 2, 1, 3)
        v = (xb @ fl['Wv'][l] + fl['bv'][l]).reshape(B, n_per, H, dh).transpose(0, 2, 1, 3)
        att = jax.nn.softmax(jnp.einsum('bhqd,bhkd->bhqk', q, k) / math.sqrt(dh), axis=-1)
        o = jnp.einsum('bhqk,bhkd->bhqd', att, v).transpose(0, 2, 1, 3).reshape(B, n_per, C)
        ha = (o @ fl['Wo'][l] + fl['bo'][l]).reshape(N, C)
        ha = _ln(ha + x, fl['n2_g'][l], fl['n2_b'][l])
        out = hg + ha
        out = out + (jnp.maximum(out @ fl['ffn_W1'][l] + fl['ffn_b1'][l], 0.0) @ fl['ffn_W2'][l] + fl['ffn_b2'][l])
        h = _ln(out, fl['n3_g'][l], fl['n3_b'][l])
    return h @ fl['out_W'] + fl['out_b']


def reference(x_t, edge_index, batch, num_nodes, t, time_W1, time_b1, time_W2, time_b2,
              in_W, in_b, out_W, out_b, gin_eps, gin_W1, gin_b1, gin_W2, gin_b2,
              Wq, bq, Wk, bk, Wv, bv, Wo, bo, ffn_W1, ffn_b1, ffn_W2, ffn_b2,
              n1_g, n1_b, n2_g, n2_b, n3_g, n3_b):
    inp = dict(locals())
    fl = {k: inp[k] for k in FLOAT_KEYS}
    return _forward(fl, inp['edge_index'], inp['num_nodes'], inp['t'])

if __name__ == "__main__":
    import jax
    _d = setup_inputs()
    print(jax.jit(kernel)(*tuple(_d.values())))

</pallas_src>

<mosaic_0001>
#map = affine_map<(d0, d1) -> (0, 0)>
#map1 = affine_map<(d0, d1) -> (0, 0, 0)>
module attributes {stable_mosaic.version = 14 : i64} {
  func.func @agg_kernel(%arg0: i32, %arg1: i32, %arg2: memref<12800x128xf32, #tpu.memory_space<hbm>>, %arg3: memref<32x80x128xi32, #tpu.memory_space<hbm>>, %arg4: memref<32x80x128xi32, #tpu.memory_space<hbm>>, %arg5: memref<808x128xf32, #tpu.memory_space<hbm>>, %arg6: memref<2x12800x128xf32, #tpu.memory_space<hbm>>, %arg7: memref<32x128xi32, #tpu.memory_space<vmem>>, %arg8: memref<32x128xi32, #tpu.memory_space<vmem>>, %arg9: memref<128x128xf32, #tpu.memory_space<vmem>>, %arg10: memref<12928x128xf32, #tpu.memory_space<vmem_shared>>, %arg11: memref<!tpu.dma_semaphore, #tpu.memory_space<semaphore_mem>>, %arg12: memref<!tpu.dma_semaphore, #tpu.memory_space<semaphore_mem>>) attributes {dimension_semantics = [#tpu.dimension_semantics<core_parallel>, #tpu.dimension_semantics<subcore_parallel>], iteration_bounds = array<i64: 2, 16>, scalar_prefetch = 0 : i64, scratch_operands = 6 : i64, tpu.core_type = #tpu.core_type<sc_vector_subcore>, window_params = [{transform_indices = #map}, {transform_indices = #map1}, {transform_indices = #map1}, {transform_indices = #map}, {transform_indices = #map1}]} {
    %mul3A = arith.constant 16 : i32
    %mul3A_0 = arith.muli %arg0, %mul3A : i32
    %add3A = arith.addi %mul3A_0, %arg1 : i32
    %dma_start3A = arith.constant 0 : i32
    %dma_start3A_1 = arith.constant 0 : i32
    %dma_start3A_2 = tpu.memref_slice %arg7[%dma_start3A, %dma_start3A_1] : memref<32x128xi32, #tpu.memory_space<vmem>> -> memref<16x128xi32, #tpu.memory_space<vmem>>
    %dma_start3A_3 = arith.constant 0 : i32
    %dma_start3A_4 = arith.constant 0 : i32
    %dma_start3A_5 = tpu.memref_slice %arg3[%add3A, %dma_start3A_3, %dma_start3A_4] : memref<32x80x128xi32, #tpu.memory_space<hbm>> -> memref<1x16x128xi32, #tpu.memory_space<hbm>>
    %dma_start3A_6 = tpu.memref_squeeze %dma_start3A_5 : memref<1x16x128xi32, #tpu.memory_space<hbm>> -> memref<16x128xi32, #tpu.memory_space<hbm>>
    %dma_start3A_7 = arith.constant 0 : i32
    %dma_start3A_8 = arith.constant 0 : i32
    %dma_start3A_9 = tpu.memref_slice %arg7[%dma_start3A_7, %dma_start3A_8] : memref<32x128xi32, #tpu.memory_space<vmem>> -> memref<16x128xi32, #tpu.memory_space<vmem>>
    %dma_start3A_10 = arith.constant 0 : i32
    %dma_start3A_11 = arith.constant 0 : i32
    %dma_start3A_12 = tpu.memref_slice %arg3[%add3A, %dma_start3A_10, %dma_start3A_11] : memref<32x80x128xi32, #tpu.memory_space<hbm>> -> memref<1x16x128xi32, #tpu.memory_space<hbm>>
    %dma_start3A_13 = tpu.memref_squeeze %dma_start3A_12 : memref<1x16x128xi32, #tpu.memory_space<hbm>> -> memref<16x128xi32, #tpu.memory_space<hbm>>
    tpu.enqueue_dma source(%dma_start3A_13 : memref<16x128xi32, #tpu.memory_space<hbm>>) target(%dma_start3A_9 : memref<16x128xi32, #tpu.memory_space<vmem>>) target_semaphore(%arg12 : memref<!tpu.dma_semaphore, #tpu.memory_space<semaphore_mem>>)
    %dma_start3A_14 = arith.constant 0 : i32
    %dma_start3A_15 = arith.constant 0 : i32
    %dma_start3A_16 = tpu.memref_slice %arg8[%dma_start3A_14, %dma_start3A_15] : memref<32x128xi32, #tpu.memory_space<vmem>> -> memref<16x128xi32, #tpu.memory_space<vmem>>
    %dma_start3A_17 = arith.constant 0 : i32
    %dma_start3A_18 = arith.constant 0 : i32
    %dma_start3A_19 = tpu.memref_slice %arg4[%add3A, %dma_start3A_17, %dma_start3A_18] : memref<32x80x128xi32, #tpu.memory_space<hbm>> -> memref<1x16x128xi32, #tpu.memory_space<hbm>>
    %dma_start3A_20 = tpu.memref_squeeze %dma_start3A_19 : memref<1x16x128xi32, #tpu.memory_space<hbm>> -> memref<16x128xi32, #tpu.memory_space<hbm>>
    %dma_start3A_21 = arith.constant 0 : i32
    %dma_start3A_22 = arith.constant 0 : i32
    %dma_start3A_23 = tpu.memref_slice %arg8[%dma_start3A_21, %dma_start3A_22] : memref<32x128xi32, #tpu.memory_space<vmem>> -> memref<16x128xi32, #tpu.memory_space<vmem>>
    %dma_start3A_24 = arith.constant 0 : i32
    %dma_start3A_25 = arith.constant 0 : i32
    %dma_start3A_26 = tpu.memref_slice %arg4[%add3A, %dma_start3A_24, %dma_start3A_25] : memref<32x80x128xi32, #tpu.memory_space<hbm>> -> memref<1x16x128xi32, #tpu.memory_space<hbm>>
    %dma_start3A_27 = tpu.memref_squeeze %dma_start3A_26 : memref<1x16x128xi32, #tpu.memory_space<hbm>> -> memref<16x128xi32, #tpu.memory_space<hbm>>
    tpu.enqueue_dma source(%dma_start3A_27 : memref<16x128xi32, #tpu.memory_space<hbm>>) target(%dma_start3A_23 : memref<16x128xi32, #tpu.memory_space<vmem>>) target_semaphore(%arg12 : memref<!tpu.dma_semaphore, #tpu.memory_space<semaphore_mem>>)
    %mul3A_28 = arith.constant 808 : i32
    %mul3A_29 = arith.muli %arg1, %mul3A_28 : i32
    "tpu.region"() ({
      %run_scoped3A = tpu.sem_alloc : memref<!tpu.dma_semaphore, #tpu.memory_space<semaphore_mem>>
      %dma_start3A_40 = arith.constant 0 : i32
      %dma_start3A_41 = tpu.memref_slice %arg10[%mul3A_29, %dma_start3A_40] : memref<12928x128xf32, #tpu.memory_space<vmem_shared>> -> memref<808x128xf32, #tpu.memory_space<vmem_shared>>
      tpu.enqueue_dma source(%arg5 : memref<808x128xf32, #tpu.memory_space<hbm>>) target(%dma_start3A_41 : memref<808x128xf32, #tpu.memory_space<vmem_shared>>) target_semaphore(%run_scoped3A : memref<!tpu.dma_semaphore, #tpu.memory_space<semaphore_mem>>)
      %dma_wait3A = arith.constant 0 : i32
      %dma_wait3A_42 = tpu.memref_slice %arg10[%mul3A_29, %dma_wait3A] : memref<12928x128xf32, #tpu.memory_space<vmem_shared>> -> memref<808x128xf32, #tpu.memory_space<vmem_shared>>
      tpu.wait_dma2 semaphore(%run_scoped3A : memref<!tpu.dma_semaphore, #tpu.memory_space<semaphore_mem>>) src(%arg5 : memref<808x128xf32, #tpu.memory_space<hbm>>) dst(%dma_wait3A_42 : memref<808x128xf32, #tpu.memory_space<vmem_shared>>)
      tpu.yield
    }) : () -> ()
    %barrier3A = arith.constant 0 : index
    tpu.barrier barrier_id(%barrier3A)
    %scan3A = arith.constant 0 : i32
    %scan3A_30 = arith.constant 0 : i32
    %scan3A_31 = arith.constant 5 : i32
    %scan3A_32 = arith.addi %scan3A_30, %scan3A_31 : i32
    %scan3A_33 = arith.constant 1 : i32
    scf.for %scan3A_40 = %scan3A_30 to %scan3A_32 step %scan3A_33  : i32 {
      %jit3A = arith.constant 2 : i32
      %eq3A = arith.constant 0 : i32
      %eq3A_41 = arith.cmpi eq, %jit3A, %eq3A : i32
      %jit3A_42 = arith.constant 1 : i32
      %select_n3A = arith.select %eq3A_41, %jit3A_42, %jit3A : i32
      %rem3A = arith.remsi %scan3A_40, %select_n3A : i32
      %ne3A = arith.constant 0 : i32
      %ne3A_43 = arith.cmpi ne, %rem3A, %ne3A : i32
      %lt3A = arith.constant 0 : i32
      %lt3A_44 = arith.cmpi slt, %rem3A, %lt3A : i32
      %lt3A_45 = arith.constant 0 : i32
      %lt3A_46 = arith.cmpi slt, %select_n3A, %lt3A_45 : i32
      %ne3A_47 = arith.xori %lt3A_44, %lt3A_46 : i1
      %and3A = arith.andi %ne3A_47, %ne3A_43 : i1
      %add3A_48 = arith.addi %rem3A, %select_n3A : i32
      %select_n3A_49 = arith.select %and3A, %add3A_48, %rem3A : i32
      %mul3A_50 = arith.constant 16 : i32
      %mul3A_51 = arith.muli %select_n3A_49, %mul3A_50 : i32
      %mul3A_52 = arith.constant 16 : i32
      %mul3A_53 = arith.muli %scan3A_40, %mul3A_52 : i32
      %dma_wait3A = arith.constant 0 : i32
      %dma_wait3A_54 = tpu.memref_slice %arg7[%mul3A_51, %dma_wait3A] : memref<32x128xi32, #tpu.memory_space<vmem>> -> memref<16x128xi32, #tpu.memory_space<vmem>>
      %dma_wait3A_55 = arith.constant 0 : i32
      %dma_wait3A_56 = tpu.memref_slice %arg3[%add3A, %mul3A_53, %dma_wait3A_55] : memref<32x80x128xi32, #tpu.memory_space<hbm>> -> memref<1x16x128xi32, #tpu.memory_space<hbm>>
      %dma_wait3A_57 = tpu.memref_squeeze %dma_wait3A_56 : memref<1x16x128xi32, #tpu.memory_space<hbm>> -> memref<16x128xi32, #tpu.memory_space<hbm>>
      %dma_wait3A_58 = arith.constant 0 : i32
      %dma_wait3A_59 = tpu.memref_slice %arg7[%mul3A_51, %dma_wait3A_58] : memref<32x128xi32, #tpu.memory_space<vmem>> -> memref<16x128xi32, #tpu.memory_space<vmem>>
      %dma_wait3A_60 = arith.constant 0 : i32
      %dma_wait3A_61 = tpu.memref_slice %arg3[%add3A, %mul3A_53, %dma_wait3A_60] : memref<32x80x128xi32, #tpu.memory_space<hbm>> -> memref<1x16x128xi32, #tpu.memory_space<hbm>>
      %dma_wait3A_62 = tpu.memref_squeeze %dma_wait3A_61 : memref<1x16x128xi32, #tpu.memory_space<hbm>> -> memref<16x128xi32, #tpu.memory_space<hbm>>
      tpu.wait_dma2 semaphore(%arg12 : memref<!tpu.dma_semaphore, #tpu.memory_space<semaphore_mem>>) src(%dma_wait3A_62 : memref<16x128xi32, #tpu.memory_space<hbm>>) dst(%dma_wait3A_59 : memref<16x128xi32, #tpu.memory_space<vmem>>)
      %mul3A_63 = arith.constant 16 : i32
      %mul3A_64 = arith.muli %scan3A_40, %mul3A_63 : i32
      %dma_wait3A_65 = arith.constant 0 : i32
      %dma_wait3A_66 = tpu.memref_slice %arg8[%mul3A_51, %dma_wait3A_65] : memref<32x128xi32, #tpu.memory_space<vmem>> -> memref<16x128xi32, #tpu.memory_space<vmem>>
      %dma_wait3A_67 = arith.constant 0 : i32
      %dma_wait3A_68 = tpu.memref_slice %arg4[%add3A, %mul3A_64, %dma_wait3A_67] : memref<32x80x128xi32, #tpu.memory_space<hbm>> -> memref<1x16x128xi32, #tpu.memory_space<hbm>>
      %dma_wait3A_69 = tpu.memref_squeeze %dma_wait3A_68 : memref<1x16x128xi32, #tpu.memory_space<hbm>> -> memref<16x128xi32, #tpu.memory_space<hbm>>
      %dma_wait3A_70 = arith.constant 0 : i32
      %dma_wait3A_71 = tpu.memref_slice %arg8[%mul3A_51, %dma_wait3A_70] : memref<32x128xi32, #tpu.memory_space<vmem>> -> memref<16x128xi32, #tpu.memory_space<vmem>>
      %dma_wait3A_72 = arith.constant 0 : i32
      %dma_wait3A_73 = tpu.memref_slice %arg4[%add3A, %mul3A_64, %dma_wait3A_72] : memref<32x80x128xi32, #tpu.memory_space<hbm>> -> memref<1x16x128xi32, #tpu.memory_space<hbm>>
      %dma_wait3A_74 = tpu.memref_squeeze %dma_wait3A_73 : memref<1x16x128xi32, #tpu.memory_space<hbm>> -> memref<16x128xi32, #tpu.memory_space<hbm>>
      tpu.wait_dma2 semaphore(%arg12 : memref<!tpu.dma_semaphore, #tpu.memory_space<semaphore_mem>>) src(%dma_wait3A_74 : memref<16x128xi32, #tpu.memory_space<hbm>>) dst(%dma_wait3A_71 : memref<16x128xi32, #tpu.memory_space<vmem>>)
      %add3A_75 = arith.constant 1 : i32
      %add3A_76 = arith.addi %scan3A_40, %add3A_75 : i32
      %lt3A_77 = arith.constant 5 : i32
      %lt3A_78 = arith.cmpi slt, %add3A_76, %lt3A_77 : i32
      %convert_element_type3A = arith.extui %lt3A_78 : i1 to i32
      %cond3A = arith.constant 0 : i32
      %cond3A_79 = arith.cmpi ne, %convert_element_type3A, %cond3A : i32
      scf.if %cond3A_79 {
        %add3A_104 = arith.constant 1 : i32
        %add3A_105 = arith.addi %scan3A_40, %add3A_104 : i32
        %jit3A_106 = arith.constant 2 : i32
        %eq3A_107 = arith.constant 0 : i32
        %eq3A_108 = arith.cmpi eq, %jit3A_106, %eq3A_107 : i32
        %jit3A_109 = arith.constant 1 : i32
        %select_n3A_110 = arith.select %eq3A_108, %jit3A_109, %jit3A_106 : i32
        %rem3A_111 = arith.remsi %add3A_105, %select_n3A_110 : i32
        %ne3A_112 = arith.constant 0 : i32
        %ne3A_113 = arith.cmpi ne, %rem3A_111, %ne3A_112 : i32
        %lt3A_114 = arith.constant 0 : i32
        %lt3A_115 = arith.cmpi slt, %rem3A_111, %lt3A_114 : i32
        %lt3A_116 = arith.constant 0 : i32
        %lt3A_117 = arith.cmpi slt, %select_n3A_110, %lt3A_116 : i32
        %ne3A_118 = arith.xori %lt3A_115, %lt3A_117 : i1
        %and3A_119 = arith.andi %ne3A_118, %ne3A_113 : i1
        %add3A_120 = arith.addi %rem3A_111, %select_n3A_110 : i32
        %select_n3A_121 = arith.select %and3A_119, %add3A_120, %rem3A_111 : i32
        %mul3A_122 = arith.constant 16 : i32
        %mul3A_123 = arith.muli %select_n3A_121, %mul3A_122 : i32
        %mul3A_124 = arith.constant 16 : i32
        %mul3A_125 = arith.muli %add3A_105, %mul3A_124 : i32
        %dma_start3A_126 = arith.constant 0 : i32
        %dma_start3A_127 = tpu.memref_slice %arg7[%mul3A_123, %dma_start3A_126] : memref<32x128xi32, #tpu.memory_space<vmem>> -> memref<16x128xi32, #tpu.memory_space<vmem>>
        %dma_start3A_128 = arith.constant 0 : i32
        %dma_start3A_129 = tpu.memref_slice %arg3[%add3A, %mul3A_125, %dma_start3A_128] : memref<32x80x128xi32, #tpu.memory_space<hbm>> -> memref<1x16x128xi32, #tpu.memory_space<hbm>>
        %dma_start3A_130 = tpu.memref_squeeze %dma_start3A_129 : memref<1x16x128xi32, #tpu.memory_space<hbm>> -> memref<16x128xi32, #tpu.memory_space<hbm>>
        %dma_start3A_131 = arith.constant 0 : i32
        %dma_start3A_132 = tpu.memref_slice %arg7[%mul3A_123, %dma_start3A_131] : memref<32x128xi32, #tpu.memory_space<vmem>> -> memref<16x128xi32, #tpu.memory_space<vmem>>
        %dma_start3A_133 = arith.constant 0 : i32
        %dma_start3A_134 = tpu.memref_slice %arg3[%add3A, %mul3A_125, %dma_start3A_133] : memref<32x80x128xi32, #tpu.memory_space<hbm>> -> memref<1x16x128xi32, #tpu.memory_space<hbm>>
        %dma_start3A_135 = tpu.memref_squeeze %dma_start3A_134 : memref<1x16x128xi32, #tpu.memory_space<hbm>> -> memref<16x128xi32, #tpu.memory_space<hbm>>
        tpu.enqueue_dma source(%dma_start3A_135 : memref<16x128xi32, #tpu.memory_space<hbm>>) target(%dma_start3A_132 : memref<16x128xi32, #tpu.memory_space<vmem>>) target_semaphore(%arg12 : memref<!tpu.dma_semaphore, #tpu.memory_space<semaphore_mem>>)
        %mul3A_136 = arith.constant 16 : i32
        %mul3A_137 = arith.muli %add3A_105, %mul3A_136 : i32
        %dma_start3A_138 = arith.constant 0 : i32
        %dma_start3A_139 = tpu.memref_slice %arg8[%mul3A_123, %dma_start3A_138] : memref<32x128xi32, #tpu.memory_space<vmem>> -> memref<16x128xi32, #tpu.memory_space<vmem>>
        %dma_start3A_140 = arith.constant 0 : i32
        %dma_start3A_141 = tpu.memref_slice %arg4[%add3A, %mul3A_137, %dma_start3A_140] : memref<32x80x128xi32, #tpu.memory_space<hbm>> -> memref<1x16x128xi32, #tpu.memory_space<hbm>>
        %dma_start3A_142 = tpu.memref_squeeze %dma_start3A_141 : memref<1x16x128xi32, #tpu.memory_space<hbm>> -> memref<16x128xi32, #tpu.memory_space<hbm>>
        %dma_start3A_143 = arith.constant 0 : i32
        %dma_start3A_144 = tpu.memref_slice %arg8[%mul3A_123, %dma_start3A_143] : memref<32x128xi32, #tpu.memory_space<vmem>> -> memref<16x128xi32, #tpu.memory_space<vmem>>
        %dma_start3A_145 = arith.constant 0 : i32
        %dma_start3A_146 = tpu.memref_slice %arg4[%add3A, %mul3A_137, %dma_start3A_145] : memref<32x80x128xi32, #tpu.memory_space<hbm>> -> memref<1x16x128xi32, #tpu.memory_space<hbm>>
        %dma_start3A_147 = tpu.memref_squeeze %dma_start3A_146 : memref<1x16x128xi32, #tpu.memory_space<hbm>> -> memref<16x128xi32, #tpu.memory_space<hbm>>
        tpu.enqueue_dma source(%dma_start3A_147 : memref<16x128xi32, #tpu.memory_space<hbm>>) target(%dma_start3A_144 : memref<16x128xi32, #tpu.memory_space<vmem>>) target_semaphore(%arg12 : memref<!tpu.dma_semaphore, #tpu.memory_space<semaphore_mem>>)
      } else {
      }
      %jit3A_80 = arith.constant 2 : i32
      %eq3A_81 = arith.constant 0 : i32
      %eq3A_82 = arith.cmpi eq, %jit3A_80, %eq3A_81 : i32
      %jit3A_83 = arith.constant 1 : i32
      %select_n3A_84 = arith.select %eq3A_82, %jit3A_83, %jit3A_80 : i32
      %rem3A_85 = arith.remsi %scan3A_40, %select_n3A_84 : i32
      %ne3A_86 = arith.constant 0 : i32
      %ne3A_87 = arith.cmpi ne, %rem3A_85, %ne3A_86 : i32
      %lt3A_88 = arith.constant 0 : i32
      %lt3A_89 = arith.cmpi slt, %rem3A_85, %lt3A_88 : i32
      %lt3A_90 = arith.constant 0 : i32
      %lt3A_91 = arith.cmpi slt, %select_n3A_84, %lt3A_90 : i32
      %ne3A_92 = arith.xori %lt3A_89, %lt3A_91 : i1
      %and3A_93 = arith.andi %ne3A_92, %ne3A_87 : i1
      %add3A_94 = arith.addi %rem3A_85, %select_n3A_84 : i32
      %select_n3A_95 = arith.select %and3A_93, %add3A_94, %rem3A_85 : i32
      %mul3A_96 = arith.constant 16 : i32
      %mul3A_97 = arith.muli %select_n3A_95, %mul3A_96 : i32
      %scan3A_98 = arith.constant 0 : i32
      %scan3A_99 = arith.constant 0 : i32
      %scan3A_100 = arith.constant 16 : i32
      %scan3A_101 = arith.addi %scan3A_99, %scan3A_100 : i32
      %scan3A_102 = arith.constant 1 : i32
      scf.for %scan3A_104 = %scan3A_99 to %scan3A_101 step %scan3A_102  : i32 {
        %add3A_105 = arith.addi %mul3A_97, %scan3A_104 : i32
        %dma_start3A_106 = arith.constant 0 : i32
        %dma_start3A_107 = tpu.memref_slice %arg7[%add3A_105, %dma_start3A_106] : memref<32x128xi32, #tpu.memory_space<vmem>> -> memref<1x128xi32, #tpu.memory_space<vmem>>
        %dma_start3A_108 = tpu.memref_squeeze %dma_start3A_107 : memref<1x128xi32, #tpu.memory_space<vmem>> -> memref<128xi32, #tpu.memory_space<vmem>>
        %dma_start3A_109 = arith.constant 0 : i32
        %dma_start3A_110 = arith.constant 0 : i32
        %dma_start3A_111 = tpu.memref_slice %arg2[%dma_start3A_109, %dma_start3A_110] : memref<12800x128xf32, #tpu.memory_space<hbm>> -> memref<12800x128xf32, #tpu.memory_space<hbm>>
        tpu.enqueue_indirect_dma source(%dma_start3A_111 : memref<12800x128xf32, #tpu.memory_space<hbm>>) target(%arg9 : memref<128x128xf32, #tpu.memory_space<vmem>>) offsets(%dma_start3A_108 : memref<128xi32, #tpu.memory_space<vmem>>) semaphore(%arg11 : memref<!tpu.dma_semaphore, #tpu.memory_space<semaphore_mem>>)
        %dma_wait3A_112 = arith.constant 0 : i32
        %dma_wait3A_113 = tpu.memref_slice %arg7[%add3A_105, %dma_wait3A_112] : memref<32x128xi32, #tpu.memory_space<vmem>> -> memref<1x128xi32, #tpu.memory_space<vmem>>
        %dma_wait3A_114 = tpu.memref_squeeze %dma_wait3A_113 : memref<1x128xi32, #tpu.memory_space<vmem>> -> memref<128xi32, #tpu.memory_space<vmem>>
        %dma_wait3A_115 = arith.constant 0 : i32
        %dma_wait3A_116 = arith.constant 0 : i32
        %dma_wait3A_117 = tpu.memref_slice %arg2[%dma_wait3A_115, %dma_wait3A_116] : memref<12800x128xf32, #tpu.memory_space<hbm>> -> memref<12800x128xf32, #tpu.memory_space<hbm>>
        tpu.wait_indirect_dma semaphore(%arg11 : memref<!tpu.dma_semaphore, #tpu.memory_space<semaphore_mem>>) src(%dma_wait3A_117 : memref<12800x128xf32, #tpu.memory_space<hbm>>) dst(%arg9 : memref<128x128xf32, #tpu.memory_space<vmem>>)
        %add3A_118 = arith.addi %mul3A_97, %scan3A_104 : i32
        "tpu.region"() ({
          %run_scoped3A = tpu.sem_alloc : memref<!tpu.dma_semaphore, #tpu.memory_space<semaphore_mem>>
          %dma_start3A_119 = arith.constant 0 : i32
          %dma_start3A_120 = tpu.memref_slice %arg8[%add3A_118, %dma_start3A_119] : memref<32x128xi32, #tpu.memory_space<vmem>> -> memref<1x128xi32, #tpu.memory_space<vmem>>
          %dma_start3A_121 = tpu.memref_squeeze %dma_start3A_120 : memref<1x128xi32, #tpu.memory_space<vmem>> -> memref<128xi32, #tpu.memory_space<vmem>>
          %dma_start3A_122 = arith.constant 0 : i32
          %dma_start3A_123 = arith.constant 0 : i32
          %dma_start3A_124 = tpu.memref_slice %arg10[%dma_start3A_122, %dma_start3A_123] : memref<12928x128xf32, #tpu.memory_space<vmem_shared>> -> memref<12928x128xf32, #tpu.memory_space<vmem_shared>>
          tpu.enqueue_indirect_dma source(%arg9 : memref<128x128xf32, #tpu.memory_space<vmem>>) target(%dma_start3A_124 : memref<12928x128xf32, #tpu.memory_space<vmem_shared>>) offsets(%dma_start3A_121 : memref<128xi32, #tpu.memory_space<vmem>>) semaphore(%run_scoped3A : memref<!tpu.dma_semaphore, #tpu.memory_space<semaphore_mem>>) {add = true}
          %dma_wait3A_125 = arith.constant 0 : i32
          %dma_wait3A_126 = tpu.memref_slice %arg8[%add3A_118, %dma_wait3A_125] : memref<32x128xi32, #tpu.memory_space<vmem>> -> memref<1x128xi32, #tpu.memory_space<vmem>>
          %dma_wait3A_127 = tpu.memref_squeeze %dma_wait3A_126 : memref<1x128xi32, #tpu.memory_space<vmem>> -> memref<128xi32, #tpu.memory_space<vmem>>
          %dma_wait3A_128 = arith.constant 0 : i32
          %dma_wait3A_129 = arith.constant 0 : i32
          %dma_wait3A_130 = tpu.memref_slice %arg10[%dma_wait3A_128, %dma_wait3A_129] : memref<12928x128xf32, #tpu.memory_space<vmem_shared>> -> memref<12928x128xf32, #tpu.memory_space<vmem_shared>>
          tpu.wait_indirect_dma semaphore(%run_scoped3A : memref<!tpu.dma_semaphore, #tpu.memory_space<semaphore_mem>>) src(%arg9 : memref<128x128xf32, #tpu.memory_space<vmem>>) dst(%dma_wait3A_130 : memref<12928x128xf32, #tpu.memory_space<vmem_shared>>)
          tpu.yield
        }) : () -> ()
      }
      %scan3A_103 = arith.constant 16 : i32
    }
    %scan3A_34 = arith.constant 5 : i32
    %barrier3A_35 = arith.constant 0 : index
    tpu.barrier barrier_id(%barrier3A_35)
    %mul3A_36 = arith.constant 800 : i32
    %mul3A_37 = arith.muli %arg1, %mul3A_36 : i32
    %mul3A_38 = arith.constant 800 : i32
    %mul3A_39 = arith.muli %arg1, %mul3A_38 : i32
    "tpu.region"() ({
      %run_scoped3A = tpu.sem_alloc : memref<!tpu.dma_semaphore, #tpu.memory_space<semaphore_mem>>
      %dma_start3A_40 = arith.constant 0 : i32
      %dma_start3A_41 = tpu.memref_slice %arg6[%arg0, %mul3A_39, %dma_start3A_40] : memref<2x12800x128xf32, #tpu.memory_space<hbm>> -> memref<1x800x128xf32, #tpu.memory_space<hbm>>
      %dma_start3A_42 = tpu.memref_squeeze %dma_start3A_41 : memref<1x800x128xf32, #tpu.memory_space<hbm>> -> memref<800x128xf32, #tpu.memory_space<hbm>>
      %dma_start3A_43 = arith.constant 0 : i32
      %dma_start3A_44 = tpu.memref_slice %arg10[%mul3A_37, %dma_start3A_43] : memref<12928x128xf32, #tpu.memory_space<vmem_shared>> -> memref<800x128xf32, #tpu.memory_space<vmem_shared>>
      tpu.enqueue_dma source(%dma_start3A_44 : memref<800x128xf32, #tpu.memory_space<vmem_shared>>) target(%dma_start3A_42 : memref<800x128xf32, #tpu.memory_space<hbm>>) target_semaphore(%run_scoped3A : memref<!tpu.dma_semaphore, #tpu.memory_space<semaphore_mem>>)
      %dma_wait3A = arith.constant 0 : i32
      %dma_wait3A_45 = tpu.memref_slice %arg6[%arg0, %mul3A_39, %dma_wait3A] : memref<2x12800x128xf32, #tpu.memory_space<hbm>> -> memref<1x800x128xf32, #tpu.memory_space<hbm>>
      %dma_wait3A_46 = tpu.memref_squeeze %dma_wait3A_45 : memref<1x800x128xf32, #tpu.memory_space<hbm>> -> memref<800x128xf32, #tpu.memory_space<hbm>>
      %dma_wait3A_47 = arith.constant 0 : i32
      %dma_wait3A_48 = tpu.memref_slice %arg10[%mul3A_37, %dma_wait3A_47] : memref<12928x128xf32, #tpu.memory_space<vmem_shared>> -> memref<800x128xf32, #tpu.memory_space<vmem_shared>>
      tpu.wait_dma2 semaphore(%run_scoped3A : memref<!tpu.dma_semaphore, #tpu.memory_space<semaphore_mem>>) src(%dma_wait3A_48 : memref<800x128xf32, #tpu.memory_space<vmem_shared>>) dst(%dma_wait3A_46 : memref<800x128xf32, #tpu.memory_space<hbm>>)
      tpu.yield
    }) : () -> ()
    return
  }
}

#map = affine_map<(d0, d1) -> (0, 0)>
#map1 = affine_map<(d0, d1) -> (0, 0, 0)>
module attributes {stable_mosaic.version = 14 : i64} {
  func.func @agg_kernel(%arg0: i32, %arg1: i32, %arg2: memref<12800x128xf32, #tpu.memory_space<hbm>>, %arg3: memref<32x80x128xi32, #tpu.memory_space<hbm>>, %arg4: memref<32x80x128xi32, #tpu.memory_space<hbm>>, %arg5: memref<808x128xf32, #tpu.memory_space<hbm>>, %arg6: memref<2x12800x128xf32, #tpu.memory_space<hbm>>, %arg7: memref<32x128xi32, #tpu.memory_space<vmem>>, %arg8: memref<32x128xi32, #tpu.memory_space<vmem>>, %arg9: memref<128x128xf32, #tpu.memory_space<vmem>>, %arg10: memref<12928x128xf32, #tpu.memory_space<vmem_shared>>, %arg11: memref<!tpu.dma_semaphore, #tpu.memory_space<semaphore_mem>>, %arg12: memref<!tpu.dma_semaphore, #tpu.memory_space<semaphore_mem>>) attributes {dimension_semantics = [#tpu.dimension_semantics<core_parallel>, #tpu.dimension_semantics<subcore_parallel>], iteration_bounds = array<i64: 2, 16>, scalar_prefetch = 0 : i64, scratch_operands = 6 : i64, tpu.core_type = #tpu.core_type<sc_vector_subcore>, window_params = [{transform_indices = #map}, {transform_indices = #map1}, {transform_indices = #map1}, {transform_indices = #map}, {transform_indices = #map1}]} {
    %mul3A = arith.constant 16 : i32
    %mul3A_0 = arith.muli %arg0, %mul3A : i32
    %add3A = arith.addi %mul3A_0, %arg1 : i32
    %dma_start3A = arith.constant 0 : i32
    %dma_start3A_1 = arith.constant 0 : i32
    %dma_start3A_2 = tpu.memref_slice %arg7[%dma_start3A, %dma_start3A_1] : memref<32x128xi32, #tpu.memory_space<vmem>> -> memref<16x128xi32, #tpu.memory_space<vmem>>
    %dma_start3A_3 = arith.constant 0 : i32
    %dma_start3A_4 = arith.constant 0 : i32
    %dma_start3A_5 = tpu.memref_slice %arg3[%add3A, %dma_start3A_3, %dma_start3A_4] : memref<32x80x128xi32, #tpu.memory_space<hbm>> -> memref<1x16x128xi32, #tpu.memory_space<hbm>>
    %dma_start3A_6 = tpu.memref_squeeze %dma_start3A_5 : memref<1x16x128xi32, #tpu.memory_space<hbm>> -> memref<16x128xi32, #tpu.memory_space<hbm>>
    %dma_start3A_7 = arith.constant 0 : i32
    %dma_start3A_8 = arith.constant 0 : i32
    %dma_start3A_9 = tpu.memref_slice %arg7[%dma_start3A_7, %dma_start3A_8] : memref<32x128xi32, #tpu.memory_space<vmem>> -> memref<16x128xi32, #tpu.memory_space<vmem>>
    %dma_start3A_10 = arith.constant 0 : i32
    %dma_start3A_11 = arith.constant 0 : i32
    %dma_start3A_12 = tpu.memref_slice %arg3[%add3A, %dma_start3A_10, %dma_start3A_11] : memref<32x80x128xi32, #tpu.memory_space<hbm>> -> memref<1x16x128xi32, #tpu.memory_space<hbm>>
    %dma_start3A_13 = tpu.memref_squeeze %dma_start3A_12 : memref<1x16x128xi32, #tpu.memory_space<hbm>> -> memref<16x128xi32, #tpu.memory_space<hbm>>
    tpu.enqueue_dma source(%dma_start3A_13 : memref<16x128xi32, #tpu.memory_space<hbm>>) target(%dma_start3A_9 : memref<16x128xi32, #tpu.memory_space<vmem>>) target_semaphore(%arg12 : memref<!tpu.dma_semaphore, #tpu.memory_space<semaphore_mem>>)
    %dma_start3A_14 = arith.constant 0 : i32
    %dma_start3A_15 = arith.constant 0 : i32
    %dma_start3A_16 = tpu.memref_slice %arg8[%dma_start3A_14, %dma_start3A_15] : memref<32x128xi32, #tpu.memory_space<vmem>> -> memref<16x128xi32, #tpu.memory_space<vmem>>
    %dma_start3A_17 = arith.constant 0 : i32
    %dma_start3A_18 = arith.constant 0 : i32
    %dma_start3A_19 = tpu.memref_slice %arg4[%add3A, %dma_start3A_17, %dma_start3A_18] : memref<32x80x128xi32, #tpu.memory_space<hbm>> -> memref<1x16x128xi32, #tpu.memory_space<hbm>>
    %dma_start3A_20 = tpu.memref_squeeze %dma_start3A_19 : memref<1x16x128xi32, #tpu.memory_space<hbm>> -> memref<16x128xi32, #tpu.memory_space<hbm>>
    %dma_start3A_21 = arith.constant 0 : i32
    %dma_start3A_22 = arith.constant 0 : i32
    %dma_start3A_23 = tpu.memref_slice %arg8[%dma_start3A_21, %dma_start3A_22] : memref<32x128xi32, #tpu.memory_space<vmem>> -> memref<16x128xi32, #tpu.memory_space<vmem>>
    %dma_start3A_24 = arith.constant 0 : i32
    %dma_start3A_25 = arith.constant 0 : i32
    %dma_start3A_26 = tpu.memref_slice %arg4[%add3A, %dma_start3A_24, %dma_start3A_25] : memref<32x80x128xi32, #tpu.memory_space<hbm>> -> memref<1x16x128xi32, #tpu.memory_space<hbm>>
    %dma_start3A_27 = tpu.memref_squeeze %dma_start3A_26 : memref<1x16x128xi32, #tpu.memory_space<hbm>> -> memref<16x128xi32, #tpu.memory_space<hbm>>
    tpu.enqueue_dma source(%dma_start3A_27 : memref<16x128xi32, #tpu.memory_space<hbm>>) target(%dma_start3A_23 : memref<16x128xi32, #tpu.memory_space<vmem>>) target_semaphore(%arg12 : memref<!tpu.dma_semaphore, #tpu.memory_space<semaphore_mem>>)
    %mul3A_28 = arith.constant 808 : i32
    %mul3A_29 = arith.muli %arg1, %mul3A_28 : i32
    "tpu.region"() ({
      %run_scoped3A = tpu.sem_alloc : memref<!tpu.dma_semaphore, #tpu.memory_space<semaphore_mem>>
      %dma_start3A_40 = arith.constant 0 : i32
      %dma_start3A_41 = tpu.memref_slice %arg10[%mul3A_29, %dma_start3A_40] : memref<12928x128xf32, #tpu.memory_space<vmem_shared>> -> memref<808x128xf32, #tpu.memory_space<vmem_shared>>
      tpu.enqueue_dma source(%arg5 : memref<808x128xf32, #tpu.memory_space<hbm>>) target(%dma_start3A_41 : memref<808x128xf32, #tpu.memory_space<vmem_shared>>) target_semaphore(%run_scoped3A : memref<!tpu.dma_semaphore, #tpu.memory_space<semaphore_mem>>)
      %dma_wait3A = arith.constant 0 : i32
      %dma_wait3A_42 = tpu.memref_slice %arg10[%mul3A_29, %dma_wait3A] : memref<12928x128xf32, #tpu.memory_space<vmem_shared>> -> memref<808x128xf32, #tpu.memory_space<vmem_shared>>
      tpu.wait_dma2 semaphore(%run_scoped3A : memref<!tpu.dma_semaphore, #tpu.memory_space<semaphore_mem>>) src(%arg5 : memref<808x128xf32, #tpu.memory_space<hbm>>) dst(%dma_wait3A_42 : memref<808x128xf32, #tpu.memory_space<vmem_shared>>)
      tpu.yield
    }) : () -> ()
    %barrier3A = arith.constant 0 : index
    tpu.barrier barrier_id(%barrier3A)
    %scan3A = arith.constant 0 : i32
    %scan3A_30 = arith.constant 0 : i32
    %scan3A_31 = arith.constant 5 : i32
    %scan3A_32 = arith.addi %scan3A_30, %scan3A_31 : i32
    %scan3A_33 = arith.constant 1 : i32
    scf.for %scan3A_40 = %scan3A_30 to %scan3A_32 step %scan3A_33  : i32 {
      %jit3A = arith.constant 2 : i32
      %eq3A = arith.constant 0 : i32
      %eq3A_41 = arith.cmpi eq, %jit3A, %eq3A : i32
      %jit3A_42 = arith.constant 1 : i32
      %select_n3A = arith.select %eq3A_41, %jit3A_42, %jit3A : i32
      %rem3A = arith.remsi %scan3A_40, %select_n3A : i32
      %ne3A = arith.constant 0 : i32
      %ne3A_43 = arith.cmpi ne, %rem3A, %ne3A : i32
      %lt3A = arith.constant 0 : i32
      %lt3A_44 = arith.cmpi slt, %rem3A, %lt3A : i32
      %lt3A_45 = arith.constant 0 : i32
      %lt3A_46 = arith.cmpi slt, %select_n3A, %lt3A_45 : i32
      %ne3A_47 = arith.xori %lt3A_44, %lt3A_46 : i1
      %and3A = arith.andi %ne3A_47, %ne3A_43 : i1
      %add3A_48 = arith.addi %rem3A, %select_n3A : i32
      %select_n3A_49 = arith.select %and3A, %add3A_48, %rem3A : i32
      %mul3A_50 = arith.constant 16 : i32
      %mul3A_51 = arith.muli %select_n3A_49, %mul3A_50 : i32
      %mul3A_52 = arith.constant 16 : i32
      %mul3A_53 = arith.muli %scan3A_40, %mul3A_52 : i32
      %dma_wait3A = arith.constant 0 : i32
      %dma_wait3A_54 = tpu.memref_slice %arg7[%mul3A_51, %dma_wait3A] : memref<32x128xi32, #tpu.memory_space<vmem>> -> memref<16x128xi32, #tpu.memory_space<vmem>>
      %dma_wait3A_55 = arith.constant 0 : i32
      %dma_wait3A_56 = tpu.memref_slice %arg3[%add3A, %mul3A_53, %dma_wait3A_55] : memref<32x80x128xi32, #tpu.memory_space<hbm>> -> memref<1x16x128xi32, #tpu.memory_space<hbm>>
      %dma_wait3A_57 = tpu.memref_squeeze %dma_wait3A_56 : memref<1x16x128xi32, #tpu.memory_space<hbm>> -> memref<16x128xi32, #tpu.memory_space<hbm>>
      %dma_wait3A_58 = arith.constant 0 : i32
      %dma_wait3A_59 = tpu.memref_slice %arg7[%mul3A_51, %dma_wait3A_58] : memref<32x128xi32, #tpu.memory_space<vmem>> -> memref<16x128xi32, #tpu.memory_space<vmem>>
      %dma_wait3A_60 = arith.constant 0 : i32
      %dma_wait3A_61 = tpu.memref_slice %arg3[%add3A, %mul3A_53, %dma_wait3A_60] : memref<32x80x128xi32, #tpu.memory_space<hbm>> -> memref<1x16x128xi32, #tpu.memory_space<hbm>>
      %dma_wait3A_62 = tpu.memref_squeeze %dma_wait3A_61 : memref<1x16x128xi32, #tpu.memory_space<hbm>> -> memref<16x128xi32, #tpu.memory_space<hbm>>
      tpu.wait_dma2 semaphore(%arg12 : memref<!tpu.dma_semaphore, #tpu.memory_space<semaphore_mem>>) src(%dma_wait3A_62 : memref<16x128xi32, #tpu.memory_space<hbm>>) dst(%dma_wait3A_59 : memref<16x128xi32, #tpu.memory_space<vmem>>)
      %mul3A_63 = arith.constant 16 : i32
      %mul3A_64 = arith.muli %scan3A_40, %mul3A_63 : i32
      %dma_wait3A_65 = arith.constant 0 : i32
      %dma_wait3A_66 = tpu.memref_slice %arg8[%mul3A_51, %dma_wait3A_65] : memref<32x128xi32, #tpu.memory_space<vmem>> -> memref<16x128xi32, #tpu.memory_space<vmem>>
      %dma_wait3A_67 = arith.constant 0 : i32
      %dma_wait3A_68 = tpu.memref_slice %arg4[%add3A, %mul3A_64, %dma_wait3A_67] : memref<32x80x128xi32, #tpu.memory_space<hbm>> -> memref<1x16x128xi32, #tpu.memory_space<hbm>>
      %dma_wait3A_69 = tpu.memref_squeeze %dma_wait3A_68 : memref<1x16x128xi32, #tpu.memory_space<hbm>> -> memref<16x128xi32, #tpu.memory_space<hbm>>
      %dma_wait3A_70 = arith.constant 0 : i32
      %dma_wait3A_71 = tpu.memref_slice %arg8[%mul3A_51, %dma_wait3A_70] : memref<32x128xi32, #tpu.memory_space<vmem>> -> memref<16x128xi32, #tpu.memory_space<vmem>>
      %dma_wait3A_72 = arith.constant 0 : i32
      %dma_wait3A_73 = tpu.memref_slice %arg4[%add3A, %mul3A_64, %dma_wait3A_72] : memref<32x80x128xi32, #tpu.memory_space<hbm>> -> memref<1x16x128xi32, #tpu.memory_space<hbm>>
      %dma_wait3A_74 = tpu.memref_squeeze %dma_wait3A_73 : memref<1x16x128xi32, #tpu.memory_space<hbm>> -> memref<16x128xi32, #tpu.memory_space<hbm>>
      tpu.wait_dma2 semaphore(%arg12 : memref<!tpu.dma_semaphore, #tpu.memory_space<semaphore_mem>>) src(%dma_wait3A_74 : memref<16x128xi32, #tpu.memory_space<hbm>>) dst(%dma_wait3A_71 : memref<16x128xi32, #tpu.memory_space<vmem>>)
      %add3A_75 = arith.constant 1 : i32
      %add3A_76 = arith.addi %scan3A_40, %add3A_75 : i32
      %lt3A_77 = arith.constant 5 : i32
      %lt3A_78 = arith.cmpi slt, %add3A_76, %lt3A_77 : i32
      %convert_element_type3A = arith.extui %lt3A_78 : i1 to i32
      %cond3A = arith.constant 0 : i32
      %cond3A_79 = arith.cmpi ne, %convert_element_type3A, %cond3A : i32
      scf.if %cond3A_79 {
        %add3A_104 = arith.constant 1 : i32
        %add3A_105 = arith.addi %scan3A_40, %add3A_104 : i32
        %jit3A_106 = arith.constant 2 : i32
        %eq3A_107 = arith.constant 0 : i32
        %eq3A_108 = arith.cmpi eq, %jit3A_106, %eq3A_107 : i32
        %jit3A_109 = arith.constant 1 : i32
        %select_n3A_110 = arith.select %eq3A_108, %jit3A_109, %jit3A_106 : i32
        %rem3A_111 = arith.remsi %add3A_105, %select_n3A_110 : i32
        %ne3A_112 = arith.constant 0 : i32
        %ne3A_113 = arith.cmpi ne, %rem3A_111, %ne3A_112 : i32
        %lt3A_114 = arith.constant 0 : i32
        %lt3A_115 = arith.cmpi slt, %rem3A_111, %lt3A_114 : i32
        %lt3A_116 = arith.constant 0 : i32
        %lt3A_117 = arith.cmpi slt, %select_n3A_110, %lt3A_116 : i32
        %ne3A_118 = arith.xori %lt3A_115, %lt3A_117 : i1
        %and3A_119 = arith.andi %ne3A_118, %ne3A_113 : i1
        %add3A_120 = arith.addi %rem3A_111, %select_n3A_110 : i32
        %select_n3A_121 = arith.select %and3A_119, %add3A_120, %rem3A_111 : i32
        %mul3A_122 = arith.constant 16 : i32
        %mul3A_123 = arith.muli %select_n3A_121, %mul3A_122 : i32
        %mul3A_124 = arith.constant 16 : i32
        %mul3A_125 = arith.muli %add3A_105, %mul3A_124 : i32
        %dma_start3A_126 = arith.constant 0 : i32
        %dma_start3A_127 = tpu.memref_slice %arg7[%mul3A_123, %dma_start3A_126] : memref<32x128xi32, #tpu.memory_space<vmem>> -> memref<16x128xi32, #tpu.memory_space<vmem>>
        %dma_start3A_128 = arith.constant 0 : i32
        %dma_start3A_129 = tpu.memref_slice %arg3[%add3A, %mul3A_125, %dma_start3A_128] : memref<32x80x128xi32, #tpu.memory_space<hbm>> -> memref<1x16x128xi32, #tpu.memory_space<hbm>>
        %dma_start3A_130 = tpu.memref_squeeze %dma_start3A_129 : memref<1x16x128xi32, #tpu.memory_space<hbm>> -> memref<16x128xi32, #tpu.memory_space<hbm>>
        %dma_start3A_131 = arith.constant 0 : i32
        %dma_start3A_132 = tpu.memref_slice %arg7[%mul3A_123, %dma_start3A_131] : memref<32x128xi32, #tpu.memory_space<vmem>> -> memref<16x128xi32, #tpu.memory_space<vmem>>
        %dma_start3A_133 = arith.constant 0 : i32
        %dma_start3A_134 = tpu.memref_slice %arg3[%add3A, %mul3A_125, %dma_start3A_133] : memref<32x80x128xi32, #tpu.memory_space<hbm>> -> memref<1x16x128xi32, #tpu.memory_space<hbm>>
        %dma_start3A_135 = tpu.memref_squeeze %dma_start3A_134 : memref<1x16x128xi32, #tpu.memory_space<hbm>> -> memref<16x128xi32, #tpu.memory_space<hbm>>
        tpu.enqueue_dma source(%dma_start3A_135 : memref<16x128xi32, #tpu.memory_space<hbm>>) target(%dma_start3A_132 : memref<16x128xi32, #tpu.memory_space<vmem>>) target_semaphore(%arg12 : memref<!tpu.dma_semaphore, #tpu.memory_space<semaphore_mem>>)
        %mul3A_136 = arith.constant 16 : i32
        %mul3A_137 = arith.muli %add3A_105, %mul3A_136 : i32
        %dma_start3A_138 = arith.constant 0 : i32
        %dma_start3A_139 = tpu.memref_slice %arg8[%mul3A_123, %dma_start3A_138] : memref<32x128xi32, #tpu.memory_space<vmem>> -> memref<16x128xi32, #tpu.memory_space<vmem>>
        %dma_start3A_140 = arith.constant 0 : i32
        %dma_start3A_141 = tpu.memref_slice %arg4[%add3A, %mul3A_137, %dma_start3A_140] : memref<32x80x128xi32, #tpu.memory_space<hbm>> -> memref<1x16x128xi32, #tpu.memory_space<hbm>>
        %dma_start3A_142 = tpu.memref_squeeze %dma_start3A_141 : memref<1x16x128xi32, #tpu.memory_space<hbm>> -> memref<16x128xi32, #tpu.memory_space<hbm>>
        %dma_start3A_143 = arith.constant 0 : i32
        %dma_start3A_144 = tpu.memref_slice %arg8[%mul3A_123, %dma_start3A_143] : memref<32x128xi32, #tpu.memory_space<vmem>> -> memref<16x128xi32, #tpu.memory_space<vmem>>
        %dma_start3A_145 = arith.constant 0 : i32
        %dma_start3A_146 = tpu.memref_slice %arg4[%add3A, %mul3A_137, %dma_start3A_145] : memref<32x80x128xi32, #tpu.memory_space<hbm>> -> memref<1x16x128xi32, #tpu.memory_space<hbm>>
        %dma_start3A_147 = tpu.memref_squeeze %dma_start3A_146 : memref<1x16x128xi32, #tpu.memory_space<hbm>> -> memref<16x128xi32, #tpu.memory_space<hbm>>
        tpu.enqueue_dma source(%dma_start3A_147 : memref<16x128xi32, #tpu.memory_space<hbm>>) target(%dma_start3A_144 : memref<16x128xi32, #tpu.memory_space<vmem>>) target_semaphore(%arg12 : memref<!tpu.dma_semaphore, #tpu.memory_space<semaphore_mem>>)
      } else {
      }
      %jit3A_80 = arith.constant 2 : i32
      %eq3A_81 = arith.constant 0 : i32
      %eq3A_82 = arith.cmpi eq, %jit3A_80, %eq3A_81 : i32
      %jit3A_83 = arith.constant 1 : i32
      %select_n3A_84 = arith.select %eq3A_82, %jit3A_83, %jit3A_80 : i32
      %rem3A_85 = arith.remsi %scan3A_40, %select_n3A_84 : i32
      %ne3A_86 = arith.constant 0 : i32
      %ne3A_87 = arith.cmpi ne, %rem3A_85, %ne3A_86 : i32
      %lt3A_88 = arith.constant 0 : i32
      %lt3A_89 = arith.cmpi slt, %rem3A_85, %lt3A_88 : i32
      %lt3A_90 = arith.constant 0 : i32
      %lt3A_91 = arith.cmpi slt, %select_n3A_84, %lt3A_90 : i32
      %ne3A_92 = arith.xori %lt3A_89, %lt3A_91 : i1
      %and3A_93 = arith.andi %ne3A_92, %ne3A_87 : i1
      %add3A_94 = arith.addi %rem3A_85, %select_n3A_84 : i32
      %select_n3A_95 = arith.select %and3A_93, %add3A_94, %rem3A_85 : i32
      %mul3A_96 = arith.constant 16 : i32
      %mul3A_97 = arith.muli %select_n3A_95, %mul3A_96 : i32
      %scan3A_98 = arith.constant 0 : i32
      %scan3A_99 = arith.constant 0 : i32
      %scan3A_100 = arith.constant 16 : i32
      %scan3A_101 = arith.addi %scan3A_99, %scan3A_100 : i32
      %scan3A_102 = arith.constant 1 : i32
      scf.for %scan3A_104 = %scan3A_99 to %scan3A_101 step %scan3A_102  : i32 {
        %add3A_105 = arith.addi %mul3A_97, %scan3A_104 : i32
        %dma_start3A_106 = arith.constant 0 : i32
        %dma_start3A_107 = tpu.memref_slice %arg7[%add3A_105, %dma_start3A_106] : memref<32x128xi32, #tpu.memory_space<vmem>> -> memref<1x128xi32, #tpu.memory_space<vmem>>
        %dma_start3A_108 = tpu.memref_squeeze %dma_start3A_107 : memref<1x128xi32, #tpu.memory_space<vmem>> -> memref<128xi32, #tpu.memory_space<vmem>>
        %dma_start3A_109 = arith.constant 0 : i32
        %dma_start3A_110 = arith.constant 0 : i32
        %dma_start3A_111 = tpu.memref_slice %arg2[%dma_start3A_109, %dma_start3A_110] : memref<12800x128xf32, #tpu.memory_space<hbm>> -> memref<12800x128xf32, #tpu.memory_space<hbm>>
        tpu.enqueue_indirect_dma source(%dma_start3A_111 : memref<12800x128xf32, #tpu.memory_space<hbm>>) target(%arg9 : memref<128x128xf32, #tpu.memory_space<vmem>>) offsets(%dma_start3A_108 : memref<128xi32, #tpu.memory_space<vmem>>) semaphore(%arg11 : memref<!tpu.dma_semaphore, #tpu.memory_space<semaphore_mem>>)
        %dma_wait3A_112 = arith.constant 0 : i32
        %dma_wait3A_113 = tpu.memref_slice %arg7[%add3A_105, %dma_wait3A_112] : memref<32x128xi32, #tpu.memory_space<vmem>> -> memref<1x128xi32, #tpu.memory_space<vmem>>
        %dma_wait3A_114 = tpu.memref_squeeze %dma_wait3A_113 : memref<1x128xi32, #tpu.memory_space<vmem>> -> memref<128xi32, #tpu.memory_space<vmem>>
        %dma_wait3A_115 = arith.constant 0 : i32
        %dma_wait3A_116 = arith.constant 0 : i32
        %dma_wait3A_117 = tpu.memref_slice %arg2[%dma_wait3A_115, %dma_wait3A_116] : memref<12800x128xf32, #tpu.memory_space<hbm>> -> memref<12800x128xf32, #tpu.memory_space<hbm>>
        tpu.wait_indirect_dma semaphore(%arg11 : memref<!tpu.dma_semaphore, #tpu.memory_space<semaphore_mem>>) src(%dma_wait3A_117 : memref<12800x128xf32, #tpu.memory_space<hbm>>) dst(%arg9 : memref<128x128xf32, #tpu.memory_space<vmem>>)
        %add3A_118 = arith.addi %mul3A_97, %scan3A_104 : i32
        "tpu.region"() ({
          %run_scoped3A = tpu.sem_alloc : memref<!tpu.dma_semaphore, #tpu.memory_space<semaphore_mem>>
          %dma_start3A_119 = arith.constant 0 : i32
          %dma_start3A_120 = tpu.memref_slice %arg8[%add3A_118, %dma_start3A_119] : memref<32x128xi32, #tpu.memory_space<vmem>> -> memref<1x128xi32, #tpu.memory_space<vmem>>
          %dma_start3A_121 = tpu.memref_squeeze %dma_start3A_120 : memref<1x128xi32, #tpu.memory_space<vmem>> -> memref<128xi32, #tpu.memory_space<vmem>>
          %dma_start3A_122 = arith.constant 0 : i32
          %dma_start3A_123 = arith.constant 0 : i32
          %dma_start3A_124 = tpu.memref_slice %arg10[%dma_start3A_122, %dma_start3A_123] : memref<12928x128xf32, #tpu.memory_space<vmem_shared>> -> memref<12928x128xf32, #tpu.memory_space<vmem_shared>>
          tpu.enqueue_indirect_dma source(%arg9 : memref<128x128xf32, #tpu.memory_space<vmem>>) target(%dma_start3A_124 : memref<12928x128xf32, #tpu.memory_space<vmem_shared>>) offsets(%dma_start3A_121 : memref<128xi32, #tpu.memory_space<vmem>>) semaphore(%run_scoped3A : memref<!tpu.dma_semaphore, #tpu.memory_space<semaphore_mem>>) {add = true}
          %dma_wait3A_125 = arith.constant 0 : i32
          %dma_wait3A_126 = tpu.memref_slice %arg8[%add3A_118, %dma_wait3A_125] : memref<32x128xi32, #tpu.memory_space<vmem>> -> memref<1x128xi32, #tpu.memory_space<vmem>>
          %dma_wait3A_127 = tpu.memref_squeeze %dma_wait3A_126 : memref<1x128xi32, #tpu.memory_space<vmem>> -> memref<128xi32, #tpu.memory_space<vmem>>
          %dma_wait3A_128 = arith.constant 0 : i32
          %dma_wait3A_129 = arith.constant 0 : i32
          %dma_wait3A_130 = tpu.memref_slice %arg10[%dma_wait3A_128, %dma_wait3A_129] : memref<12928x128xf32, #tpu.memory_space<vmem_shared>> -> memref<12928x128xf32, #tpu.memory_space<vmem_shared>>
          tpu.wait_indirect_dma semaphore(%run_scoped3A : memref<!tpu.dma_semaphore, #tpu.memory_space<semaphore_mem>>) src(%arg9 : memref<128x128xf32, #tpu.memory_space<vmem>>) dst(%dma_wait3A_130 : memref<12928x128xf32, #tpu.memory_space<vmem_shared>>)
          tpu.yield
        }) : () -> ()
      }
      %scan3A_103 = arith.constant 16 : i32
    }
    %scan3A_34 = arith.constant 5 : i32
    %barrier3A_35 = arith.constant 0 : index
    tpu.barrier barrier_id(%barrier3A_35)
    %mul3A_36 = arith.constant 800 : i32
    %mul3A_37 = arith.muli %arg1, %mul3A_36 : i32
    %mul3A_38 = arith.constant 800 : i32
    %mul3A_39 = arith.muli %arg1, %mul3A_38 : i32
    "tpu.region"() ({
      %run_scoped3A = tpu.sem_alloc : memref<!tpu.dma_semaphore, #tpu.memory_space<semaphore_mem>>
      %dma_start3A_40 = arith.constant 0 : i32
      %dma_start3A_41 = tpu.memref_slice %arg6[%arg0, %mul3A_39, %dma_start3A_40] : memref<2x12800x128xf32, #tpu.memory_space<hbm>> -> memref<1x800x128xf32, #tpu.memory_space<hbm>>
      %dma_start3A_42 = tpu.memref_squeeze %dma_start3A_41 : memref<1x800x128xf32, #tpu.memory_space<hbm>> -> memref<800x128xf32, #tpu.memory_space<hbm>>
      %dma_start3A_43 = arith.constant 0 : i32
      %dma_start3A_44 = tpu.memref_slice %arg10[%mul3A_37, %dma_start3A_43] : memref<12928x128xf32, #tpu.memory_space<vmem_shared>> -> memref<800x128xf32, #tpu.memory_space<vmem_shared>>
      tpu.enqueue_dma source(%dma_start3A_44 : memref<800x128xf32, #tpu.memory_space<vmem_shared>>) target(%dma_start3A_42 : memref<800x128xf32, #tpu.memory_space<hbm>>) target_semaphore(%run_scoped3A : memref<!tpu.dma_semaphore, #tpu.memory_space<semaphore_mem>>)
      %dma_wait3A = arith.constant 0 : i32
      %dma_wait3A_45 = tpu.memref_slice %arg6[%arg0, %mul3A_39, %dma_wait3A] : memref<2x12800x128xf32, #tpu.memory_space<hbm>> -> memref<1x800x128xf32, #tpu.memory_space<hbm>>
      %dma_wait3A_46 = tpu.memref_squeeze %dma_wait3A_45 : memref<1x800x128xf32, #tpu.memory_space<hbm>> -> memref<800x128xf32, #tpu.memory_space<hbm>>
      %dma_wait3A_47 = arith.constant 0 : i32
      %dma_wait3A_48 = tpu.memref_slice %arg10[%mul3A_37, %dma_wait3A_47] : memref<12928x128xf32, #tpu.memory_space<vmem_shared>> -> memref<800x128xf32, #tpu.memory_space<vmem_shared>>
      tpu.wait_dma2 semaphore(%run_scoped3A : memref<!tpu.dma_semaphore, #tpu.memory_space<semaphore_mem>>) src(%dma_wait3A_48 : memref<800x128xf32, #tpu.memory_space<vmem_shared>>) dst(%dma_wait3A_46 : memref<800x128xf32, #tpu.memory_space<hbm>>)
      tpu.yield
    }) : () -> ()
    return
  }
}

#map = affine_map<(d0, d1) -> (0, 0)>
#map1 = affine_map<(d0, d1) -> (0, 0, 0)>
module attributes {stable_mosaic.version = 14 : i64} {
  func.func @agg_kernel(%arg0: i32, %arg1: i32, %arg2: memref<12800x128xf32, #tpu.memory_space<hbm>>, %arg3: memref<32x80x128xi32, #tpu.memory_space<hbm>>, %arg4: memref<32x80x128xi32, #tpu.memory_space<hbm>>, %arg5: memref<808x128xf32, #tpu.memory_space<hbm>>, %arg6: memref<2x12800x128xf32, #tpu.memory_space<hbm>>, %arg7: memref<32x128xi32, #tpu.memory_space<vmem>>, %arg8: memref<32x128xi32, #tpu.memory_space<vmem>>, %arg9: memref<128x128xf32, #tpu.memory_space<vmem>>, %arg10: memref<12928x128xf32, #tpu.memory_space<vmem_shared>>, %arg11: memref<!tpu.dma_semaphore, #tpu.memory_space<semaphore_mem>>, %arg12: memref<!tpu.dma_semaphore, #tpu.memory_space<semaphore_mem>>) attributes {dimension_semantics = [#tpu.dimension_semantics<core_parallel>, #tpu.dimension_semantics<subcore_parallel>], iteration_bounds = array<i64: 2, 16>, scalar_prefetch = 0 : i64, scratch_operands = 6 : i64, tpu.core_type = #tpu.core_type<sc_vector_subcore>, window_params = [{transform_indices = #map}, {transform_indices = #map1}, {transform_indices = #map1}, {transform_indices = #map}, {transform_indices = #map1}]} {
    %mul3A = arith.constant 16 : i32
    %mul3A_0 = arith.muli %arg0, %mul3A : i32
    %add3A = arith.addi %mul3A_0, %arg1 : i32
    %dma_start3A = arith.constant 0 : i32
    %dma_start3A_1 = arith.constant 0 : i32
    %dma_start3A_2 = tpu.memref_slice %arg7[%dma_start3A, %dma_start3A_1] : memref<32x128xi32, #tpu.memory_space<vmem>> -> memref<16x128xi32, #tpu.memory_space<vmem>>
    %dma_start3A_3 = arith.constant 0 : i32
    %dma_start3A_4 = arith.constant 0 : i32
    %dma_start3A_5 = tpu.memref_slice %arg3[%add3A, %dma_start3A_3, %dma_start3A_4] : memref<32x80x128xi32, #tpu.memory_space<hbm>> -> memref<1x16x128xi32, #tpu.memory_space<hbm>>
    %dma_start3A_6 = tpu.memref_squeeze %dma_start3A_5 : memref<1x16x128xi32, #tpu.memory_space<hbm>> -> memref<16x128xi32, #tpu.memory_space<hbm>>
    %dma_start3A_7 = arith.constant 0 : i32
    %dma_start3A_8 = arith.constant 0 : i32
    %dma_start3A_9 = tpu.memref_slice %arg7[%dma_start3A_7, %dma_start3A_8] : memref<32x128xi32, #tpu.memory_space<vmem>> -> memref<16x128xi32, #tpu.memory_space<vmem>>
    %dma_start3A_10 = arith.constant 0 : i32
    %dma_start3A_11 = arith.constant 0 : i32
    %dma_start3A_12 = tpu.memref_slice %arg3[%add3A, %dma_start3A_10, %dma_start3A_11] : memref<32x80x128xi32, #tpu.memory_space<hbm>> -> memref<1x16x128xi32, #tpu.memory_space<hbm>>
    %dma_start3A_13 = tpu.memref_squeeze %dma_start3A_12 : memref<1x16x128xi32, #tpu.memory_space<hbm>> -> memref<16x128xi32, #tpu.memory_space<hbm>>
    tpu.enqueue_dma source(%dma_start3A_13 : memref<16x128xi32, #tpu.memory_space<hbm>>) target(%dma_start3A_9 : memref<16x128xi32, #tpu.memory_space<vmem>>) target_semaphore(%arg12 : memref<!tpu.dma_semaphore, #tpu.memory_space<semaphore_mem>>)
    %dma_start3A_14 = arith.constant 0 : i32
    %dma_start3A_15 = arith.constant 0 : i32
    %dma_start3A_16 = tpu.memref_slice %arg8[%dma_start3A_14, %dma_start3A_15] : memref<32x128xi32, #tpu.memory_space<vmem>> -> memref<16x128xi32, #tpu.memory_space<vmem>>
    %dma_start3A_17 = arith.constant 0 : i32
    %dma_start3A_18 = arith.constant 0 : i32
    %dma_start3A_19 = tpu.memref_slice %arg4[%add3A, %dma_start3A_17, %dma_start3A_18] : memref<32x80x128xi32, #tpu.memory_space<hbm>> -> memref<1x16x128xi32, #tpu.memory_space<hbm>>
    %dma_start3A_20 = tpu.memref_squeeze %dma_start3A_19 : memref<1x16x128xi32, #tpu.memory_space<hbm>> -> memref<16x128xi32, #tpu.memory_space<hbm>>
    %dma_start3A_21 = arith.constant 0 : i32
    %dma_start3A_22 = arith.constant 0 : i32
    %dma_start3A_23 = tpu.memref_slice %arg8[%dma_start3A_21, %dma_start3A_22] : memref<32x128xi32, #tpu.memory_space<vmem>> -> memref<16x128xi32, #tpu.memory_space<vmem>>
    %dma_start3A_24 = arith.constant 0 : i32
    %dma_start3A_25 = arith.constant 0 : i32
    %dma_start3A_26 = tpu.memref_slice %arg4[%add3A, %dma_start3A_24, %dma_start3A_25] : memref<32x80x128xi32, #tpu.memory_space<hbm>> -> memref<1x16x128xi32, #tpu.memory_space<hbm>>
    %dma_start3A_27 = tpu.memref_squeeze %dma_start3A_26 : memref<1x16x128xi32, #tpu.memory_space<hbm>> -> memref<16x128xi32, #tpu.memory_space<hbm>>
    tpu.enqueue_dma source(%dma_start3A_27 : memref<16x128xi32, #tpu.memory_space<hbm>>) target(%dma_start3A_23 : memref<16x128xi32, #tpu.memory_space<vmem>>) target_semaphore(%arg12 : memref<!tpu.dma_semaphore, #tpu.memory_space<semaphore_mem>>)
    %mul3A_28 = arith.constant 808 : i32
    %mul3A_29 = arith.muli %arg1, %mul3A_28 : i32
    "tpu.region"() ({
      %run_scoped3A = tpu.sem_alloc : memref<!tpu.dma_semaphore, #tpu.memory_space<semaphore_mem>>
      %dma_start3A_40 = arith.constant 0 : i32
      %dma_start3A_41 = tpu.memref_slice %arg10[%mul3A_29, %dma_start3A_40] : memref<12928x128xf32, #tpu.memory_space<vmem_shared>> -> memref<808x128xf32, #tpu.memory_space<vmem_shared>>
      tpu.enqueue_dma source(%arg5 : memref<808x128xf32, #tpu.memory_space<hbm>>) target(%dma_start3A_41 : memref<808x128xf32, #tpu.memory_space<vmem_shared>>) target_semaphore(%run_scoped3A : memref<!tpu.dma_semaphore, #tpu.memory_space<semaphore_mem>>)
      %dma_wait3A = arith.constant 0 : i32
      %dma_wait3A_42 = tpu.memref_slice %arg10[%mul3A_29, %dma_wait3A] : memref<12928x128xf32, #tpu.memory_space<vmem_shared>> -> memref<808x128xf32, #tpu.memory_space<vmem_shared>>
      tpu.wait_dma2 semaphore(%run_scoped3A : memref<!tpu.dma_semaphore, #tpu.memory_space<semaphore_mem>>) src(%arg5 : memref<808x128xf32, #tpu.memory_space<hbm>>) dst(%dma_wait3A_42 : memref<808x128xf32, #tpu.memory_space<vmem_shared>>)
      tpu.yield
    }) : () -> ()
    %barrier3A = arith.constant 0 : index
    tpu.barrier barrier_id(%barrier3A)
    %scan3A = arith.constant 0 : i32
    %scan3A_30 = arith.constant 0 : i32
    %scan3A_31 = arith.constant 5 : i32
    %scan3A_32 = arith.addi %scan3A_30, %scan3A_31 : i32
    %scan3A_33 = arith.constant 1 : i32
    scf.for %scan3A_40 = %scan3A_30 to %scan3A_32 step %scan3A_33  : i32 {
      %jit3A = arith.constant 2 : i32
      %eq3A = arith.constant 0 : i32
      %eq3A_41 = arith.cmpi eq, %jit3A, %eq3A : i32
      %jit3A_42 = arith.constant 1 : i32
      %select_n3A = arith.select %eq3A_41, %jit3A_42, %jit3A : i32
      %rem3A = arith.remsi %scan3A_40, %select_n3A : i32
      %ne3A = arith.constant 0 : i32
      %ne3A_43 = arith.cmpi ne, %rem3A, %ne3A : i32
      %lt3A = arith.constant 0 : i32
      %lt3A_44 = arith.cmpi slt, %rem3A, %lt3A : i32
      %lt3A_45 = arith.constant 0 : i32
      %lt3A_46 = arith.cmpi slt, %select_n3A, %lt3A_45 : i32
      %ne3A_47 = arith.xori %lt3A_44, %lt3A_46 : i1
      %and3A = arith.andi %ne3A_47, %ne3A_43 : i1
      %add3A_48 = arith.addi %rem3A, %select_n3A : i32
      %select_n3A_49 = arith.select %and3A, %add3A_48, %rem3A : i32
      %mul3A_50 = arith.constant 16 : i32
      %mul3A_51 = arith.muli %select_n3A_49, %mul3A_50 : i32
      %mul3A_52 = arith.constant 16 : i32
      %mul3A_53 = arith.muli %scan3A_40, %mul3A_52 : i32
      %dma_wait3A = arith.constant 0 : i32
      %dma_wait3A_54 = tpu.memref_slice %arg7[%mul3A_51, %dma_wait3A] : memref<32x128xi32, #tpu.memory_space<vmem>> -> memref<16x128xi32, #tpu.memory_space<vmem>>
      %dma_wait3A_55 = arith.constant 0 : i32
      %dma_wait3A_56 = tpu.memref_slice %arg3[%add3A, %mul3A_53, %dma_wait3A_55] : memref<32x80x128xi32, #tpu.memory_space<hbm>> -> memref<1x16x128xi32, #tpu.memory_space<hbm>>
      %dma_wait3A_57 = tpu.memref_squeeze %dma_wait3A_56 : memref<1x16x128xi32, #tpu.memory_space<hbm>> -> memref<16x128xi32, #tpu.memory_space<hbm>>
      %dma_wait3A_58 = arith.constant 0 : i32
      %dma_wait3A_59 = tpu.memref_slice %arg7[%mul3A_51, %dma_wait3A_58] : memref<32x128xi32, #tpu.memory_space<vmem>> -> memref<16x128xi32, #tpu.memory_space<vmem>>
      %dma_wait3A_60 = arith.constant 0 : i32
      %dma_wait3A_61 = tpu.memref_slice %arg3[%add3A, %mul3A_53, %dma_wait3A_60] : memref<32x80x128xi32, #tpu.memory_space<hbm>> -> memref<1x16x128xi32, #tpu.memory_space<hbm>>
      %dma_wait3A_62 = tpu.memref_squeeze %dma_wait3A_61 : memref<1x16x128xi32, #tpu.memory_space<hbm>> -> memref<16x128xi32, #tpu.memory_space<hbm>>
      tpu.wait_dma2 semaphore(%arg12 : memref<!tpu.dma_semaphore, #tpu.memory_space<semaphore_mem>>) src(%dma_wait3A_62 : memref<16x128xi32, #tpu.memory_space<hbm>>) dst(%dma_wait3A_59 : memref<16x128xi32, #tpu.memory_space<vmem>>)
      %mul3A_63 = arith.constant 16 : i32
      %mul3A_64 = arith.muli %scan3A_40, %mul3A_63 : i32
      %dma_wait3A_65 = arith.constant 0 : i32
      %dma_wait3A_66 = tpu.memref_slice %arg8[%mul3A_51, %dma_wait3A_65] : memref<32x128xi32, #tpu.memory_space<vmem>> -> memref<16x128xi32, #tpu.memory_space<vmem>>
      %dma_wait3A_67 = arith.constant 0 : i32
      %dma_wait3A_68 = tpu.memref_slice %arg4[%add3A, %mul3A_64, %dma_wait3A_67] : memref<32x80x128xi32, #tpu.memory_space<hbm>> -> memref<1x16x128xi32, #tpu.memory_space<hbm>>
      %dma_wait3A_69 = tpu.memref_squeeze %dma_wait3A_68 : memref<1x16x128xi32, #tpu.memory_space<hbm>> -> memref<16x128xi32, #tpu.memory_space<hbm>>
      %dma_wait3A_70 = arith.constant 0 : i32
      %dma_wait3A_71 = tpu.memref_slice %arg8[%mul3A_51, %dma_wait3A_70] : memref<32x128xi32, #tpu.memory_space<vmem>> -> memref<16x128xi32, #tpu.memory_space<vmem>>
      %dma_wait3A_72 = arith.constant 0 : i32
      %dma_wait3A_73 = tpu.memref_slice %arg4[%add3A, %mul3A_64, %dma_wait3A_72] : memref<32x80x128xi32, #tpu.memory_space<hbm>> -> memref<1x16x128xi32, #tpu.memory_space<hbm>>
      %dma_wait3A_74 = tpu.memref_squeeze %dma_wait3A_73 : memref<1x16x128xi32, #tpu.memory_space<hbm>> -> memref<16x128xi32, #tpu.memory_space<hbm>>
      tpu.wait_dma2 semaphore(%arg12 : memref<!tpu.dma_semaphore, #tpu.memory_space<semaphore_mem>>) src(%dma_wait3A_74 : memref<16x128xi32, #tpu.memory_space<hbm>>) dst(%dma_wait3A_71 : memref<16x128xi32, #tpu.memory_space<vmem>>)
      %add3A_75 = arith.constant 1 : i32
      %add3A_76 = arith.addi %scan3A_40, %add3A_75 : i32
      %lt3A_77 = arith.constant 5 : i32
      %lt3A_78 = arith.cmpi slt, %add3A_76, %lt3A_77 : i32
      %convert_element_type3A = arith.extui %lt3A_78 : i1 to i32
      %cond3A = arith.constant 0 : i32
      %cond3A_79 = arith.cmpi ne, %convert_element_type3A, %cond3A : i32
      scf.if %cond3A_79 {
        %add3A_104 = arith.constant 1 : i32
        %add3A_105 = arith.addi %scan3A_40, %add3A_104 : i32
        %jit3A_106 = arith.constant 2 : i32
        %eq3A_107 = arith.constant 0 : i32
        %eq3A_108 = arith.cmpi eq, %jit3A_106, %eq3A_107 : i32
        %jit3A_109 = arith.constant 1 : i32
        %select_n3A_110 = arith.select %eq3A_108, %jit3A_109, %jit3A_106 : i32
        %rem3A_111 = arith.remsi %add3A_105, %select_n3A_110 : i32
        %ne3A_112 = arith.constant 0 : i32
        %ne3A_113 = arith.cmpi ne, %rem3A_111, %ne3A_112 : i32
        %lt3A_114 = arith.constant 0 : i32
        %lt3A_115 = arith.cmpi slt, %rem3A_111, %lt3A_114 : i32
        %lt3A_116 = arith.constant 0 : i32
        %lt3A_117 = arith.cmpi slt, %select_n3A_110, %lt3A_116 : i32
        %ne3A_118 = arith.xori %lt3A_115, %lt3A_117 : i1
        %and3A_119 = arith.andi %ne3A_118, %ne3A_113 : i1
        %add3A_120 = arith.addi %rem3A_111, %select_n3A_110 : i32
        %select_n3A_121 = arith.select %and3A_119, %add3A_120, %rem3A_111 : i32
        %mul3A_122 = arith.constant 16 : i32
        %mul3A_123 = arith.muli %select_n3A_121, %mul3A_122 : i32
        %mul3A_124 = arith.constant 16 : i32
        %mul3A_125 = arith.muli %add3A_105, %mul3A_124 : i32
        %dma_start3A_126 = arith.constant 0 : i32
        %dma_start3A_127 = tpu.memref_slice %arg7[%mul3A_123, %dma_start3A_126] : memref<32x128xi32, #tpu.memory_space<vmem>> -> memref<16x128xi32, #tpu.memory_space<vmem>>
        %dma_start3A_128 = arith.constant 0 : i32
        %dma_start3A_129 = tpu.memref_slice %arg3[%add3A, %mul3A_125, %dma_start3A_128] : memref<32x80x128xi32, #tpu.memory_space<hbm>> -> memref<1x16x128xi32, #tpu.memory_space<hbm>>
        %dma_start3A_130 = tpu.memref_squeeze %dma_start3A_129 : memref<1x16x128xi32, #tpu.memory_space<hbm>> -> memref<16x128xi32, #tpu.memory_space<hbm>>
        %dma_start3A_131 = arith.constant 0 : i32
        %dma_start3A_132 = tpu.memref_slice %arg7[%mul3A_123, %dma_start3A_131] : memref<32x128xi32, #tpu.memory_space<vmem>> -> memref<16x128xi32, #tpu.memory_space<vmem>>
        %dma_start3A_133 = arith.constant 0 : i32
        %dma_start3A_134 = tpu.memref_slice %arg3[%add3A, %mul3A_125, %dma_start3A_133] : memref<32x80x128xi32, #tpu.memory_space<hbm>> -> memref<1x16x128xi32, #tpu.memory_space<hbm>>
        %dma_start3A_135 = tpu.memref_squeeze %dma_start3A_134 : memref<1x16x128xi32, #tpu.memory_space<hbm>> -> memref<16x128xi32, #tpu.memory_space<hbm>>
        tpu.enqueue_dma source(%dma_start3A_135 : memref<16x128xi32, #tpu.memory_space<hbm>>) target(%dma_start3A_132 : memref<16x128xi32, #tpu.memory_space<vmem>>) target_semaphore(%arg12 : memref<!tpu.dma_semaphore, #tpu.memory_space<semaphore_mem>>)
        %mul3A_136 = arith.constant 16 : i32
        %mul3A_137 = arith.muli %add3A_105, %mul3A_136 : i32
        %dma_start3A_138 = arith.constant 0 : i32
        %dma_start3A_139 = tpu.memref_slice %arg8[%mul3A_123, %dma_start3A_138] : memref<32x128xi32, #tpu.memory_space<vmem>> -> memref<16x128xi32, #tpu.memory_space<vmem>>
        %dma_start3A_140 = arith.constant 0 : i32
        %dma_start3A_141 = tpu.memref_slice %arg4[%add3A, %mul3A_137, %dma_start3A_140] : memref<32x80x128xi32, #tpu.memory_space<hbm>> -> memref<1x16x128xi32, #tpu.memory_space<hbm>>
        %dma_start3A_142 = tpu.memref_squeeze %dma_start3A_141 : memref<1x16x128xi32, #tpu.memory_space<hbm>> -> memref<16x128xi32, #tpu.memory_space<hbm>>
        %dma_start3A_143 = arith.constant 0 : i32
        %dma_start3A_144 = tpu.memref_slice %arg8[%mul3A_123, %dma_start3A_143] : memref<32x128xi32, #tpu.memory_space<vmem>> -> memref<16x128xi32, #tpu.memory_space<vmem>>
        %dma_start3A_145 = arith.constant 0 : i32
        %dma_start3A_146 = tpu.memref_slice %arg4[%add3A, %mul3A_137, %dma_start3A_145] : memref<32x80x128xi32, #tpu.memory_space<hbm>> -> memref<1x16x128xi32, #tpu.memory_space<hbm>>
        %dma_start3A_147 = tpu.memref_squeeze %dma_start3A_146 : memref<1x16x128xi32, #tpu.memory_space<hbm>> -> memref<16x128xi32, #tpu.memory_space<hbm>>
        tpu.enqueue_dma source(%dma_start3A_147 : memref<16x128xi32, #tpu.memory_space<hbm>>) target(%dma_start3A_144 : memref<16x128xi32, #tpu.memory_space<vmem>>) target_semaphore(%arg12 : memref<!tpu.dma_semaphore, #tpu.memory_space<semaphore_mem>>)
      } else {
      }
      %jit3A_80 = arith.constant 2 : i32
      %eq3A_81 = arith.constant 0 : i32
      %eq3A_82 = arith.cmpi eq, %jit3A_80, %eq3A_81 : i32
      %jit3A_83 = arith.constant 1 : i32
      %select_n3A_84 = arith.select %eq3A_82, %jit3A_83, %jit3A_80 : i32
      %rem3A_85 = arith.remsi %scan3A_40, %select_n3A_84 : i32
      %ne3A_86 = arith.constant 0 : i32
      %ne3A_87 = arith.cmpi ne, %rem3A_85, %ne3A_86 : i32
      %lt3A_88 = arith.constant 0 : i32
      %lt3A_89 = arith.cmpi slt, %rem3A_85, %lt3A_88 : i32
      %lt3A_90 = arith.constant 0 : i32
      %lt3A_91 = arith.cmpi slt, %select_n3A_84, %lt3A_90 : i32
      %ne3A_92 = arith.xori %lt3A_89, %lt3A_91 : i1
      %and3A_93 = arith.andi %ne3A_92, %ne3A_87 : i1
      %add3A_94 = arith.addi %rem3A_85, %select_n3A_84 : i32
      %select_n3A_95 = arith.select %and3A_93, %add3A_94, %rem3A_85 : i32
      %mul3A_96 = arith.constant 16 : i32
      %mul3A_97 = arith.muli %select_n3A_95, %mul3A_96 : i32
      %scan3A_98 = arith.constant 0 : i32
      %scan3A_99 = arith.constant 0 : i32
      %scan3A_100 = arith.constant 16 : i32
      %scan3A_101 = arith.addi %scan3A_99, %scan3A_100 : i32
      %scan3A_102 = arith.constant 1 : i32
      scf.for %scan3A_104 = %scan3A_99 to %scan3A_101 step %scan3A_102  : i32 {
        %add3A_105 = arith.addi %mul3A_97, %scan3A_104 : i32
        %dma_start3A_106 = arith.constant 0 : i32
        %dma_start3A_107 = tpu.memref_slice %arg7[%add3A_105, %dma_start3A_106] : memref<32x128xi32, #tpu.memory_space<vmem>> -> memref<1x128xi32, #tpu.memory_space<vmem>>
        %dma_start3A_108 = tpu.memref_squeeze %dma_start3A_107 : memref<1x128xi32, #tpu.memory_space<vmem>> -> memref<128xi32, #tpu.memory_space<vmem>>
        %dma_start3A_109 = arith.constant 0 : i32
        %dma_start3A_110 = arith.constant 0 : i32
        %dma_start3A_111 = tpu.memref_slice %arg2[%dma_start3A_109, %dma_start3A_110] : memref<12800x128xf32, #tpu.memory_space<hbm>> -> memref<12800x128xf32, #tpu.memory_space<hbm>>
        tpu.enqueue_indirect_dma source(%dma_start3A_111 : memref<12800x128xf32, #tpu.memory_space<hbm>>) target(%arg9 : memref<128x128xf32, #tpu.memory_space<vmem>>) offsets(%dma_start3A_108 : memref<128xi32, #tpu.memory_space<vmem>>) semaphore(%arg11 : memref<!tpu.dma_semaphore, #tpu.memory_space<semaphore_mem>>)
        %dma_wait3A_112 = arith.constant 0 : i32
        %dma_wait3A_113 = tpu.memref_slice %arg7[%add3A_105, %dma_wait3A_112] : memref<32x128xi32, #tpu.memory_space<vmem>> -> memref<1x128xi32, #tpu.memory_space<vmem>>
        %dma_wait3A_114 = tpu.memref_squeeze %dma_wait3A_113 : memref<1x128xi32, #tpu.memory_space<vmem>> -> memref<128xi32, #tpu.memory_space<vmem>>
        %dma_wait3A_115 = arith.constant 0 : i32
        %dma_wait3A_116 = arith.constant 0 : i32
        %dma_wait3A_117 = tpu.memref_slice %arg2[%dma_wait3A_115, %dma_wait3A_116] : memref<12800x128xf32, #tpu.memory_space<hbm>> -> memref<12800x128xf32, #tpu.memory_space<hbm>>
        tpu.wait_indirect_dma semaphore(%arg11 : memref<!tpu.dma_semaphore, #tpu.memory_space<semaphore_mem>>) src(%dma_wait3A_117 : memref<12800x128xf32, #tpu.memory_space<hbm>>) dst(%arg9 : memref<128x128xf32, #tpu.memory_space<vmem>>)
        %add3A_118 = arith.addi %mul3A_97, %scan3A_104 : i32
        "tpu.region"() ({
          %run_scoped3A = tpu.sem_alloc : memref<!tpu.dma_semaphore, #tpu.memory_space<semaphore_mem>>
          %dma_start3A_119 = arith.constant 0 : i32
          %dma_start3A_120 = tpu.memref_slice %arg8[%add3A_118, %dma_start3A_119] : memref<32x128xi32, #tpu.memory_space<vmem>> -> memref<1x128xi32, #tpu.memory_space<vmem>>
          %dma_start3A_121 = tpu.memref_squeeze %dma_start3A_120 : memref<1x128xi32, #tpu.memory_space<vmem>> -> memref<128xi32, #tpu.memory_space<vmem>>
          %dma_start3A_122 = arith.constant 0 : i32
          %dma_start3A_123 = arith.constant 0 : i32
          %dma_start3A_124 = tpu.memref_slice %arg10[%dma_start3A_122, %dma_start3A_123] : memref<12928x128xf32, #tpu.memory_space<vmem_shared>> -> memref<12928x128xf32, #tpu.memory_space<vmem_shared>>
          tpu.enqueue_indirect_dma source(%arg9 : memref<128x128xf32, #tpu.memory_space<vmem>>) target(%dma_start3A_124 : memref<12928x128xf32, #tpu.memory_space<vmem_shared>>) offsets(%dma_start3A_121 : memref<128xi32, #tpu.memory_space<vmem>>) semaphore(%run_scoped3A : memref<!tpu.dma_semaphore, #tpu.memory_space<semaphore_mem>>) {add = true}
          %dma_wait3A_125 = arith.constant 0 : i32
          %dma_wait3A_126 = tpu.memref_slice %arg8[%add3A_118, %dma_wait3A_125] : memref<32x128xi32, #tpu.memory_space<vmem>> -> memref<1x128xi32, #tpu.memory_space<vmem>>
          %dma_wait3A_127 = tpu.memref_squeeze %dma_wait3A_126 : memref<1x128xi32, #tpu.memory_space<vmem>> -> memref<128xi32, #tpu.memory_space<vmem>>
          %dma_wait3A_128 = arith.constant 0 : i32
          %dma_wait3A_129 = arith.constant 0 : i32
          %dma_wait3A_130 = tpu.memref_slice %arg10[%dma_wait3A_128, %dma_wait3A_129] : memref<12928x128xf32, #tpu.memory_space<vmem_shared>> -> memref<12928x128xf32, #tpu.memory_space<vmem_shared>>
          tpu.wait_indirect_dma semaphore(%run_scoped3A : memref<!tpu.dma_semaphore, #tpu.memory_space<semaphore_mem>>) src(%arg9 : memref<128x128xf32, #tpu.memory_space<vmem>>) dst(%dma_wait3A_130 : memref<12928x128xf32, #tpu.memory_space<vmem_shared>>)
          tpu.yield
        }) : () -> ()
      }
      %scan3A_103 = arith.constant 16 : i32
    }
    %scan3A_34 = arith.constant 5 : i32
    %barrier3A_35 = arith.constant 0 : index
    tpu.barrier barrier_id(%barrier3A_35)
    %mul3A_36 = arith.constant 800 : i32
    %mul3A_37 = arith.muli %arg1, %mul3A_36 : i32
    %mul3A_38 = arith.constant 800 : i32
    %mul3A_39 = arith.muli %arg1, %mul3A_38 : i32
    "tpu.region"() ({
      %run_scoped3A = tpu.sem_alloc : memref<!tpu.dma_semaphore, #tpu.memory_space<semaphore_mem>>
      %dma_start3A_40 = arith.constant 0 : i32
      %dma_start3A_41 = tpu.memref_slice %arg6[%arg0, %mul3A_39, %dma_start3A_40] : memref<2x12800x128xf32, #tpu.memory_space<hbm>> -> memref<1x800x128xf32, #tpu.memory_space<hbm>>
      %dma_start3A_42 = tpu.memref_squeeze %dma_start3A_41 : memref<1x800x128xf32, #tpu.memory_space<hbm>> -> memref<800x128xf32, #tpu.memory_space<hbm>>
      %dma_start3A_43 = arith.constant 0 : i32
      %dma_start3A_44 = tpu.memref_slice %arg10[%mul3A_37, %dma_start3A_43] : memref<12928x128xf32, #tpu.memory_space<vmem_shared>> -> memref<800x128xf32, #tpu.memory_space<vmem_shared>>
      tpu.enqueue_dma source(%dma_start3A_44 : memref<800x128xf32, #tpu.memory_space<vmem_shared>>) target(%dma_start3A_42 : memref<800x128xf32, #tpu.memory_space<hbm>>) target_semaphore(%run_scoped3A : memref<!tpu.dma_semaphore, #tpu.memory_space<semaphore_mem>>)
      %dma_wait3A = arith.constant 0 : i32
      %dma_wait3A_45 = tpu.memref_slice %arg6[%arg0, %mul3A_39, %dma_wait3A] : memref<2x12800x128xf32, #tpu.memory_space<hbm>> -> memref<1x800x128xf32, #tpu.memory_space<hbm>>
      %dma_wait3A_46 = tpu.memref_squeeze %dma_wait3A_45 : memref<1x800x128xf32, #tpu.memory_space<hbm>> -> memref<800x128xf32, #tpu.memory_space<hbm>>
      %dma_wait3A_47 = arith.constant 0 : i32
      %dma_wait3A_48 = tpu.memref_slice %arg10[%mul3A_37, %dma_wait3A_47] : memref<12928x128xf32, #tpu.memory_space<vmem_shared>> -> memref<800x128xf32, #tpu.memory_space<vmem_shared>>
      tpu.wait_dma2 semaphore(%run_scoped3A : memref<!tpu.dma_semaphore, #tpu.memory_space<semaphore_mem>>) src(%dma_wait3A_48 : memref<800x128xf32, #tpu.memory_space<vmem_shared>>) dst(%dma_wait3A_46 : memref<800x128xf32, #tpu.memory_space<hbm>>)
      tpu.yield
    }) : () -> ()
    return
  }
}

#map = affine_map<(d0, d1) -> (0, 0)>
#map1 = affine_map<(d0, d1) -> (0, 0, 0)>
module attributes {stable_mosaic.version = 14 : i64} {
  func.func @agg_kernel(%arg0: i32, %arg1: i32, %arg2: memref<12800x128xf32, #tpu.memory_space<hbm>>, %arg3: memref<32x80x128xi32, #tpu.memory_space<hbm>>, %arg4: memref<32x80x128xi32, #tpu.memory_space<hbm>>, %arg5: memref<808x128xf32, #tpu.memory_space<hbm>>, %arg6: memref<2x12800x128xf32, #tpu.memory_space<hbm>>, %arg7: memref<32x128xi32, #tpu.memory_space<vmem>>, %arg8: memref<32x128xi32, #tpu.memory_space<vmem>>, %arg9: memref<128x128xf32, #tpu.memory_space<vmem>>, %arg10: memref<12928x128xf32, #tpu.memory_space<vmem_shared>>, %arg11: memref<!tpu.dma_semaphore, #tpu.memory_space<semaphore_mem>>, %arg12: memref<!tpu.dma_semaphore, #tpu.memory_space<semaphore_mem>>) attributes {dimension_semantics = [#tpu.dimension_semantics<core_parallel>, #tpu.dimension_semantics<subcore_parallel>], iteration_bounds = array<i64: 2, 16>, scalar_prefetch = 0 : i64, scratch_operands = 6 : i64, tpu.core_type = #tpu.core_type<sc_vector_subcore>, window_params = [{transform_indices = #map}, {transform_indices = #map1}, {transform_indices = #map1}, {transform_indices = #map}, {transform_indices = #map1}]} {
    %mul3A = arith.constant 16 : i32
    %mul3A_0 = arith.muli %arg0, %mul3A : i32
    %add3A = arith.addi %mul3A_0, %arg1 : i32
    %dma_start3A = arith.constant 0 : i32
    %dma_start3A_1 = arith.constant 0 : i32
    %dma_start3A_2 = tpu.memref_slice %arg7[%dma_start3A, %dma_start3A_1] : memref<32x128xi32, #tpu.memory_space<vmem>> -> memref<16x128xi32, #tpu.memory_space<vmem>>
    %dma_start3A_3 = arith.constant 0 : i32
    %dma_start3A_4 = arith.constant 0 : i32
    %dma_start3A_5 = tpu.memref_slice %arg3[%add3A, %dma_start3A_3, %dma_start3A_4] : memref<32x80x128xi32, #tpu.memory_space<hbm>> -> memref<1x16x128xi32, #tpu.memory_space<hbm>>
    %dma_start3A_6 = tpu.memref_squeeze %dma_start3A_5 : memref<1x16x128xi32, #tpu.memory_space<hbm>> -> memref<16x128xi32, #tpu.memory_space<hbm>>
    %dma_start3A_7 = arith.constant 0 : i32
    %dma_start3A_8 = arith.constant 0 : i32
    %dma_start3A_9 = tpu.memref_slice %arg7[%dma_start3A_7, %dma_start3A_8] : memref<32x128xi32, #tpu.memory_space<vmem>> -> memref<16x128xi32, #tpu.memory_space<vmem>>
    %dma_start3A_10 = arith.constant 0 : i32
    %dma_start3A_11 = arith.constant 0 : i32
    %dma_start3A_12 = tpu.memref_slice %arg3[%add3A, %dma_start3A_10, %dma_start3A_11] : memref<32x80x128xi32, #tpu.memory_space<hbm>> -> memref<1x16x128xi32, #tpu.memory_space<hbm>>
    %dma_start3A_13 = tpu.memref_squeeze %dma_start3A_12 : memref<1x16x128xi32, #tpu.memory_space<hbm>> -> memref<16x128xi32, #tpu.memory_space<hbm>>
    tpu.enqueue_dma source(%dma_start3A_13 : memref<16x128xi32, #tpu.memory_space<hbm>>) target(%dma_start3A_9 : memref<16x128xi32, #tpu.memory_space<vmem>>) target_semaphore(%arg12 : memref<!tpu.dma_semaphore, #tpu.memory_space<semaphore_mem>>)
    %dma_start3A_14 = arith.constant 0 : i32
    %dma_start3A_15 = arith.constant 0 : i32
    %dma_start3A_16 = tpu.memref_slice %arg8[%dma_start3A_14, %dma_start3A_15] : memref<32x128xi32, #tpu.memory_space<vmem>> -> memref<16x128xi32, #tpu.memory_space<vmem>>
    %dma_start3A_17 = arith.constant 0 : i32
    %dma_start3A_18 = arith.constant 0 : i32
    %dma_start3A_19 = tpu.memref_slice %arg4[%add3A, %dma_start3A_17, %dma_start3A_18] : memref<32x80x128xi32, #tpu.memory_space<hbm>> -> memref<1x16x128xi32, #tpu.memory_space<hbm>>
    %dma_start3A_20 = tpu.memref_squeeze %dma_start3A_19 : memref<1x16x128xi32, #tpu.memory_space<hbm>> -> memref<16x128xi32, #tpu.memory_space<hbm>>
    %dma_start3A_21 = arith.constant 0 : i32
    %dma_start3A_22 = arith.constant 0 : i32
    %dma_start3A_23 = tpu.memref_slice %arg8[%dma_start3A_21, %dma_start3A_22] : memref<32x128xi32, #tpu.memory_space<vmem>> -> memref<16x128xi32, #tpu.memory_space<vmem>>
    %dma_start3A_24 = arith.constant 0 : i32
    %dma_start3A_25 = arith.constant 0 : i32
    %dma_start3A_26 = tpu.memref_slice %arg4[%add3A, %dma_start3A_24, %dma_start3A_25] : memref<32x80x128xi32, #tpu.memory_space<hbm>> -> memref<1x16x128xi32, #tpu.memory_space<hbm>>
    %dma_start3A_27 = tpu.memref_squeeze %dma_start3A_26 : memref<1x16x128xi32, #tpu.memory_space<hbm>> -> memref<16x128xi32, #tpu.memory_space<hbm>>
    tpu.enqueue_dma source(%dma_start3A_27 : memref<16x128xi32, #tpu.memory_space<hbm>>) target(%dma_start3A_23 : memref<16x128xi32, #tpu.memory_space<vmem>>) target_semaphore(%arg12 : memref<!tpu.dma_semaphore, #tpu.memory_space<semaphore_mem>>)
    %mul3A_28 = arith.constant 808 : i32
    %mul3A_29 = arith.muli %arg1, %mul3A_28 : i32
    "tpu.region"() ({
      %run_scoped3A = tpu.sem_alloc : memref<!tpu.dma_semaphore, #tpu.memory_space<semaphore_mem>>
      %dma_start3A_40 = arith.constant 0 : i32
      %dma_start3A_41 = tpu.memref_slice %arg10[%mul3A_29, %dma_start3A_40] : memref<12928x128xf32, #tpu.memory_space<vmem_shared>> -> memref<808x128xf32, #tpu.memory_space<vmem_shared>>
      tpu.enqueue_dma source(%arg5 : memref<808x128xf32, #tpu.memory_space<hbm>>) target(%dma_start3A_41 : memref<808x128xf32, #tpu.memory_space<vmem_shared>>) target_semaphore(%run_scoped3A : memref<!tpu.dma_semaphore, #tpu.memory_space<semaphore_mem>>)
      %dma_wait3A = arith.constant 0 : i32
      %dma_wait3A_42 = tpu.memref_slice %arg10[%mul3A_29, %dma_wait3A] : memref<12928x128xf32, #tpu.memory_space<vmem_shared>> -> memref<808x128xf32, #tpu.memory_space<vmem_shared>>
      tpu.wait_dma2 semaphore(%run_scoped3A : memref<!tpu.dma_semaphore, #tpu.memory_space<semaphore_mem>>) src(%arg5 : memref<808x128xf32, #tpu.memory_space<hbm>>) dst(%dma_wait3A_42 : memref<808x128xf32, #tpu.memory_space<vmem_shared>>)
      tpu.yield
    }) : () -> ()
    %barrier3A = arith.constant 0 : index
    tpu.barrier barrier_id(%barrier3A)
    %scan3A = arith.constant 0 : i32
    %scan3A_30 = arith.constant 0 : i32
    %scan3A_31 = arith.constant 5 : i32
    %scan3A_32 = arith.addi %scan3A_30, %scan3A_31 : i32
    %scan3A_33 = arith.constant 1 : i32
    scf.for %scan3A_40 = %scan3A_30 to %scan3A_32 step %scan3A_33  : i32 {
      %jit3A = arith.constant 2 : i32
      %eq3A = arith.constant 0 : i32
      %eq3A_41 = arith.cmpi eq, %jit3A, %eq3A : i32
      %jit3A_42 = arith.constant 1 : i32
      %select_n3A = arith.select %eq3A_41, %jit3A_42, %jit3A : i32
      %rem3A = arith.remsi %scan3A_40, %select_n3A : i32
      %ne3A = arith.constant 0 : i32
      %ne3A_43 = arith.cmpi ne, %rem3A, %ne3A : i32
      %lt3A = arith.constant 0 : i32
      %lt3A_44 = arith.cmpi slt, %rem3A, %lt3A : i32
      %lt3A_45 = arith.constant 0 : i32
      %lt3A_46 = arith.cmpi slt, %select_n3A, %lt3A_45 : i32
      %ne3A_47 = arith.xori %lt3A_44, %lt3A_46 : i1
      %and3A = arith.andi %ne3A_47, %ne3A_43 : i1
      %add3A_48 = arith.addi %rem3A, %select_n3A : i32
      %select_n3A_49 = arith.select %and3A, %add3A_48, %rem3A : i32
      %mul3A_50 = arith.constant 16 : i32
      %mul3A_51 = arith.muli %select_n3A_49, %mul3A_50 : i32
      %mul3A_52 = arith.constant 16 : i32
      %mul3A_53 = arith.muli %scan3A_40, %mul3A_52 : i32
      %dma_wait3A = arith.constant 0 : i32
      %dma_wait3A_54 = tpu.memref_slice %arg7[%mul3A_51, %dma_wait3A] : memref<32x128xi32, #tpu.memory_space<vmem>> -> memref<16x128xi32, #tpu.memory_space<vmem>>
      %dma_wait3A_55 = arith.constant 0 : i32
      %dma_wait3A_56 = tpu.memref_slice %arg3[%add3A, %mul3A_53, %dma_wait3A_55] : memref<32x80x128xi32, #tpu.memory_space<hbm>> -> memref<1x16x128xi32, #tpu.memory_space<hbm>>
      %dma_wait3A_57 = tpu.memref_squeeze %dma_wait3A_56 : memref<1x16x128xi32, #tpu.memory_space<hbm>> -> memref<16x128xi32, #tpu.memory_space<hbm>>
      %dma_wait3A_58 = arith.constant 0 : i32
      %dma_wait3A_59 = tpu.memref_slice %arg7[%mul3A_51, %dma_wait3A_58] : memref<32x128xi32, #tpu.memory_space<vmem>> -> memref<16x128xi32, #tpu.memory_space<vmem>>
      %dma_wait3A_60 = arith.constant 0 : i32
      %dma_wait3A_61 = tpu.memref_slice %arg3[%add3A, %mul3A_53, %dma_wait3A_60] : memref<32x80x128xi32, #tpu.memory_space<hbm>> -> memref<1x16x128xi32, #tpu.memory_space<hbm>>
      %dma_wait3A_62 = tpu.memref_squeeze %dma_wait3A_61 : memref<1x16x128xi32, #tpu.memory_space<hbm>> -> memref<16x128xi32, #tpu.memory_space<hbm>>
      tpu.wait_dma2 semaphore(%arg12 : memref<!tpu.dma_semaphore, #tpu.memory_space<semaphore_mem>>) src(%dma_wait3A_62 : memref<16x128xi32, #tpu.memory_space<hbm>>) dst(%dma_wait3A_59 : memref<16x128xi32, #tpu.memory_space<vmem>>)
      %mul3A_63 = arith.constant 16 : i32
      %mul3A_64 = arith.muli %scan3A_40, %mul3A_63 : i32
      %dma_wait3A_65 = arith.constant 0 : i32
      %dma_wait3A_66 = tpu.memref_slice %arg8[%mul3A_51, %dma_wait3A_65] : memref<32x128xi32, #tpu.memory_space<vmem>> -> memref<16x128xi32, #tpu.memory_space<vmem>>
      %dma_wait3A_67 = arith.constant 0 : i32
      %dma_wait3A_68 = tpu.memref_slice %arg4[%add3A, %mul3A_64, %dma_wait3A_67] : memref<32x80x128xi32, #tpu.memory_space<hbm>> -> memref<1x16x128xi32, #tpu.memory_space<hbm>>
      %dma_wait3A_69 = tpu.memref_squeeze %dma_wait3A_68 : memref<1x16x128xi32, #tpu.memory_space<hbm>> -> memref<16x128xi32, #tpu.memory_space<hbm>>
      %dma_wait3A_70 = arith.constant 0 : i32
      %dma_wait3A_71 = tpu.memref_slice %arg8[%mul3A_51, %dma_wait3A_70] : memref<32x128xi32, #tpu.memory_space<vmem>> -> memref<16x128xi32, #tpu.memory_space<vmem>>
      %dma_wait3A_72 = arith.constant 0 : i32
      %dma_wait3A_73 = tpu.memref_slice %arg4[%add3A, %mul3A_64, %dma_wait3A_72] : memref<32x80x128xi32, #tpu.memory_space<hbm>> -> memref<1x16x128xi32, #tpu.memory_space<hbm>>
      %dma_wait3A_74 = tpu.memref_squeeze %dma_wait3A_73 : memref<1x16x128xi32, #tpu.memory_space<hbm>> -> memref<16x128xi32, #tpu.memory_space<hbm>>
      tpu.wait_dma2 semaphore(%arg12 : memref<!tpu.dma_semaphore, #tpu.memory_space<semaphore_mem>>) src(%dma_wait3A_74 : memref<16x128xi32, #tpu.memory_space<hbm>>) dst(%dma_wait3A_71 : memref<16x128xi32, #tpu.memory_space<vmem>>)
      %add3A_75 = arith.constant 1 : i32
      %add3A_76 = arith.addi %scan3A_40, %add3A_75 : i32
      %lt3A_77 = arith.constant 5 : i32
      %lt3A_78 = arith.cmpi slt, %add3A_76, %lt3A_77 : i32
      %convert_element_type3A = arith.extui %lt3A_78 : i1 to i32
      %cond3A = arith.constant 0 : i32
      %cond3A_79 = arith.cmpi ne, %convert_element_type3A, %cond3A : i32
      scf.if %cond3A_79 {
        %add3A_104 = arith.constant 1 : i32
        %add3A_105 = arith.addi %scan3A_40, %add3A_104 : i32
        %jit3A_106 = arith.constant 2 : i32
        %eq3A_107 = arith.constant 0 : i32
        %eq3A_108 = arith.cmpi eq, %jit3A_106, %eq3A_107 : i32
        %jit3A_109 = arith.constant 1 : i32
        %select_n3A_110 = arith.select %eq3A_108, %jit3A_109, %jit3A_106 : i32
        %rem3A_111 = arith.remsi %add3A_105, %select_n3A_110 : i32
        %ne3A_112 = arith.constant 0 : i32
        %ne3A_113 = arith.cmpi ne, %rem3A_111, %ne3A_112 : i32
        %lt3A_114 = arith.constant 0 : i32
        %lt3A_115 = arith.cmpi slt, %rem3A_111, %lt3A_114 : i32
        %lt3A_116 = arith.constant 0 : i32
        %lt3A_117 = arith.cmpi slt, %select_n3A_110, %lt3A_116 : i32
        %ne3A_118 = arith.xori %lt3A_115, %lt3A_117 : i1
        %and3A_119 = arith.andi %ne3A_118, %ne3A_113 : i1
        %add3A_120 = arith.addi %rem3A_111, %select_n3A_110 : i32
        %select_n3A_121 = arith.select %and3A_119, %add3A_120, %rem3A_111 : i32
        %mul3A_122 = arith.constant 16 : i32
        %mul3A_123 = arith.muli %select_n3A_121, %mul3A_122 : i32
        %mul3A_124 = arith.constant 16 : i32
        %mul3A_125 = arith.muli %add3A_105, %mul3A_124 : i32
        %dma_start3A_126 = arith.constant 0 : i32
        %dma_start3A_127 = tpu.memref_slice %arg7[%mul3A_123, %dma_start3A_126] : memref<32x128xi32, #tpu.memory_space<vmem>> -> memref<16x128xi32, #tpu.memory_space<vmem>>
        %dma_start3A_128 = arith.constant 0 : i32
        %dma_start3A_129 = tpu.memref_slice %arg3[%add3A, %mul3A_125, %dma_start3A_128] : memref<32x80x128xi32, #tpu.memory_space<hbm>> -> memref<1x16x128xi32, #tpu.memory_space<hbm>>
        %dma_start3A_130 = tpu.memref_squeeze %dma_start3A_129 : memref<1x16x128xi32, #tpu.memory_space<hbm>> -> memref<16x128xi32, #tpu.memory_space<hbm>>
        %dma_start3A_131 = arith.constant 0 : i32
        %dma_start3A_132 = tpu.memref_slice %arg7[%mul3A_123, %dma_start3A_131] : memref<32x128xi32, #tpu.memory_space<vmem>> -> memref<16x128xi32, #tpu.memory_space<vmem>>
        %dma_start3A_133 = arith.constant 0 : i32
        %dma_start3A_134 = tpu.memref_slice %arg3[%add3A, %mul3A_125, %dma_start3A_133] : memref<32x80x128xi32, #tpu.memory_space<hbm>> -> memref<1x16x128xi32, #tpu.memory_space<hbm>>
        %dma_start3A_135 = tpu.memref_squeeze %dma_start3A_134 : memref<1x16x128xi32, #tpu.memory_space<hbm>> -> memref<16x128xi32, #tpu.memory_space<hbm>>
        tpu.enqueue_dma source(%dma_start3A_135 : memref<16x128xi32, #tpu.memory_space<hbm>>) target(%dma_start3A_132 : memref<16x128xi32, #tpu.memory_space<vmem>>) target_semaphore(%arg12 : memref<!tpu.dma_semaphore, #tpu.memory_space<semaphore_mem>>)
        %mul3A_136 = arith.constant 16 : i32
        %mul3A_137 = arith.muli %add3A_105, %mul3A_136 : i32
        %dma_start3A_138 = arith.constant 0 : i32
        %dma_start3A_139 = tpu.memref_slice %arg8[%mul3A_123, %dma_start3A_138] : memref<32x128xi32, #tpu.memory_space<vmem>> -> memref<16x128xi32, #tpu.memory_space<vmem>>
        %dma_start3A_140 = arith.constant 0 : i32
        %dma_start3A_141 = tpu.memref_slice %arg4[%add3A, %mul3A_137, %dma_start3A_140] : memref<32x80x128xi32, #tpu.memory_space<hbm>> -> memref<1x16x128xi32, #tpu.memory_space<hbm>>
        %dma_start3A_142 = tpu.memref_squeeze %dma_start3A_141 : memref<1x16x128xi32, #tpu.memory_space<hbm>> -> memref<16x128xi32, #tpu.memory_space<hbm>>
        %dma_start3A_143 = arith.constant 0 : i32
        %dma_start3A_144 = tpu.memref_slice %arg8[%mul3A_123, %dma_start3A_143] : memref<32x128xi32, #tpu.memory_space<vmem>> -> memref<16x128xi32, #tpu.memory_space<vmem>>
        %dma_start3A_145 = arith.constant 0 : i32
        %dma_start3A_146 = tpu.memref_slice %arg4[%add3A, %mul3A_137, %dma_start3A_145] : memref<32x80x128xi32, #tpu.memory_space<hbm>> -> memref<1x16x128xi32, #tpu.memory_space<hbm>>
        %dma_start3A_147 = tpu.memref_squeeze %dma_start3A_146 : memref<1x16x128xi32, #tpu.memory_space<hbm>> -> memref<16x128xi32, #tpu.memory_space<hbm>>
        tpu.enqueue_dma source(%dma_start3A_147 : memref<16x128xi32, #tpu.memory_space<hbm>>) target(%dma_start3A_144 : memref<16x128xi32, #tpu.memory_space<vmem>>) target_semaphore(%arg12 : memref<!tpu.dma_semaphore, #tpu.memory_space<semaphore_mem>>)
      } else {
      }
      %jit3A_80 = arith.constant 2 : i32
      %eq3A_81 = arith.constant 0 : i32
      %eq3A_82 = arith.cmpi eq, %jit3A_80, %eq3A_81 : i32
      %jit3A_83 = arith.constant 1 : i32
      %select_n3A_84 = arith.select %eq3A_82, %jit3A_83, %jit3A_80 : i32
      %rem3A_85 = arith.remsi %scan3A_40, %select_n3A_84 : i32
      %ne3A_86 = arith.constant 0 : i32
      %ne3A_87 = arith.cmpi ne, %rem3A_85, %ne3A_86 : i32
      %lt3A_88 = arith.constant 0 : i32
      %lt3A_89 = arith.cmpi slt, %rem3A_85, %lt3A_88 : i32
      %lt3A_90 = arith.constant 0 : i32
      %lt3A_91 = arith.cmpi slt, %select_n3A_84, %lt3A_90 : i32
      %ne3A_92 = arith.xori %lt3A_89, %lt3A_91 : i1
      %and3A_93 = arith.andi %ne3A_92, %ne3A_87 : i1
      %add3A_94 = arith.addi %rem3A_85, %select_n3A_84 : i32
      %select_n3A_95 = arith.select %and3A_93, %add3A_94, %rem3A_85 : i32
      %mul3A_96 = arith.constant 16 : i32
      %mul3A_97 = arith.muli %select_n3A_95, %mul3A_96 : i32
      %scan3A_98 = arith.constant 0 : i32
      %scan3A_99 = arith.constant 0 : i32
      %scan3A_100 = arith.constant 16 : i32
      %scan3A_101 = arith.addi %scan3A_99, %scan3A_100 : i32
      %scan3A_102 = arith.constant 1 : i32
      scf.for %scan3A_104 = %scan3A_99 to %scan3A_101 step %scan3A_102  : i32 {
        %add3A_105 = arith.addi %mul3A_97, %scan3A_104 : i32
        %dma_start3A_106 = arith.constant 0 : i32
        %dma_start3A_107 = tpu.memref_slice %arg7[%add3A_105, %dma_start3A_106] : memref<32x128xi32, #tpu.memory_space<vmem>> -> memref<1x128xi32, #tpu.memory_space<vmem>>
        %dma_start3A_108 = tpu.memref_squeeze %dma_start3A_107 : memref<1x128xi32, #tpu.memory_space<vmem>> -> memref<128xi32, #tpu.memory_space<vmem>>
        %dma_start3A_109 = arith.constant 0 : i32
        %dma_start3A_110 = arith.constant 0 : i32
        %dma_start3A_111 = tpu.memref_slice %arg2[%dma_start3A_109, %dma_start3A_110] : memref<12800x128xf32, #tpu.memory_space<hbm>> -> memref<12800x128xf32, #tpu.memory_space<hbm>>
        tpu.enqueue_indirect_dma source(%dma_start3A_111 : memref<12800x128xf32, #tpu.memory_space<hbm>>) target(%arg9 : memref<128x128xf32, #tpu.memory_space<vmem>>) offsets(%dma_start3A_108 : memref<128xi32, #tpu.memory_space<vmem>>) semaphore(%arg11 : memref<!tpu.dma_semaphore, #tpu.memory_space<semaphore_mem>>)
        %dma_wait3A_112 = arith.constant 0 : i32
        %dma_wait3A_113 = tpu.memref_slice %arg7[%add3A_105, %dma_wait3A_112] : memref<32x128xi32, #tpu.memory_space<vmem>> -> memref<1x128xi32, #tpu.memory_space<vmem>>
        %dma_wait3A_114 = tpu.memref_squeeze %dma_wait3A_113 : memref<1x128xi32, #tpu.memory_space<vmem>> -> memref<128xi32, #tpu.memory_space<vmem>>
        %dma_wait3A_115 = arith.constant 0 : i32
        %dma_wait3A_116 = arith.constant 0 : i32
        %dma_wait3A_117 = tpu.memref_slice %arg2[%dma_wait3A_115, %dma_wait3A_116] : memref<12800x128xf32, #tpu.memory_space<hbm>> -> memref<12800x128xf32, #tpu.memory_space<hbm>>
        tpu.wait_indirect_dma semaphore(%arg11 : memref<!tpu.dma_semaphore, #tpu.memory_space<semaphore_mem>>) src(%dma_wait3A_117 : memref<12800x128xf32, #tpu.memory_space<hbm>>) dst(%arg9 : memref<128x128xf32, #tpu.memory_space<vmem>>)
        %add3A_118 = arith.addi %mul3A_97, %scan3A_104 : i32
        "tpu.region"() ({
          %run_scoped3A = tpu.sem_alloc : memref<!tpu.dma_semaphore, #tpu.memory_space<semaphore_mem>>
          %dma_start3A_119 = arith.constant 0 : i32
          %dma_start3A_120 = tpu.memref_slice %arg8[%add3A_118, %dma_start3A_119] : memref<32x128xi32, #tpu.memory_space<vmem>> -> memref<1x128xi32, #tpu.memory_space<vmem>>
          %dma_start3A_121 = tpu.memref_squeeze %dma_start3A_120 : memref<1x128xi32, #tpu.memory_space<vmem>> -> memref<128xi32, #tpu.memory_space<vmem>>
          %dma_start3A_122 = arith.constant 0 : i32
          %dma_start3A_123 = arith.constant 0 : i32
          %dma_start3A_124 = tpu.memref_slice %arg10[%dma_start3A_122, %dma_start3A_123] : memref<12928x128xf32, #tpu.memory_space<vmem_shared>> -> memref<12928x128xf32, #tpu.memory_space<vmem_shared>>
          tpu.enqueue_indirect_dma source(%arg9 : memref<128x128xf32, #tpu.memory_space<vmem>>) target(%dma_start3A_124 : memref<12928x128xf32, #tpu.memory_space<vmem_shared>>) offsets(%dma_start3A_121 : memref<128xi32, #tpu.memory_space<vmem>>) semaphore(%run_scoped3A : memref<!tpu.dma_semaphore, #tpu.memory_space<semaphore_mem>>) {add = true}
          %dma_wait3A_125 = arith.constant 0 : i32
          %dma_wait3A_126 = tpu.memref_slice %arg8[%add3A_118, %dma_wait3A_125] : memref<32x128xi32, #tpu.memory_space<vmem>> -> memref<1x128xi32, #tpu.memory_space<vmem>>
          %dma_wait3A_127 = tpu.memref_squeeze %dma_wait3A_126 : memref<1x128xi32, #tpu.memory_space<vmem>> -> memref<128xi32, #tpu.memory_space<vmem>>
          %dma_wait3A_128 = arith.constant 0 : i32
          %dma_wait3A_129 = arith.constant 0 : i32
          %dma_wait3A_130 = tpu.memref_slice %arg10[%dma_wait3A_128, %dma_wait3A_129] : memref<12928x128xf32, #tpu.memory_space<vmem_shared>> -> memref<12928x128xf32, #tpu.memory_space<vmem_shared>>
          tpu.wait_indirect_dma semaphore(%run_scoped3A : memref<!tpu.dma_semaphore, #tpu.memory_space<semaphore_mem>>) src(%arg9 : memref<128x128xf32, #tpu.memory_space<vmem>>) dst(%dma_wait3A_130 : memref<12928x128xf32, #tpu.memory_space<vmem_shared>>)
          tpu.yield
        }) : () -> ()
      }
      %scan3A_103 = arith.constant 16 : i32
    }
    %scan3A_34 = arith.constant 5 : i32
    %barrier3A_35 = arith.constant 0 : index
    tpu.barrier barrier_id(%barrier3A_35)
    %mul3A_36 = arith.constant 800 : i32
    %mul3A_37 = arith.muli %arg1, %mul3A_36 : i32
    %mul3A_38 = arith.constant 800 : i32
    %mul3A_39 = arith.muli %arg1, %mul3A_38 : i32
    "tpu.region"() ({
      %run_scoped3A = tpu.sem_alloc : memref<!tpu.dma_semaphore, #tpu.memory_space<semaphore_mem>>
      %dma_start3A_40 = arith.constant 0 : i32
      %dma_start3A_41 = tpu.memref_slice %arg6[%arg0, %mul3A_39, %dma_start3A_40] : memref<2x12800x128xf32, #tpu.memory_space<hbm>> -> memref<1x800x128xf32, #tpu.memory_space<hbm>>
      %dma_start3A_42 = tpu.memref_squeeze %dma_start3A_41 : memref<1x800x128xf32, #tpu.memory_space<hbm>> -> memref<800x128xf32, #tpu.memory_space<hbm>>
      %dma_start3A_43 = arith.constant 0 : i32
      %dma_start3A_44 = tpu.memref_slice %arg10[%mul3A_37, %dma_start3A_43] : memref<12928x128xf32, #tpu.memory_space<vmem_shared>> -> memref<800x128xf32, #tpu.memory_space<vmem_shared>>
      tpu.enqueue_dma source(%dma_start3A_44 : memref<800x128xf32, #tpu.memory_space<vmem_shared>>) target(%dma_start3A_42 : memref<800x128xf32, #tpu.memory_space<hbm>>) target_semaphore(%run_scoped3A : memref<!tpu.dma_semaphore, #tpu.memory_space<semaphore_mem>>)
      %dma_wait3A = arith.constant 0 : i32
      %dma_wait3A_45 = tpu.memref_slice %arg6[%arg0, %mul3A_39, %dma_wait3A] : memref<2x12800x128xf32, #tpu.memory_space<hbm>> -> memref<1x800x128xf32, #tpu.memory_space<hbm>>
      %dma_wait3A_46 = tpu.memref_squeeze %dma_wait3A_45 : memref<1x800x128xf32, #tpu.memory_space<hbm>> -> memref<800x128xf32, #tpu.memory_space<hbm>>
      %dma_wait3A_47 = arith.constant 0 : i32
      %dma_wait3A_48 = tpu.memref_slice %arg10[%mul3A_37, %dma_wait3A_47] : memref<12928x128xf32, #tpu.memory_space<vmem_shared>> -> memref<800x128xf32, #tpu.memory_space<vmem_shared>>
      tpu.wait_dma2 semaphore(%run_scoped3A : memref<!tpu.dma_semaphore, #tpu.memory_space<semaphore_mem>>) src(%dma_wait3A_48 : memref<800x128xf32, #tpu.memory_space<vmem_shared>>) dst(%dma_wait3A_46 : memref<800x128xf32, #tpu.memory_space<hbm>>)
      tpu.yield
    }) : () -> ()
    return
  }
}

#map = affine_map<(d0, d1) -> (0, 0)>
#map1 = affine_map<(d0, d1) -> (0, 0, 0)>
module attributes {stable_mosaic.version = 14 : i64} {
  func.func @agg_kernel(%arg0: i32, %arg1: i32, %arg2: memref<12800x128xf32, #tpu.memory_space<hbm>>, %arg3: memref<32x80x128xi32, #tpu.memory_space<hbm>>, %arg4: memref<32x80x128xi32, #tpu.memory_space<hbm>>, %arg5: memref<808x128xf32, #tpu.memory_space<hbm>>, %arg6: memref<2x12800x128xf32, #tpu.memory_space<hbm>>, %arg7: memref<32x128xi32, #tpu.memory_space<vmem>>, %arg8: memref<32x128xi32, #tpu.memory_space<vmem>>, %arg9: memref<128x128xf32, #tpu.memory_space<vmem>>, %arg10: memref<12928x128xf32, #tpu.memory_space<vmem_shared>>, %arg11: memref<!tpu.dma_semaphore, #tpu.memory_space<semaphore_mem>>, %arg12: memref<!tpu.dma_semaphore, #tpu.memory_space<semaphore_mem>>) attributes {dimension_semantics = [#tpu.dimension_semantics<core_parallel>, #tpu.dimension_semantics<subcore_parallel>], iteration_bounds = array<i64: 2, 16>, scalar_prefetch = 0 : i64, scratch_operands = 6 : i64, tpu.core_type = #tpu.core_type<sc_vector_subcore>, window_params = [{transform_indices = #map}, {transform_indices = #map1}, {transform_indices = #map1}, {transform_indices = #map}, {transform_indices = #map1}]} {
    %mul3A = arith.constant 16 : i32
    %mul3A_0 = arith.muli %arg0, %mul3A : i32
    %add3A = arith.addi %mul3A_0, %arg1 : i32
    %dma_start3A = arith.constant 0 : i32
    %dma_start3A_1 = arith.constant 0 : i32
    %dma_start3A_2 = tpu.memref_slice %arg7[%dma_start3A, %dma_start3A_1] : memref<32x128xi32, #tpu.memory_space<vmem>> -> memref<16x128xi32, #tpu.memory_space<vmem>>
    %dma_start3A_3 = arith.constant 0 : i32
    %dma_start3A_4 = arith.constant 0 : i32
    %dma_start3A_5 = tpu.memref_slice %arg3[%add3A, %dma_start3A_3, %dma_start3A_4] : memref<32x80x128xi32, #tpu.memory_space<hbm>> -> memref<1x16x128xi32, #tpu.memory_space<hbm>>
    %dma_start3A_6 = tpu.memref_squeeze %dma_start3A_5 : memref<1x16x128xi32, #tpu.memory_space<hbm>> -> memref<16x128xi32, #tpu.memory_space<hbm>>
    %dma_start3A_7 = arith.constant 0 : i32
    %dma_start3A_8 = arith.constant 0 : i32
    %dma_start3A_9 = tpu.memref_slice %arg7[%dma_start3A_7, %dma_start3A_8] : memref<32x128xi32, #tpu.memory_space<vmem>> -> memref<16x128xi32, #tpu.memory_space<vmem>>
    %dma_start3A_10 = arith.constant 0 : i32
    %dma_start3A_11 = arith.constant 0 : i32
    %dma_start3A_12 = tpu.memref_slice %arg3[%add3A, %dma_start3A_10, %dma_start3A_11] : memref<32x80x128xi32, #tpu.memory_space<hbm>> -> memref<1x16x128xi32, #tpu.memory_space<hbm>>
    %dma_start3A_13 = tpu.memref_squeeze %dma_start3A_12 : memref<1x16x128xi32, #tpu.memory_space<hbm>> -> memref<16x128xi32, #tpu.memory_space<hbm>>
    tpu.enqueue_dma source(%dma_start3A_13 : memref<16x128xi32, #tpu.memory_space<hbm>>) target(%dma_start3A_9 : memref<16x128xi32, #tpu.memory_space<vmem>>) target_semaphore(%arg12 : memref<!tpu.dma_semaphore, #tpu.memory_space<semaphore_mem>>)
    %dma_start3A_14 = arith.constant 0 : i32
    %dma_start3A_15 = arith.constant 0 : i32
    %dma_start3A_16 = tpu.memref_slice %arg8[%dma_start3A_14, %dma_start3A_15] : memref<32x128xi32, #tpu.memory_space<vmem>> -> memref<16x128xi32, #tpu.memory_space<vmem>>
    %dma_start3A_17 = arith.constant 0 : i32
    %dma_start3A_18 = arith.constant 0 : i32
    %dma_start3A_19 = tpu.memref_slice %arg4[%add3A, %dma_start3A_17, %dma_start3A_18] : memref<32x80x128xi32, #tpu.memory_space<hbm>> -> memref<1x16x128xi32, #tpu.memory_space<hbm>>
    %dma_start3A_20 = tpu.memref_squeeze %dma_start3A_19 : memref<1x16x128xi32, #tpu.memory_space<hbm>> -> memref<16x128xi32, #tpu.memory_space<hbm>>
    %dma_start3A_21 = arith.constant 0 : i32
    %dma_start3A_22 = arith.constant 0 : i32
    %dma_start3A_23 = tpu.memref_slice %arg8[%dma_start3A_21, %dma_start3A_22] : memref<32x128xi32, #tpu.memory_space<vmem>> -> memref<16x128xi32, #tpu.memory_space<vmem>>
    %dma_start3A_24 = arith.constant 0 : i32
    %dma_start3A_25 = arith.constant 0 : i32
    %dma_start3A_26 = tpu.memref_slice %arg4[%add3A, %dma_start3A_24, %dma_start3A_25] : memref<32x80x128xi32, #tpu.memory_space<hbm>> -> memref<1x16x128xi32, #tpu.memory_space<hbm>>
    %dma_start3A_27 = tpu.memref_squeeze %dma_start3A_26 : memref<1x16x128xi32, #tpu.memory_space<hbm>> -> memref<16x128xi32, #tpu.memory_space<hbm>>
    tpu.enqueue_dma source(%dma_start3A_27 : memref<16x128xi32, #tpu.memory_space<hbm>>) target(%dma_start3A_23 : memref<16x128xi32, #tpu.memory_space<vmem>>) target_semaphore(%arg12 : memref<!tpu.dma_semaphore, #tpu.memory_space<semaphore_mem>>)
    %mul3A_28 = arith.constant 808 : i32
    %mul3A_29 = arith.muli %arg1, %mul3A_28 : i32
    "tpu.region"() ({
      %run_scoped3A = tpu.sem_alloc : memref<!tpu.dma_semaphore, #tpu.memory_space<semaphore_mem>>
      %dma_start3A_40 = arith.constant 0 : i32
      %dma_start3A_41 = tpu.memref_slice %arg10[%mul3A_29, %dma_start3A_40] : memref<12928x128xf32, #tpu.memory_space<vmem_shared>> -> memref<808x128xf32, #tpu.memory_space<vmem_shared>>
      tpu.enqueue_dma source(%arg5 : memref<808x128xf32, #tpu.memory_space<hbm>>) target(%dma_start3A_41 : memref<808x128xf32, #tpu.memory_space<vmem_shared>>) target_semaphore(%run_scoped3A : memref<!tpu.dma_semaphore, #tpu.memory_space<semaphore_mem>>)
      %dma_wait3A = arith.constant 0 : i32
      %dma_wait3A_42 = tpu.memref_slice %arg10[%mul3A_29, %dma_wait3A] : memref<12928x128xf32, #tpu.memory_space<vmem_shared>> -> memref<808x128xf32, #tpu.memory_space<vmem_shared>>
      tpu.wait_dma2 semaphore(%run_scoped3A : memref<!tpu.dma_semaphore, #tpu.memory_space<semaphore_mem>>) src(%arg5 : memref<808x128xf32, #tpu.memory_space<hbm>>) dst(%dma_wait3A_42 : memref<808x128xf32, #tpu.memory_space<vmem_shared>>)
      tpu.yield
    }) : () -> ()
    %barrier3A = arith.constant 0 : index
    tpu.barrier barrier_id(%barrier3A)
    %scan3A = arith.constant 0 : i32
    %scan3A_30 = arith.constant 0 : i32
    %scan3A_31 = arith.constant 5 : i32
    %scan3A_32 = arith.addi %scan3A_30, %scan3A_31 : i32
    %scan3A_33 = arith.constant 1 : i32
    scf.for %scan3A_40 = %scan3A_30 to %scan3A_32 step %scan3A_33  : i32 {
      %jit3A = arith.constant 2 : i32
      %eq3A = arith.constant 0 : i32
      %eq3A_41 = arith.cmpi eq, %jit3A, %eq3A : i32
      %jit3A_42 = arith.constant 1 : i32
      %select_n3A = arith.select %eq3A_41, %jit3A_42, %jit3A : i32
      %rem3A = arith.remsi %scan3A_40, %select_n3A : i32
      %ne3A = arith.constant 0 : i32
      %ne3A_43 = arith.cmpi ne, %rem3A, %ne3A : i32
      %lt3A = arith.constant 0 : i32
      %lt3A_44 = arith.cmpi slt, %rem3A, %lt3A : i32
      %lt3A_45 = arith.constant 0 : i32
      %lt3A_46 = arith.cmpi slt, %select_n3A, %lt3A_45 : i32
      %ne3A_47 = arith.xori %lt3A_44, %lt3A_46 : i1
      %and3A = arith.andi %ne3A_47, %ne3A_43 : i1
      %add3A_48 = arith.addi %rem3A, %select_n3A : i32
      %select_n3A_49 = arith.select %and3A, %add3A_48, %rem3A : i32
      %mul3A_50 = arith.constant 16 : i32
      %mul3A_51 = arith.muli %select_n3A_49, %mul3A_50 : i32
      %mul3A_52 = arith.constant 16 : i32
      %mul3A_53 = arith.muli %scan3A_40, %mul3A_52 : i32
      %dma_wait3A = arith.constant 0 : i32
      %dma_wait3A_54 = tpu.memref_slice %arg7[%mul3A_51, %dma_wait3A] : memref<32x128xi32, #tpu.memory_space<vmem>> -> memref<16x128xi32, #tpu.memory_space<vmem>>
      %dma_wait3A_55 = arith.constant 0 : i32
      %dma_wait3A_56 = tpu.memref_slice %arg3[%add3A, %mul3A_53, %dma_wait3A_55] : memref<32x80x128xi32, #tpu.memory_space<hbm>> -> memref<1x16x128xi32, #tpu.memory_space<hbm>>
      %dma_wait3A_57 = tpu.memref_squeeze %dma_wait3A_56 : memref<1x16x128xi32, #tpu.memory_space<hbm>> -> memref<16x128xi32, #tpu.memory_space<hbm>>
      %dma_wait3A_58 = arith.constant 0 : i32
      %dma_wait3A_59 = tpu.memref_slice %arg7[%mul3A_51, %dma_wait3A_58] : memref<32x128xi32, #tpu.memory_space<vmem>> -> memref<16x128xi32, #tpu.memory_space<vmem>>
      %dma_wait3A_60 = arith.constant 0 : i32
      %dma_wait3A_61 = tpu.memref_slice %arg3[%add3A, %mul3A_53, %dma_wait3A_60] : memref<32x80x128xi32, #tpu.memory_space<hbm>> -> memref<1x16x128xi32, #tpu.memory_space<hbm>>
      %dma_wait3A_62 = tpu.memref_squeeze %dma_wait3A_61 : memref<1x16x128xi32, #tpu.memory_space<hbm>> -> memref<16x128xi32, #tpu.memory_space<hbm>>
      tpu.wait_dma2 semaphore(%arg12 : memref<!tpu.dma_semaphore, #tpu.memory_space<semaphore_mem>>) src(%dma_wait3A_62 : memref<16x128xi32, #tpu.memory_space<hbm>>) dst(%dma_wait3A_59 : memref<16x128xi32, #tpu.memory_space<vmem>>)
      %mul3A_63 = arith.constant 16 : i32
      %mul3A_64 = arith.muli %scan3A_40, %mul3A_63 : i32
      %dma_wait3A_65 = arith.constant 0 : i32
      %dma_wait3A_66 = tpu.memref_slice %arg8[%mul3A_51, %dma_wait3A_65] : memref<32x128xi32, #tpu.memory_space<vmem>> -> memref<16x128xi32, #tpu.memory_space<vmem>>
      %dma_wait3A_67 = arith.constant 0 : i32
      %dma_wait3A_68 = tpu.memref_slice %arg4[%add3A, %mul3A_64, %dma_wait3A_67] : memref<32x80x128xi32, #tpu.memory_space<hbm>> -> memref<1x16x128xi32, #tpu.memory_space<hbm>>
      %dma_wait3A_69 = tpu.memref_squeeze %dma_wait3A_68 : memref<1x16x128xi32, #tpu.memory_space<hbm>> -> memref<16x128xi32, #tpu.memory_space<hbm>>
      %dma_wait3A_70 = arith.constant 0 : i32
      %dma_wait3A_71 = tpu.memref_slice %arg8[%mul3A_51, %dma_wait3A_70] : memref<32x128xi32, #tpu.memory_space<vmem>> -> memref<16x128xi32, #tpu.memory_space<vmem>>
      %dma_wait3A_72 = arith.constant 0 : i32
      %dma_wait3A_73 = tpu.memref_slice %arg4[%add3A, %mul3A_64, %dma_wait3A_72] : memref<32x80x128xi32, #tpu.memory_space<hbm>> -> memref<1x16x128xi32, #tpu.memory_space<hbm>>
      %dma_wait3A_74 = tpu.memref_squeeze %dma_wait3A_73 : memref<1x16x128xi32, #tpu.memory_space<hbm>> -> memref<16x128xi32, #tpu.memory_space<hbm>>
      tpu.wait_dma2 semaphore(%arg12 : memref<!tpu.dma_semaphore, #tpu.memory_space<semaphore_mem>>) src(%dma_wait3A_74 : memref<16x128xi32, #tpu.memory_space<hbm>>) dst(%dma_wait3A_71 : memref<16x128xi32, #tpu.memory_space<vmem>>)
      %add3A_75 = arith.constant 1 : i32
      %add3A_76 = arith.addi %scan3A_40, %add3A_75 : i32
      %lt3A_77 = arith.constant 5 : i32
      %lt3A_78 = arith.cmpi slt, %add3A_76, %lt3A_77 : i32
      %convert_element_type3A = arith.extui %lt3A_78 : i1 to i32
      %cond3A = arith.constant 0 : i32
      %cond3A_79 = arith.cmpi ne, %convert_element_type3A, %cond3A : i32
      scf.if %cond3A_79 {
        %add3A_104 = arith.constant 1 : i32
        %add3A_105 = arith.addi %scan3A_40, %add3A_104 : i32
        %jit3A_106 = arith.constant 2 : i32
        %eq3A_107 = arith.constant 0 : i32
        %eq3A_108 = arith.cmpi eq, %jit3A_106, %eq3A_107 : i32
        %jit3A_109 = arith.constant 1 : i32
        %select_n3A_110 = arith.select %eq3A_108, %jit3A_109, %jit3A_106 : i32
        %rem3A_111 = arith.remsi %add3A_105, %select_n3A_110 : i32
        %ne3A_112 = arith.constant 0 : i32
        %ne3A_113 = arith.cmpi ne, %rem3A_111, %ne3A_112 : i32
        %lt3A_114 = arith.constant 0 : i32
        %lt3A_115 = arith.cmpi slt, %rem3A_111, %lt3A_114 : i32
        %lt3A_116 = arith.constant 0 : i32
        %lt3A_117 = arith.cmpi slt, %select_n3A_110, %lt3A_116 : i32
        %ne3A_118 = arith.xori %lt3A_115, %lt3A_117 : i1
        %and3A_119 = arith.andi %ne3A_118, %ne3A_113 : i1
        %add3A_120 = arith.addi %rem3A_111, %select_n3A_110 : i32
        %select_n3A_121 = arith.select %and3A_119, %add3A_120, %rem3A_111 : i32
        %mul3A_122 = arith.constant 16 : i32
        %mul3A_123 = arith.muli %select_n3A_121, %mul3A_122 : i32
        %mul3A_124 = arith.constant 16 : i32
        %mul3A_125 = arith.muli %add3A_105, %mul3A_124 : i32
        %dma_start3A_126 = arith.constant 0 : i32
        %dma_start3A_127 = tpu.memref_slice %arg7[%mul3A_123, %dma_start3A_126] : memref<32x128xi32, #tpu.memory_space<vmem>> -> memref<16x128xi32, #tpu.memory_space<vmem>>
        %dma_start3A_128 = arith.constant 0 : i32
        %dma_start3A_129 = tpu.memref_slice %arg3[%add3A, %mul3A_125, %dma_start3A_128] : memref<32x80x128xi32, #tpu.memory_space<hbm>> -> memref<1x16x128xi32, #tpu.memory_space<hbm>>
        %dma_start3A_130 = tpu.memref_squeeze %dma_start3A_129 : memref<1x16x128xi32, #tpu.memory_space<hbm>> -> memref<16x128xi32, #tpu.memory_space<hbm>>
        %dma_start3A_131 = arith.constant 0 : i32
        %dma_start3A_132 = tpu.memref_slice %arg7[%mul3A_123, %dma_start3A_131] : memref<32x128xi32, #tpu.memory_space<vmem>> -> memref<16x128xi32, #tpu.memory_space<vmem>>
        %dma_start3A_133 = arith.constant 0 : i32
        %dma_start3A_134 = tpu.memref_slice %arg3[%add3A, %mul3A_125, %dma_start3A_133] : memref<32x80x128xi32, #tpu.memory_space<hbm>> -> memref<1x16x128xi32, #tpu.memory_space<hbm>>
        %dma_start3A_135 = tpu.memref_squeeze %dma_start3A_134 : memref<1x16x128xi32, #tpu.memory_space<hbm>> -> memref<16x128xi32, #tpu.memory_space<hbm>>
        tpu.enqueue_dma source(%dma_start3A_135 : memref<16x128xi32, #tpu.memory_space<hbm>>) target(%dma_start3A_132 : memref<16x128xi32, #tpu.memory_space<vmem>>) target_semaphore(%arg12 : memref<!tpu.dma_semaphore, #tpu.memory_space<semaphore_mem>>)
        %mul3A_136 = arith.constant 16 : i32
        %mul3A_137 = arith.muli %add3A_105, %mul3A_136 : i32
        %dma_start3A_138 = arith.constant 0 : i32
        %dma_start3A_139 = tpu.memref_slice %arg8[%mul3A_123, %dma_start3A_138] : memref<32x128xi32, #tpu.memory_space<vmem>> -> memref<16x128xi32, #tpu.memory_space<vmem>>
        %dma_start3A_140 = arith.constant 0 : i32
        %dma_start3A_141 = tpu.memref_slice %arg4[%add3A, %mul3A_137, %dma_start3A_140] : memref<32x80x128xi32, #tpu.memory_space<hbm>> -> memref<1x16x128xi32, #tpu.memory_space<hbm>>
        %dma_start3A_142 = tpu.memref_squeeze %dma_start3A_141 : memref<1x16x128xi32, #tpu.memory_space<hbm>> -> memref<16x128xi32, #tpu.memory_space<hbm>>
        %dma_start3A_143 = arith.constant 0 : i32
        %dma_start3A_144 = tpu.memref_slice %arg8[%mul3A_123, %dma_start3A_143] : memref<32x128xi32, #tpu.memory_space<vmem>> -> memref<16x128xi32, #tpu.memory_space<vmem>>
        %dma_start3A_145 = arith.constant 0 : i32
        %dma_start3A_146 = tpu.memref_slice %arg4[%add3A, %mul3A_137, %dma_start3A_145] : memref<32x80x128xi32, #tpu.memory_space<hbm>> -> memref<1x16x128xi32, #tpu.memory_space<hbm>>
        %dma_start3A_147 = tpu.memref_squeeze %dma_start3A_146 : memref<1x16x128xi32, #tpu.memory_space<hbm>> -> memref<16x128xi32, #tpu.memory_space<hbm>>
        tpu.enqueue_dma source(%dma_start3A_147 : memref<16x128xi32, #tpu.memory_space<hbm>>) target(%dma_start3A_144 : memref<16x128xi32, #tpu.memory_space<vmem>>) target_semaphore(%arg12 : memref<!tpu.dma_semaphore, #tpu.memory_space<semaphore_mem>>)
      } else {
      }
      %jit3A_80 = arith.constant 2 : i32
      %eq3A_81 = arith.constant 0 : i32
      %eq3A_82 = arith.cmpi eq, %jit3A_80, %eq3A_81 : i32
      %jit3A_83 = arith.constant 1 : i32
      %select_n3A_84 = arith.select %eq3A_82, %jit3A_83, %jit3A_80 : i32
      %rem3A_85 = arith.remsi %scan3A_40, %select_n3A_84 : i32
      %ne3A_86 = arith.constant 0 : i32
      %ne3A_87 = arith.cmpi ne, %rem3A_85, %ne3A_86 : i32
      %lt3A_88 = arith.constant 0 : i32
      %lt3A_89 = arith.cmpi slt, %rem3A_85, %lt3A_88 : i32
      %lt3A_90 = arith.constant 0 : i32
      %lt3A_91 = arith.cmpi slt, %select_n3A_84, %lt3A_90 : i32
      %ne3A_92 = arith.xori %lt3A_89, %lt3A_91 : i1
      %and3A_93 = arith.andi %ne3A_92, %ne3A_87 : i1
      %add3A_94 = arith.addi %rem3A_85, %select_n3A_84 : i32
      %select_n3A_95 = arith.select %and3A_93, %add3A_94, %rem3A_85 : i32
      %mul3A_96 = arith.constant 16 : i32
      %mul3A_97 = arith.muli %select_n3A_95, %mul3A_96 : i32
      %scan3A_98 = arith.constant 0 : i32
      %scan3A_99 = arith.constant 0 : i32
      %scan3A_100 = arith.constant 16 : i32
      %scan3A_101 = arith.addi %scan3A_99, %scan3A_100 : i32
      %scan3A_102 = arith.constant 1 : i32
      scf.for %scan3A_104 = %scan3A_99 to %scan3A_101 step %scan3A_102  : i32 {
        %add3A_105 = arith.addi %mul3A_97, %scan3A_104 : i32
        %dma_start3A_106 = arith.constant 0 : i32
        %dma_start3A_107 = tpu.memref_slice %arg7[%add3A_105, %dma_start3A_106] : memref<32x128xi32, #tpu.memory_space<vmem>> -> memref<1x128xi32, #tpu.memory_space<vmem>>
        %dma_start3A_108 = tpu.memref_squeeze %dma_start3A_107 : memref<1x128xi32, #tpu.memory_space<vmem>> -> memref<128xi32, #tpu.memory_space<vmem>>
        %dma_start3A_109 = arith.constant 0 : i32
        %dma_start3A_110 = arith.constant 0 : i32
        %dma_start3A_111 = tpu.memref_slice %arg2[%dma_start3A_109, %dma_start3A_110] : memref<12800x128xf32, #tpu.memory_space<hbm>> -> memref<12800x128xf32, #tpu.memory_space<hbm>>
        tpu.enqueue_indirect_dma source(%dma_start3A_111 : memref<12800x128xf32, #tpu.memory_space<hbm>>) target(%arg9 : memref<128x128xf32, #tpu.memory_space<vmem>>) offsets(%dma_start3A_108 : memref<128xi32, #tpu.memory_space<vmem>>) semaphore(%arg11 : memref<!tpu.dma_semaphore, #tpu.memory_space<semaphore_mem>>)
        %dma_wait3A_112 = arith.constant 0 : i32
        %dma_wait3A_113 = tpu.memref_slice %arg7[%add3A_105, %dma_wait3A_112] : memref<32x128xi32, #tpu.memory_space<vmem>> -> memref<1x128xi32, #tpu.memory_space<vmem>>
        %dma_wait3A_114 = tpu.memref_squeeze %dma_wait3A_113 : memref<1x128xi32, #tpu.memory_space<vmem>> -> memref<128xi32, #tpu.memory_space<vmem>>
        %dma_wait3A_115 = arith.constant 0 : i32
        %dma_wait3A_116 = arith.constant 0 : i32
        %dma_wait3A_117 = tpu.memref_slice %arg2[%dma_wait3A_115, %dma_wait3A_116] : memref<12800x128xf32, #tpu.memory_space<hbm>> -> memref<12800x128xf32, #tpu.memory_space<hbm>>
        tpu.wait_indirect_dma semaphore(%arg11 : memref<!tpu.dma_semaphore, #tpu.memory_space<semaphore_mem>>) src(%dma_wait3A_117 : memref<12800x128xf32, #tpu.memory_space<hbm>>) dst(%arg9 : memref<128x128xf32, #tpu.memory_space<vmem>>)
        %add3A_118 = arith.addi %mul3A_97, %scan3A_104 : i32
        "tpu.region"() ({
          %run_scoped3A = tpu.sem_alloc : memref<!tpu.dma_semaphore, #tpu.memory_space<semaphore_mem>>
          %dma_start3A_119 = arith.constant 0 : i32
          %dma_start3A_120 = tpu.memref_slice %arg8[%add3A_118, %dma_start3A_119] : memref<32x128xi32, #tpu.memory_space<vmem>> -> memref<1x128xi32, #tpu.memory_space<vmem>>
          %dma_start3A_121 = tpu.memref_squeeze %dma_start3A_120 : memref<1x128xi32, #tpu.memory_space<vmem>> -> memref<128xi32, #tpu.memory_space<vmem>>
          %dma_start3A_122 = arith.constant 0 : i32
          %dma_start3A_123 = arith.constant 0 : i32
          %dma_start3A_124 = tpu.memref_slice %arg10[%dma_start3A_122, %dma_start3A_123] : memref<12928x128xf32, #tpu.memory_space<vmem_shared>> -> memref<12928x128xf32, #tpu.memory_space<vmem_shared>>
          tpu.enqueue_indirect_dma source(%arg9 : memref<128x128xf32, #tpu.memory_space<vmem>>) target(%dma_start3A_124 : memref<12928x128xf32, #tpu.memory_space<vmem_shared>>) offsets(%dma_start3A_121 : memref<128xi32, #tpu.memory_space<vmem>>) semaphore(%run_scoped3A : memref<!tpu.dma_semaphore, #tpu.memory_space<semaphore_mem>>) {add = true}
          %dma_wait3A_125 = arith.constant 0 : i32
          %dma_wait3A_126 = tpu.memref_slice %arg8[%add3A_118, %dma_wait3A_125] : memref<32x128xi32, #tpu.memory_space<vmem>> -> memref<1x128xi32, #tpu.memory_space<vmem>>
          %dma_wait3A_127 = tpu.memref_squeeze %dma_wait3A_126 : memref<1x128xi32, #tpu.memory_space<vmem>> -> memref<128xi32, #tpu.memory_space<vmem>>
          %dma_wait3A_128 = arith.constant 0 : i32
          %dma_wait3A_129 = arith.constant 0 : i32
          %dma_wait3A_130 = tpu.memref_slice %arg10[%dma_wait3A_128, %dma_wait3A_129] : memref<12928x128xf32, #tpu.memory_space<vmem_shared>> -> memref<12928x128xf32, #tpu.memory_space<vmem_shared>>
          tpu.wait_indirect_dma semaphore(%run_scoped3A : memref<!tpu.dma_semaphore, #tpu.memory_space<semaphore_mem>>) src(%arg9 : memref<128x128xf32, #tpu.memory_space<vmem>>) dst(%dma_wait3A_130 : memref<12928x128xf32, #tpu.memory_space<vmem_shared>>)
          tpu.yield
        }) : () -> ()
      }
      %scan3A_103 = arith.constant 16 : i32
    }
    %scan3A_34 = arith.constant 5 : i32
    %barrier3A_35 = arith.constant 0 : index
    tpu.barrier barrier_id(%barrier3A_35)
    %mul3A_36 = arith.constant 800 : i32
    %mul3A_37 = arith.muli %arg1, %mul3A_36 : i32
    %mul3A_38 = arith.constant 800 : i32
    %mul3A_39 = arith.muli %arg1, %mul3A_38 : i32
    "tpu.region"() ({
      %run_scoped3A = tpu.sem_alloc : memref<!tpu.dma_semaphore, #tpu.memory_space<semaphore_mem>>
      %dma_start3A_40 = arith.constant 0 : i32
      %dma_start3A_41 = tpu.memref_slice %arg6[%arg0, %mul3A_39, %dma_start3A_40] : memref<2x12800x128xf32, #tpu.memory_space<hbm>> -> memref<1x800x128xf32, #tpu.memory_space<hbm>>
      %dma_start3A_42 = tpu.memref_squeeze %dma_start3A_41 : memref<1x800x128xf32, #tpu.memory_space<hbm>> -> memref<800x128xf32, #tpu.memory_space<hbm>>
      %dma_start3A_43 = arith.constant 0 : i32
      %dma_start3A_44 = tpu.memref_slice %arg10[%mul3A_37, %dma_start3A_43] : memref<12928x128xf32, #tpu.memory_space<vmem_shared>> -> memref<800x128xf32, #tpu.memory_space<vmem_shared>>
      tpu.enqueue_dma source(%dma_start3A_44 : memref<800x128xf32, #tpu.memory_space<vmem_shared>>) target(%dma_start3A_42 : memref<800x128xf32, #tpu.memory_space<hbm>>) target_semaphore(%run_scoped3A : memref<!tpu.dma_semaphore, #tpu.memory_space<semaphore_mem>>)
      %dma_wait3A = arith.constant 0 : i32
      %dma_wait3A_45 = tpu.memref_slice %arg6[%arg0, %mul3A_39, %dma_wait3A] : memref<2x12800x128xf32, #tpu.memory_space<hbm>> -> memref<1x800x128xf32, #tpu.memory_space<hbm>>
      %dma_wait3A_46 = tpu.memref_squeeze %dma_wait3A_45 : memref<1x800x128xf32, #tpu.memory_space<hbm>> -> memref<800x128xf32, #tpu.memory_space<hbm>>
      %dma_wait3A_47 = arith.constant 0 : i32
      %dma_wait3A_48 = tpu.memref_slice %arg10[%mul3A_37, %dma_wait3A_47] : memref<12928x128xf32, #tpu.memory_space<vmem_shared>> -> memref<800x128xf32, #tpu.memory_space<vmem_shared>>
      tpu.wait_dma2 semaphore(%run_scoped3A : memref<!tpu.dma_semaphore, #tpu.memory_space<semaphore_mem>>) src(%dma_wait3A_48 : memref<800x128xf32, #tpu.memory_space<vmem_shared>>) dst(%dma_wait3A_46 : memref<800x128xf32, #tpu.memory_space<hbm>>)
      tpu.yield
    }) : () -> ()
    return
  }
}

#map = affine_map<(d0, d1) -> (0, 0)>
#map1 = affine_map<(d0, d1) -> (0, 0, 0)>
module attributes {stable_mosaic.version = 14 : i64} {
  func.func @agg_kernel(%arg0: i32, %arg1: i32, %arg2: memref<12800x128xf32, #tpu.memory_space<hbm>>, %arg3: memref<32x80x128xi32, #tpu.memory_space<hbm>>, %arg4: memref<32x80x128xi32, #tpu.memory_space<hbm>>, %arg5: memref<808x128xf32, #tpu.memory_space<hbm>>, %arg6: memref<2x12800x128xf32, #tpu.memory_space<hbm>>, %arg7: memref<32x128xi32, #tpu.memory_space<vmem>>, %arg8: memref<32x128xi32, #tpu.memory_space<vmem>>, %arg9: memref<128x128xf32, #tpu.memory_space<vmem>>, %arg10: memref<12928x128xf32, #tpu.memory_space<vmem_shared>>, %arg11: memref<!tpu.dma_semaphore, #tpu.memory_space<semaphore_mem>>, %arg12: memref<!tpu.dma_semaphore, #tpu.memory_space<semaphore_mem>>) attributes {dimension_semantics = [#tpu.dimension_semantics<core_parallel>, #tpu.dimension_semantics<subcore_parallel>], iteration_bounds = array<i64: 2, 16>, scalar_prefetch = 0 : i64, scratch_operands = 6 : i64, tpu.core_type = #tpu.core_type<sc_vector_subcore>, window_params = [{transform_indices = #map}, {transform_indices = #map1}, {transform_indices = #map1}, {transform_indices = #map}, {transform_indices = #map1}]} {
    %mul3A = arith.constant 16 : i32
    %mul3A_0 = arith.muli %arg0, %mul3A : i32
    %add3A = arith.addi %mul3A_0, %arg1 : i32
    %dma_start3A = arith.constant 0 : i32
    %dma_start3A_1 = arith.constant 0 : i32
    %dma_start3A_2 = tpu.memref_slice %arg7[%dma_start3A, %dma_start3A_1] : memref<32x128xi32, #tpu.memory_space<vmem>> -> memref<16x128xi32, #tpu.memory_space<vmem>>
    %dma_start3A_3 = arith.constant 0 : i32
    %dma_start3A_4 = arith.constant 0 : i32
    %dma_start3A_5 = tpu.memref_slice %arg3[%add3A, %dma_start3A_3, %dma_start3A_4] : memref<32x80x128xi32, #tpu.memory_space<hbm>> -> memref<1x16x128xi32, #tpu.memory_space<hbm>>
    %dma_start3A_6 = tpu.memref_squeeze %dma_start3A_5 : memref<1x16x128xi32, #tpu.memory_space<hbm>> -> memref<16x128xi32, #tpu.memory_space<hbm>>
    %dma_start3A_7 = arith.constant 0 : i32
    %dma_start3A_8 = arith.constant 0 : i32
    %dma_start3A_9 = tpu.memref_slice %arg7[%dma_start3A_7, %dma_start3A_8] : memref<32x128xi32, #tpu.memory_space<vmem>> -> memref<16x128xi32, #tpu.memory_space<vmem>>
    %dma_start3A_10 = arith.constant 0 : i32
    %dma_start3A_11 = arith.constant 0 : i32
    %dma_start3A_12 = tpu.memref_slice %arg3[%add3A, %dma_start3A_10, %dma_start3A_11] : memref<32x80x128xi32, #tpu.memory_space<hbm>> -> memref<1x16x128xi32, #tpu.memory_space<hbm>>
    %dma_start3A_13 = tpu.memref_squeeze %dma_start3A_12 : memref<1x16x128xi32, #tpu.memory_space<hbm>> -> memref<16x128xi32, #tpu.memory_space<hbm>>
    tpu.enqueue_dma source(%dma_start3A_13 : memref<16x128xi32, #tpu.memory_space<hbm>>) target(%dma_start3A_9 : memref<16x128xi32, #tpu.memory_space<vmem>>) target_semaphore(%arg12 : memref<!tpu.dma_semaphore, #tpu.memory_space<semaphore_mem>>)
    %dma_start3A_14 = arith.constant 0 : i32
    %dma_start3A_15 = arith.constant 0 : i32
    %dma_start3A_16 = tpu.memref_slice %arg8[%dma_start3A_14, %dma_start3A_15] : memref<32x128xi32, #tpu.memory_space<vmem>> -> memref<16x128xi32, #tpu.memory_space<vmem>>
    %dma_start3A_17 = arith.constant 0 : i32
    %dma_start3A_18 = arith.constant 0 : i32
    %dma_start3A_19 = tpu.memref_slice %arg4[%add3A, %dma_start3A_17, %dma_start3A_18] : memref<32x80x128xi32, #tpu.memory_space<hbm>> -> memref<1x16x128xi32, #tpu.memory_space<hbm>>
    %dma_start3A_20 = tpu.memref_squeeze %dma_start3A_19 : memref<1x16x128xi32, #tpu.memory_space<hbm>> -> memref<16x128xi32, #tpu.memory_space<hbm>>
    %dma_start3A_21 = arith.constant 0 : i32
    %dma_start3A_22 = arith.constant 0 : i32
    %dma_start3A_23 = tpu.memref_slice %arg8[%dma_start3A_21, %dma_start3A_22] : memref<32x128xi32, #tpu.memory_space<vmem>> -> memref<16x128xi32, #tpu.memory_space<vmem>>
    %dma_start3A_24 = arith.constant 0 : i32
    %dma_start3A_25 = arith.constant 0 : i32
    %dma_start3A_26 = tpu.memref_slice %arg4[%add3A, %dma_start3A_24, %dma_start3A_25] : memref<32x80x128xi32, #tpu.memory_space<hbm>> -> memref<1x16x128xi32, #tpu.memory_space<hbm>>
    %dma_start3A_27 = tpu.memref_squeeze %dma_start3A_26 : memref<1x16x128xi32, #tpu.memory_space<hbm>> -> memref<16x128xi32, #tpu.memory_space<hbm>>
    tpu.enqueue_dma source(%dma_start3A_27 : memref<16x128xi32, #tpu.memory_space<hbm>>) target(%dma_start3A_23 : memref<16x128xi32, #tpu.memory_space<vmem>>) target_semaphore(%arg12 : memref<!tpu.dma_semaphore, #tpu.memory_space<semaphore_mem>>)
    %mul3A_28 = arith.constant 808 : i32
    %mul3A_29 = arith.muli %arg1, %mul3A_28 : i32
    "tpu.region"() ({
      %run_scoped3A = tpu.sem_alloc : memref<!tpu.dma_semaphore, #tpu.memory_space<semaphore_mem>>
      %dma_start3A_40 = arith.constant 0 : i32
      %dma_start3A_41 = tpu.memref_slice %arg10[%mul3A_29, %dma_start3A_40] : memref<12928x128xf32, #tpu.memory_space<vmem_shared>> -> memref<808x128xf32, #tpu.memory_space<vmem_shared>>
      tpu.enqueue_dma source(%arg5 : memref<808x128xf32, #tpu.memory_space<hbm>>) target(%dma_start3A_41 : memref<808x128xf32, #tpu.memory_space<vmem_shared>>) target_semaphore(%run_scoped3A : memref<!tpu.dma_semaphore, #tpu.memory_space<semaphore_mem>>)
      %dma_wait3A = arith.constant 0 : i32
      %dma_wait3A_42 = tpu.memref_slice %arg10[%mul3A_29, %dma_wait3A] : memref<12928x128xf32, #tpu.memory_space<vmem_shared>> -> memref<808x128xf32, #tpu.memory_space<vmem_shared>>
      tpu.wait_dma2 semaphore(%run_scoped3A : memref<!tpu.dma_semaphore, #tpu.memory_space<semaphore_mem>>) src(%arg5 : memref<808x128xf32, #tpu.memory_space<hbm>>) dst(%dma_wait3A_42 : memref<808x128xf32, #tpu.memory_space<vmem_shared>>)
      tpu.yield
    }) : () -> ()
    %barrier3A = arith.constant 0 : index
    tpu.barrier barrier_id(%barrier3A)
    %scan3A = arith.constant 0 : i32
    %scan3A_30 = arith.constant 0 : i32
    %scan3A_31 = arith.constant 5 : i32
    %scan3A_32 = arith.addi %scan3A_30, %scan3A_31 : i32
    %scan3A_33 = arith.constant 1 : i32
    scf.for %scan3A_40 = %scan3A_30 to %scan3A_32 step %scan3A_33  : i32 {
      %jit3A = arith.constant 2 : i32
      %eq3A = arith.constant 0 : i32
      %eq3A_41 = arith.cmpi eq, %jit3A, %eq3A : i32
      %jit3A_42 = arith.constant 1 : i32
      %select_n3A = arith.select %eq3A_41, %jit3A_42, %jit3A : i32
      %rem3A = arith.remsi %scan3A_40, %select_n3A : i32
      %ne3A = arith.constant 0 : i32
      %ne3A_43 = arith.cmpi ne, %rem3A, %ne3A : i32
      %lt3A = arith.constant 0 : i32
      %lt3A_44 = arith.cmpi slt, %rem3A, %lt3A : i32
      %lt3A_45 = arith.constant 0 : i32
      %lt3A_46 = arith.cmpi slt, %select_n3A, %lt3A_45 : i32
      %ne3A_47 = arith.xori %lt3A_44, %lt3A_46 : i1
      %and3A = arith.andi %ne3A_47, %ne3A_43 : i1
      %add3A_48 = arith.addi %rem3A, %select_n3A : i32
      %select_n3A_49 = arith.select %and3A, %add3A_48, %rem3A : i32
      %mul3A_50 = arith.constant 16 : i32
      %mul3A_51 = arith.muli %select_n3A_49, %mul3A_50 : i32
      %mul3A_52 = arith.constant 16 : i32
      %mul3A_53 = arith.muli %scan3A_40, %mul3A_52 : i32
      %dma_wait3A = arith.constant 0 : i32
      %dma_wait3A_54 = tpu.memref_slice %arg7[%mul3A_51, %dma_wait3A] : memref<32x128xi32, #tpu.memory_space<vmem>> -> memref<16x128xi32, #tpu.memory_space<vmem>>
      %dma_wait3A_55 = arith.constant 0 : i32
      %dma_wait3A_56 = tpu.memref_slice %arg3[%add3A, %mul3A_53, %dma_wait3A_55] : memref<32x80x128xi32, #tpu.memory_space<hbm>> -> memref<1x16x128xi32, #tpu.memory_space<hbm>>
      %dma_wait3A_57 = tpu.memref_squeeze %dma_wait3A_56 : memref<1x16x128xi32, #tpu.memory_space<hbm>> -> memref<16x128xi32, #tpu.memory_space<hbm>>
      %dma_wait3A_58 = arith.constant 0 : i32
      %dma_wait3A_59 = tpu.memref_slice %arg7[%mul3A_51, %dma_wait3A_58] : memref<32x128xi32, #tpu.memory_space<vmem>> -> memref<16x128xi32, #tpu.memory_space<vmem>>
      %dma_wait3A_60 = arith.constant 0 : i32
      %dma_wait3A_61 = tpu.memref_slice %arg3[%add3A, %mul3A_53, %dma_wait3A_60] : memref<32x80x128xi32, #tpu.memory_space<hbm>> -> memref<1x16x128xi32, #tpu.memory_space<hbm>>
      %dma_wait3A_62 = tpu.memref_squeeze %dma_wait3A_61 : memref<1x16x128xi32, #tpu.memory_space<hbm>> -> memref<16x128xi32, #tpu.memory_space<hbm>>
      tpu.wait_dma2 semaphore(%arg12 : memref<!tpu.dma_semaphore, #tpu.memory_space<semaphore_mem>>) src(%dma_wait3A_62 : memref<16x128xi32, #tpu.memory_space<hbm>>) dst(%dma_wait3A_59 : memref<16x128xi32, #tpu.memory_space<vmem>>)
      %mul3A_63 = arith.constant 16 : i32
      %mul3A_64 = arith.muli %scan3A_40, %mul3A_63 : i32
      %dma_wait3A_65 = arith.constant 0 : i32
      %dma_wait3A_66 = tpu.memref_slice %arg8[%mul3A_51, %dma_wait3A_65] : memref<32x128xi32, #tpu.memory_space<vmem>> -> memref<16x128xi32, #tpu.memory_space<vmem>>
      %dma_wait3A_67 = arith.constant 0 : i32
      %dma_wait3A_68 = tpu.memref_slice %arg4[%add3A, %mul3A_64, %dma_wait3A_67] : memref<32x80x128xi32, #tpu.memory_space<hbm>> -> memref<1x16x128xi32, #tpu.memory_space<hbm>>
      %dma_wait3A_69 = tpu.memref_squeeze %dma_wait3A_68 : memref<1x16x128xi32, #tpu.memory_space<hbm>> -> memref<16x128xi32, #tpu.memory_space<hbm>>
      %dma_wait3A_70 = arith.constant 0 : i32
      %dma_wait3A_71 = tpu.memref_slice %arg8[%mul3A_51, %dma_wait3A_70] : memref<32x128xi32, #tpu.memory_space<vmem>> -> memref<16x128xi32, #tpu.memory_space<vmem>>
      %dma_wait3A_72 = arith.constant 0 : i32
      %dma_wait3A_73 = tpu.memref_slice %arg4[%add3A, %mul3A_64, %dma_wait3A_72] : memref<32x80x128xi32, #tpu.memory_space<hbm>> -> memref<1x16x128xi32, #tpu.memory_space<hbm>>
      %dma_wait3A_74 = tpu.memref_squeeze %dma_wait3A_73 : memref<1x16x128xi32, #tpu.memory_space<hbm>> -> memref<16x128xi32, #tpu.memory_space<hbm>>
      tpu.wait_dma2 semaphore(%arg12 : memref<!tpu.dma_semaphore, #tpu.memory_space<semaphore_mem>>) src(%dma_wait3A_74 : memref<16x128xi32, #tpu.memory_space<hbm>>) dst(%dma_wait3A_71 : memref<16x128xi32, #tpu.memory_space<vmem>>)
      %add3A_75 = arith.constant 1 : i32
      %add3A_76 = arith.addi %scan3A_40, %add3A_75 : i32
      %lt3A_77 = arith.constant 5 : i32
      %lt3A_78 = arith.cmpi slt, %add3A_76, %lt3A_77 : i32
      %convert_element_type3A = arith.extui %lt3A_78 : i1 to i32
      %cond3A = arith.constant 0 : i32
      %cond3A_79 = arith.cmpi ne, %convert_element_type3A, %cond3A : i32
      scf.if %cond3A_79 {
        %add3A_104 = arith.constant 1 : i32
        %add3A_105 = arith.addi %scan3A_40, %add3A_104 : i32
        %jit3A_106 = arith.constant 2 : i32
        %eq3A_107 = arith.constant 0 : i32
        %eq3A_108 = arith.cmpi eq, %jit3A_106, %eq3A_107 : i32
        %jit3A_109 = arith.constant 1 : i32
        %select_n3A_110 = arith.select %eq3A_108, %jit3A_109, %jit3A_106 : i32
        %rem3A_111 = arith.remsi %add3A_105, %select_n3A_110 : i32
        %ne3A_112 = arith.constant 0 : i32
        %ne3A_113 = arith.cmpi ne, %rem3A_111, %ne3A_112 : i32
        %lt3A_114 = arith.constant 0 : i32
        %lt3A_115 = arith.cmpi slt, %rem3A_111, %lt3A_114 : i32
        %lt3A_116 = arith.constant 0 : i32
        %lt3A_117 = arith.cmpi slt, %select_n3A_110, %lt3A_116 : i32
        %ne3A_118 = arith.xori %lt3A_115, %lt3A_117 : i1
        %and3A_119 = arith.andi %ne3A_118, %ne3A_113 : i1
        %add3A_120 = arith.addi %rem3A_111, %select_n3A_110 : i32
        %select_n3A_121 = arith.select %and3A_119, %add3A_120, %rem3A_111 : i32
        %mul3A_122 = arith.constant 16 : i32
        %mul3A_123 = arith.muli %select_n3A_121, %mul3A_122 : i32
        %mul3A_124 = arith.constant 16 : i32
        %mul3A_125 = arith.muli %add3A_105, %mul3A_124 : i32
        %dma_start3A_126 = arith.constant 0 : i32
        %dma_start3A_127 = tpu.memref_slice %arg7[%mul3A_123, %dma_start3A_126] : memref<32x128xi32, #tpu.memory_space<vmem>> -> memref<16x128xi32, #tpu.memory_space<vmem>>
        %dma_start3A_128 = arith.constant 0 : i32
        %dma_start3A_129 = tpu.memref_slice %arg3[%add3A, %mul3A_125, %dma_start3A_128] : memref<32x80x128xi32, #tpu.memory_space<hbm>> -> memref<1x16x128xi32, #tpu.memory_space<hbm>>
        %dma_start3A_130 = tpu.memref_squeeze %dma_start3A_129 : memref<1x16x128xi32, #tpu.memory_space<hbm>> -> memref<16x128xi32, #tpu.memory_space<hbm>>
        %dma_start3A_131 = arith.constant 0 : i32
        %dma_start3A_132 = tpu.memref_slice %arg7[%mul3A_123, %dma_start3A_131] : memref<32x128xi32, #tpu.memory_space<vmem>> -> memref<16x128xi32, #tpu.memory_space<vmem>>
        %dma_start3A_133 = arith.constant 0 : i32
        %dma_start3A_134 = tpu.memref_slice %arg3[%add3A, %mul3A_125, %dma_start3A_133] : memref<32x80x128xi32, #tpu.memory_space<hbm>> -> memref<1x16x128xi32, #tpu.memory_space<hbm>>
        %dma_start3A_135 = tpu.memref_squeeze %dma_start3A_134 : memref<1x16x128xi32, #tpu.memory_space<hbm>> -> memref<16x128xi32, #tpu.memory_space<hbm>>
        tpu.enqueue_dma source(%dma_start3A_135 : memref<16x128xi32, #tpu.memory_space<hbm>>) target(%dma_start3A_132 : memref<16x128xi32, #tpu.memory_space<vmem>>) target_semaphore(%arg12 : memref<!tpu.dma_semaphore, #tpu.memory_space<semaphore_mem>>)
        %mul3A_136 = arith.constant 16 : i32
        %mul3A_137 = arith.muli %add3A_105, %mul3A_136 : i32
        %dma_start3A_138 = arith.constant 0 : i32
        %dma_start3A_139 = tpu.memref_slice %arg8[%mul3A_123, %dma_start3A_138] : memref<32x128xi32, #tpu.memory_space<vmem>> -> memref<16x128xi32, #tpu.memory_space<vmem>>
        %dma_start3A_140 = arith.constant 0 : i32
        %dma_start3A_141 = tpu.memref_slice %arg4[%add3A, %mul3A_137, %dma_start3A_140] : memref<32x80x128xi32, #tpu.memory_space<hbm>> -> memref<1x16x128xi32, #tpu.memory_space<hbm>>
        %dma_start3A_142 = tpu.memref_squeeze %dma_start3A_141 : memref<1x16x128xi32, #tpu.memory_space<hbm>> -> memref<16x128xi32, #tpu.memory_space<hbm>>
        %dma_start3A_143 = arith.constant 0 : i32
        %dma_start3A_144 = tpu.memref_slice %arg8[%mul3A_123, %dma_start3A_143] : memref<32x128xi32, #tpu.memory_space<vmem>> -> memref<16x128xi32, #tpu.memory_space<vmem>>
        %dma_start3A_145 = arith.constant 0 : i32
        %dma_start3A_146 = tpu.memref_slice %arg4[%add3A, %mul3A_137, %dma_start3A_145] : memref<32x80x128xi32, #tpu.memory_space<hbm>> -> memref<1x16x128xi32, #tpu.memory_space<hbm>>
        %dma_start3A_147 = tpu.memref_squeeze %dma_start3A_146 : memref<1x16x128xi32, #tpu.memory_space<hbm>> -> memref<16x128xi32, #tpu.memory_space<hbm>>
        tpu.enqueue_dma source(%dma_start3A_147 : memref<16x128xi32, #tpu.memory_space<hbm>>) target(%dma_start3A_144 : memref<16x128xi32, #tpu.memory_space<vmem>>) target_semaphore(%arg12 : memref<!tpu.dma_semaphore, #tpu.memory_space<semaphore_mem>>)
      } else {
      }
      %jit3A_80 = arith.constant 2 : i32
      %eq3A_81 = arith.constant 0 : i32
      %eq3A_82 = arith.cmpi eq, %jit3A_80, %eq3A_81 : i32
      %jit3A_83 = arith.constant 1 : i32
      %select_n3A_84 = arith.select %eq3A_82, %jit3A_83, %jit3A_80 : i32
      %rem3A_85 = arith.remsi %scan3A_40, %select_n3A_84 : i32
      %ne3A_86 = arith.constant 0 : i32
      %ne3A_87 = arith.cmpi ne, %rem3A_85, %ne3A_86 : i32
      %lt3A_88 = arith.constant 0 : i32
      %lt3A_89 = arith.cmpi slt, %rem3A_85, %lt3A_88 : i32
      %lt3A_90 = arith.constant 0 : i32
      %lt3A_91 = arith.cmpi slt, %select_n3A_84, %lt3A_90 : i32
      %ne3A_92 = arith.xori %lt3A_89, %lt3A_91 : i1
      %and3A_93 = arith.andi %ne3A_92, %ne3A_87 : i1
      %add3A_94 = arith.addi %rem3A_85, %select_n3A_84 : i32
      %select_n3A_95 = arith.select %and3A_93, %add3A_94, %rem3A_85 : i32
      %mul3A_96 = arith.constant 16 : i32
      %mul3A_97 = arith.muli %select_n3A_95, %mul3A_96 : i32
      %scan3A_98 = arith.constant 0 : i32
      %scan3A_99 = arith.constant 0 : i32
      %scan3A_100 = arith.constant 16 : i32
      %scan3A_101 = arith.addi %scan3A_99, %scan3A_100 : i32
      %scan3A_102 = arith.constant 1 : i32
      scf.for %scan3A_104 = %scan3A_99 to %scan3A_101 step %scan3A_102  : i32 {
        %add3A_105 = arith.addi %mul3A_97, %scan3A_104 : i32
        %dma_start3A_106 = arith.constant 0 : i32
        %dma_start3A_107 = tpu.memref_slice %arg7[%add3A_105, %dma_start3A_106] : memref<32x128xi32, #tpu.memory_space<vmem>> -> memref<1x128xi32, #tpu.memory_space<vmem>>
        %dma_start3A_108 = tpu.memref_squeeze %dma_start3A_107 : memref<1x128xi32, #tpu.memory_space<vmem>> -> memref<128xi32, #tpu.memory_space<vmem>>
        %dma_start3A_109 = arith.constant 0 : i32
        %dma_start3A_110 = arith.constant 0 : i32
        %dma_start3A_111 = tpu.memref_slice %arg2[%dma_start3A_109, %dma_start3A_110] : memref<12800x128xf32, #tpu.memory_space<hbm>> -> memref<12800x128xf32, #tpu.memory_space<hbm>>
        tpu.enqueue_indirect_dma source(%dma_start3A_111 : memref<12800x128xf32, #tpu.memory_space<hbm>>) target(%arg9 : memref<128x128xf32, #tpu.memory_space<vmem>>) offsets(%dma_start3A_108 : memref<128xi32, #tpu.memory_space<vmem>>) semaphore(%arg11 : memref<!tpu.dma_semaphore, #tpu.memory_space<semaphore_mem>>)
        %dma_wait3A_112 = arith.constant 0 : i32
        %dma_wait3A_113 = tpu.memref_slice %arg7[%add3A_105, %dma_wait3A_112] : memref<32x128xi32, #tpu.memory_space<vmem>> -> memref<1x128xi32, #tpu.memory_space<vmem>>
        %dma_wait3A_114 = tpu.memref_squeeze %dma_wait3A_113 : memref<1x128xi32, #tpu.memory_space<vmem>> -> memref<128xi32, #tpu.memory_space<vmem>>
        %dma_wait3A_115 = arith.constant 0 : i32
        %dma_wait3A_116 = arith.constant 0 : i32
        %dma_wait3A_117 = tpu.memref_slice %arg2[%dma_wait3A_115, %dma_wait3A_116] : memref<12800x128xf32, #tpu.memory_space<hbm>> -> memref<12800x128xf32, #tpu.memory_space<hbm>>
        tpu.wait_indirect_dma semaphore(%arg11 : memref<!tpu.dma_semaphore, #tpu.memory_space<semaphore_mem>>) src(%dma_wait3A_117 : memref<12800x128xf32, #tpu.memory_space<hbm>>) dst(%arg9 : memref<128x128xf32, #tpu.memory_space<vmem>>)
        %add3A_118 = arith.addi %mul3A_97, %scan3A_104 : i32
        "tpu.region"() ({
          %run_scoped3A = tpu.sem_alloc : memref<!tpu.dma_semaphore, #tpu.memory_space<semaphore_mem>>
          %dma_start3A_119 = arith.constant 0 : i32
          %dma_start3A_120 = tpu.memref_slice %arg8[%add3A_118, %dma_start3A_119] : memref<32x128xi32, #tpu.memory_space<vmem>> -> memref<1x128xi32, #tpu.memory_space<vmem>>
          %dma_start3A_121 = tpu.memref_squeeze %dma_start3A_120 : memref<1x128xi32, #tpu.memory_space<vmem>> -> memref<128xi32, #tpu.memory_space<vmem>>
          %dma_start3A_122 = arith.constant 0 : i32
          %dma_start3A_123 = arith.constant 0 : i32
          %dma_start3A_124 = tpu.memref_slice %arg10[%dma_start3A_122, %dma_start3A_123] : memref<12928x128xf32, #tpu.memory_space<vmem_shared>> -> memref<12928x128xf32, #tpu.memory_space<vmem_shared>>
          tpu.enqueue_indirect_dma source(%arg9 : memref<128x128xf32, #tpu.memory_space<vmem>>) target(%dma_start3A_124 : memref<12928x128xf32, #tpu.memory_space<vmem_shared>>) offsets(%dma_start3A_121 : memref<128xi32, #tpu.memory_space<vmem>>) semaphore(%run_scoped3A : memref<!tpu.dma_semaphore, #tpu.memory_space<semaphore_mem>>) {add = true}
          %dma_wait3A_125 = arith.constant 0 : i32
          %dma_wait3A_126 = tpu.memref_slice %arg8[%add3A_118, %dma_wait3A_125] : memref<32x128xi32, #tpu.memory_space<vmem>> -> memref<1x128xi32, #tpu.memory_space<vmem>>
          %dma_wait3A_127 = tpu.memref_squeeze %dma_wait3A_126 : memref<1x128xi32, #tpu.memory_space<vmem>> -> memref<128xi32, #tpu.memory_space<vmem>>
          %dma_wait3A_128 = arith.constant 0 : i32
          %dma_wait3A_129 = arith.constant 0 : i32
          %dma_wait3A_130 = tpu.memref_slice %arg10[%dma_wait3A_128, %dma_wait3A_129] : memref<12928x128xf32, #tpu.memory_space<vmem_shared>> -> memref<12928x128xf32, #tpu.memory_space<vmem_shared>>
          tpu.wait_indirect_dma semaphore(%run_scoped3A : memref<!tpu.dma_semaphore, #tpu.memory_space<semaphore_mem>>) src(%arg9 : memref<128x128xf32, #tpu.memory_space<vmem>>) dst(%dma_wait3A_130 : memref<12928x128xf32, #tpu.memory_space<vmem_shared>>)
          tpu.yield
        }) : () -> ()
      }
      %scan3A_103 = arith.constant 16 : i32
    }
    %scan3A_34 = arith.constant 5 : i32
    %barrier3A_35 = arith.constant 0 : index
    tpu.barrier barrier_id(%barrier3A_35)
    %mul3A_36 = arith.constant 800 : i32
    %mul3A_37 = arith.muli %arg1, %mul3A_36 : i32
    %mul3A_38 = arith.constant 800 : i32
    %mul3A_39 = arith.muli %arg1, %mul3A_38 : i32
    "tpu.region"() ({
      %run_scoped3A = tpu.sem_alloc : memref<!tpu.dma_semaphore, #tpu.memory_space<semaphore_mem>>
      %dma_start3A_40 = arith.constant 0 : i32
      %dma_start3A_41 = tpu.memref_slice %arg6[%arg0, %mul3A_39, %dma_start3A_40] : memref<2x12800x128xf32, #tpu.memory_space<hbm>> -> memref<1x800x128xf32, #tpu.memory_space<hbm>>
      %dma_start3A_42 = tpu.memref_squeeze %dma_start3A_41 : memref<1x800x128xf32, #tpu.memory_space<hbm>> -> memref<800x128xf32, #tpu.memory_space<hbm>>
      %dma_start3A_43 = arith.constant 0 : i32
      %dma_start3A_44 = tpu.memref_slice %arg10[%mul3A_37, %dma_start3A_43] : memref<12928x128xf32, #tpu.memory_space<vmem_shared>> -> memref<800x128xf32, #tpu.memory_space<vmem_shared>>
      tpu.enqueue_dma source(%dma_start3A_44 : memref<800x128xf32, #tpu.memory_space<vmem_shared>>) target(%dma_start3A_42 : memref<800x128xf32, #tpu.memory_space<hbm>>) target_semaphore(%run_scoped3A : memref<!tpu.dma_semaphore, #tpu.memory_space<semaphore_mem>>)
      %dma_wait3A = arith.constant 0 : i32
      %dma_wait3A_45 = tpu.memref_slice %arg6[%arg0, %mul3A_39, %dma_wait3A] : memref<2x12800x128xf32, #tpu.memory_space<hbm>> -> memref<1x800x128xf32, #tpu.memory_space<hbm>>
      %dma_wait3A_46 = tpu.memref_squeeze %dma_wait3A_45 : memref<1x800x128xf32, #tpu.memory_space<hbm>> -> memref<800x128xf32, #tpu.memory_space<hbm>>
      %dma_wait3A_47 = arith.constant 0 : i32
      %dma_wait3A_48 = tpu.memref_slice %arg10[%mul3A_37, %dma_wait3A_47] : memref<12928x128xf32, #tpu.memory_space<vmem_shared>> -> memref<800x128xf32, #tpu.memory_space<vmem_shared>>
      tpu.wait_dma2 semaphore(%run_scoped3A : memref<!tpu.dma_semaphore, #tpu.memory_space<semaphore_mem>>) src(%dma_wait3A_48 : memref<800x128xf32, #tpu.memory_space<vmem_shared>>) dst(%dma_wait3A_46 : memref<800x128xf32, #tpu.memory_space<hbm>>)
      tpu.yield
    }) : () -> ()
    return
  }
}

#map = affine_map<(d0, d1) -> (0, 0)>
#map1 = affine_map<(d0, d1) -> (0, 0, 0)>
module attributes {stable_mosaic.version = 14 : i64} {
  func.func @agg_kernel(%arg0: i32, %arg1: i32, %arg2: memref<12800x128xf32, #tpu.memory_space<hbm>>, %arg3: memref<32x80x128xi32, #tpu.memory_space<hbm>>, %arg4: memref<32x80x128xi32, #tpu.memory_space<hbm>>, %arg5: memref<808x128xf32, #tpu.memory_space<hbm>>, %arg6: memref<2x12800x128xf32, #tpu.memory_space<hbm>>, %arg7: memref<32x128xi32, #tpu.memory_space<vmem>>, %arg8: memref<32x128xi32, #tpu.memory_space<vmem>>, %arg9: memref<128x128xf32, #tpu.memory_space<vmem>>, %arg10: memref<12928x128xf32, #tpu.memory_space<vmem_shared>>, %arg11: memref<!tpu.dma_semaphore, #tpu.memory_space<semaphore_mem>>, %arg12: memref<!tpu.dma_semaphore, #tpu.memory_space<semaphore_mem>>) attributes {dimension_semantics = [#tpu.dimension_semantics<core_parallel>, #tpu.dimension_semantics<subcore_parallel>], iteration_bounds = array<i64: 2, 16>, scalar_prefetch = 0 : i64, scratch_operands = 6 : i64, tpu.core_type = #tpu.core_type<sc_vector_subcore>, window_params = [{transform_indices = #map}, {transform_indices = #map1}, {transform_indices = #map1}, {transform_indices = #map}, {transform_indices = #map1}]} {
    %mul3A = arith.constant 16 : i32
    %mul3A_0 = arith.muli %arg0, %mul3A : i32
    %add3A = arith.addi %mul3A_0, %arg1 : i32
    %dma_start3A = arith.constant 0 : i32
    %dma_start3A_1 = arith.constant 0 : i32
    %dma_start3A_2 = tpu.memref_slice %arg7[%dma_start3A, %dma_start3A_1] : memref<32x128xi32, #tpu.memory_space<vmem>> -> memref<16x128xi32, #tpu.memory_space<vmem>>
    %dma_start3A_3 = arith.constant 0 : i32
    %dma_start3A_4 = arith.constant 0 : i32
    %dma_start3A_5 = tpu.memref_slice %arg3[%add3A, %dma_start3A_3, %dma_start3A_4] : memref<32x80x128xi32, #tpu.memory_space<hbm>> -> memref<1x16x128xi32, #tpu.memory_space<hbm>>
    %dma_start3A_6 = tpu.memref_squeeze %dma_start3A_5 : memref<1x16x128xi32, #tpu.memory_space<hbm>> -> memref<16x128xi32, #tpu.memory_space<hbm>>
    %dma_start3A_7 = arith.constant 0 : i32
    %dma_start3A_8 = arith.constant 0 : i32
    %dma_start3A_9 = tpu.memref_slice %arg7[%dma_start3A_7, %dma_start3A_8] : memref<32x128xi32, #tpu.memory_space<vmem>> -> memref<16x128xi32, #tpu.memory_space<vmem>>
    %dma_start3A_10 = arith.constant 0 : i32
    %dma_start3A_11 = arith.constant 0 : i32
    %dma_start3A_12 = tpu.memref_slice %arg3[%add3A, %dma_start3A_10, %dma_start3A_11] : memref<32x80x128xi32, #tpu.memory_space<hbm>> -> memref<1x16x128xi32, #tpu.memory_space<hbm>>
    %dma_start3A_13 = tpu.memref_squeeze %dma_start3A_12 : memref<1x16x128xi32, #tpu.memory_space<hbm>> -> memref<16x128xi32, #tpu.memory_space<hbm>>
    tpu.enqueue_dma source(%dma_start3A_13 : memref<16x128xi32, #tpu.memory_space<hbm>>) target(%dma_start3A_9 : memref<16x128xi32, #tpu.memory_space<vmem>>) target_semaphore(%arg12 : memref<!tpu.dma_semaphore, #tpu.memory_space<semaphore_mem>>)
    %dma_start3A_14 = arith.constant 0 : i32
    %dma_start3A_15 = arith.constant 0 : i32
    %dma_start3A_16 = tpu.memref_slice %arg8[%dma_start3A_14, %dma_start3A_15] : memref<32x128xi32, #tpu.memory_space<vmem>> -> memref<16x128xi32, #tpu.memory_space<vmem>>
    %dma_start3A_17 = arith.constant 0 : i32
    %dma_start3A_18 = arith.constant 0 : i32
    %dma_start3A_19 = tpu.memref_slice %arg4[%add3A, %dma_start3A_17, %dma_start3A_18] : memref<32x80x128xi32, #tpu.memory_space<hbm>> -> memref<1x16x128xi32, #tpu.memory_space<hbm>>
    %dma_start3A_20 = tpu.memref_squeeze %dma_start3A_19 : memref<1x16x128xi32, #tpu.memory_space<hbm>> -> memref<16x128xi32, #tpu.memory_space<hbm>>
    %dma_start3A_21 = arith.constant 0 : i32
    %dma_start3A_22 = arith.constant 0 : i32
    %dma_start3A_23 = tpu.memref_slice %arg8[%dma_start3A_21, %dma_start3A_22] : memref<32x128xi32, #tpu.memory_space<vmem>> -> memref<16x128xi32, #tpu.memory_space<vmem>>
    %dma_start3A_24 = arith.constant 0 : i32
    %dma_start3A_25 = arith.constant 0 : i32
    %dma_start3A_26 = tpu.memref_slice %arg4[%add3A, %dma_start3A_24, %dma_start3A_25] : memref<32x80x128xi32, #tpu.memory_space<hbm>> -> memref<1x16x128xi32, #tpu.memory_space<hbm>>
    %dma_start3A_27 = tpu.memref_squeeze %dma_start3A_26 : memref<1x16x128xi32, #tpu.memory_space<hbm>> -> memref<16x128xi32, #tpu.memory_space<hbm>>
    tpu.enqueue_dma source(%dma_start3A_27 : memref<16x128xi32, #tpu.memory_space<hbm>>) target(%dma_start3A_23 : memref<16x128xi32, #tpu.memory_space<vmem>>) target_semaphore(%arg12 : memref<!tpu.dma_semaphore, #tpu.memory_space<semaphore_mem>>)
    %mul3A_28 = arith.constant 808 : i32
    %mul3A_29 = arith.muli %arg1, %mul3A_28 : i32
    "tpu.region"() ({
      %run_scoped3A = tpu.sem_alloc : memref<!tpu.dma_semaphore, #tpu.memory_space<semaphore_mem>>
      %dma_start3A_40 = arith.constant 0 : i32
      %dma_start3A_41 = tpu.memref_slice %arg10[%mul3A_29, %dma_start3A_40] : memref<12928x128xf32, #tpu.memory_space<vmem_shared>> -> memref<808x128xf32, #tpu.memory_space<vmem_shared>>
      tpu.enqueue_dma source(%arg5 : memref<808x128xf32, #tpu.memory_space<hbm>>) target(%dma_start3A_41 : memref<808x128xf32, #tpu.memory_space<vmem_shared>>) target_semaphore(%run_scoped3A : memref<!tpu.dma_semaphore, #tpu.memory_space<semaphore_mem>>)
      %dma_wait3A = arith.constant 0 : i32
      %dma_wait3A_42 = tpu.memref_slice %arg10[%mul3A_29, %dma_wait3A] : memref<12928x128xf32, #tpu.memory_space<vmem_shared>> -> memref<808x128xf32, #tpu.memory_space<vmem_shared>>
      tpu.wait_dma2 semaphore(%run_scoped3A : memref<!tpu.dma_semaphore, #tpu.memory_space<semaphore_mem>>) src(%arg5 : memref<808x128xf32, #tpu.memory_space<hbm>>) dst(%dma_wait3A_42 : memref<808x128xf32, #tpu.memory_space<vmem_shared>>)
      tpu.yield
    }) : () -> ()
    %barrier3A = arith.constant 0 : index
    tpu.barrier barrier_id(%barrier3A)
    %scan3A = arith.constant 0 : i32
    %scan3A_30 = arith.constant 0 : i32
    %scan3A_31 = arith.constant 5 : i32
    %scan3A_32 = arith.addi %scan3A_30, %scan3A_31 : i32
    %scan3A_33 = arith.constant 1 : i32
    scf.for %scan3A_40 = %scan3A_30 to %scan3A_32 step %scan3A_33  : i32 {
      %jit3A = arith.constant 2 : i32
      %eq3A = arith.constant 0 : i32
      %eq3A_41 = arith.cmpi eq, %jit3A, %eq3A : i32
      %jit3A_42 = arith.constant 1 : i32
      %select_n3A = arith.select %eq3A_41, %jit3A_42, %jit3A : i32
      %rem3A = arith.remsi %scan3A_40, %select_n3A : i32
      %ne3A = arith.constant 0 : i32
      %ne3A_43 = arith.cmpi ne, %rem3A, %ne3A : i32
      %lt3A = arith.constant 0 : i32
      %lt3A_44 = arith.cmpi slt, %rem3A, %lt3A : i32
      %lt3A_45 = arith.constant 0 : i32
      %lt3A_46 = arith.cmpi slt, %select_n3A, %lt3A_45 : i32
      %ne3A_47 = arith.xori %lt3A_44, %lt3A_46 : i1
      %and3A = arith.andi %ne3A_47, %ne3A_43 : i1
      %add3A_48 = arith.addi %rem3A, %select_n3A : i32
      %select_n3A_49 = arith.select %and3A, %add3A_48, %rem3A : i32
      %mul3A_50 = arith.constant 16 : i32
      %mul3A_51 = arith.muli %select_n3A_49, %mul3A_50 : i32
      %mul3A_52 = arith.constant 16 : i32
      %mul3A_53 = arith.muli %scan3A_40, %mul3A_52 : i32
      %dma_wait3A = arith.constant 0 : i32
      %dma_wait3A_54 = tpu.memref_slice %arg7[%mul3A_51, %dma_wait3A] : memref<32x128xi32, #tpu.memory_space<vmem>> -> memref<16x128xi32, #tpu.memory_space<vmem>>
      %dma_wait3A_55 = arith.constant 0 : i32
      %dma_wait3A_56 = tpu.memref_slice %arg3[%add3A, %mul3A_53, %dma_wait3A_55] : memref<32x80x128xi32, #tpu.memory_space<hbm>> -> memref<1x16x128xi32, #tpu.memory_space<hbm>>
      %dma_wait3A_57 = tpu.memref_squeeze %dma_wait3A_56 : memref<1x16x128xi32, #tpu.memory_space<hbm>> -> memref<16x128xi32, #tpu.memory_space<hbm>>
      %dma_wait3A_58 = arith.constant 0 : i32
      %dma_wait3A_59 = tpu.memref_slice %arg7[%mul3A_51, %dma_wait3A_58] : memref<32x128xi32, #tpu.memory_space<vmem>> -> memref<16x128xi32, #tpu.memory_space<vmem>>
      %dma_wait3A_60 = arith.constant 0 : i32
      %dma_wait3A_61 = tpu.memref_slice %arg3[%add3A, %mul3A_53, %dma_wait3A_60] : memref<32x80x128xi32, #tpu.memory_space<hbm>> -> memref<1x16x128xi32, #tpu.memory_space<hbm>>
      %dma_wait3A_62 = tpu.memref_squeeze %dma_wait3A_61 : memref<1x16x128xi32, #tpu.memory_space<hbm>> -> memref<16x128xi32, #tpu.memory_space<hbm>>
      tpu.wait_dma2 semaphore(%arg12 : memref<!tpu.dma_semaphore, #tpu.memory_space<semaphore_mem>>) src(%dma_wait3A_62 : memref<16x128xi32, #tpu.memory_space<hbm>>) dst(%dma_wait3A_59 : memref<16x128xi32, #tpu.memory_space<vmem>>)
      %mul3A_63 = arith.constant 16 : i32
      %mul3A_64 = arith.muli %scan3A_40, %mul3A_63 : i32
      %dma_wait3A_65 = arith.constant 0 : i32
      %dma_wait3A_66 = tpu.memref_slice %arg8[%mul3A_51, %dma_wait3A_65] : memref<32x128xi32, #tpu.memory_space<vmem>> -> memref<16x128xi32, #tpu.memory_space<vmem>>
      %dma_wait3A_67 = arith.constant 0 : i32
      %dma_wait3A_68 = tpu.memref_slice %arg4[%add3A, %mul3A_64, %dma_wait3A_67] : memref<32x80x128xi32, #tpu.memory_space<hbm>> -> memref<1x16x128xi32, #tpu.memory_space<hbm>>
      %dma_wait3A_69 = tpu.memref_squeeze %dma_wait3A_68 : memref<1x16x128xi32, #tpu.memory_space<hbm>> -> memref<16x128xi32, #tpu.memory_space<hbm>>
      %dma_wait3A_70 = arith.constant 0 : i32
      %dma_wait3A_71 = tpu.memref_slice %arg8[%mul3A_51, %dma_wait3A_70] : memref<32x128xi32, #tpu.memory_space<vmem>> -> memref<16x128xi32, #tpu.memory_space<vmem>>
      %dma_wait3A_72 = arith.constant 0 : i32
      %dma_wait3A_73 = tpu.memref_slice %arg4[%add3A, %mul3A_64, %dma_wait3A_72] : memref<32x80x128xi32, #tpu.memory_space<hbm>> -> memref<1x16x128xi32, #tpu.memory_space<hbm>>
      %dma_wait3A_74 = tpu.memref_squeeze %dma_wait3A_73 : memref<1x16x128xi32, #tpu.memory_space<hbm>> -> memref<16x128xi32, #tpu.memory_space<hbm>>
      tpu.wait_dma2 semaphore(%arg12 : memref<!tpu.dma_semaphore, #tpu.memory_space<semaphore_mem>>) src(%dma_wait3A_74 : memref<16x128xi32, #tpu.memory_space<hbm>>) dst(%dma_wait3A_71 : memref<16x128xi32, #tpu.memory_space<vmem>>)
      %add3A_75 = arith.constant 1 : i32
      %add3A_76 = arith.addi %scan3A_40, %add3A_75 : i32
      %lt3A_77 = arith.constant 5 : i32
      %lt3A_78 = arith.cmpi slt, %add3A_76, %lt3A_77 : i32
      %convert_element_type3A = arith.extui %lt3A_78 : i1 to i32
      %cond3A = arith.constant 0 : i32
      %cond3A_79 = arith.cmpi ne, %convert_element_type3A, %cond3A : i32
      scf.if %cond3A_79 {
        %add3A_104 = arith.constant 1 : i32
        %add3A_105 = arith.addi %scan3A_40, %add3A_104 : i32
        %jit3A_106 = arith.constant 2 : i32
        %eq3A_107 = arith.constant 0 : i32
        %eq3A_108 = arith.cmpi eq, %jit3A_106, %eq3A_107 : i32
        %jit3A_109 = arith.constant 1 : i32
        %select_n3A_110 = arith.select %eq3A_108, %jit3A_109, %jit3A_106 : i32
        %rem3A_111 = arith.remsi %add3A_105, %select_n3A_110 : i32
        %ne3A_112 = arith.constant 0 : i32
        %ne3A_113 = arith.cmpi ne, %rem3A_111, %ne3A_112 : i32
        %lt3A_114 = arith.constant 0 : i32
        %lt3A_115 = arith.cmpi slt, %rem3A_111, %lt3A_114 : i32
        %lt3A_116 = arith.constant 0 : i32
        %lt3A_117 = arith.cmpi slt, %select_n3A_110, %lt3A_116 : i32
        %ne3A_118 = arith.xori %lt3A_115, %lt3A_117 : i1
        %and3A_119 = arith.andi %ne3A_118, %ne3A_113 : i1
        %add3A_120 = arith.addi %rem3A_111, %select_n3A_110 : i32
        %select_n3A_121 = arith.select %and3A_119, %add3A_120, %rem3A_111 : i32
        %mul3A_122 = arith.constant 16 : i32
        %mul3A_123 = arith.muli %select_n3A_121, %mul3A_122 : i32
        %mul3A_124 = arith.constant 16 : i32
        %mul3A_125 = arith.muli %add3A_105, %mul3A_124 : i32
        %dma_start3A_126 = arith.constant 0 : i32
        %dma_start3A_127 = tpu.memref_slice %arg7[%mul3A_123, %dma_start3A_126] : memref<32x128xi32, #tpu.memory_space<vmem>> -> memref<16x128xi32, #tpu.memory_space<vmem>>
        %dma_start3A_128 = arith.constant 0 : i32
        %dma_start3A_129 = tpu.memref_slice %arg3[%add3A, %mul3A_125, %dma_start3A_128] : memref<32x80x128xi32, #tpu.memory_space<hbm>> -> memref<1x16x128xi32, #tpu.memory_space<hbm>>
        %dma_start3A_130 = tpu.memref_squeeze %dma_start3A_129 : memref<1x16x128xi32, #tpu.memory_space<hbm>> -> memref<16x128xi32, #tpu.memory_space<hbm>>
        %dma_start3A_131 = arith.constant 0 : i32
        %dma_start3A_132 = tpu.memref_slice %arg7[%mul3A_123, %dma_start3A_131] : memref<32x128xi32, #tpu.memory_space<vmem>> -> memref<16x128xi32, #tpu.memory_space<vmem>>
        %dma_start3A_133 = arith.constant 0 : i32
        %dma_start3A_134 = tpu.memref_slice %arg3[%add3A, %mul3A_125, %dma_start3A_133] : memref<32x80x128xi32, #tpu.memory_space<hbm>> -> memref<1x16x128xi32, #tpu.memory_space<hbm>>
        %dma_start3A_135 = tpu.memref_squeeze %dma_start3A_134 : memref<1x16x128xi32, #tpu.memory_space<hbm>> -> memref<16x128xi32, #tpu.memory_space<hbm>>
        tpu.enqueue_dma source(%dma_start3A_135 : memref<16x128xi32, #tpu.memory_space<hbm>>) target(%dma_start3A_132 : memref<16x128xi32, #tpu.memory_space<vmem>>) target_semaphore(%arg12 : memref<!tpu.dma_semaphore, #tpu.memory_space<semaphore_mem>>)
        %mul3A_136 = arith.constant 16 : i32
        %mul3A_137 = arith.muli %add3A_105, %mul3A_136 : i32
        %dma_start3A_138 = arith.constant 0 : i32
        %dma_start3A_139 = tpu.memref_slice %arg8[%mul3A_123, %dma_start3A_138] : memref<32x128xi32, #tpu.memory_space<vmem>> -> memref<16x128xi32, #tpu.memory_space<vmem>>
        %dma_start3A_140 = arith.constant 0 : i32
        %dma_start3A_141 = tpu.memref_slice %arg4[%add3A, %mul3A_137, %dma_start3A_140] : memref<32x80x128xi32, #tpu.memory_space<hbm>> -> memref<1x16x128xi32, #tpu.memory_space<hbm>>
        %dma_start3A_142 = tpu.memref_squeeze %dma_start3A_141 : memref<1x16x128xi32, #tpu.memory_space<hbm>> -> memref<16x128xi32, #tpu.memory_space<hbm>>
        %dma_start3A_143 = arith.constant 0 : i32
        %dma_start3A_144 = tpu.memref_slice %arg8[%mul3A_123, %dma_start3A_143] : memref<32x128xi32, #tpu.memory_space<vmem>> -> memref<16x128xi32, #tpu.memory_space<vmem>>
        %dma_start3A_145 = arith.constant 0 : i32
        %dma_start3A_146 = tpu.memref_slice %arg4[%add3A, %mul3A_137, %dma_start3A_145] : memref<32x80x128xi32, #tpu.memory_space<hbm>> -> memref<1x16x128xi32, #tpu.memory_space<hbm>>
        %dma_start3A_147 = tpu.memref_squeeze %dma_start3A_146 : memref<1x16x128xi32, #tpu.memory_space<hbm>> -> memref<16x128xi32, #tpu.memory_space<hbm>>
        tpu.enqueue_dma source(%dma_start3A_147 : memref<16x128xi32, #tpu.memory_space<hbm>>) target(%dma_start3A_144 : memref<16x128xi32, #tpu.memory_space<vmem>>) target_semaphore(%arg12 : memref<!tpu.dma_semaphore, #tpu.memory_space<semaphore_mem>>)
      } else {
      }
      %jit3A_80 = arith.constant 2 : i32
      %eq3A_81 = arith.constant 0 : i32
      %eq3A_82 = arith.cmpi eq, %jit3A_80, %eq3A_81 : i32
      %jit3A_83 = arith.constant 1 : i32
      %select_n3A_84 = arith.select %eq3A_82, %jit3A_83, %jit3A_80 : i32
      %rem3A_85 = arith.remsi %scan3A_40, %select_n3A_84 : i32
      %ne3A_86 = arith.constant 0 : i32
      %ne3A_87 = arith.cmpi ne, %rem3A_85, %ne3A_86 : i32
      %lt3A_88 = arith.constant 0 : i32
      %lt3A_89 = arith.cmpi slt, %rem3A_85, %lt3A_88 : i32
      %lt3A_90 = arith.constant 0 : i32
      %lt3A_91 = arith.cmpi slt, %select_n3A_84, %lt3A_90 : i32
      %ne3A_92 = arith.xori %lt3A_89, %lt3A_91 : i1
      %and3A_93 = arith.andi %ne3A_92, %ne3A_87 : i1
      %add3A_94 = arith.addi %rem3A_85, %select_n3A_84 : i32
      %select_n3A_95 = arith.select %and3A_93, %add3A_94, %rem3A_85 : i32
      %mul3A_96 = arith.constant 16 : i32
      %mul3A_97 = arith.muli %select_n3A_95, %mul3A_96 : i32
      %scan3A_98 = arith.constant 0 : i32
      %scan3A_99 = arith.constant 0 : i32
      %scan3A_100 = arith.constant 16 : i32
      %scan3A_101 = arith.addi %scan3A_99, %scan3A_100 : i32
      %scan3A_102 = arith.constant 1 : i32
      scf.for %scan3A_104 = %scan3A_99 to %scan3A_101 step %scan3A_102  : i32 {
        %add3A_105 = arith.addi %mul3A_97, %scan3A_104 : i32
        %dma_start3A_106 = arith.constant 0 : i32
        %dma_start3A_107 = tpu.memref_slice %arg7[%add3A_105, %dma_start3A_106] : memref<32x128xi32, #tpu.memory_space<vmem>> -> memref<1x128xi32, #tpu.memory_space<vmem>>
        %dma_start3A_108 = tpu.memref_squeeze %dma_start3A_107 : memref<1x128xi32, #tpu.memory_space<vmem>> -> memref<128xi32, #tpu.memory_space<vmem>>
        %dma_start3A_109 = arith.constant 0 : i32
        %dma_start3A_110 = arith.constant 0 : i32
        %dma_start3A_111 = tpu.memref_slice %arg2[%dma_start3A_109, %dma_start3A_110] : memref<12800x128xf32, #tpu.memory_space<hbm>> -> memref<12800x128xf32, #tpu.memory_space<hbm>>
        tpu.enqueue_indirect_dma source(%dma_start3A_111 : memref<12800x128xf32, #tpu.memory_space<hbm>>) target(%arg9 : memref<128x128xf32, #tpu.memory_space<vmem>>) offsets(%dma_start3A_108 : memref<128xi32, #tpu.memory_space<vmem>>) semaphore(%arg11 : memref<!tpu.dma_semaphore, #tpu.memory_space<semaphore_mem>>)
        %dma_wait3A_112 = arith.constant 0 : i32
        %dma_wait3A_113 = tpu.memref_slice %arg7[%add3A_105, %dma_wait3A_112] : memref<32x128xi32, #tpu.memory_space<vmem>> -> memref<1x128xi32, #tpu.memory_space<vmem>>
        %dma_wait3A_114 = tpu.memref_squeeze %dma_wait3A_113 : memref<1x128xi32, #tpu.memory_space<vmem>> -> memref<128xi32, #tpu.memory_space<vmem>>
        %dma_wait3A_115 = arith.constant 0 : i32
        %dma_wait3A_116 = arith.constant 0 : i32
        %dma_wait3A_117 = tpu.memref_slice %arg2[%dma_wait3A_115, %dma_wait3A_116] : memref<12800x128xf32, #tpu.memory_space<hbm>> -> memref<12800x128xf32, #tpu.memory_space<hbm>>
        tpu.wait_indirect_dma semaphore(%arg11 : memref<!tpu.dma_semaphore, #tpu.memory_space<semaphore_mem>>) src(%dma_wait3A_117 : memref<12800x128xf32, #tpu.memory_space<hbm>>) dst(%arg9 : memref<128x128xf32, #tpu.memory_space<vmem>>)
        %add3A_118 = arith.addi %mul3A_97, %scan3A_104 : i32
        "tpu.region"() ({
          %run_scoped3A = tpu.sem_alloc : memref<!tpu.dma_semaphore, #tpu.memory_space<semaphore_mem>>
          %dma_start3A_119 = arith.constant 0 : i32
          %dma_start3A_120 = tpu.memref_slice %arg8[%add3A_118, %dma_start3A_119] : memref<32x128xi32, #tpu.memory_space<vmem>> -> memref<1x128xi32, #tpu.memory_space<vmem>>
          %dma_start3A_121 = tpu.memref_squeeze %dma_start3A_120 : memref<1x128xi32, #tpu.memory_space<vmem>> -> memref<128xi32, #tpu.memory_space<vmem>>
          %dma_start3A_122 = arith.constant 0 : i32
          %dma_start3A_123 = arith.constant 0 : i32
          %dma_start3A_124 = tpu.memref_slice %arg10[%dma_start3A_122, %dma_start3A_123] : memref<12928x128xf32, #tpu.memory_space<vmem_shared>> -> memref<12928x128xf32, #tpu.memory_space<vmem_shared>>
          tpu.enqueue_indirect_dma source(%arg9 : memref<128x128xf32, #tpu.memory_space<vmem>>) target(%dma_start3A_124 : memref<12928x128xf32, #tpu.memory_space<vmem_shared>>) offsets(%dma_start3A_121 : memref<128xi32, #tpu.memory_space<vmem>>) semaphore(%run_scoped3A : memref<!tpu.dma_semaphore, #tpu.memory_space<semaphore_mem>>) {add = true}
          %dma_wait3A_125 = arith.constant 0 : i32
          %dma_wait3A_126 = tpu.memref_slice %arg8[%add3A_118, %dma_wait3A_125] : memref<32x128xi32, #tpu.memory_space<vmem>> -> memref<1x128xi32, #tpu.memory_space<vmem>>
          %dma_wait3A_127 = tpu.memref_squeeze %dma_wait3A_126 : memref<1x128xi32, #tpu.memory_space<vmem>> -> memref<128xi32, #tpu.memory_space<vmem>>
          %dma_wait3A_128 = arith.constant 0 : i32
          %dma_wait3A_129 = arith.constant 0 : i32
          %dma_wait3A_130 = tpu.memref_slice %arg10[%dma_wait3A_128, %dma_wait3A_129] : memref<12928x128xf32, #tpu.memory_space<vmem_shared>> -> memref<12928x128xf32, #tpu.memory_space<vmem_shared>>
          tpu.wait_indirect_dma semaphore(%run_scoped3A : memref<!tpu.dma_semaphore, #tpu.memory_space<semaphore_mem>>) src(%arg9 : memref<128x128xf32, #tpu.memory_space<vmem>>) dst(%dma_wait3A_130 : memref<12928x128xf32, #tpu.memory_space<vmem_shared>>)
          tpu.yield
        }) : () -> ()
      }
      %scan3A_103 = arith.constant 16 : i32
    }
    %scan3A_34 = arith.constant 5 : i32
    %barrier3A_35 = arith.constant 0 : index
    tpu.barrier barrier_id(%barrier3A_35)
    %mul3A_36 = arith.constant 800 : i32
    %mul3A_37 = arith.muli %arg1, %mul3A_36 : i32
    %mul3A_38 = arith.constant 800 : i32
    %mul3A_39 = arith.muli %arg1, %mul3A_38 : i32
    "tpu.region"() ({
      %run_scoped3A = tpu.sem_alloc : memref<!tpu.dma_semaphore, #tpu.memory_space<semaphore_mem>>
      %dma_start3A_40 = arith.constant 0 : i32
      %dma_start3A_41 = tpu.memref_slice %arg6[%arg0, %mul3A_39, %dma_start3A_40] : memref<2x12800x128xf32, #tpu.memory_space<hbm>> -> memref<1x800x128xf32, #tpu.memory_space<hbm>>
      %dma_start3A_42 = tpu.memref_squeeze %dma_start3A_41 : memref<1x800x128xf32, #tpu.memory_space<hbm>> -> memref<800x128xf32, #tpu.memory_space<hbm>>
      %dma_start3A_43 = arith.constant 0 : i32
      %dma_start3A_44 = tpu.memref_slice %arg10[%mul3A_37, %dma_start3A_43] : memref<12928x128xf32, #tpu.memory_space<vmem_shared>> -> memref<800x128xf32, #tpu.memory_space<vmem_shared>>
      tpu.enqueue_dma source(%dma_start3A_44 : memref<800x128xf32, #tpu.memory_space<vmem_shared>>) target(%dma_start3A_42 : memref<800x128xf32, #tpu.memory_space<hbm>>) target_semaphore(%run_scoped3A : memref<!tpu.dma_semaphore, #tpu.memory_space<semaphore_mem>>)
      %dma_wait3A = arith.constant 0 : i32
      %dma_wait3A_45 = tpu.memref_slice %arg6[%arg0, %mul3A_39, %dma_wait3A] : memref<2x12800x128xf32, #tpu.memory_space<hbm>> -> memref<1x800x128xf32, #tpu.memory_space<hbm>>
      %dma_wait3A_46 = tpu.memref_squeeze %dma_wait3A_45 : memref<1x800x128xf32, #tpu.memory_space<hbm>> -> memref<800x128xf32, #tpu.memory_space<hbm>>
      %dma_wait3A_47 = arith.constant 0 : i32
      %dma_wait3A_48 = tpu.memref_slice %arg10[%mul3A_37, %dma_wait3A_47] : memref<12928x128xf32, #tpu.memory_space<vmem_shared>> -> memref<800x128xf32, #tpu.memory_space<vmem_shared>>
      tpu.wait_dma2 semaphore(%run_scoped3A : memref<!tpu.dma_semaphore, #tpu.memory_space<semaphore_mem>>) src(%dma_wait3A_48 : memref<800x128xf32, #tpu.memory_space<vmem_shared>>) dst(%dma_wait3A_46 : memref<800x128xf32, #tpu.memory_space<hbm>>)
      tpu.yield
    }) : () -> ()
    return
  }
}

#map = affine_map<(d0, d1) -> (0, 0)>
#map1 = affine_map<(d0, d1) -> (0, 0, 0)>
module attributes {stable_mosaic.version = 14 : i64} {
  func.func @agg_kernel(%arg0: i32, %arg1: i32, %arg2: memref<12800x128xf32, #tpu.memory_space<hbm>>, %arg3: memref<32x80x128xi32, #tpu.memory_space<hbm>>, %arg4: memref<32x80x128xi32, #tpu.memory_space<hbm>>, %arg5: memref<808x128xf32, #tpu.memory_space<hbm>>, %arg6: memref<2x12800x128xf32, #tpu.memory_space<hbm>>, %arg7: memref<32x128xi32, #tpu.memory_space<vmem>>, %arg8: memref<32x128xi32, #tpu.memory_space<vmem>>, %arg9: memref<128x128xf32, #tpu.memory_space<vmem>>, %arg10: memref<12928x128xf32, #tpu.memory_space<vmem_shared>>, %arg11: memref<!tpu.dma_semaphore, #tpu.memory_space<semaphore_mem>>, %arg12: memref<!tpu.dma_semaphore, #tpu.memory_space<semaphore_mem>>) attributes {dimension_semantics = [#tpu.dimension_semantics<core_parallel>, #tpu.dimension_semantics<subcore_parallel>], iteration_bounds = array<i64: 2, 16>, scalar_prefetch = 0 : i64, scratch_operands = 6 : i64, tpu.core_type = #tpu.core_type<sc_vector_subcore>, window_params = [{transform_indices = #map}, {transform_indices = #map1}, {transform_indices = #map1}, {transform_indices = #map}, {transform_indices = #map1}]} {
    %mul3A = arith.constant 16 : i32
    %mul3A_0 = arith.muli %arg0, %mul3A : i32
    %add3A = arith.addi %mul3A_0, %arg1 : i32
    %dma_start3A = arith.constant 0 : i32
    %dma_start3A_1 = arith.constant 0 : i32
    %dma_start3A_2 = tpu.memref_slice %arg7[%dma_start3A, %dma_start3A_1] : memref<32x128xi32, #tpu.memory_space<vmem>> -> memref<16x128xi32, #tpu.memory_space<vmem>>
    %dma_start3A_3 = arith.constant 0 : i32
    %dma_start3A_4 = arith.constant 0 : i32
    %dma_start3A_5 = tpu.memref_slice %arg3[%add3A, %dma_start3A_3, %dma_start3A_4] : memref<32x80x128xi32, #tpu.memory_space<hbm>> -> memref<1x16x128xi32, #tpu.memory_space<hbm>>
    %dma_start3A_6 = tpu.memref_squeeze %dma_start3A_5 : memref<1x16x128xi32, #tpu.memory_space<hbm>> -> memref<16x128xi32, #tpu.memory_space<hbm>>
    %dma_start3A_7 = arith.constant 0 : i32
    %dma_start3A_8 = arith.constant 0 : i32
    %dma_start3A_9 = tpu.memref_slice %arg7[%dma_start3A_7, %dma_start3A_8] : memref<32x128xi32, #tpu.memory_space<vmem>> -> memref<16x128xi32, #tpu.memory_space<vmem>>
    %dma_start3A_10 = arith.constant 0 : i32
    %dma_start3A_11 = arith.constant 0 : i32
    %dma_start3A_12 = tpu.memref_slice %arg3[%add3A, %dma_start3A_10, %dma_start3A_11] : memref<32x80x128xi32, #tpu.memory_space<hbm>> -> memref<1x16x128xi32, #tpu.memory_space<hbm>>
    %dma_start3A_13 = tpu.memref_squeeze %dma_start3A_12 : memref<1x16x128xi32, #tpu.memory_space<hbm>> -> memref<16x128xi32, #tpu.memory_space<hbm>>
    tpu.enqueue_dma source(%dma_start3A_13 : memref<16x128xi32, #tpu.memory_space<hbm>>) target(%dma_start3A_9 : memref<16x128xi32, #tpu.memory_space<vmem>>) target_semaphore(%arg12 : memref<!tpu.dma_semaphore, #tpu.memory_space<semaphore_mem>>)
    %dma_start3A_14 = arith.constant 0 : i32
    %dma_start3A_15 = arith.constant 0 : i32
    %dma_start3A_16 = tpu.memref_slice %arg8[%dma_start3A_14, %dma_start3A_15] : memref<32x128xi32, #tpu.memory_space<vmem>> -> memref<16x128xi32, #tpu.memory_space<vmem>>
    %dma_start3A_17 = arith.constant 0 : i32
    %dma_start3A_18 = arith.constant 0 : i32
    %dma_start3A_19 = tpu.memref_slice %arg4[%add3A, %dma_start3A_17, %dma_start3A_18] : memref<32x80x128xi32, #tpu.memory_space<hbm>> -> memref<1x16x128xi32, #tpu.memory_space<hbm>>
    %dma_start3A_20 = tpu.memref_squeeze %dma_start3A_19 : memref<1x16x128xi32, #tpu.memory_space<hbm>> -> memref<16x128xi32, #tpu.memory_space<hbm>>
    %dma_start3A_21 = arith.constant 0 : i32
    %dma_start3A_22 = arith.constant 0 : i32
    %dma_start3A_23 = tpu.memref_slice %arg8[%dma_start3A_21, %dma_start3A_22] : memref<32x128xi32, #tpu.memory_space<vmem>> -> memref<16x128xi32, #tpu.memory_space<vmem>>
    %dma_start3A_24 = arith.constant 0 : i32
    %dma_start3A_25 = arith.constant 0 : i32
    %dma_start3A_26 = tpu.memref_slice %arg4[%add3A, %dma_start3A_24, %dma_start3A_25] : memref<32x80x128xi32, #tpu.memory_space<hbm>> -> memref<1x16x128xi32, #tpu.memory_space<hbm>>
    %dma_start3A_27 = tpu.memref_squeeze %dma_start3A_26 : memref<1x16x128xi32, #tpu.memory_space<hbm>> -> memref<16x128xi32, #tpu.memory_space<hbm>>
    tpu.enqueue_dma source(%dma_start3A_27 : memref<16x128xi32, #tpu.memory_space<hbm>>) target(%dma_start3A_23 : memref<16x128xi32, #tpu.memory_space<vmem>>) target_semaphore(%arg12 : memref<!tpu.dma_semaphore, #tpu.memory_space<semaphore_mem>>)
    %mul3A_28 = arith.constant 808 : i32
    %mul3A_29 = arith.muli %arg1, %mul3A_28 : i32
    "tpu.region"() ({
      %run_scoped3A = tpu.sem_alloc : memref<!tpu.dma_semaphore, #tpu.memory_space<semaphore_mem>>
      %dma_start3A_40 = arith.constant 0 : i32
      %dma_start3A_41 = tpu.memref_slice %arg10[%mul3A_29, %dma_start3A_40] : memref<12928x128xf32, #tpu.memory_space<vmem_shared>> -> memref<808x128xf32, #tpu.memory_space<vmem_shared>>
      tpu.enqueue_dma source(%arg5 : memref<808x128xf32, #tpu.memory_space<hbm>>) target(%dma_start3A_41 : memref<808x128xf32, #tpu.memory_space<vmem_shared>>) target_semaphore(%run_scoped3A : memref<!tpu.dma_semaphore, #tpu.memory_space<semaphore_mem>>)
      %dma_wait3A = arith.constant 0 : i32
      %dma_wait3A_42 = tpu.memref_slice %arg10[%mul3A_29, %dma_wait3A] : memref<12928x128xf32, #tpu.memory_space<vmem_shared>> -> memref<808x128xf32, #tpu.memory_space<vmem_shared>>
      tpu.wait_dma2 semaphore(%run_scoped3A : memref<!tpu.dma_semaphore, #tpu.memory_space<semaphore_mem>>) src(%arg5 : memref<808x128xf32, #tpu.memory_space<hbm>>) dst(%dma_wait3A_42 : memref<808x128xf32, #tpu.memory_space<vmem_shared>>)
      tpu.yield
    }) : () -> ()
    %barrier3A = arith.constant 0 : index
    tpu.barrier barrier_id(%barrier3A)
    %scan3A = arith.constant 0 : i32
    %scan3A_30 = arith.constant 0 : i32
    %scan3A_31 = arith.constant 5 : i32
    %scan3A_32 = arith.addi %scan3A_30, %scan3A_31 : i32
    %scan3A_33 = arith.constant 1 : i32
    scf.for %scan3A_40 = %scan3A_30 to %scan3A_32 step %scan3A_33  : i32 {
      %jit3A = arith.constant 2 : i32
      %eq3A = arith.constant 0 : i32
      %eq3A_41 = arith.cmpi eq, %jit3A, %eq3A : i32
      %jit3A_42 = arith.constant 1 : i32
      %select_n3A = arith.select %eq3A_41, %jit3A_42, %jit3A : i32
      %rem3A = arith.remsi %scan3A_40, %select_n3A : i32
      %ne3A = arith.constant 0 : i32
      %ne3A_43 = arith.cmpi ne, %rem3A, %ne3A : i32
      %lt3A = arith.constant 0 : i32
      %lt3A_44 = arith.cmpi slt, %rem3A, %lt3A : i32
      %lt3A_45 = arith.constant 0 : i32
      %lt3A_46 = arith.cmpi slt, %select_n3A, %lt3A_45 : i32
      %ne3A_47 = arith.xori %lt3A_44, %lt3A_46 : i1
      %and3A = arith.andi %ne3A_47, %ne3A_43 : i1
      %add3A_48 = arith.addi %rem3A, %select_n3A : i32
      %select_n3A_49 = arith.select %and3A, %add3A_48, %rem3A : i32
      %mul3A_50 = arith.constant 16 : i32
      %mul3A_51 = arith.muli %select_n3A_49, %mul3A_50 : i32
      %mul3A_52 = arith.constant 16 : i32
      %mul3A_53 = arith.muli %scan3A_40, %mul3A_52 : i32
      %dma_wait3A = arith.constant 0 : i32
      %dma_wait3A_54 = tpu.memref_slice %arg7[%mul3A_51, %dma_wait3A] : memref<32x128xi32, #tpu.memory_space<vmem>> -> memref<16x128xi32, #tpu.memory_space<vmem>>
      %dma_wait3A_55 = arith.constant 0 : i32
      %dma_wait3A_56 = tpu.memref_slice %arg3[%add3A, %mul3A_53, %dma_wait3A_55] : memref<32x80x128xi32, #tpu.memory_space<hbm>> -> memref<1x16x128xi32, #tpu.memory_space<hbm>>
      %dma_wait3A_57 = tpu.memref_squeeze %dma_wait3A_56 : memref<1x16x128xi32, #tpu.memory_space<hbm>> -> memref<16x128xi32, #tpu.memory_space<hbm>>
      %dma_wait3A_58 = arith.constant 0 : i32
      %dma_wait3A_59 = tpu.memref_slice %arg7[%mul3A_51, %dma_wait3A_58] : memref<32x128xi32, #tpu.memory_space<vmem>> -> memref<16x128xi32, #tpu.memory_space<vmem>>
      %dma_wait3A_60 = arith.constant 0 : i32
      %dma_wait3A_61 = tpu.memref_slice %arg3[%add3A, %mul3A_53, %dma_wait3A_60] : memref<32x80x128xi32, #tpu.memory_space<hbm>> -> memref<1x16x128xi32, #tpu.memory_space<hbm>>
      %dma_wait3A_62 = tpu.memref_squeeze %dma_wait3A_61 : memref<1x16x128xi32, #tpu.memory_space<hbm>> -> memref<16x128xi32, #tpu.memory_space<hbm>>
      tpu.wait_dma2 semaphore(%arg12 : memref<!tpu.dma_semaphore, #tpu.memory_space<semaphore_mem>>) src(%dma_wait3A_62 : memref<16x128xi32, #tpu.memory_space<hbm>>) dst(%dma_wait3A_59 : memref<16x128xi32, #tpu.memory_space<vmem>>)
      %mul3A_63 = arith.constant 16 : i32
      %mul3A_64 = arith.muli %scan3A_40, %mul3A_63 : i32
      %dma_wait3A_65 = arith.constant 0 : i32
      %dma_wait3A_66 = tpu.memref_slice %arg8[%mul3A_51, %dma_wait3A_65] : memref<32x128xi32, #tpu.memory_space<vmem>> -> memref<16x128xi32, #tpu.memory_space<vmem>>
      %dma_wait3A_67 = arith.constant 0 : i32
      %dma_wait3A_68 = tpu.memref_slice %arg4[%add3A, %mul3A_64, %dma_wait3A_67] : memref<32x80x128xi32, #tpu.memory_space<hbm>> -> memref<1x16x128xi32, #tpu.memory_space<hbm>>
      %dma_wait3A_69 = tpu.memref_squeeze %dma_wait3A_68 : memref<1x16x128xi32, #tpu.memory_space<hbm>> -> memref<16x128xi32, #tpu.memory_space<hbm>>
      %dma_wait3A_70 = arith.constant 0 : i32
      %dma_wait3A_71 = tpu.memref_slice %arg8[%mul3A_51, %dma_wait3A_70] : memref<32x128xi32, #tpu.memory_space<vmem>> -> memref<16x128xi32, #tpu.memory_space<vmem>>
      %dma_wait3A_72 = arith.constant 0 : i32
      %dma_wait3A_73 = tpu.memref_slice %arg4[%add3A, %mul3A_64, %dma_wait3A_72] : memref<32x80x128xi32, #tpu.memory_space<hbm>> -> memref<1x16x128xi32, #tpu.memory_space<hbm>>
      %dma_wait3A_74 = tpu.memref_squeeze %dma_wait3A_73 : memref<1x16x128xi32, #tpu.memory_space<hbm>> -> memref<16x128xi32, #tpu.memory_space<hbm>>
      tpu.wait_dma2 semaphore(%arg12 : memref<!tpu.dma_semaphore, #tpu.memory_space<semaphore_mem>>) src(%dma_wait3A_74 : memref<16x128xi32, #tpu.memory_space<hbm>>) dst(%dma_wait3A_71 : memref<16x128xi32, #tpu.memory_space<vmem>>)
      %add3A_75 = arith.constant 1 : i32
      %add3A_76 = arith.addi %scan3A_40, %add3A_75 : i32
      %lt3A_77 = arith.constant 5 : i32
      %lt3A_78 = arith.cmpi slt, %add3A_76, %lt3A_77 : i32
      %convert_element_type3A = arith.extui %lt3A_78 : i1 to i32
      %cond3A = arith.constant 0 : i32
      %cond3A_79 = arith.cmpi ne, %convert_element_type3A, %cond3A : i32
      scf.if %cond3A_79 {
        %add3A_104 = arith.constant 1 : i32
        %add3A_105 = arith.addi %scan3A_40, %add3A_104 : i32
        %jit3A_106 = arith.constant 2 : i32
        %eq3A_107 = arith.constant 0 : i32
        %eq3A_108 = arith.cmpi eq, %jit3A_106, %eq3A_107 : i32
        %jit3A_109 = arith.constant 1 : i32
        %select_n3A_110 = arith.select %eq3A_108, %jit3A_109, %jit3A_106 : i32
        %rem3A_111 = arith.remsi %add3A_105, %select_n3A_110 : i32
        %ne3A_112 = arith.constant 0 : i32
        %ne3A_113 = arith.cmpi ne, %rem3A_111, %ne3A_112 : i32
        %lt3A_114 = arith.constant 0 : i32
        %lt3A_115 = arith.cmpi slt, %rem3A_111, %lt3A_114 : i32
        %lt3A_116 = arith.constant 0 : i32
        %lt3A_117 = arith.cmpi slt, %select_n3A_110, %lt3A_116 : i32
        %ne3A_118 = arith.xori %lt3A_115, %lt3A_117 : i1
        %and3A_119 = arith.andi %ne3A_118, %ne3A_113 : i1
        %add3A_120 = arith.addi %rem3A_111, %select_n3A_110 : i32
        %select_n3A_121 = arith.select %and3A_119, %add3A_120, %rem3A_111 : i32
        %mul3A_122 = arith.constant 16 : i32
        %mul3A_123 = arith.muli %select_n3A_121, %mul3A_122 : i32
        %mul3A_124 = arith.constant 16 : i32
        %mul3A_125 = arith.muli %add3A_105, %mul3A_124 : i32
        %dma_start3A_126 = arith.constant 0 : i32
        %dma_start3A_127 = tpu.memref_slice %arg7[%mul3A_123, %dma_start3A_126] : memref<32x128xi32, #tpu.memory_space<vmem>> -> memref<16x128xi32, #tpu.memory_space<vmem>>
        %dma_start3A_128 = arith.constant 0 : i32
        %dma_start3A_129 = tpu.memref_slice %arg3[%add3A, %mul3A_125, %dma_start3A_128] : memref<32x80x128xi32, #tpu.memory_space<hbm>> -> memref<1x16x128xi32, #tpu.memory_space<hbm>>
        %dma_start3A_130 = tpu.memref_squeeze %dma_start3A_129 : memref<1x16x128xi32, #tpu.memory_space<hbm>> -> memref<16x128xi32, #tpu.memory_space<hbm>>
        %dma_start3A_131 = arith.constant 0 : i32
        %dma_start3A_132 = tpu.memref_slice %arg7[%mul3A_123, %dma_start3A_131] : memref<32x128xi32, #tpu.memory_space<vmem>> -> memref<16x128xi32, #tpu.memory_space<vmem>>
        %dma_start3A_133 = arith.constant 0 : i32
        %dma_start3A_134 = tpu.memref_slice %arg3[%add3A, %mul3A_125, %dma_start3A_133] : memref<32x80x128xi32, #tpu.memory_space<hbm>> -> memref<1x16x128xi32, #tpu.memory_space<hbm>>
        %dma_start3A_135 = tpu.memref_squeeze %dma_start3A_134 : memref<1x16x128xi32, #tpu.memory_space<hbm>> -> memref<16x128xi32, #tpu.memory_space<hbm>>
        tpu.enqueue_dma source(%dma_start3A_135 : memref<16x128xi32, #tpu.memory_space<hbm>>) target(%dma_start3A_132 : memref<16x128xi32, #tpu.memory_space<vmem>>) target_semaphore(%arg12 : memref<!tpu.dma_semaphore, #tpu.memory_space<semaphore_mem>>)
        %mul3A_136 = arith.constant 16 : i32
        %mul3A_137 = arith.muli %add3A_105, %mul3A_136 : i32
        %dma_start3A_138 = arith.constant 0 : i32
        %dma_start3A_139 = tpu.memref_slice %arg8[%mul3A_123, %dma_start3A_138] : memref<32x128xi32, #tpu.memory_space<vmem>> -> memref<16x128xi32, #tpu.memory_space<vmem>>
        %dma_start3A_140 = arith.constant 0 : i32
        %dma_start3A_141 = tpu.memref_slice %arg4[%add3A, %mul3A_137, %dma_start3A_140] : memref<32x80x128xi32, #tpu.memory_space<hbm>> -> memref<1x16x128xi32, #tpu.memory_space<hbm>>
        %dma_start3A_142 = tpu.memref_squeeze %dma_start3A_141 : memref<1x16x128xi32, #tpu.memory_space<hbm>> -> memref<16x128xi32, #tpu.memory_space<hbm>>
        %dma_start3A_143 = arith.constant 0 : i32
        %dma_start3A_144 = tpu.memref_slice %arg8[%mul3A_123, %dma_start3A_143] : memref<32x128xi32, #tpu.memory_space<vmem>> -> memref<16x128xi32, #tpu.memory_space<vmem>>
        %dma_start3A_145 = arith.constant 0 : i32
        %dma_start3A_146 = tpu.memref_slice %arg4[%add3A, %mul3A_137, %dma_start3A_145] : memref<32x80x128xi32, #tpu.memory_space<hbm>> -> memref<1x16x128xi32, #tpu.memory_space<hbm>>
        %dma_start3A_147 = tpu.memref_squeeze %dma_start3A_146 : memref<1x16x128xi32, #tpu.memory_space<hbm>> -> memref<16x128xi32, #tpu.memory_space<hbm>>
        tpu.enqueue_dma source(%dma_start3A_147 : memref<16x128xi32, #tpu.memory_space<hbm>>) target(%dma_start3A_144 : memref<16x128xi32, #tpu.memory_space<vmem>>) target_semaphore(%arg12 : memref<!tpu.dma_semaphore, #tpu.memory_space<semaphore_mem>>)
      } else {
      }
      %jit3A_80 = arith.constant 2 : i32
      %eq3A_81 = arith.constant 0 : i32
      %eq3A_82 = arith.cmpi eq, %jit3A_80, %eq3A_81 : i32
      %jit3A_83 = arith.constant 1 : i32
      %select_n3A_84 = arith.select %eq3A_82, %jit3A_83, %jit3A_80 : i32
      %rem3A_85 = arith.remsi %scan3A_40, %select_n3A_84 : i32
      %ne3A_86 = arith.constant 0 : i32
      %ne3A_87 = arith.cmpi ne, %rem3A_85, %ne3A_86 : i32
      %lt3A_88 = arith.constant 0 : i32
      %lt3A_89 = arith.cmpi slt, %rem3A_85, %lt3A_88 : i32
      %lt3A_90 = arith.constant 0 : i32
      %lt3A_91 = arith.cmpi slt, %select_n3A_84, %lt3A_90 : i32
      %ne3A_92 = arith.xori %lt3A_89, %lt3A_91 : i1
      %and3A_93 = arith.andi %ne3A_92, %ne3A_87 : i1
      %add3A_94 = arith.addi %rem3A_85, %select_n3A_84 : i32
      %select_n3A_95 = arith.select %and3A_93, %add3A_94, %rem3A_85 : i32
      %mul3A_96 = arith.constant 16 : i32
      %mul3A_97 = arith.muli %select_n3A_95, %mul3A_96 : i32
      %scan3A_98 = arith.constant 0 : i32
      %scan3A_99 = arith.constant 0 : i32
      %scan3A_100 = arith.constant 16 : i32
      %scan3A_101 = arith.addi %scan3A_99, %scan3A_100 : i32
      %scan3A_102 = arith.constant 1 : i32
      scf.for %scan3A_104 = %scan3A_99 to %scan3A_101 step %scan3A_102  : i32 {
        %add3A_105 = arith.addi %mul3A_97, %scan3A_104 : i32
        %dma_start3A_106 = arith.constant 0 : i32
        %dma_start3A_107 = tpu.memref_slice %arg7[%add3A_105, %dma_start3A_106] : memref<32x128xi32, #tpu.memory_space<vmem>> -> memref<1x128xi32, #tpu.memory_space<vmem>>
        %dma_start3A_108 = tpu.memref_squeeze %dma_start3A_107 : memref<1x128xi32, #tpu.memory_space<vmem>> -> memref<128xi32, #tpu.memory_space<vmem>>
        %dma_start3A_109 = arith.constant 0 : i32
        %dma_start3A_110 = arith.constant 0 : i32
        %dma_start3A_111 = tpu.memref_slice %arg2[%dma_start3A_109, %dma_start3A_110] : memref<12800x128xf32, #tpu.memory_space<hbm>> -> memref<12800x128xf32, #tpu.memory_space<hbm>>
        tpu.enqueue_indirect_dma source(%dma_start3A_111 : memref<12800x128xf32, #tpu.memory_space<hbm>>) target(%arg9 : memref<128x128xf32, #tpu.memory_space<vmem>>) offsets(%dma_start3A_108 : memref<128xi32, #tpu.memory_space<vmem>>) semaphore(%arg11 : memref<!tpu.dma_semaphore, #tpu.memory_space<semaphore_mem>>)
        %dma_wait3A_112 = arith.constant 0 : i32
        %dma_wait3A_113 = tpu.memref_slice %arg7[%add3A_105, %dma_wait3A_112] : memref<32x128xi32, #tpu.memory_space<vmem>> -> memref<1x128xi32, #tpu.memory_space<vmem>>
        %dma_wait3A_114 = tpu.memref_squeeze %dma_wait3A_113 : memref<1x128xi32, #tpu.memory_space<vmem>> -> memref<128xi32, #tpu.memory_space<vmem>>
        %dma_wait3A_115 = arith.constant 0 : i32
        %dma_wait3A_116 = arith.constant 0 : i32
        %dma_wait3A_117 = tpu.memref_slice %arg2[%dma_wait3A_115, %dma_wait3A_116] : memref<12800x128xf32, #tpu.memory_space<hbm>> -> memref<12800x128xf32, #tpu.memory_space<hbm>>
        tpu.wait_indirect_dma semaphore(%arg11 : memref<!tpu.dma_semaphore, #tpu.memory_space<semaphore_mem>>) src(%dma_wait3A_117 : memref<12800x128xf32, #tpu.memory_space<hbm>>) dst(%arg9 : memref<128x128xf32, #tpu.memory_space<vmem>>)
        %add3A_118 = arith.addi %mul3A_97, %scan3A_104 : i32
        "tpu.region"() ({
          %run_scoped3A = tpu.sem_alloc : memref<!tpu.dma_semaphore, #tpu.memory_space<semaphore_mem>>
          %dma_start3A_119 = arith.constant 0 : i32
          %dma_start3A_120 = tpu.memref_slice %arg8[%add3A_118, %dma_start3A_119] : memref<32x128xi32, #tpu.memory_space<vmem>> -> memref<1x128xi32, #tpu.memory_space<vmem>>
          %dma_start3A_121 = tpu.memref_squeeze %dma_start3A_120 : memref<1x128xi32, #tpu.memory_space<vmem>> -> memref<128xi32, #tpu.memory_space<vmem>>
          %dma_start3A_122 = arith.constant 0 : i32
          %dma_start3A_123 = arith.constant 0 : i32
          %dma_start3A_124 = tpu.memref_slice %arg10[%dma_start3A_122, %dma_start3A_123] : memref<12928x128xf32, #tpu.memory_space<vmem_shared>> -> memref<12928x128xf32, #tpu.memory_space<vmem_shared>>
          tpu.enqueue_indirect_dma source(%arg9 : memref<128x128xf32, #tpu.memory_space<vmem>>) target(%dma_start3A_124 : memref<12928x128xf32, #tpu.memory_space<vmem_shared>>) offsets(%dma_start3A_121 : memref<128xi32, #tpu.memory_space<vmem>>) semaphore(%run_scoped3A : memref<!tpu.dma_semaphore, #tpu.memory_space<semaphore_mem>>) {add = true}
          %dma_wait3A_125 = arith.constant 0 : i32
          %dma_wait3A_126 = tpu.memref_slice %arg8[%add3A_118, %dma_wait3A_125] : memref<32x128xi32, #tpu.memory_space<vmem>> -> memref<1x128xi32, #tpu.memory_space<vmem>>
          %dma_wait3A_127 = tpu.memref_squeeze %dma_wait3A_126 : memref<1x128xi32, #tpu.memory_space<vmem>> -> memref<128xi32, #tpu.memory_space<vmem>>
          %dma_wait3A_128 = arith.constant 0 : i32
          %dma_wait3A_129 = arith.constant 0 : i32
          %dma_wait3A_130 = tpu.memref_slice %arg10[%dma_wait3A_128, %dma_wait3A_129] : memref<12928x128xf32, #tpu.memory_space<vmem_shared>> -> memref<12928x128xf32, #tpu.memory_space<vmem_shared>>
          tpu.wait_indirect_dma semaphore(%run_scoped3A : memref<!tpu.dma_semaphore, #tpu.memory_space<semaphore_mem>>) src(%arg9 : memref<128x128xf32, #tpu.memory_space<vmem>>) dst(%dma_wait3A_130 : memref<12928x128xf32, #tpu.memory_space<vmem_shared>>)
          tpu.yield
        }) : () -> ()
      }
      %scan3A_103 = arith.constant 16 : i32
    }
    %scan3A_34 = arith.constant 5 : i32
    %barrier3A_35 = arith.constant 0 : index
    tpu.barrier barrier_id(%barrier3A_35)
    %mul3A_36 = arith.constant 800 : i32
    %mul3A_37 = arith.muli %arg1, %mul3A_36 : i32
    %mul3A_38 = arith.constant 800 : i32
    %mul3A_39 = arith.muli %arg1, %mul3A_38 : i32
    "tpu.region"() ({
      %run_scoped3A = tpu.sem_alloc : memref<!tpu.dma_semaphore, #tpu.memory_space<semaphore_mem>>
      %dma_start3A_40 = arith.constant 0 : i32
      %dma_start3A_41 = tpu.memref_slice %arg6[%arg0, %mul3A_39, %dma_start3A_40] : memref<2x12800x128xf32, #tpu.memory_space<hbm>> -> memref<1x800x128xf32, #tpu.memory_space<hbm>>
      %dma_start3A_42 = tpu.memref_squeeze %dma_start3A_41 : memref<1x800x128xf32, #tpu.memory_space<hbm>> -> memref<800x128xf32, #tpu.memory_space<hbm>>
      %dma_start3A_43 = arith.constant 0 : i32
      %dma_start3A_44 = tpu.memref_slice %arg10[%mul3A_37, %dma_start3A_43] : memref<12928x128xf32, #tpu.memory_space<vmem_shared>> -> memref<800x128xf32, #tpu.memory_space<vmem_shared>>
      tpu.enqueue_dma source(%dma_start3A_44 : memref<800x128xf32, #tpu.memory_space<vmem_shared>>) target(%dma_start3A_42 : memref<800x128xf32, #tpu.memory_space<hbm>>) target_semaphore(%run_scoped3A : memref<!tpu.dma_semaphore, #tpu.memory_space<semaphore_mem>>)
      %dma_wait3A = arith.constant 0 : i32
      %dma_wait3A_45 = tpu.memref_slice %arg6[%arg0, %mul3A_39, %dma_wait3A] : memref<2x12800x128xf32, #tpu.memory_space<hbm>> -> memref<1x800x128xf32, #tpu.memory_space<hbm>>
      %dma_wait3A_46 = tpu.memref_squeeze %dma_wait3A_45 : memref<1x800x128xf32, #tpu.memory_space<hbm>> -> memref<800x128xf32, #tpu.memory_space<hbm>>
      %dma_wait3A_47 = arith.constant 0 : i32
      %dma_wait3A_48 = tpu.memref_slice %arg10[%mul3A_37, %dma_wait3A_47] : memref<12928x128xf32, #tpu.memory_space<vmem_shared>> -> memref<800x128xf32, #tpu.memory_space<vmem_shared>>
      tpu.wait_dma2 semaphore(%run_scoped3A : memref<!tpu.dma_semaphore, #tpu.memory_space<semaphore_mem>>) src(%dma_wait3A_48 : memref<800x128xf32, #tpu.memory_space<vmem_shared>>) dst(%dma_wait3A_46 : memref<800x128xf32, #tpu.memory_space<hbm>>)
      tpu.yield
    }) : () -> ()
    return
  }
}

module attributes {stable_mosaic.version = 14 : i64} {
  func.func @_temb_body(%arg0: memref<100x1xf32, #tpu.memory_space<vmem>>, %arg1: memref<128x128xf32, #tpu.memory_space<vmem>>, %arg2: memref<1x128xf32, #tpu.memory_space<vmem>>, %arg3: memref<128x256xf32, #tpu.memory_space<vmem>>, %arg4: memref<1x256xf32, #tpu.memory_space<vmem>>, %arg5: memref<100x256xf32, #tpu.memory_space<vmem>>) attributes {dimension_semantics = [], scalar_prefetch = 0 : i64, scratch_operands = 0 : i64, tpu.core_type = #tpu.core_type<tc>} {
    %get3A = arith.constant 0 : index
    %get3A_0 = arith.constant 0 : index
    %get3A_1 = vector.load %arg0[%get3A, %get3A_0] : memref<100x1xf32, #tpu.memory_space<vmem>>, vector<100x1xf32>
    %iota3A = tpu.iota {dimensions = array<i32: 1>} : vector<1x64xi32>
    %convert_element_type3A = arith.sitofp %iota3A : vector<1x64xi32> to vector<1x64xf32>
    %mul3A = arith.constant -0.14391157 : f32
    %mul3A_2 = vector.broadcast %mul3A : f32 to vector<1x64xf32>
    %mul3A_3 = arith.mulf %convert_element_type3A, %mul3A_2 : vector<1x64xf32>
    %exp3A = math.exp %mul3A_3 : vector<1x64xf32>
    %mul3A_4 = vector.broadcast %get3A_1 : vector<100x1xf32> to vector<100x64xf32>
    %mul3A_5 = vector.broadcast %exp3A : vector<1x64xf32> to vector<100x64xf32>
    %mul3A_6 = arith.mulf %mul3A_4, %mul3A_5 : vector<100x64xf32>
    %sin3A = math.sin %mul3A_6 : vector<100x64xf32>
    %cos3A = math.cos %mul3A_6 : vector<100x64xf32>
    %concatenate3A = tpu.concatenate %sin3A, %cos3A in 1 : vector<100x64xf32>, vector<100x64xf32> -> vector<100x128xf32>
    %get3A_7 = arith.constant 0 : index
    %get3A_8 = arith.constant 0 : index
    %get3A_9 = vector.load %arg1[%get3A_7, %get3A_8] : memref<128x128xf32, #tpu.memory_space<vmem>>, vector<128x128xf32>
    %dot_general3A = arith.constant dense<0.000000e+00> : vector<100x128xf32>
    %dot_general3A_10 = tpu.matmul %concatenate3A, %get3A_9, %dot_general3A {dimension_numbers = #tpu.dot_dimension_numbers<[1], [0], [0], [1], [0, 0, 1, 1], [], []>, transpose_lhs_hint = false} : vector<100x128xf32>, vector<128x128xf32>, vector<100x128xf32> -> vector<100x128xf32>
    %get3A_11 = arith.constant 0 : index
    %get3A_12 = arith.constant 0 : index
    %get3A_13 = vector.load %arg2[%get3A_11, %get3A_12] : memref<1x128xf32, #tpu.memory_space<vmem>>, vector<1x128xf32>
    %add3A = vector.broadcast %get3A_13 : vector<1x128xf32> to vector<100x128xf32>
    %add3A_14 = arith.addf %dot_general3A_10, %add3A : vector<100x128xf32>
    %max3A = arith.constant 0.000000e+00 : f32
    %max3A_15 = vector.broadcast %max3A : f32 to vector<100x128xf32>
    %max3A_16 = arith.maximumf %add3A_14, %max3A_15 : vector<100x128xf32>
    %get3A_17 = arith.constant 0 : index
    %get3A_18 = arith.constant 0 : index
    %get3A_19 = vector.load %arg3[%get3A_17, %get3A_18] : memref<128x256xf32, #tpu.memory_space<vmem>>, vector<128x256xf32>
    %dot_general3A_20 = arith.constant dense<0.000000e+00> : vector<100x256xf32>
    %dot_general3A_21 = tpu.matmul %max3A_16, %get3A_19, %dot_general3A_20 {dimension_numbers = #tpu.dot_dimension_numbers<[1], [0], [0], [1], [0, 0, 1, 1], [], []>, transpose_lhs_hint = false} : vector<100x128xf32>, vector<128x256xf32>, vector<100x256xf32> -> vector<100x256xf32>
    %get3A_22 = arith.constant 0 : index
    %get3A_23 = arith.constant 0 : index
    %get3A_24 = vector.load %arg4[%get3A_22, %get3A_23] : memref<1x256xf32, #tpu.memory_space<vmem>>, vector<1x256xf32>
    %add3A_25 = vector.broadcast %get3A_24 : vector<1x256xf32> to vector<100x256xf32>
    %add3A_26 = arith.addf %dot_general3A_21, %add3A_25 : vector<100x256xf32>
    %swap3A = arith.constant 0 : index
    %swap3A_27 = arith.constant 0 : index
    %swap3A_28 = vector.load %arg5[%swap3A, %swap3A_27] : memref<100x256xf32, #tpu.memory_space<vmem>>, vector<100x256xf32>
    tpu.vector_store %arg5[%swap3A, %swap3A_27], %add3A_26 {strides = array<i32>} : memref<100x256xf32, #tpu.memory_space<vmem>>, vector<100x256xf32>,
    return
  }
}

module attributes {stable_mosaic.version = 14 : i64} {
  func.func @_inproj_body(%arg0: i32, %arg1: memref<1280x256xf32, #tpu.memory_space<vmem>>, %arg2: memref<1x10x256xf32, #tpu.memory_space<vmem>>, %arg3: memref<256x128xf32, #tpu.memory_space<vmem>>, %arg4: memref<1x128xf32, #tpu.memory_space<vmem>>, %arg5: memref<1280x128xf32, #tpu.memory_space<vmem>>) attributes {dimension_semantics = [#tpu.dimension_semantics<arbitrary>], iteration_bounds = array<i64: 10>, scalar_prefetch = 0 : i64, scratch_operands = 0 : i64, tpu.core_type = #tpu.core_type<tc>, window_params = [{transform_indices = @transform_0, window_bounds = array<i64: 1280, 256>}, {transform_indices = @transform_1, window_bounds = array<i64: 1, 10, 256>}, {pipeline_mode = #tpu.pipeline_mode<synchronous>, transform_indices = @transform_2, window_bounds = array<i64: 256, 128>}, {pipeline_mode = #tpu.pipeline_mode<synchronous>, transform_indices = @transform_3, window_bounds = array<i64: 1, 128>}, {transform_indices = @transform_4, window_bounds = array<i64: 1280, 128>}]} {
    %get3A = arith.constant 0 : index
    %get3A_0 = arith.constant 0 : index
    %get3A_1 = vector.load %arg1[%get3A, %get3A_0] : memref<1280x256xf32, #tpu.memory_space<vmem>>, vector<128x256xf32>
    %get3A_2 = arith.constant 0 : index
    %get3A_3 = arith.constant 0 : index
    %get3A_4 = arith.constant 0 : index
    %get3A_5 = vector.load %arg2[%get3A_2, %get3A_3, %get3A_4] : memref<1x10x256xf32, #tpu.memory_space<vmem>>, vector<1x1x256xf32>
    %get3A_6 = vector.shape_cast %get3A_5 : vector<1x1x256xf32> to vector<256xf32>
    %broadcast_in_dim3A = vector.shape_cast %get3A_6 : vector<256xf32> to vector<1x256xf32>
    %add3A = vector.broadcast %broadcast_in_dim3A : vector<1x256xf32> to vector<128x256xf32>
    %add3A_7 = arith.addf %get3A_1, %add3A : vector<128x256xf32>
    %get3A_8 = arith.constant 128 : index
    %get3A_9 = arith.constant 0 : index
    %get3A_10 = vector.load %arg1[%get3A_8, %get3A_9] : memref<1280x256xf32, #tpu.memory_space<vmem>>, vector<128x256xf32>
    %get3A_11 = arith.constant 0 : index
    %get3A_12 = arith.constant 1 : index
    %get3A_13 = arith.constant 0 : index
    %get3A_14 = vector.load %arg2[%get3A_11, %get3A_12, %get3A_13] : memref<1x10x256xf32, #tpu.memory_space<vmem>>, vector<1x1x256xf32>
    %get3A_15 = vector.shape_cast %get3A_14 : vector<1x1x256xf32> to vector<256xf32>
    %broadcast_in_dim3A_16 = vector.shape_cast %get3A_15 : vector<256xf32> to vector<1x256xf32>
    %add3A_17 = vector.broadcast %broadcast_in_dim3A_16 : vector<1x256xf32> to vector<128x256xf32>
    %add3A_18 = arith.addf %get3A_10, %add3A_17 : vector<128x256xf32>
    %get3A_19 = arith.constant 256 : index
    %get3A_20 = arith.constant 0 : index
    %get3A_21 = vector.load %arg1[%get3A_19, %get3A_20] : memref<1280x256xf32, #tpu.memory_space<vmem>>, vector<128x256xf32>
    %get3A_22 = arith.constant 0 : index
    %get3A_23 = arith.constant 2 : index
    %get3A_24 = arith.constant 0 : index
    %get3A_25 = vector.load %arg2[%get3A_22, %get3A_23, %get3A_24] : memref<1x10x256xf32, #tpu.memory_space<vmem>>, vector<1x1x256xf32>
    %get3A_26 = vector.shape_cast %get3A_25 : vector<1x1x256xf32> to vector<256xf32>
    %broadcast_in_dim3A_27 = vector.shape_cast %get3A_26 : vector<256xf32> to vector<1x256xf32>
    %add3A_28 = vector.broadcast %broadcast_in_dim3A_27 : vector<1x256xf32> to vector<128x256xf32>
    %add3A_29 = arith.addf %get3A_21, %add3A_28 : vector<128x256xf32>
    %get3A_30 = arith.constant 384 : index
    %get3A_31 = arith.constant 0 : index
    %get3A_32 = vector.load %arg1[%get3A_30, %get3A_31] : memref<1280x256xf32, #tpu.memory_space<vmem>>, vector<128x256xf32>
    %get3A_33 = arith.constant 0 : index
    %get3A_34 = arith.constant 3 : index
    %get3A_35 = arith.constant 0 : index
    %get3A_36 = vector.load %arg2[%get3A_33, %get3A_34, %get3A_35] : memref<1x10x256xf32, #tpu.memory_space<vmem>>, vector<1x1x256xf32>
    %get3A_37 = vector.shape_cast %get3A_36 : vector<1x1x256xf32> to vector<256xf32>
    %broadcast_in_dim3A_38 = vector.shape_cast %get3A_37 : vector<256xf32> to vector<1x256xf32>
    %add3A_39 = vector.broadcast %broadcast_in_dim3A_38 : vector<1x256xf32> to vector<128x256xf32>
    %add3A_40 = arith.addf %get3A_32, %add3A_39 : vector<128x256xf32>
    %get3A_41 = arith.constant 512 : index
    %get3A_42 = arith.constant 0 : index
    %get3A_43 = vector.load %arg1[%get3A_41, %get3A_42] : memref<1280x256xf32, #tpu.memory_space<vmem>>, vector<128x256xf32>
    %get3A_44 = arith.constant 0 : index
    %get3A_45 = arith.constant 4 : index
    %get3A_46 = arith.constant 0 : index
    %get3A_47 = vector.load %arg2[%get3A_44, %get3A_45, %get3A_46] : memref<1x10x256xf32, #tpu.memory_space<vmem>>, vector<1x1x256xf32>
    %get3A_48 = vector.shape_cast %get3A_47 : vector<1x1x256xf32> to vector<256xf32>
    %broadcast_in_dim3A_49 = vector.shape_cast %get3A_48 : vector<256xf32> to vector<1x256xf32>
    %add3A_50 = vector.broadcast %broadcast_in_dim3A_49 : vector<1x256xf32> to vector<128x256xf32>
    %add3A_51 = arith.addf %get3A_43, %add3A_50 : vector<128x256xf32>
    %get3A_52 = arith.constant 640 : index
    %get3A_53 = arith.constant 0 : index
    %get3A_54 = vector.load %arg1[%get3A_52, %get3A_53] : memref<1280x256xf32, #tpu.memory_space<vmem>>, vector<128x256xf32>
    %get3A_55 = arith.constant 0 : index
    %get3A_56 = arith.constant 5 : index
    %get3A_57 = arith.constant 0 : index
    %get3A_58 = vector.load %arg2[%get3A_55, %get3A_56, %get3A_57] : memref<1x10x256xf32, #tpu.memory_space<vmem>>, vector<1x1x256xf32>
    %get3A_59 = vector.shape_cast %get3A_58 : vector<1x1x256xf32> to vector<256xf32>
    %broadcast_in_dim3A_60 = vector.shape_cast %get3A_59 : vector<256xf32> to vector<1x256xf32>
    %add3A_61 = vector.broadcast %broadcast_in_dim3A_60 : vector<1x256xf32> to vector<128x256xf32>
    %add3A_62 = arith.addf %get3A_54, %add3A_61 : vector<128x256xf32>
    %get3A_63 = arith.constant 768 : index
    %get3A_64 = arith.constant 0 : index
    %get3A_65 = vector.load %arg1[%get3A_63, %get3A_64] : memref<1280x256xf32, #tpu.memory_space<vmem>>, vector<128x256xf32>
    %get3A_66 = arith.constant 0 : index
    %get3A_67 = arith.constant 6 : index
    %get3A_68 = arith.constant 0 : index
    %get3A_69 = vector.load %arg2[%get3A_66, %get3A_67, %get3A_68] : memref<1x10x256xf32, #tpu.memory_space<vmem>>, vector<1x1x256xf32>
    %get3A_70 = vector.shape_cast %get3A_69 : vector<1x1x256xf32> to vector<256xf32>
    %broadcast_in_dim3A_71 = vector.shape_cast %get3A_70 : vector<256xf32> to vector<1x256xf32>
    %add3A_72 = vector.broadcast %broadcast_in_dim3A_71 : vector<1x256xf32> to vector<128x256xf32>
    %add3A_73 = arith.addf %get3A_65, %add3A_72 : vector<128x256xf32>
    %get3A_74 = arith.constant 896 : index
    %get3A_75 = arith.constant 0 : index
    %get3A_76 = vector.load %arg1[%get3A_74, %get3A_75] : memref<1280x256xf32, #tpu.memory_space<vmem>>, vector<128x256xf32>
    %get3A_77 = arith.constant 0 : index
    %get3A_78 = arith.constant 7 : index
    %get3A_79 = arith.constant 0 : index
    %get3A_80 = vector.load %arg2[%get3A_77, %get3A_78, %get3A_79] : memref<1x10x256xf32, #tpu.memory_space<vmem>>, vector<1x1x256xf32>
    %get3A_81 = vector.shape_cast %get3A_80 : vector<1x1x256xf32> to vector<256xf32>
    %broadcast_in_dim3A_82 = vector.shape_cast %get3A_81 : vector<256xf32> to vector<1x256xf32>
    %add3A_83 = vector.broadcast %broadcast_in_dim3A_82 : vector<1x256xf32> to vector<128x256xf32>
    %add3A_84 = arith.addf %get3A_76, %add3A_83 : vector<128x256xf32>
    %get3A_85 = arith.constant 1024 : index
    %get3A_86 = arith.constant 0 : index
    %get3A_87 = vector.load %arg1[%get3A_85, %get3A_86] : memref<1280x256xf32, #tpu.memory_space<vmem>>, vector<128x256xf32>
    %get3A_88 = arith.constant 0 : index
    %get3A_89 = arith.constant 8 : index
    %get3A_90 = arith.constant 0 : index
    %get3A_91 = vector.load %arg2[%get3A_88, %get3A_89, %get3A_90] : memref<1x10x256xf32, #tpu.memory_space<vmem>>, vector<1x1x256xf32>
    %get3A_92 = vector.shape_cast %get3A_91 : vector<1x1x256xf32> to vector<256xf32>
    %broadcast_in_dim3A_93 = vector.shape_cast %get3A_92 : vector<256xf32> to vector<1x256xf32>
    %add3A_94 = vector.broadcast %broadcast_in_dim3A_93 : vector<1x256xf32> to vector<128x256xf32>
    %add3A_95 = arith.addf %get3A_87, %add3A_94 : vector<128x256xf32>
    %get3A_96 = arith.constant 1152 : index
    %get3A_97 = arith.constant 0 : index
    %get3A_98 = vector.load %arg1[%get3A_96, %get3A_97] : memref<1280x256xf32, #tpu.memory_space<vmem>>, vector<128x256xf32>
    %get3A_99 = arith.constant 0 : index
    %get3A_100 = arith.constant 9 : index
    %get3A_101 = arith.constant 0 : index
    %get3A_102 = vector.load %arg2[%get3A_99, %get3A_100, %get3A_101] : memref<1x10x256xf32, #tpu.memory_space<vmem>>, vector<1x1x256xf32>
    %get3A_103 = vector.shape_cast %get3A_102 : vector<1x1x256xf32> to vector<256xf32>
    %broadcast_in_dim3A_104 = vector.shape_cast %get3A_103 : vector<256xf32> to vector<1x256xf32>
    %add3A_105 = vector.broadcast %broadcast_in_dim3A_104 : vector<1x256xf32> to vector<128x256xf32>
    %add3A_106 = arith.addf %get3A_98, %add3A_105 : vector<128x256xf32>
    %concatenate3A = tpu.concatenate %add3A_7, %add3A_18, %add3A_29, %add3A_40, %add3A_51, %add3A_62, %add3A_73, %add3A_84, %add3A_95, %add3A_106 in 0 : vector<128x256xf32>, vector<128x256xf32>, vector<128x256xf32>, vector<128x256xf32>, vector<128x256xf32>, vector<128x256xf32>, vector<128x256xf32>, vector<128x256xf32>, vector<128x256xf32>, vector<128x256xf32> -> vector<1280x256xf32>
    %get3A_107 = arith.constant 0 : index
    %get3A_108 = arith.constant 0 : index
    %get3A_109 = vector.load %arg3[%get3A_107, %get3A_108] : memref<256x128xf32, #tpu.memory_space<vmem>>, vector<256x128xf32>
    %dot_general3A = arith.constant dense<0.000000e+00> : vector<1280x128xf32>
    %dot_general3A_110 = tpu.matmul %concatenate3A, %get3A_109, %dot_general3A {dimension_numbers = #tpu.dot_dimension_numbers<[1], [0], [0], [1], [0, 0, 1, 1], [], []>, transpose_lhs_hint = false} : vector<1280x256xf32>, vector<256x128xf32>, vector<1280x128xf32> -> vector<1280x128xf32>
    %get3A_111 = arith.constant 0 : index
    %get3A_112 = arith.constant 0 : index
    %get3A_113 = vector.load %arg4[%get3A_111, %get3A_112] : memref<1x128xf32, #tpu.memory_space<vmem>>, vector<1x128xf32>
    %add3A_114 = vector.broadcast %get3A_113 : vector<1x128xf32> to vector<1280x128xf32>
    %add3A_115 = arith.addf %dot_general3A_110, %add3A_114 : vector<1280x128xf32>
    %swap3A = arith.constant 0 : index
    %swap3A_116 = arith.constant 0 : index
    %swap3A_117 = vector.load %arg5[%swap3A, %swap3A_116] : memref<1280x128xf32, #tpu.memory_space<vmem>>, vector<1280x128xf32>
    tpu.vector_store %arg5[%swap3A, %swap3A_116], %add3A_115 {strides = array<i32>} : memref<1280x128xf32, #tpu.memory_space<vmem>>, vector<1280x128xf32>,
    return
  }
  func.func @transform_0(%arg0: i32) -> (i32, i32) {
    %c0_i32 = arith.constant 0 : i32
    %c0_i32_0 = arith.constant 0 : i32
    return %arg0, %c0_i32 : i32, i32
  }
  func.func @transform_1(%arg0: i32) -> (i32, i32, i32) {
    %c0_i32 = arith.constant 0 : i32
    %c0_i32_0 = arith.constant 0 : i32
    %c0_i32_1 = arith.constant 0 : i32
    return %arg0, %c0_i32, %c0_i32_0 : i32, i32, i32
  }
  func.func @transform_2(%arg0: i32) -> (i32, i32) {
    %c0_i32 = arith.constant 0 : i32
    %c0_i32_0 = arith.constant 0 : i32
    %c0_i32_1 = arith.constant 0 : i32
    return %c0_i32, %c0_i32_0 : i32, i32
  }
  func.func @transform_3(%arg0: i32) -> (i32, i32) {
    %c0_i32 = arith.constant 0 : i32
    %c0_i32_0 = arith.constant 0 : i32
    %c0_i32_1 = arith.constant 0 : i32
    return %c0_i32, %c0_i32_0 : i32, i32
  }
  func.func @transform_4(%arg0: i32) -> (i32, i32) {
    %c0_i32 = arith.constant 0 : i32
    %c0_i32_0 = arith.constant 0 : i32
    return %arg0, %c0_i32 : i32, i32
  }
}

module attributes {stable_mosaic.version = 14 : i64} {
  func.func @_outproj_body(%arg0: i32, %arg1: memref<1280x128xf32, #tpu.memory_space<vmem>>, %arg2: memref<128x128xf32, #tpu.memory_space<vmem>>, %arg3: memref<1x128xf32, #tpu.memory_space<vmem>>, %arg4: memref<1280x128xf32, #tpu.memory_space<vmem>>) attributes {dimension_semantics = [#tpu.dimension_semantics<arbitrary>], iteration_bounds = array<i64: 10>, scalar_prefetch = 0 : i64, scratch_operands = 0 : i64, tpu.core_type = #tpu.core_type<tc>, window_params = [{transform_indices = @transform_0, window_bounds = array<i64: 1280, 128>}, {pipeline_mode = #tpu.pipeline_mode<synchronous>, transform_indices = @transform_1, window_bounds = array<i64: 128, 128>}, {pipeline_mode = #tpu.pipeline_mode<synchronous>, transform_indices = @transform_2, window_bounds = array<i64: 1, 128>}, {transform_indices = @transform_3, window_bounds = array<i64: 1280, 128>}]} {
    %get3A = arith.constant 0 : index
    %get3A_0 = arith.constant 0 : index
    %get3A_1 = vector.load %arg1[%get3A, %get3A_0] : memref<1280x128xf32, #tpu.memory_space<vmem>>, vector<1280x128xf32>
    %get3A_2 = arith.constant 0 : index
    %get3A_3 = arith.constant 0 : index
    %get3A_4 = vector.load %arg2[%get3A_2, %get3A_3] : memref<128x128xf32, #tpu.memory_space<vmem>>, vector<128x128xf32>
    %dot_general3A = arith.constant dense<0.000000e+00> : vector<1280x128xf32>
    %dot_general3A_5 = tpu.matmul %get3A_1, %get3A_4, %dot_general3A {dimension_numbers = #tpu.dot_dimension_numbers<[1], [0], [0], [1], [0, 0, 1, 1], [], []>, transpose_lhs_hint = false} : vector<1280x128xf32>, vector<128x128xf32>, vector<1280x128xf32> -> vector<1280x128xf32>
    %get3A_6 = arith.constant 0 : index
    %get3A_7 = arith.constant 0 : index
    %get3A_8 = vector.load %arg3[%get3A_6, %get3A_7] : memref<1x128xf32, #tpu.memory_space<vmem>>, vector<1x128xf32>
    %add3A = vector.broadcast %get3A_8 : vector<1x128xf32> to vector<1280x128xf32>
    %add3A_9 = arith.addf %dot_general3A_5, %add3A : vector<1280x128xf32>
    %swap3A = arith.constant 0 : index
    %swap3A_10 = arith.constant 0 : index
    %swap3A_11 = vector.load %arg4[%swap3A, %swap3A_10] : memref<1280x128xf32, #tpu.memory_space<vmem>>, vector<1280x128xf32>
    tpu.vector_store %arg4[%swap3A, %swap3A_10], %add3A_9 {strides = array<i32>} : memref<1280x128xf32, #tpu.memory_space<vmem>>, vector<1280x128xf32>,
    return
  }
  func.func @transform_0(%arg0: i32) -> (i32, i32) {
    %c0_i32 = arith.constant 0 : i32
    %c0_i32_0 = arith.constant 0 : i32
    return %arg0, %c0_i32 : i32, i32
  }
  func.func @transform_1(%arg0: i32) -> (i32, i32) {
    %c0_i32 = arith.constant 0 : i32
    %c0_i32_0 = arith.constant 0 : i32
    %c0_i32_1 = arith.constant 0 : i32
    return %c0_i32, %c0_i32_0 : i32, i32
  }
  func.func @transform_2(%arg0: i32) -> (i32, i32) {
    %c0_i32 = arith.constant 0 : i32
    %c0_i32_0 = arith.constant 0 : i32
    %c0_i32_1 = arith.constant 0 : i32
    return %c0_i32, %c0_i32_0 : i32, i32
  }
  func.func @transform_3(%arg0: i32) -> (i32, i32) {
    %c0_i32 = arith.constant 0 : i32
    %c0_i32_0 = arith.constant 0 : i32
    return %arg0, %c0_i32 : i32, i32
  }
}

module attributes {stable_mosaic.version = 14 : i64} {
  func.func @_layer_body(%arg0: i32, %arg1: memref<1xf32, #tpu.memory_space<smem>>, %arg2: memref<1280x128xf32, #tpu.memory_space<vmem>>, %arg3: memref<2x1280x128xf32, #tpu.memory_space<vmem>>, %arg4: memref<128x128xf32, #tpu.memory_space<vmem>>, %arg5: memref<1x128xf32, #tpu.memory_space<vmem>>, %arg6: memref<128x128xf32, #tpu.memory_space<vmem>>, %arg7: memref<1x128xf32, #tpu.memory_space<vmem>>, %arg8: memref<128x128xf32, #tpu.memory_space<vmem>>, %arg9: memref<1x128xf32, #tpu.memory_space<vmem>>, %arg10: memref<128x128xf32, #tpu.memory_space<vmem>>, %arg11: memref<1x128xf32, #tpu.memory_space<vmem>>, %arg12: memref<128x128xf32, #tpu.memory_space<vmem>>, %arg13: memref<1x128xf32, #tpu.memory_space<vmem>>, %arg14: memref<128x128xf32, #tpu.memory_space<vmem>>, %arg15: memref<1x128xf32, #tpu.memory_space<vmem>>, %arg16: memref<128x256xf32, #tpu.memory_space<vmem>>, %arg17: memref<1x256xf32, #tpu.memory_space<vmem>>, %arg18: memref<256x128xf32, #tpu.memory_space<vmem>>, %arg19: memref<1x128xf32, #tpu.memory_space<vmem>>, %arg20: memref<1x128xf32, #tpu.memory_space<vmem>>, %arg21: memref<1x128xf32, #tpu.memory_space<vmem>>, %arg22: memref<1x128xf32, #tpu.memory_space<vmem>>, %arg23: memref<1x128xf32, #tpu.memory_space<vmem>>, %arg24: memref<1x128xf32, #tpu.memory_space<vmem>>, %arg25: memref<1x128xf32, #tpu.memory_space<vmem>>, %arg26: memref<1280x128xf32, #tpu.memory_space<vmem>>) attributes {dimension_semantics = [#tpu.dimension_semantics<arbitrary>], iteration_bounds = array<i64: 10>, scalar_prefetch = 0 : i64, scratch_operands = 0 : i64, tpu.core_type = #tpu.core_type<tc>, window_params = [{transform_indices = @transform_0, window_bounds = array<i64: 1>}, {transform_indices = @transform_1, window_bounds = array<i64: 1280, 128>}, {transform_indices = @transform_2, window_bounds = array<i64: 2, 1280, 128>}, {pipeline_mode = #tpu.pipeline_mode<synchronous>, transform_indices = @transform_3, window_bounds = array<i64: 128, 128>}, {pipeline_mode = #tpu.pipeline_mode<synchronous>, transform_indices = @transform_4, window_bounds = array<i64: 1, 128>}, {pipeline_mode = #tpu.pipeline_mode<synchronous>, transform_indices = @transform_5, window_bounds = array<i64: 128, 128>}, {pipeline_mode = #tpu.pipeline_mode<synchronous>, transform_indices = @transform_6, window_bounds = array<i64: 1, 128>}, {pipeline_mode = #tpu.pipeline_mode<synchronous>, transform_indices = @transform_7, window_bounds = array<i64: 128, 128>}, {pipeline_mode = #tpu.pipeline_mode<synchronous>, transform_indices = @transform_8, window_bounds = array<i64: 1, 128>}, {pipeline_mode = #tpu.pipeline_mode<synchronous>, transform_indices = @transform_9, window_bounds = array<i64: 128, 128>}, {pipeline_mode = #tpu.pipeline_mode<synchronous>, transform_indices = @transform_10, window_bounds = array<i64: 1, 128>}, {pipeline_mode = #tpu.pipeline_mode<synchronous>, transform_indices = @transform_11, window_bounds = array<i64: 128, 128>}, {pipeline_mode = #tpu.pipeline_mode<synchronous>, transform_indices = @transform_12, window_bounds = array<i64: 1, 128>}, {pipeline_mode = #tpu.pipeline_mode<synchronous>, transform_indices = @transform_13, window_bounds = array<i64: 128, 128>}, {pipeline_mode = #tpu.pipeline_mode<synchronous>, transform_indices = @transform_14, window_bounds = array<i64: 1, 128>}, {pipeline_mode = #tpu.pipeline_mode<synchronous>, transform_indices = @transform_15, window_bounds = array<i64: 128, 256>}, {pipeline_mode = #tpu.pipeline_mode<synchronous>, transform_indices = @transform_16, window_bounds = array<i64: 1, 256>}, {pipeline_mode = #tpu.pipeline_mode<synchronous>, transform_indices = @transform_17, window_bounds = array<i64: 256, 128>}, {pipeline_mode = #tpu.pipeline_mode<synchronous>, transform_indices = @transform_18, window_bounds = array<i64: 1, 128>}, {pipeline_mode = #tpu.pipeline_mode<synchronous>, transform_indices = @transform_19, window_bounds = array<i64: 1, 128>}, {pipeline_mode = #tpu.pipeline_mode<synchronous>, transform_indices = @transform_20, window_bounds = array<i64: 1, 128>}, {pipeline_mode = #tpu.pipeline_mode<synchronous>, transform_indices = @transform_21, window_bounds = array<i64: 1, 128>}, {pipeline_mode = #tpu.pipeline_mode<synchronous>, transform_indices = @transform_22, window_bounds = array<i64: 1, 128>}, {pipeline_mode = #tpu.pipeline_mode<synchronous>, transform_indices = @transform_23, window_bounds = array<i64: 1, 128>}, {pipeline_mode = #tpu.pipeline_mode<synchronous>, transform_indices = @transform_24, window_bounds = array<i64: 1, 128>}, {transform_indices = @transform_25, window_bounds = array<i64: 1280, 128>}]} {
    %get3A = arith.constant 0 : index
    %get3A_0 = arith.constant 0 : index
    %get3A_1 = vector.load %arg2[%get3A, %get3A_0] : memref<1280x128xf32, #tpu.memory_space<vmem>>, vector<1280x128xf32>
    %get3A_2 = arith.constant 0 : index
    %get3A_3 = arith.constant 0 : index
    %get3A_4 = arith.constant 0 : index
    %get3A_5 = vector.load %arg3[%get3A_2, %get3A_3, %get3A_4] : memref<2x1280x128xf32, #tpu.memory_space<vmem>>, vector<1x1280x128xf32>
    %get3A_6 = vector.shape_cast %get3A_5 : vector<1x1280x128xf32> to vector<1280x128xf32>
    %get3A_7 = arith.constant 1 : index
    %get3A_8 = arith.constant 0 : index
    %get3A_9 = arith.constant 0 : index
    %get3A_10 = vector.load %arg3[%get3A_7, %get3A_8, %get3A_9] : memref<2x1280x128xf32, #tpu.memory_space<vmem>>, vector<1x1280x128xf32>
    %get3A_11 = vector.shape_cast %get3A_10 : vector<1x1280x128xf32> to vector<1280x128xf32>
    %add3A = arith.addf %get3A_6, %get3A_11 : vector<1280x128xf32>
    %get3A_12 = arith.constant 0 : index
    %get3A_13 = memref.load %arg1[%get3A_12] : memref<1xf32, #tpu.memory_space<smem>>
    %add3A_14 = arith.constant 1.000000e+00 : f32
    %add3A_15 = arith.addf %add3A_14, %get3A_13 : f32
    %mul3A = vector.broadcast %add3A_15 : f32 to vector<1280x128xf32>
    %mul3A_16 = arith.mulf %mul3A, %get3A_1 : vector<1280x128xf32>
    %add3A_17 = arith.addf %mul3A_16, %add3A : vector<1280x128xf32>
    %get3A_18 = arith.constant 0 : index
    %get3A_19 = arith.constant 0 : index
    %get3A_20 = vector.load %arg4[%get3A_18, %get3A_19] : memref<128x128xf32, #tpu.memory_space<vmem>>, vector<128x128xf32>
    %dot_general3A = arith.constant dense<0.000000e+00> : vector<1280x128xf32>
    %dot_general3A_21 = tpu.matmul %add3A_17, %get3A_20, %dot_general3A {dimension_numbers = #tpu.dot_dimension_numbers<[1], [0], [0], [1], [0, 0, 1, 1], [], []>, transpose_lhs_hint = false} : vector<1280x128xf32>, vector<128x128xf32>, vector<1280x128xf32> -> vector<1280x128xf32>
    %get3A_22 = arith.constant 0 : index
    %get3A_23 = arith.constant 0 : index
    %get3A_24 = vector.load %arg5[%get3A_22, %get3A_23] : memref<1x128xf32, #tpu.memory_space<vmem>>, vector<1x128xf32>
    %add3A_25 = vector.broadcast %get3A_24 : vector<1x128xf32> to vector<1280x128xf32>
    %add3A_26 = arith.addf %dot_general3A_21, %add3A_25 : vector<1280x128xf32>
    %max3A = arith.constant 0.000000e+00 : f32
    %max3A_27 = vector.broadcast %max3A : f32 to vector<1280x128xf32>
    %max3A_28 = arith.maximumf %add3A_26, %max3A_27 : vector<1280x128xf32>
    %get3A_29 = arith.constant 0 : index
    %get3A_30 = arith.constant 0 : index
    %get3A_31 = vector.load %arg6[%get3A_29, %get3A_30] : memref<128x128xf32, #tpu.memory_space<vmem>>, vector<128x128xf32>
    %dot_general3A_32 = arith.constant dense<0.000000e+00> : vector<1280x128xf32>
    %dot_general3A_33 = tpu.matmul %max3A_28, %get3A_31, %dot_general3A_32 {dimension_numbers = #tpu.dot_dimension_numbers<[1], [0], [0], [1], [0, 0, 1, 1], [], []>, transpose_lhs_hint = false} : vector<1280x128xf32>, vector<128x128xf32>, vector<1280x128xf32> -> vector<1280x128xf32>
    %get3A_34 = arith.constant 0 : index
    %get3A_35 = arith.constant 0 : index
    %get3A_36 = vector.load %arg7[%get3A_34, %get3A_35] : memref<1x128xf32, #tpu.memory_space<vmem>>, vector<1x128xf32>
    %add3A_37 = vector.broadcast %get3A_36 : vector<1x128xf32> to vector<1280x128xf32>
    %add3A_38 = arith.addf %dot_general3A_33, %add3A_37 : vector<1280x128xf32>
    %add3A_39 = arith.addf %add3A_38, %get3A_1 : vector<1280x128xf32>
    %get3A_40 = arith.constant 0 : index
    %get3A_41 = arith.constant 0 : index
    %get3A_42 = vector.load %arg20[%get3A_40, %get3A_41] : memref<1x128xf32, #tpu.memory_space<vmem>>, vector<1x128xf32>
    %get3A_43 = arith.constant 0 : index
    %get3A_44 = arith.constant 0 : index
    %get3A_45 = vector.load %arg21[%get3A_43, %get3A_44] : memref<1x128xf32, #tpu.memory_space<vmem>>, vector<1x128xf32>
    %reduce_sum3A = arith.constant dense<0.000000e+00> : vector<1280xf32>
    %reduce_sum3A_46 = vector.multi_reduction <add>, %add3A_39, %reduce_sum3A [1] : vector<1280x128xf32> to vector<1280xf32>
    %broadcast_in_dim3A = vector.shape_cast %reduce_sum3A_46 : vector<1280xf32> to vector<1280x1xf32>
    %div3A = arith.constant 1.280000e+02 : f32
    %div3A_47 = vector.broadcast %div3A : f32 to vector<1280x1xf32>
    %div3A_48 = arith.divf %broadcast_in_dim3A, %div3A_47 : vector<1280x1xf32>
    %jit3A = arith.constant 0 : i32
    %reduce_sum3A_49 = arith.constant dense<0.000000e+00> : vector<1280xf32>
    %reduce_sum3A_50 = vector.multi_reduction <add>, %add3A_39, %reduce_sum3A_49 [1] : vector<1280x128xf32> to vector<1280xf32>
    %broadcast_in_dim3A_51 = vector.shape_cast %reduce_sum3A_50 : vector<1280xf32> to vector<1280x1xf32>
    %div3A_52 = arith.constant 1.280000e+02 : f32
    %div3A_53 = vector.broadcast %div3A_52 : f32 to vector<1280x1xf32>
    %div3A_54 = arith.divf %broadcast_in_dim3A_51, %div3A_53 : vector<1280x1xf32>
    %sub3A = vector.broadcast %div3A_54 : vector<1280x1xf32> to vector<1280x128xf32>
    %sub3A_55 = arith.subf %add3A_39, %sub3A : vector<1280x128xf32>
    %square3A = arith.mulf %sub3A_55, %sub3A_55 : vector<1280x128xf32>
    %convert_element_type3A = arith.sitofp %jit3A : i32 to f32
    %sub3A_56 = arith.constant 1.280000e+02 : f32
    %sub3A_57 = arith.subf %sub3A_56, %convert_element_type3A : f32
    %reduce_sum3A_58 = arith.constant dense<0.000000e+00> : vector<1280xf32>
    %reduce_sum3A_59 = vector.multi_reduction <add>, %square3A, %reduce_sum3A_58 [1] : vector<1280x128xf32> to vector<1280xf32>
    %broadcast_in_dim3A_60 = vector.shape_cast %reduce_sum3A_59 : vector<1280xf32> to vector<1280x1xf32>
    %div3A_61 = vector.broadcast %sub3A_57 : f32 to vector<1280x1xf32>
    %div3A_62 = arith.divf %broadcast_in_dim3A_60, %div3A_61 : vector<1280x1xf32>
    %gt3A = arith.constant 0.000000e+00 : f32
    %gt3A_63 = arith.cmpf ogt, %sub3A_57, %gt3A : f32
    %jit3A_64 = arith.constant 0x7FC00000 : f32
    %broadcast_in_dim3A_65 = vector.broadcast %jit3A_64 : f32 to vector<1280x1xf32>
    %select_n3A = arith.select %gt3A_63, %div3A_62, %broadcast_in_dim3A_65 : vector<1280x1xf32>
    %sub3A_66 = vector.broadcast %div3A_48 : vector<1280x1xf32> to vector<1280x128xf32>
    %sub3A_67 = arith.subf %add3A_39, %sub3A_66 : vector<1280x128xf32>
    %add3A_68 = arith.constant 9.99999974E-6 : f32
    %add3A_69 = vector.broadcast %add3A_68 : f32 to vector<1280x1xf32>
    %add3A_70 = arith.addf %select_n3A, %add3A_69 : vector<1280x1xf32>
    %sqrt3A = math.sqrt %add3A_70 : vector<1280x1xf32>
    %div3A_71 = vector.broadcast %sqrt3A : vector<1280x1xf32> to vector<1280x128xf32>
    %div3A_72 = arith.divf %sub3A_67, %div3A_71 : vector<1280x128xf32>
    %mul3A_73 = vector.broadcast %get3A_42 : vector<1x128xf32> to vector<1280x128xf32>
    %mul3A_74 = arith.mulf %div3A_72, %mul3A_73 : vector<1280x128xf32>
    %add3A_75 = vector.broadcast %get3A_45 : vector<1x128xf32> to vector<1280x128xf32>
    %add3A_76 = arith.addf %mul3A_74, %add3A_75 : vector<1280x128xf32>
    %get3A_77 = arith.constant 0 : index
    %get3A_78 = arith.constant 0 : index
    %get3A_79 = vector.load %arg8[%get3A_77, %get3A_78] : memref<128x128xf32, #tpu.memory_space<vmem>>, vector<128x128xf32>
    %dot_general3A_80 = arith.constant dense<0.000000e+00> : vector<1280x128xf32>
    %dot_general3A_81 = tpu.matmul %get3A_1, %get3A_79, %dot_general3A_80 {dimension_numbers = #tpu.dot_dimension_numbers<[1], [0], [0], [1], [0, 0, 1, 1], [], []>, transpose_lhs_hint = false} : vector<1280x128xf32>, vector<128x128xf32>, vector<1280x128xf32> -> vector<1280x128xf32>
    %get3A_82 = arith.constant 0 : index
    %get3A_83 = arith.constant 0 : index
    %get3A_84 = vector.load %arg9[%get3A_82, %get3A_83] : memref<1x128xf32, #tpu.memory_space<vmem>>, vector<1x128xf32>
    %add3A_85 = vector.broadcast %get3A_84 : vector<1x128xf32> to vector<1280x128xf32>
    %add3A_86 = arith.addf %dot_general3A_81, %add3A_85 : vector<1280x128xf32>
    %get3A_87 = arith.constant 0 : index
    %get3A_88 = arith.constant 0 : index
    %get3A_89 = vector.load %arg10[%get3A_87, %get3A_88] : memref<128x128xf32, #tpu.memory_space<vmem>>, vector<128x128xf32>
    %dot_general3A_90 = arith.constant dense<0.000000e+00> : vector<1280x128xf32>
    %dot_general3A_91 = tpu.matmul %get3A_1, %get3A_89, %dot_general3A_90 {dimension_numbers = #tpu.dot_dimension_numbers<[1], [0], [0], [1], [0, 0, 1, 1], [], []>, transpose_lhs_hint = false} : vector<1280x128xf32>, vector<128x128xf32>, vector<1280x128xf32> -> vector<1280x128xf32>
    %get3A_92 = arith.constant 0 : index
    %get3A_93 = arith.constant 0 : index
    %get3A_94 = vector.load %arg11[%get3A_92, %get3A_93] : memref<1x128xf32, #tpu.memory_space<vmem>>, vector<1x128xf32>
    %add3A_95 = vector.broadcast %get3A_94 : vector<1x128xf32> to vector<1280x128xf32>
    %add3A_96 = arith.addf %dot_general3A_91, %add3A_95 : vector<1280x128xf32>
    %get3A_97 = arith.constant 0 : index
    %get3A_98 = arith.constant 0 : index
    %get3A_99 = vector.load %arg12[%get3A_97, %get3A_98] : memref<128x128xf32, #tpu.memory_space<vmem>>, vector<128x128xf32>
    %dot_general3A_100 = arith.constant dense<0.000000e+00> : vector<1280x128xf32>
    %dot_general3A_101 = tpu.matmul %get3A_1, %get3A_99, %dot_general3A_100 {dimension_numbers = #tpu.dot_dimension_numbers<[1], [0], [0], [1], [0, 0, 1, 1], [], []>, transpose_lhs_hint = false} : vector<1280x128xf32>, vector<128x128xf32>, vector<1280x128xf32> -> vector<1280x128xf32>
    %get3A_102 = arith.constant 0 : index
    %get3A_103 = arith.constant 0 : index
    %get3A_104 = vector.load %arg13[%get3A_102, %get3A_103] : memref<1x128xf32, #tpu.memory_space<vmem>>, vector<1x128xf32>
    %add3A_105 = vector.broadcast %get3A_104 : vector<1x128xf32> to vector<1280x128xf32>
    %add3A_106 = arith.addf %dot_general3A_101, %add3A_105 : vector<1280x128xf32>
    %iota3A = tpu.iota {dimensions = array<i32: 1>} : vector<128x128xi32>
    %jit3A_107 = arith.constant 32 : i32
    %div3A_108 = vector.broadcast %jit3A_107 : i32 to vector<128x128xi32>
    %div3A_109 = arith.divsi %iota3A, %div3A_108 : vector<128x128xi32>
    %sign3A = arith.constant 0 : i32
    %sign3A_110 = vector.broadcast %sign3A : i32 to vector<128x128xi32>
    %sign3A_111 = arith.cmpi sgt, %iota3A, %sign3A_110 : vector<128x128xi32>
    %sign3A_112 = arith.extui %sign3A_111 : vector<128x128xi1> to vector<128x128xi32>
    %sign3A_113 = arith.constant 0 : i32
    %sign3A_114 = vector.broadcast %sign3A_113 : i32 to vector<128x128xi32>
    %sign3A_115 = arith.cmpi slt, %iota3A, %sign3A_114 : vector<128x128xi32>
    %sign3A_116 = arith.extui %sign3A_115 : vector<128x128xi1> to vector<128x128xi32>
    %sign3A_117 = arith.subi %sign3A_112, %sign3A_116 : vector<128x128xi32>
    %sign3A_118 = arith.constant 0 : i32
    %sign3A_119 = arith.cmpi sgt, %jit3A_107, %sign3A_118 : i32
    %sign3A_120 = arith.extui %sign3A_119 : i1 to i32
    %sign3A_121 = arith.constant 0 : i32
    %sign3A_122 = arith.cmpi slt, %jit3A_107, %sign3A_121 : i32
    %sign3A_123 = arith.extui %sign3A_122 : i1 to i32
    %sign3A_124 = arith.subi %sign3A_120, %sign3A_123 : i32
    %ne3A = vector.broadcast %sign3A_124 : i32 to vector<128x128xi32>
    %ne3A_125 = arith.cmpi ne, %sign3A_117, %ne3A : vector<128x128xi32>
    %rem3A = vector.broadcast %jit3A_107 : i32 to vector<128x128xi32>
    %rem3A_126 = arith.remsi %iota3A, %rem3A : vector<128x128xi32>
    %ne3A_127 = arith.constant 0 : i32
    %ne3A_128 = vector.broadcast %ne3A_127 : i32 to vector<128x128xi32>
    %ne3A_129 = arith.cmpi ne, %rem3A_126, %ne3A_128 : vector<128x128xi32>
    %and3A = arith.andi %ne3A_125, %ne3A_129 : vector<128x128xi1>
    %sub3A_130 = arith.constant 1 : i32
    %sub3A_131 = vector.broadcast %sub3A_130 : i32 to vector<128x128xi32>
    %sub3A_132 = arith.subi %div3A_109, %sub3A_131 : vector<128x128xi32>
    %select_n3A_133 = arith.select %and3A, %sub3A_132, %div3A_109 : vector<128x128xi1>, vector<128x128xi32>
    %eq3A = arith.constant 0 : i32
    %eq3A_134 = vector.broadcast %eq3A : i32 to vector<128x128xi32>
    %eq3A_135 = arith.cmpi eq, %select_n3A_133, %eq3A_134 : vector<128x128xi32>
    %jit3A_136 = arith.constant 32 : i32
    %div3A_137 = vector.broadcast %jit3A_136 : i32 to vector<128x128xi32>
    %div3A_138 = arith.divsi %iota3A, %div3A_137 : vector<128x128xi32>
    %sign3A_139 = arith.constant 0 : i32
    %sign3A_140 = vector.broadcast %sign3A_139 : i32 to vector<128x128xi32>
    %sign3A_141 = arith.cmpi sgt, %iota3A, %sign3A_140 : vector<128x128xi32>
    %sign3A_142 = arith.extui %sign3A_141 : vector<128x128xi1> to vector<128x128xi32>
    %sign3A_143 = arith.constant 0 : i32
    %sign3A_144 = vector.broadcast %sign3A_143 : i32 to vector<128x128xi32>
    %sign3A_145 = arith.cmpi slt, %iota3A, %sign3A_144 : vector<128x128xi32>
    %sign3A_146 = arith.extui %sign3A_145 : vector<128x128xi1> to vector<128x128xi32>
    %sign3A_147 = arith.subi %sign3A_142, %sign3A_146 : vector<128x128xi32>
    %sign3A_148 = arith.constant 0 : i32
    %sign3A_149 = arith.cmpi sgt, %jit3A_136, %sign3A_148 : i32
    %sign3A_150 = arith.extui %sign3A_149 : i1 to i32
    %sign3A_151 = arith.constant 0 : i32
    %sign3A_152 = arith.cmpi slt, %jit3A_136, %sign3A_151 : i32
    %sign3A_153 = arith.extui %sign3A_152 : i1 to i32
    %sign3A_154 = arith.subi %sign3A_150, %sign3A_153 : i32
    %ne3A_155 = vector.broadcast %sign3A_154 : i32 to vector<128x128xi32>
    %ne3A_156 = arith.cmpi ne, %sign3A_147, %ne3A_155 : vector<128x128xi32>
    %rem3A_157 = vector.broadcast %jit3A_136 : i32 to vector<128x128xi32>
    %rem3A_158 = arith.remsi %iota3A, %rem3A_157 : vector<128x128xi32>
    %ne3A_159 = arith.constant 0 : i32
    %ne3A_160 = vector.broadcast %ne3A_159 : i32 to vector<128x128xi32>
    %ne3A_161 = arith.cmpi ne, %rem3A_158, %ne3A_160 : vector<128x128xi32>
    %and3A_162 = arith.andi %ne3A_156, %ne3A_161 : vector<128x128xi1>
    %sub3A_163 = arith.constant 1 : i32
    %sub3A_164 = vector.broadcast %sub3A_163 : i32 to vector<128x128xi32>
    %sub3A_165 = arith.subi %div3A_138, %sub3A_164 : vector<128x128xi32>
    %select_n3A_166 = arith.select %and3A_162, %sub3A_165, %div3A_138 : vector<128x128xi1>, vector<128x128xi32>
    %eq3A_167 = arith.constant 1 : i32
    %eq3A_168 = vector.broadcast %eq3A_167 : i32 to vector<128x128xi32>
    %eq3A_169 = arith.cmpi eq, %select_n3A_166, %eq3A_168 : vector<128x128xi32>
    %jit3A_170 = arith.constant 32 : i32
    %div3A_171 = vector.broadcast %jit3A_170 : i32 to vector<128x128xi32>
    %div3A_172 = arith.divsi %iota3A, %div3A_171 : vector<128x128xi32>
    %sign3A_173 = arith.constant 0 : i32
    %sign3A_174 = vector.broadcast %sign3A_173 : i32 to vector<128x128xi32>
    %sign3A_175 = arith.cmpi sgt, %iota3A, %sign3A_174 : vector<128x128xi32>
    %sign3A_176 = arith.extui %sign3A_175 : vector<128x128xi1> to vector<128x128xi32>
    %sign3A_177 = arith.constant 0 : i32
    %sign3A_178 = vector.broadcast %sign3A_177 : i32 to vector<128x128xi32>
    %sign3A_179 = arith.cmpi slt, %iota3A, %sign3A_178 : vector<128x128xi32>
    %sign3A_180 = arith.extui %sign3A_179 : vector<128x128xi1> to vector<128x128xi32>
    %sign3A_181 = arith.subi %sign3A_176, %sign3A_180 : vector<128x128xi32>
    %sign3A_182 = arith.constant 0 : i32
    %sign3A_183 = arith.cmpi sgt, %jit3A_170, %sign3A_182 : i32
    %sign3A_184 = arith.extui %sign3A_183 : i1 to i32
    %sign3A_185 = arith.constant 0 : i32
    %sign3A_186 = arith.cmpi slt, %jit3A_170, %sign3A_185 : i32
    %sign3A_187 = arith.extui %sign3A_186 : i1 to i32
    %sign3A_188 = arith.subi %sign3A_184, %sign3A_187 : i32
    %ne3A_189 = vector.broadcast %sign3A_188 : i32 to vector<128x128xi32>
    %ne3A_190 = arith.cmpi ne, %sign3A_181, %ne3A_189 : vector<128x128xi32>
    %rem3A_191 = vector.broadcast %jit3A_170 : i32 to vector<128x128xi32>
    %rem3A_192 = arith.remsi %iota3A, %rem3A_191 : vector<128x128xi32>
    %ne3A_193 = arith.constant 0 : i32
    %ne3A_194 = vector.broadcast %ne3A_193 : i32 to vector<128x128xi32>
    %ne3A_195 = arith.cmpi ne, %rem3A_192, %ne3A_194 : vector<128x128xi32>
    %and3A_196 = arith.andi %ne3A_190, %ne3A_195 : vector<128x128xi1>
    %sub3A_197 = arith.constant 1 : i32
    %sub3A_198 = vector.broadcast %sub3A_197 : i32 to vector<128x128xi32>
    %sub3A_199 = arith.subi %div3A_172, %sub3A_198 : vector<128x128xi32>
    %select_n3A_200 = arith.select %and3A_196, %sub3A_199, %div3A_172 : vector<128x128xi1>, vector<128x128xi32>
    %eq3A_201 = arith.constant 2 : i32
    %eq3A_202 = vector.broadcast %eq3A_201 : i32 to vector<128x128xi32>
    %eq3A_203 = arith.cmpi eq, %select_n3A_200, %eq3A_202 : vector<128x128xi32>
    %jit3A_204 = arith.constant 32 : i32
    %div3A_205 = vector.broadcast %jit3A_204 : i32 to vector<128x128xi32>
    %div3A_206 = arith.divsi %iota3A, %div3A_205 : vector<128x128xi32>
    %sign3A_207 = arith.constant 0 : i32
    %sign3A_208 = vector.broadcast %sign3A_207 : i32 to vector<128x128xi32>
    %sign3A_209 = arith.cmpi sgt, %iota3A, %sign3A_208 : vector<128x128xi32>
    %sign3A_210 = arith.extui %sign3A_209 : vector<128x128xi1> to vector<128x128xi32>
    %sign3A_211 = arith.constant 0 : i32
    %sign3A_212 = vector.broadcast %sign3A_211 : i32 to vector<128x128xi32>
    %sign3A_213 = arith.cmpi slt, %iota3A, %sign3A_212 : vector<128x128xi32>
    %sign3A_214 = arith.extui %sign3A_213 : vector<128x128xi1> to vector<128x128xi32>
    %sign3A_215 = arith.subi %sign3A_210, %sign3A_214 : vector<128x128xi32>
    %sign3A_216 = arith.constant 0 : i32
    %sign3A_217 = arith.cmpi sgt, %jit3A_204, %sign3A_216 : i32
    %sign3A_218 = arith.extui %sign3A_217 : i1 to i32
    %sign3A_219 = arith.constant 0 : i32
    %sign3A_220 = arith.cmpi slt, %jit3A_204, %sign3A_219 : i32
    %sign3A_221 = arith.extui %sign3A_220 : i1 to i32
    %sign3A_222 = arith.subi %sign3A_218, %sign3A_221 : i32
    %ne3A_223 = vector.broadcast %sign3A_222 : i32 to vector<128x128xi32>
    %ne3A_224 = arith.cmpi ne, %sign3A_215, %ne3A_223 : vector<128x128xi32>
    %rem3A_225 = vector.broadcast %jit3A_204 : i32 to vector<128x128xi32>
    %rem3A_226 = arith.remsi %iota3A, %rem3A_225 : vector<128x128xi32>
    %ne3A_227 = arith.constant 0 : i32
    %ne3A_228 = vector.broadcast %ne3A_227 : i32 to vector<128x128xi32>
    %ne3A_229 = arith.cmpi ne, %rem3A_226, %ne3A_228 : vector<128x128xi32>
    %and3A_230 = arith.andi %ne3A_224, %ne3A_229 : vector<128x128xi1>
    %sub3A_231 = arith.constant 1 : i32
    %sub3A_232 = vector.broadcast %sub3A_231 : i32 to vector<128x128xi32>
    %sub3A_233 = arith.subi %div3A_206, %sub3A_232 : vector<128x128xi32>
    %select_n3A_234 = arith.select %and3A_230, %sub3A_233, %div3A_206 : vector<128x128xi1>, vector<128x128xi32>
    %eq3A_235 = arith.constant 3 : i32
    %eq3A_236 = vector.broadcast %eq3A_235 : i32 to vector<128x128xi32>
    %eq3A_237 = arith.cmpi eq, %select_n3A_234, %eq3A_236 : vector<128x128xi32>
    %iota3A_238 = tpu.iota {dimensions = array<i32: 1>} : vector<128x128xi32>
    %ge3A = arith.constant 100 : i32
    %ge3A_239 = vector.broadcast %ge3A : i32 to vector<128x128xi32>
    %ge3A_240 = arith.cmpi sge, %iota3A_238, %ge3A_239 : vector<128x128xi32>
    %slice3A = vector.extract_strided_slice %add3A_86 {offsets = [0, 0], sizes = [128, 128], strides = [1, 1]} : vector<1280x128xf32> to vector<128x128xf32>
    %slice3A_241 = vector.extract_strided_slice %add3A_96 {offsets = [0, 0], sizes = [128, 128], strides = [1, 1]} : vector<1280x128xf32> to vector<128x128xf32>
    %slice3A_242 = vector.extract_strided_slice %add3A_106 {offsets = [0, 0], sizes = [128, 128], strides = [1, 1]} : vector<1280x128xf32> to vector<128x128xf32>
    %jit3A_243 = arith.constant 0.000000e+00 : f32
    %broadcast_in_dim3A_244 = vector.broadcast %jit3A_243 : f32 to vector<128x128xf32>
    %select_n3A_245 = arith.select %eq3A_135, %slice3A_241, %broadcast_in_dim3A_244 : vector<128x128xi1>, vector<128x128xf32>
    %dot_general3A_246 = arith.constant dense<0.000000e+00> : vector<128x128xf32>
    %dot_general3A_247 = tpu.matmul %slice3A, %select_n3A_245, %dot_general3A_246 {dimension_numbers = #tpu.dot_dimension_numbers<[1], [1], [0], [0], [0, 0, 1, 0], [], []>, transpose_lhs_hint = false} : vector<128x128xf32>, vector<128x128xf32>, vector<128x128xf32> -> vector<128x128xf32>
    %mul3A_248 = arith.constant 0.176776692 : f32
    %mul3A_249 = vector.broadcast %mul3A_248 : f32 to vector<128x128xf32>
    %mul3A_250 = arith.mulf %dot_general3A_247, %mul3A_249 : vector<128x128xf32>
    %jit3A_251 = arith.constant -1.000000e+30 : f32
    %broadcast_in_dim3A_252 = vector.broadcast %jit3A_251 : f32 to vector<128x128xf32>
    %select_n3A_253 = arith.select %ge3A_240, %broadcast_in_dim3A_252, %mul3A_250 : vector<128x128xi1>, vector<128x128xf32>
    %reduce_max3A = arith.constant dense<0xFF800000> : vector<128xf32>
    %reduce_max3A_254 = vector.multi_reduction <maximumf>, %select_n3A_253, %reduce_max3A [1] : vector<128x128xf32> to vector<128xf32>
    %broadcast_in_dim3A_255 = vector.shape_cast %reduce_max3A_254 : vector<128xf32> to vector<128x1xf32>
    %sub3A_256 = vector.broadcast %broadcast_in_dim3A_255 : vector<128x1xf32> to vector<128x128xf32>
    %sub3A_257 = arith.subf %select_n3A_253, %sub3A_256 : vector<128x128xf32>
    %exp3A = math.exp %sub3A_257 : vector<128x128xf32>
    %reduce_sum3A_258 = arith.constant dense<0.000000e+00> : vector<128xf32>
    %reduce_sum3A_259 = vector.multi_reduction <add>, %exp3A, %reduce_sum3A_258 [1] : vector<128x128xf32> to vector<128xf32>
    %broadcast_in_dim3A_260 = vector.shape_cast %reduce_sum3A_259 : vector<128xf32> to vector<128x1xf32>
    %div3A_261 = vector.broadcast %broadcast_in_dim3A_260 : vector<128x1xf32> to vector<128x128xf32>
    %div3A_262 = arith.divf %exp3A, %div3A_261 : vector<128x128xf32>
    %jit3A_263 = arith.constant 0.000000e+00 : f32
    %broadcast_in_dim3A_264 = vector.broadcast %jit3A_263 : f32 to vector<128x128xf32>
    %select_n3A_265 = arith.select %eq3A_135, %slice3A_242, %broadcast_in_dim3A_264 : vector<128x128xi1>, vector<128x128xf32>
    %dot_general3A_266 = arith.constant dense<0.000000e+00> : vector<128x128xf32>
    %dot_general3A_267 = tpu.matmul %div3A_262, %select_n3A_265, %dot_general3A_266 {dimension_numbers = #tpu.dot_dimension_numbers<[1], [0], [0], [1], [0, 0, 1, 1], [], []>, transpose_lhs_hint = false} : vector<128x128xf32>, vector<128x128xf32>, vector<128x128xf32> -> vector<128x128xf32>
    %jit3A_268 = arith.constant 0.000000e+00 : f32
    %broadcast_in_dim3A_269 = vector.broadcast %jit3A_268 : f32 to vector<128x128xf32>
    %select_n3A_270 = arith.select %eq3A_169, %slice3A_241, %broadcast_in_dim3A_269 : vector<128x128xi1>, vector<128x128xf32>
    %dot_general3A_271 = arith.constant dense<0.000000e+00> : vector<128x128xf32>
    %dot_general3A_272 = tpu.matmul %slice3A, %select_n3A_270, %dot_general3A_271 {dimension_numbers = #tpu.dot_dimension_numbers<[1], [1], [0], [0], [0, 0, 1, 0], [], []>, transpose_lhs_hint = false} : vector<128x128xf32>, vector<128x128xf32>, vector<128x128xf32> -> vector<128x128xf32>
    %mul3A_273 = arith.constant 0.176776692 : f32
    %mul3A_274 = vector.broadcast %mul3A_273 : f32 to vector<128x128xf32>
    %mul3A_275 = arith.mulf %dot_general3A_272, %mul3A_274 : vector<128x128xf32>
    %jit3A_276 = arith.constant -1.000000e+30 : f32
    %broadcast_in_dim3A_277 = vector.broadcast %jit3A_276 : f32 to vector<128x128xf32>
    %select_n3A_278 = arith.select %ge3A_240, %broadcast_in_dim3A_277, %mul3A_275 : vector<128x128xi1>, vector<128x128xf32>
    %reduce_max3A_279 = arith.constant dense<0xFF800000> : vector<128xf32>
    %reduce_max3A_280 = vector.multi_reduction <maximumf>, %select_n3A_278, %reduce_max3A_279 [1] : vector<128x128xf32> to vector<128xf32>
    %broadcast_in_dim3A_281 = vector.shape_cast %reduce_max3A_280 : vector<128xf32> to vector<128x1xf32>
    %sub3A_282 = vector.broadcast %broadcast_in_dim3A_281 : vector<128x1xf32> to vector<128x128xf32>
    %sub3A_283 = arith.subf %select_n3A_278, %sub3A_282 : vector<128x128xf32>
    %exp3A_284 = math.exp %sub3A_283 : vector<128x128xf32>
    %reduce_sum3A_285 = arith.constant dense<0.000000e+00> : vector<128xf32>
    %reduce_sum3A_286 = vector.multi_reduction <add>, %exp3A_284, %reduce_sum3A_285 [1] : vector<128x128xf32> to vector<128xf32>
    %broadcast_in_dim3A_287 = vector.shape_cast %reduce_sum3A_286 : vector<128xf32> to vector<128x1xf32>
    %div3A_288 = vector.broadcast %broadcast_in_dim3A_287 : vector<128x1xf32> to vector<128x128xf32>
    %div3A_289 = arith.divf %exp3A_284, %div3A_288 : vector<128x128xf32>
    %jit3A_290 = arith.constant 0.000000e+00 : f32
    %broadcast_in_dim3A_291 = vector.broadcast %jit3A_290 : f32 to vector<128x128xf32>
    %select_n3A_292 = arith.select %eq3A_169, %slice3A_242, %broadcast_in_dim3A_291 : vector<128x128xi1>, vector<128x128xf32>
    %dot_general3A_293 = arith.constant dense<0.000000e+00> : vector<128x128xf32>
    %dot_general3A_294 = tpu.matmul %div3A_289, %select_n3A_292, %dot_general3A_293 {dimension_numbers = #tpu.dot_dimension_numbers<[1], [0], [0], [1], [0, 0, 1, 1], [], []>, transpose_lhs_hint = false} : vector<128x128xf32>, vector<128x128xf32>, vector<128x128xf32> -> vector<128x128xf32>
    %add3A_295 = arith.addf %dot_general3A_267, %dot_general3A_294 : vector<128x128xf32>
    %jit3A_296 = arith.constant 0.000000e+00 : f32
    %broadcast_in_dim3A_297 = vector.broadcast %jit3A_296 : f32 to vector<128x128xf32>
    %select_n3A_298 = arith.select %eq3A_203, %slice3A_241, %broadcast_in_dim3A_297 : vector<128x128xi1>, vector<128x128xf32>
    %dot_general3A_299 = arith.constant dense<0.000000e+00> : vector<128x128xf32>
    %dot_general3A_300 = tpu.matmul %slice3A, %select_n3A_298, %dot_general3A_299 {dimension_numbers = #tpu.dot_dimension_numbers<[1], [1], [0], [0], [0, 0, 1, 0], [], []>, transpose_lhs_hint = false} : vector<128x128xf32>, vector<128x128xf32>, vector<128x128xf32> -> vector<128x128xf32>
    %mul3A_301 = arith.constant 0.176776692 : f32
    %mul3A_302 = vector.broadcast %mul3A_301 : f32 to vector<128x128xf32>
    %mul3A_303 = arith.mulf %dot_general3A_300, %mul3A_302 : vector<128x128xf32>
    %jit3A_304 = arith.constant -1.000000e+30 : f32
    %broadcast_in_dim3A_305 = vector.broadcast %jit3A_304 : f32 to vector<128x128xf32>
    %select_n3A_306 = arith.select %ge3A_240, %broadcast_in_dim3A_305, %mul3A_303 : vector<128x128xi1>, vector<128x128xf32>
    %reduce_max3A_307 = arith.constant dense<0xFF800000> : vector<128xf32>
    %reduce_max3A_308 = vector.multi_reduction <maximumf>, %select_n3A_306, %reduce_max3A_307 [1] : vector<128x128xf32> to vector<128xf32>
    %broadcast_in_dim3A_309 = vector.shape_cast %reduce_max3A_308 : vector<128xf32> to vector<128x1xf32>
    %sub3A_310 = vector.broadcast %broadcast_in_dim3A_309 : vector<128x1xf32> to vector<128x128xf32>
    %sub3A_311 = arith.subf %select_n3A_306, %sub3A_310 : vector<128x128xf32>
    %exp3A_312 = math.exp %sub3A_311 : vector<128x128xf32>
    %reduce_sum3A_313 = arith.constant dense<0.000000e+00> : vector<128xf32>
    %reduce_sum3A_314 = vector.multi_reduction <add>, %exp3A_312, %reduce_sum3A_313 [1] : vector<128x128xf32> to vector<128xf32>
    %broadcast_in_dim3A_315 = vector.shape_cast %reduce_sum3A_314 : vector<128xf32> to vector<128x1xf32>
    %div3A_316 = vector.broadcast %broadcast_in_dim3A_315 : vector<128x1xf32> to vector<128x128xf32>
    %div3A_317 = arith.divf %exp3A_312, %div3A_316 : vector<128x128xf32>
    %jit3A_318 = arith.constant 0.000000e+00 : f32
    %broadcast_in_dim3A_319 = vector.broadcast %jit3A_318 : f32 to vector<128x128xf32>
    %select_n3A_320 = arith.select %eq3A_203, %slice3A_242, %broadcast_in_dim3A_319 : vector<128x128xi1>, vector<128x128xf32>
    %dot_general3A_321 = arith.constant dense<0.000000e+00> : vector<128x128xf32>
    %dot_general3A_322 = tpu.matmul %div3A_317, %select_n3A_320, %dot_general3A_321 {dimension_numbers = #tpu.dot_dimension_numbers<[1], [0], [0], [1], [0, 0, 1, 1], [], []>, transpose_lhs_hint = false} : vector<128x128xf32>, vector<128x128xf32>, vector<128x128xf32> -> vector<128x128xf32>
    %add3A_323 = arith.addf %add3A_295, %dot_general3A_322 : vector<128x128xf32>
    %jit3A_324 = arith.constant 0.000000e+00 : f32
    %broadcast_in_dim3A_325 = vector.broadcast %jit3A_324 : f32 to vector<128x128xf32>
    %select_n3A_326 = arith.select %eq3A_237, %slice3A_241, %broadcast_in_dim3A_325 : vector<128x128xi1>, vector<128x128xf32>
    %dot_general3A_327 = arith.constant dense<0.000000e+00> : vector<128x128xf32>
    %dot_general3A_328 = tpu.matmul %slice3A, %select_n3A_326, %dot_general3A_327 {dimension_numbers = #tpu.dot_dimension_numbers<[1], [1], [0], [0], [0, 0, 1, 0], [], []>, transpose_lhs_hint = false} : vector<128x128xf32>, vector<128x128xf32>, vector<128x128xf32> -> vector<128x128xf32>
    %mul3A_329 = arith.constant 0.176776692 : f32
    %mul3A_330 = vector.broadcast %mul3A_329 : f32 to vector<128x128xf32>
    %mul3A_331 = arith.mulf %dot_general3A_328, %mul3A_330 : vector<128x128xf32>
    %jit3A_332 = arith.constant -1.000000e+30 : f32
    %broadcast_in_dim3A_333 = vector.broadcast %jit3A_332 : f32 to vector<128x128xf32>
    %select_n3A_334 = arith.select %ge3A_240, %broadcast_in_dim3A_333, %mul3A_331 : vector<128x128xi1>, vector<128x128xf32>
    %reduce_max3A_335 = arith.constant dense<0xFF800000> : vector<128xf32>
    %reduce_max3A_336 = vector.multi_reduction <maximumf>, %select_n3A_334, %reduce_max3A_335 [1] : vector<128x128xf32> to vector<128xf32>
    %broadcast_in_dim3A_337 = vector.shape_cast %reduce_max3A_336 : vector<128xf32> to vector<128x1xf32>
    %sub3A_338 = vector.broadcast %broadcast_in_dim3A_337 : vector<128x1xf32> to vector<128x128xf32>
    %sub3A_339 = arith.subf %select_n3A_334, %sub3A_338 : vector<128x128xf32>
    %exp3A_340 = math.exp %sub3A_339 : vector<128x128xf32>
    %reduce_sum3A_341 = arith.constant dense<0.000000e+00> : vector<128xf32>
    %reduce_sum3A_342 = vector.multi_reduction <add>, %exp3A_340, %reduce_sum3A_341 [1] : vector<128x128xf32> to vector<128xf32>
    %broadcast_in_dim3A_343 = vector.shape_cast %reduce_sum3A_342 : vector<128xf32> to vector<128x1xf32>
    %div3A_344 = vector.broadcast %broadcast_in_dim3A_343 : vector<128x1xf32> to vector<128x128xf32>
    %div3A_345 = arith.divf %exp3A_340, %div3A_344 : vector<128x128xf32>
    %jit3A_346 = arith.constant 0.000000e+00 : f32
    %broadcast_in_dim3A_347 = vector.broadcast %jit3A_346 : f32 to vector<128x128xf32>
    %select_n3A_348 = arith.select %eq3A_237, %slice3A_242, %broadcast_in_dim3A_347 : vector<128x128xi1>, vector<128x128xf32>
    %dot_general3A_349 = arith.constant dense<0.000000e+00> : vector<128x128xf32>
    %dot_general3A_350 = tpu.matmul %div3A_345, %select_n3A_348, %dot_general3A_349 {dimension_numbers = #tpu.dot_dimension_numbers<[1], [0], [0], [1], [0, 0, 1, 1], [], []>, transpose_lhs_hint = false} : vector<128x128xf32>, vector<128x128xf32>, vector<128x128xf32> -> vector<128x128xf32>
    %add3A_351 = arith.addf %add3A_323, %dot_general3A_350 : vector<128x128xf32>
    %slice3A_352 = vector.extract_strided_slice %add3A_86 {offsets = [128, 0], sizes = [128, 128], strides = [1, 1]} : vector<1280x128xf32> to vector<128x128xf32>
    %slice3A_353 = vector.extract_strided_slice %add3A_96 {offsets = [128, 0], sizes = [128, 128], strides = [1, 1]} : vector<1280x128xf32> to vector<128x128xf32>
    %slice3A_354 = vector.extract_strided_slice %add3A_106 {offsets = [128, 0], sizes = [128, 128], strides = [1, 1]} : vector<1280x128xf32> to vector<128x128xf32>
    %jit3A_355 = arith.constant 0.000000e+00 : f32
    %broadcast_in_dim3A_356 = vector.broadcast %jit3A_355 : f32 to vector<128x128xf32>
    %select_n3A_357 = arith.select %eq3A_135, %slice3A_353, %broadcast_in_dim3A_356 : vector<128x128xi1>, vector<128x128xf32>
    %dot_general3A_358 = arith.constant dense<0.000000e+00> : vector<128x128xf32>
    %dot_general3A_359 = tpu.matmul %slice3A_352, %select_n3A_357, %dot_general3A_358 {dimension_numbers = #tpu.dot_dimension_numbers<[1], [1], [0], [0], [0, 0, 1, 0], [], []>, transpose_lhs_hint = false} : vector<128x128xf32>, vector<128x128xf32>, vector<128x128xf32> -> vector<128x128xf32>
    %mul3A_360 = arith.constant 0.176776692 : f32
    %mul3A_361 = vector.broadcast %mul3A_360 : f32 to vector<128x128xf32>
    %mul3A_362 = arith.mulf %dot_general3A_359, %mul3A_361 : vector<128x128xf32>
    %jit3A_363 = arith.constant -1.000000e+30 : f32
    %broadcast_in_dim3A_364 = vector.broadcast %jit3A_363 : f32 to vector<128x128xf32>
    %select_n3A_365 = arith.select %ge3A_240, %broadcast_in_dim3A_364, %mul3A_362 : vector<128x128xi1>, vector<128x128xf32>
    %reduce_max3A_366 = arith.constant dense<0xFF800000> : vector<128xf32>
    %reduce_max3A_367 = vector.multi_reduction <maximumf>, %select_n3A_365, %reduce_max3A_366 [1] : vector<128x128xf32> to vector<128xf32>
    %broadcast_in_dim3A_368 = vector.shape_cast %reduce_max3A_367 : vector<128xf32> to vector<128x1xf32>
    %sub3A_369 = vector.broadcast %broadcast_in_dim3A_368 : vector<128x1xf32> to vector<128x128xf32>
    %sub3A_370 = arith.subf %select_n3A_365, %sub3A_369 : vector<128x128xf32>
    %exp3A_371 = math.exp %sub3A_370 : vector<128x128xf32>
    %reduce_sum3A_372 = arith.constant dense<0.000000e+00> : vector<128xf32>
    %reduce_sum3A_373 = vector.multi_reduction <add>, %exp3A_371, %reduce_sum3A_372 [1] : vector<128x128xf32> to vector<128xf32>
    %broadcast_in_dim3A_374 = vector.shape_cast %reduce_sum3A_373 : vector<128xf32> to vector<128x1xf32>
    %div3A_375 = vector.broadcast %broadcast_in_dim3A_374 : vector<128x1xf32> to vector<128x128xf32>
    %div3A_376 = arith.divf %exp3A_371, %div3A_375 : vector<128x128xf32>
    %jit3A_377 = arith.constant 0.000000e+00 : f32
    %broadcast_in_dim3A_378 = vector.broadcast %jit3A_377 : f32 to vector<128x128xf32>
    %select_n3A_379 = arith.select %eq3A_135, %slice3A_354, %broadcast_in_dim3A_378 : vector<128x128xi1>, vector<128x128xf32>
    %dot_general3A_380 = arith.constant dense<0.000000e+00> : vector<128x128xf32>
    %dot_general3A_381 = tpu.matmul %div3A_376, %select_n3A_379, %dot_general3A_380 {dimension_numbers = #tpu.dot_dimension_numbers<[1], [0], [0], [1], [0, 0, 1, 1], [], []>, transpose_lhs_hint = false} : vector<128x128xf32>, vector<128x128xf32>, vector<128x128xf32> -> vector<128x128xf32>
    %jit3A_382 = arith.constant 0.000000e+00 : f32
    %broadcast_in_dim3A_383 = vector.broadcast %jit3A_382 : f32 to vector<128x128xf32>
    %select_n3A_384 = arith.select %eq3A_169, %slice3A_353, %broadcast_in_dim3A_383 : vector<128x128xi1>, vector<128x128xf32>
    %dot_general3A_385 = arith.constant dense<0.000000e+00> : vector<128x128xf32>
    %dot_general3A_386 = tpu.matmul %slice3A_352, %select_n3A_384, %dot_general3A_385 {dimension_numbers = #tpu.dot_dimension_numbers<[1], [1], [0], [0], [0, 0, 1, 0], [], []>, transpose_lhs_hint = false} : vector<128x128xf32>, vector<128x128xf32>, vector<128x128xf32> -> vector<128x128xf32>
    %mul3A_387 = arith.constant 0.176776692 : f32
    %mul3A_388 = vector.broadcast %mul3A_387 : f32 to vector<128x128xf32>
    %mul3A_389 = arith.mulf %dot_general3A_386, %mul3A_388 : vector<128x128xf32>
    %jit3A_390 = arith.constant -1.000000e+30 : f32
    %broadcast_in_dim3A_391 = vector.broadcast %jit3A_390 : f32 to vector<128x128xf32>
    %select_n3A_392 = arith.select %ge3A_240, %broadcast_in_dim3A_391, %mul3A_389 : vector<128x128xi1>, vector<128x128xf32>
    %reduce_max3A_393 = arith.constant dense<0xFF800000> : vector<128xf32>
    %reduce_max3A_394 = vector.multi_reduction <maximumf>, %select_n3A_392, %reduce_max3A_393 [1] : vector<128x128xf32> to vector<128xf32>
    %broadcast_in_dim3A_395 = vector.shape_cast %reduce_max3A_394 : vector<128xf32> to vector<128x1xf32>
    %sub3A_396 = vector.broadcast %broadcast_in_dim3A_395 : vector<128x1xf32> to vector<128x128xf32>
    %sub3A_397 = arith.subf %select_n3A_392, %sub3A_396 : vector<128x128xf32>
    %exp3A_398 = math.exp %sub3A_397 : vector<128x128xf32>
    %reduce_sum3A_399 = arith.constant dense<0.000000e+00> : vector<128xf32>
    %reduce_sum3A_400 = vector.multi_reduction <add>, %exp3A_398, %reduce_sum3A_399 [1] : vector<128x128xf32> to vector<128xf32>
    %broadcast_in_dim3A_401 = vector.shape_cast %reduce_sum3A_400 : vector<128xf32> to vector<128x1xf32>
    %div3A_402 = vector.broadcast %broadcast_in_dim3A_401 : vector<128x1xf32> to vector<128x128xf32>
    %div3A_403 = arith.divf %exp3A_398, %div3A_402 : vector<128x128xf32>
    %jit3A_404 = arith.constant 0.000000e+00 : f32
    %broadcast_in_dim3A_405 = vector.broadcast %jit3A_404 : f32 to vector<128x128xf32>
    %select_n3A_406 = arith.select %eq3A_169, %slice3A_354, %broadcast_in_dim3A_405 : vector<128x128xi1>, vector<128x128xf32>
    %dot_general3A_407 = arith.constant dense<0.000000e+00> : vector<128x128xf32>
    %dot_general3A_408 = tpu.matmul %div3A_403, %select_n3A_406, %dot_general3A_407 {dimension_numbers = #tpu.dot_dimension_numbers<[1], [0], [0], [1], [0, 0, 1, 1], [], []>, transpose_lhs_hint = false} : vector<128x128xf32>, vector<128x128xf32>, vector<128x128xf32> -> vector<128x128xf32>
    %add3A_409 = arith.addf %dot_general3A_381, %dot_general3A_408 : vector<128x128xf32>
    %jit3A_410 = arith.constant 0.000000e+00 : f32
    %broadcast_in_dim3A_411 = vector.broadcast %jit3A_410 : f32 to vector<128x128xf32>
    %select_n3A_412 = arith.select %eq3A_203, %slice3A_353, %broadcast_in_dim3A_411 : vector<128x128xi1>, vector<128x128xf32>
    %dot_general3A_413 = arith.constant dense<0.000000e+00> : vector<128x128xf32>
    %dot_general3A_414 = tpu.matmul %slice3A_352, %select_n3A_412, %dot_general3A_413 {dimension_numbers = #tpu.dot_dimension_numbers<[1], [1], [0], [0], [0, 0, 1, 0], [], []>, transpose_lhs_hint = false} : vector<128x128xf32>, vector<128x128xf32>, vector<128x128xf32> -> vector<128x128xf32>
    %mul3A_415 = arith.constant 0.176776692 : f32
    %mul3A_416 = vector.broadcast %mul3A_415 : f32 to vector<128x128xf32>
    %mul3A_417 = arith.mulf %dot_general3A_414, %mul3A_416 : vector<128x128xf32>
    %jit3A_418 = arith.constant -1.000000e+30 : f32
    %broadcast_in_dim3A_419 = vector.broadcast %jit3A_418 : f32 to vector<128x128xf32>
    %select_n3A_420 = arith.select %ge3A_240, %broadcast_in_dim3A_419, %mul3A_417 : vector<128x128xi1>, vector<128x128xf32>
    %reduce_max3A_421 = arith.constant dense<0xFF800000> : vector<128xf32>
    %reduce_max3A_422 = vector.multi_reduction <maximumf>, %select_n3A_420, %reduce_max3A_421 [1] : vector<128x128xf32> to vector<128xf32>
    %broadcast_in_dim3A_423 = vector.shape_cast %reduce_max3A_422 : vector<128xf32> to vector<128x1xf32>
    %sub3A_424 = vector.broadcast %broadcast_in_dim3A_423 : vector<128x1xf32> to vector<128x128xf32>
    %sub3A_425 = arith.subf %select_n3A_420, %sub3A_424 : vector<128x128xf32>
    %exp3A_426 = math.exp %sub3A_425 : vector<128x128xf32>
    %reduce_sum3A_427 = arith.constant dense<0.000000e+00> : vector<128xf32>
    %reduce_sum3A_428 = vector.multi_reduction <add>, %exp3A_426, %reduce_sum3A_427 [1] : vector<128x128xf32> to vector<128xf32>
    %broadcast_in_dim3A_429 = vector.shape_cast %reduce_sum3A_428 : vector<128xf32> to vector<128x1xf32>
    %div3A_430 = vector.broadcast %broadcast_in_dim3A_429 : vector<128x1xf32> to vector<128x128xf32>
    %div3A_431 = arith.divf %exp3A_426, %div3A_430 : vector<128x128xf32>
    %jit3A_432 = arith.constant 0.000000e+00 : f32
    %broadcast_in_dim3A_433 = vector.broadcast %jit3A_432 : f32 to vector<128x128xf32>
    %select_n3A_434 = arith.select %eq3A_203, %slice3A_354, %broadcast_in_dim3A_433 : vector<128x128xi1>, vector<128x128xf32>
    %dot_general3A_435 = arith.constant dense<0.000000e+00> : vector<128x128xf32>
    %dot_general3A_436 = tpu.matmul %div3A_431, %select_n3A_434, %dot_general3A_435 {dimension_numbers = #tpu.dot_dimension_numbers<[1], [0], [0], [1], [0, 0, 1, 1], [], []>, transpose_lhs_hint = false} : vector<128x128xf32>, vector<128x128xf32>, vector<128x128xf32> -> vector<128x128xf32>
    %add3A_437 = arith.addf %add3A_409, %dot_general3A_436 : vector<128x128xf32>
    %jit3A_438 = arith.constant 0.000000e+00 : f32
    %broadcast_in_dim3A_439 = vector.broadcast %jit3A_438 : f32 to vector<128x128xf32>
    %select_n3A_440 = arith.select %eq3A_237, %slice3A_353, %broadcast_in_dim3A_439 : vector<128x128xi1>, vector<128x128xf32>
    %dot_general3A_441 = arith.constant dense<0.000000e+00> : vector<128x128xf32>
    %dot_general3A_442 = tpu.matmul %slice3A_352, %select_n3A_440, %dot_general3A_441 {dimension_numbers = #tpu.dot_dimension_numbers<[1], [1], [0], [0], [0, 0, 1, 0], [], []>, transpose_lhs_hint = false} : vector<128x128xf32>, vector<128x128xf32>, vector<128x128xf32> -> vector<128x128xf32>
    %mul3A_443 = arith.constant 0.176776692 : f32
    %mul3A_444 = vector.broadcast %mul3A_443 : f32 to vector<128x128xf32>
    %mul3A_445 = arith.mulf %dot_general3A_442, %mul3A_444 : vector<128x128xf32>
    %jit3A_446 = arith.constant -1.000000e+30 : f32
    %broadcast_in_dim3A_447 = vector.broadcast %jit3A_446 : f32 to vector<128x128xf32>
    %select_n3A_448 = arith.select %ge3A_240, %broadcast_in_dim3A_447, %mul3A_445 : vector<128x128xi1>, vector<128x128xf32>
    %reduce_max3A_449 = arith.constant dense<0xFF800000> : vector<128xf32>
    %reduce_max3A_450 = vector.multi_reduction <maximumf>, %select_n3A_448, %reduce_max3A_449 [1] : vector<128x128xf32> to vector<128xf32>
    %broadcast_in_dim3A_451 = vector.shape_cast %reduce_max3A_450 : vector<128xf32> to vector<128x1xf32>
    %sub3A_452 = vector.broadcast %broadcast_in_dim3A_451 : vector<128x1xf32> to vector<128x128xf32>
    %sub3A_453 = arith.subf %select_n3A_448, %sub3A_452 : vector<128x128xf32>
    %exp3A_454 = math.exp %sub3A_453 : vector<128x128xf32>
    %reduce_sum3A_455 = arith.constant dense<0.000000e+00> : vector<128xf32>
    %reduce_sum3A_456 = vector.multi_reduction <add>, %exp3A_454, %reduce_sum3A_455 [1] : vector<128x128xf32> to vector<128xf32>
    %broadcast_in_dim3A_457 = vector.shape_cast %reduce_sum3A_456 : vector<128xf32> to vector<128x1xf32>
    %div3A_458 = vector.broadcast %broadcast_in_dim3A_457 : vector<128x1xf32> to vector<128x128xf32>
    %div3A_459 = arith.divf %exp3A_454, %div3A_458 : vector<128x128xf32>
    %jit3A_460 = arith.constant 0.000000e+00 : f32
    %broadcast_in_dim3A_461 = vector.broadcast %jit3A_460 : f32 to vector<128x128xf32>
    %select_n3A_462 = arith.select %eq3A_237, %slice3A_354, %broadcast_in_dim3A_461 : vector<128x128xi1>, vector<128x128xf32>
    %dot_general3A_463 = arith.constant dense<0.000000e+00> : vector<128x128xf32>
    %dot_general3A_464 = tpu.matmul %div3A_459, %select_n3A_462, %dot_general3A_463 {dimension_numbers = #tpu.dot_dimension_numbers<[1], [0], [0], [1], [0, 0, 1, 1], [], []>, transpose_lhs_hint = false} : vector<128x128xf32>, vector<128x128xf32>, vector<128x128xf32> -> vector<128x128xf32>
    %add3A_465 = arith.addf %add3A_437, %dot_general3A_464 : vector<128x128xf32>
    %slice3A_466 = vector.extract_strided_slice %add3A_86 {offsets = [256, 0], sizes = [128, 128], strides = [1, 1]} : vector<1280x128xf32> to vector<128x128xf32>
    %slice3A_467 = vector.extract_strided_slice %add3A_96 {offsets = [256, 0], sizes = [128, 128], strides = [1, 1]} : vector<1280x128xf32> to vector<128x128xf32>
    %slice3A_468 = vector.extract_strided_slice %add3A_106 {offsets = [256, 0], sizes = [128, 128], strides = [1, 1]} : vector<1280x128xf32> to vector<128x128xf32>
    %jit3A_469 = arith.constant 0.000000e+00 : f32
    %broadcast_in_dim3A_470 = vector.broadcast %jit3A_469 : f32 to vector<128x128xf32>
    %select_n3A_471 = arith.select %eq3A_135, %slice3A_467, %broadcast_in_dim3A_470 : vector<128x128xi1>, vector<128x128xf32>
    %dot_general3A_472 = arith.constant dense<0.000000e+00> : vector<128x128xf32>
    %dot_general3A_473 = tpu.matmul %slice3A_466, %select_n3A_471, %dot_general3A_472 {dimension_numbers = #tpu.dot_dimension_numbers<[1], [1], [0], [0], [0, 0, 1, 0], [], []>, transpose_lhs_hint = false} : vector<128x128xf32>, vector<128x128xf32>, vector<128x128xf32> -> vector<128x128xf32>
    %mul3A_474 = arith.constant 0.176776692 : f32
    %mul3A_475 = vector.broadcast %mul3A_474 : f32 to vector<128x128xf32>
    %mul3A_476 = arith.mulf %dot_general3A_473, %mul3A_475 : vector<128x128xf32>
    %jit3A_477 = arith.constant -1.000000e+30 : f32
    %broadcast_in_dim3A_478 = vector.broadcast %jit3A_477 : f32 to vector<128x128xf32>
    %select_n3A_479 = arith.select %ge3A_240, %broadcast_in_dim3A_478, %mul3A_476 : vector<128x128xi1>, vector<128x128xf32>
    %reduce_max3A_480 = arith.constant dense<0xFF800000> : vector<128xf32>
    %reduce_max3A_481 = vector.multi_reduction <maximumf>, %select_n3A_479, %reduce_max3A_480 [1] : vector<128x128xf32> to vector<128xf32>
    %broadcast_in_dim3A_482 = vector.shape_cast %reduce_max3A_481 : vector<128xf32> to vector<128x1xf32>
    %sub3A_483 = vector.broadcast %broadcast_in_dim3A_482 : vector<128x1xf32> to vector<128x128xf32>
    %sub3A_484 = arith.subf %select_n3A_479, %sub3A_483 : vector<128x128xf32>
    %exp3A_485 = math.exp %sub3A_484 : vector<128x128xf32>
    %reduce_sum3A_486 = arith.constant dense<0.000000e+00> : vector<128xf32>
    %reduce_sum3A_487 = vector.multi_reduction <add>, %exp3A_485, %reduce_sum3A_486 [1] : vector<128x128xf32> to vector<128xf32>
    %broadcast_in_dim3A_488 = vector.shape_cast %reduce_sum3A_487 : vector<128xf32> to vector<128x1xf32>
    %div3A_489 = vector.broadcast %broadcast_in_dim3A_488 : vector<128x1xf32> to vector<128x128xf32>
    %div3A_490 = arith.divf %exp3A_485, %div3A_489 : vector<128x128xf32>
    %jit3A_491 = arith.constant 0.000000e+00 : f32
    %broadcast_in_dim3A_492 = vector.broadcast %jit3A_491 : f32 to vector<128x128xf32>
    %select_n3A_493 = arith.select %eq3A_135, %slice3A_468, %broadcast_in_dim3A_492 : vector<128x128xi1>, vector<128x128xf32>
    %dot_general3A_494 = arith.constant dense<0.000000e+00> : vector<128x128xf32>
    %dot_general3A_495 = tpu.matmul %div3A_490, %select_n3A_493, %dot_general3A_494 {dimension_numbers = #tpu.dot_dimension_numbers<[1], [0], [0], [1], [0, 0, 1, 1], [], []>, transpose_lhs_hint = false} : vector<128x128xf32>, vector<128x128xf32>, vector<128x128xf32> -> vector<128x128xf32>
    %jit3A_496 = arith.constant 0.000000e+00 : f32
    %broadcast_in_dim3A_497 = vector.broadcast %jit3A_496 : f32 to vector<128x128xf32>
    %select_n3A_498 = arith.select %eq3A_169, %slice3A_467, %broadcast_in_dim3A_497 : vector<128x128xi1>, vector<128x128xf32>
    %dot_general3A_499 = arith.constant dense<0.000000e+00> : vector<128x128xf32>
    %dot_general3A_500 = tpu.matmul %slice3A_466, %select_n3A_498, %dot_general3A_499 {dimension_numbers = #tpu.dot_dimension_numbers<[1], [1], [0], [0], [0, 0, 1, 0], [], []>, transpose_lhs_hint = false} : vector<128x128xf32>, vector<128x128xf32>, vector<128x128xf32> -> vector<128x128xf32>
    %mul3A_501 = arith.constant 0.176776692 : f32
    %mul3A_502 = vector.broadcast %mul3A_501 : f32 to vector<128x128xf32>
    %mul3A_503 = arith.mulf %dot_general3A_500, %mul3A_502 : vector<128x128xf32>
    %jit3A_504 = arith.constant -1.000000e+30 : f32
    %broadcast_in_dim3A_505 = vector.broadcast %jit3A_504 : f32 to vector<128x128xf32>
    %select_n3A_506 = arith.select %ge3A_240, %broadcast_in_dim3A_505, %mul3A_503 : vector<128x128xi1>, vector<128x128xf32>
    %reduce_max3A_507 = arith.constant dense<0xFF800000> : vector<128xf32>
    %reduce_max3A_508 = vector.multi_reduction <maximumf>, %select_n3A_506, %reduce_max3A_507 [1] : vector<128x128xf32> to vector<128xf32>
    %broadcast_in_dim3A_509 = vector.shape_cast %reduce_max3A_508 : vector<128xf32> to vector<128x1xf32>
    %sub3A_510 = vector.broadcast %broadcast_in_dim3A_509 : vector<128x1xf32> to vector<128x128xf32>
    %sub3A_511 = arith.subf %select_n3A_506, %sub3A_510 : vector<128x128xf32>
    %exp3A_512 = math.exp %sub3A_511 : vector<128x128xf32>
    %reduce_sum3A_513 = arith.constant dense<0.000000e+00> : vector<128xf32>
    %reduce_sum3A_514 = vector.multi_reduction <add>, %exp3A_512, %reduce_sum3A_513 [1] : vector<128x128xf32> to vector<128xf32>
    %broadcast_in_dim3A_515 = vector.shape_cast %reduce_sum3A_514 : vector<128xf32> to vector<128x1xf32>
    %div3A_516 = vector.broadcast %broadcast_in_dim3A_515 : vector<128x1xf32> to vector<128x128xf32>
    %div3A_517 = arith.divf %exp3A_512, %div3A_516 : vector<128x128xf32>
    %jit3A_518 = arith.constant 0.000000e+00 : f32
    %broadcast_in_dim3A_519 = vector.broadcast %jit3A_518 : f32 to vector<128x128xf32>
    %select_n3A_520 = arith.select %eq3A_169, %slice3A_468, %broadcast_in_dim3A_519 : vector<128x128xi1>, vector<128x128xf32>
    %dot_general3A_521 = arith.constant dense<0.000000e+00> : vector<128x128xf32>
    %dot_general3A_522 = tpu.matmul %div3A_517, %select_n3A_520, %dot_general3A_521 {dimension_numbers = #tpu.dot_dimension_numbers<[1], [0], [0], [1], [0, 0, 1, 1], [], []>, transpose_lhs_hint = false} : vector<128x128xf32>, vector<128x128xf32>, vector<128x128xf32> -> vector<128x128xf32>
    %add3A_523 = arith.addf %dot_general3A_495, %dot_general3A_522 : vector<128x128xf32>
    %jit3A_524 = arith.constant 0.000000e+00 : f32
    %broadcast_in_dim3A_525 = vector.broadcast %jit3A_524 : f32 to vector<128x128xf32>
    %select_n3A_526 = arith.select %eq3A_203, %slice3A_467, %broadcast_in_dim3A_525 : vector<128x128xi1>, vector<128x128xf32>
    %dot_general3A_527 = arith.constant dense<0.000000e+00> : vector<128x128xf32>
    %dot_general3A_528 = tpu.matmul %slice3A_466, %select_n3A_526, %dot_general3A_527 {dimension_numbers = #tpu.dot_dimension_numbers<[1], [1], [0], [0], [0, 0, 1, 0], [], []>, transpose_lhs_hint = false} : vector<128x128xf32>, vector<128x128xf32>, vector<128x128xf32> -> vector<128x128xf32>
    %mul3A_529 = arith.constant 0.176776692 : f32
    %mul3A_530 = vector.broadcast %mul3A_529 : f32 to vector<128x128xf32>
    %mul3A_531 = arith.mulf %dot_general3A_528, %mul3A_530 : vector<128x128xf32>
    %jit3A_532 = arith.constant -1.000000e+30 : f32
    %broadcast_in_dim3A_533 = vector.broadcast %jit3A_532 : f32 to vector<128x128xf32>
    %select_n3A_534 = arith.select %ge3A_240, %broadcast_in_dim3A_533, %mul3A_531 : vector<128x128xi1>, vector<128x128xf32>
    %reduce_max3A_535 = arith.constant dense<0xFF800000> : vector<128xf32>
    %reduce_max3A_536 = vector.multi_reduction <maximumf>, %select_n3A_534, %reduce_max3A_535 [1] : vector<128x128xf32> to vector<128xf32>
    %broadcast_in_dim3A_537 = vector.shape_cast %reduce_max3A_536 : vector<128xf32> to vector<128x1xf32>
    %sub3A_538 = vector.broadcast %broadcast_in_dim3A_537 : vector<128x1xf32> to vector<128x128xf32>
    %sub3A_539 = arith.subf %select_n3A_534, %sub3A_538 : vector<128x128xf32>
    %exp3A_540 = math.exp %sub3A_539 : vector<128x128xf32>
    %reduce_sum3A_541 = arith.constant dense<0.000000e+00> : vector<128xf32>
    %reduce_sum3A_542 = vector.multi_reduction <add>, %exp3A_540, %reduce_sum3A_541 [1] : vector<128x128xf32> to vector<128xf32>
    %broadcast_in_dim3A_543 = vector.shape_cast %reduce_sum3A_542 : vector<128xf32> to vector<128x1xf32>
    %div3A_544 = vector.broadcast %broadcast_in_dim3A_543 : vector<128x1xf32> to vector<128x128xf32>
    %div3A_545 = arith.divf %exp3A_540, %div3A_544 : vector<128x128xf32>
    %jit3A_546 = arith.constant 0.000000e+00 : f32
    %broadcast_in_dim3A_547 = vector.broadcast %jit3A_546 : f32 to vector<128x128xf32>
    %select_n3A_548 = arith.select %eq3A_203, %slice3A_468, %broadcast_in_dim3A_547 : vector<128x128xi1>, vector<128x128xf32>
    %dot_general3A_549 = arith.constant dense<0.000000e+00> : vector<128x128xf32>
    %dot_general3A_550 = tpu.matmul %div3A_545, %select_n3A_548, %dot_general3A_549 {dimension_numbers = #tpu.dot_dimension_numbers<[1], [0], [0], [1], [0, 0, 1, 1], [], []>, transpose_lhs_hint = false} : vector<128x128xf32>, vector<128x128xf32>, vector<128x128xf32> -> vector<128x128xf32>
    %add3A_551 = arith.addf %add3A_523, %dot_general3A_550 : vector<128x128xf32>
    %jit3A_552 = arith.constant 0.000000e+00 : f32
    %broadcast_in_dim3A_553 = vector.broadcast %jit3A_552 : f32 to vector<128x128xf32>
    %select_n3A_554 = arith.select %eq3A_237, %slice3A_467, %broadcast_in_dim3A_553 : vector<128x128xi1>, vector<128x128xf32>
    %dot_general3A_555 = arith.constant dense<0.000000e+00> : vector<128x128xf32>
    %dot_general3A_556 = tpu.matmul %slice3A_466, %select_n3A_554, %dot_general3A_555 {dimension_numbers = #tpu.dot_dimension_numbers<[1], [1], [0], [0], [0, 0, 1, 0], [], []>, transpose_lhs_hint = false} : vector<128x128xf32>, vector<128x128xf32>, vector<128x128xf32> -> vector<128x128xf32>
    %mul3A_557 = arith.constant 0.176776692 : f32
    %mul3A_558 = vector.broadcast %mul3A_557 : f32 to vector<128x128xf32>
    %mul3A_559 = arith.mulf %dot_general3A_556, %mul3A_558 : vector<128x128xf32>
    %jit3A_560 = arith.constant -1.000000e+30 : f32
    %broadcast_in_dim3A_561 = vector.broadcast %jit3A_560 : f32 to vector<128x128xf32>
    %select_n3A_562 = arith.select %ge3A_240, %broadcast_in_dim3A_561, %mul3A_559 : vector<128x128xi1>, vector<128x128xf32>
    %reduce_max3A_563 = arith.constant dense<0xFF800000> : vector<128xf32>
    %reduce_max3A_564 = vector.multi_reduction <maximumf>, %select_n3A_562, %reduce_max3A_563 [1] : vector<128x128xf32> to vector<128xf32>
    %broadcast_in_dim3A_565 = vector.shape_cast %reduce_max3A_564 : vector<128xf32> to vector<128x1xf32>
    %sub3A_566 = vector.broadcast %broadcast_in_dim3A_565 : vector<128x1xf32> to vector<128x128xf32>
    %sub3A_567 = arith.subf %select_n3A_562, %sub3A_566 : vector<128x128xf32>
    %exp3A_568 = math.exp %sub3A_567 : vector<128x128xf32>
    %reduce_sum3A_569 = arith.constant dense<0.000000e+00> : vector<128xf32>
    %reduce_sum3A_570 = vector.multi_reduction <add>, %exp3A_568, %reduce_sum3A_569 [1] : vector<128x128xf32> to vector<128xf32>
    %broadcast_in_dim3A_571 = vector.shape_cast %reduce_sum3A_570 : vector<128xf32> to vector<128x1xf32>
    %div3A_572 = vector.broadcast %broadcast_in_dim3A_571 : vector<128x1xf32> to vector<128x128xf32>
    %div3A_573 = arith.divf %exp3A_568, %div3A_572 : vector<128x128xf32>
    %jit3A_574 = arith.constant 0.000000e+00 : f32
    %broadcast_in_dim3A_575 = vector.broadcast %jit3A_574 : f32 to vector<128x128xf32>
    %select_n3A_576 = arith.select %eq3A_237, %slice3A_468, %broadcast_in_dim3A_575 : vector<128x128xi1>, vector<128x128xf32>
    %dot_general3A_577 = arith.constant dense<0.000000e+00> : vector<128x128xf32>
    %dot_general3A_578 = tpu.matmul %div3A_573, %select_n3A_576, %dot_general3A_577 {dimension_numbers = #tpu.dot_dimension_numbers<[1], [0], [0], [1], [0, 0, 1, 1], [], []>, transpose_lhs_hint = false} : vector<128x128xf32>, vector<128x128xf32>, vector<128x128xf32> -> vector<128x128xf32>
    %add3A_579 = arith.addf %add3A_551, %dot_general3A_578 : vector<128x128xf32>
    %slice3A_580 = vector.extract_strided_slice %add3A_86 {offsets = [384, 0], sizes = [128, 128], strides = [1, 1]} : vector<1280x128xf32> to vector<128x128xf32>
    %slice3A_581 = vector.extract_strided_slice %add3A_96 {offsets = [384, 0], sizes = [128, 128], strides = [1, 1]} : vector<1280x128xf32> to vector<128x128xf32>
    %slice3A_582 = vector.extract_strided_slice %add3A_106 {offsets = [384, 0], sizes = [128, 128], strides = [1, 1]} : vector<1280x128xf32> to vector<128x128xf32>
    %jit3A_583 = arith.constant 0.000000e+00 : f32
    %broadcast_in_dim3A_584 = vector.broadcast %jit3A_583 : f32 to vector<128x128xf32>
    %select_n3A_585 = arith.select %eq3A_135, %slice3A_581, %broadcast_in_dim3A_584 : vector<128x128xi1>, vector<128x128xf32>
    %dot_general3A_586 = arith.constant dense<0.000000e+00> : vector<128x128xf32>
    %dot_general3A_587 = tpu.matmul %slice3A_580, %select_n3A_585, %dot_general3A_586 {dimension_numbers = #tpu.dot_dimension_numbers<[1], [1], [0], [0], [0, 0, 1, 0], [], []>, transpose_lhs_hint = false} : vector<128x128xf32>, vector<128x128xf32>, vector<128x128xf32> -> vector<128x128xf32>
    %mul3A_588 = arith.constant 0.176776692 : f32
    %mul3A_589 = vector.broadcast %mul3A_588 : f32 to vector<128x128xf32>
    %mul3A_590 = arith.mulf %dot_general3A_587, %mul3A_589 : vector<128x128xf32>
    %jit3A_591 = arith.constant -1.000000e+30 : f32
    %broadcast_in_dim3A_592 = vector.broadcast %jit3A_591 : f32 to vector<128x128xf32>
    %select_n3A_593 = arith.select %ge3A_240, %broadcast_in_dim3A_592, %mul3A_590 : vector<128x128xi1>, vector<128x128xf32>
    %reduce_max3A_594 = arith.constant dense<0xFF800000> : vector<128xf32>
    %reduce_max3A_595 = vector.multi_reduction <maximumf>, %select_n3A_593, %reduce_max3A_594 [1] : vector<128x128xf32> to vector<128xf32>
    %broadcast_in_dim3A_596 = vector.shape_cast %reduce_max3A_595 : vector<128xf32> to vector<128x1xf32>
    %sub3A_597 = vector.broadcast %broadcast_in_dim3A_596 : vector<128x1xf32> to vector<128x128xf32>
    %sub3A_598 = arith.subf %select_n3A_593, %sub3A_597 : vector<128x128xf32>
    %exp3A_599 = math.exp %sub3A_598 : vector<128x128xf32>
    %reduce_sum3A_600 = arith.constant dense<0.000000e+00> : vector<128xf32>
    %reduce_sum3A_601 = vector.multi_reduction <add>, %exp3A_599, %reduce_sum3A_600 [1] : vector<128x128xf32> to vector<128xf32>
    %broadcast_in_dim3A_602 = vector.shape_cast %reduce_sum3A_601 : vector<128xf32> to vector<128x1xf32>
    %div3A_603 = vector.broadcast %broadcast_in_dim3A_602 : vector<128x1xf32> to vector<128x128xf32>
    %div3A_604 = arith.divf %exp3A_599, %div3A_603 : vector<128x128xf32>
    %jit3A_605 = arith.constant 0.000000e+00 : f32
    %broadcast_in_dim3A_606 = vector.broadcast %jit3A_605 : f32 to vector<128x128xf32>
    %select_n3A_607 = arith.select %eq3A_135, %slice3A_582, %broadcast_in_dim3A_606 : vector<128x128xi1>, vector<128x128xf32>
    %dot_general3A_608 = arith.constant dense<0.000000e+00> : vector<128x128xf32>
    %dot_general3A_609 = tpu.matmul %div3A_604, %select_n3A_607, %dot_general3A_608 {dimension_numbers = #tpu.dot_dimension_numbers<[1], [0], [0], [1], [0, 0, 1, 1], [], []>, transpose_lhs_hint = false} : vector<128x128xf32>, vector<128x128xf32>, vector<128x128xf32> -> vector<128x128xf32>
    %jit3A_610 = arith.constant 0.000000e+00 : f32
    %broadcast_in_dim3A_611 = vector.broadcast %jit3A_610 : f32 to vector<128x128xf32>
    %select_n3A_612 = arith.select %eq3A_169, %slice3A_581, %broadcast_in_dim3A_611 : vector<128x128xi1>, vector<128x128xf32>
    %dot_general3A_613 = arith.constant dense<0.000000e+00> : vector<128x128xf32>
    %dot_general3A_614 = tpu.matmul %slice3A_580, %select_n3A_612, %dot_general3A_613 {dimension_numbers = #tpu.dot_dimension_numbers<[1], [1], [0], [0], [0, 0, 1, 0], [], []>, transpose_lhs_hint = false} : vector<128x128xf32>, vector<128x128xf32>, vector<128x128xf32> -> vector<128x128xf32>
    %mul3A_615 = arith.constant 0.176776692 : f32
    %mul3A_616 = vector.broadcast %mul3A_615 : f32 to vector<128x128xf32>
    %mul3A_617 = arith.mulf %dot_general3A_614, %mul3A_616 : vector<128x128xf32>
    %jit3A_618 = arith.constant -1.000000e+30 : f32
    %broadcast_in_dim3A_619 = vector.broadcast %jit3A_618 : f32 to vector<128x128xf32>
    %select_n3A_620 = arith.select %ge3A_240, %broadcast_in_dim3A_619, %mul3A_617 : vector<128x128xi1>, vector<128x128xf32>
    %reduce_max3A_621 = arith.constant dense<0xFF800000> : vector<128xf32>
    %reduce_max3A_622 = vector.multi_reduction <maximumf>, %select_n3A_620, %reduce_max3A_621 [1] : vector<128x128xf32> to vector<128xf32>
    %broadcast_in_dim3A_623 = vector.shape_cast %reduce_max3A_622 : vector<128xf32> to vector<128x1xf32>
    %sub3A_624 = vector.broadcast %broadcast_in_dim3A_623 : vector<128x1xf32> to vector<128x128xf32>
    %sub3A_625 = arith.subf %select_n3A_620, %sub3A_624 : vector<128x128xf32>
    %exp3A_626 = math.exp %sub3A_625 : vector<128x128xf32>
    %reduce_sum3A_627 = arith.constant dense<0.000000e+00> : vector<128xf32>
    %reduce_sum3A_628 = vector.multi_reduction <add>, %exp3A_626, %reduce_sum3A_627 [1] : vector<128x128xf32> to vector<128xf32>
    %broadcast_in_dim3A_629 = vector.shape_cast %reduce_sum3A_628 : vector<128xf32> to vector<128x1xf32>
    %div3A_630 = vector.broadcast %broadcast_in_dim3A_629 : vector<128x1xf32> to vector<128x128xf32>
    %div3A_631 = arith.divf %exp3A_626, %div3A_630 : vector<128x128xf32>
    %jit3A_632 = arith.constant 0.000000e+00 : f32
    %broadcast_in_dim3A_633 = vector.broadcast %jit3A_632 : f32 to vector<128x128xf32>
    %select_n3A_634 = arith.select %eq3A_169, %slice3A_582, %broadcast_in_dim3A_633 : vector<128x128xi1>, vector<128x128xf32>
    %dot_general3A_635 = arith.constant dense<0.000000e+00> : vector<128x128xf32>
    %dot_general3A_636 = tpu.matmul %div3A_631, %select_n3A_634, %dot_general3A_635 {dimension_numbers = #tpu.dot_dimension_numbers<[1], [0], [0], [1], [0, 0, 1, 1], [], []>, transpose_lhs_hint = false} : vector<128x128xf32>, vector<128x128xf32>, vector<128x128xf32> -> vector<128x128xf32>
    %add3A_637 = arith.addf %dot_general3A_609, %dot_general3A_636 : vector<128x128xf32>
    %jit3A_638 = arith.constant 0.000000e+00 : f32
    %broadcast_in_dim3A_639 = vector.broadcast %jit3A_638 : f32 to vector<128x128xf32>
    %select_n3A_640 = arith.select %eq3A_203, %slice3A_581, %broadcast_in_dim3A_639 : vector<128x128xi1>, vector<128x128xf32>
    %dot_general3A_641 = arith.constant dense<0.000000e+00> : vector<128x128xf32>
    %dot_general3A_642 = tpu.matmul %slice3A_580, %select_n3A_640, %dot_general3A_641 {dimension_numbers = #tpu.dot_dimension_numbers<[1], [1], [0], [0], [0, 0, 1, 0], [], []>, transpose_lhs_hint = false} : vector<128x128xf32>, vector<128x128xf32>, vector<128x128xf32> -> vector<128x128xf32>
    %mul3A_643 = arith.constant 0.176776692 : f32
    %mul3A_644 = vector.broadcast %mul3A_643 : f32 to vector<128x128xf32>
    %mul3A_645 = arith.mulf %dot_general3A_642, %mul3A_644 : vector<128x128xf32>
    %jit3A_646 = arith.constant -1.000000e+30 : f32
    %broadcast_in_dim3A_647 = vector.broadcast %jit3A_646 : f32 to vector<128x128xf32>
    %select_n3A_648 = arith.select %ge3A_240, %broadcast_in_dim3A_647, %mul3A_645 : vector<128x128xi1>, vector<128x128xf32>
    %reduce_max3A_649 = arith.constant dense<0xFF800000> : vector<128xf32>
    %reduce_max3A_650 = vector.multi_reduction <maximumf>, %select_n3A_648, %reduce_max3A_649 [1] : vector<128x128xf32> to vector<128xf32>
    %broadcast_in_dim3A_651 = vector.shape_cast %reduce_max3A_650 : vector<128xf32> to vector<128x1xf32>
    %sub3A_652 = vector.broadcast %broadcast_in_dim3A_651 : vector<128x1xf32> to vector<128x128xf32>
    %sub3A_653 = arith.subf %select_n3A_648, %sub3A_652 : vector<128x128xf32>
    %exp3A_654 = math.exp %sub3A_653 : vector<128x128xf32>
    %reduce_sum3A_655 = arith.constant dense<0.000000e+00> : vector<128xf32>
    %reduce_sum3A_656 = vector.multi_reduction <add>, %exp3A_654, %reduce_sum3A_655 [1] : vector<128x128xf32> to vector<128xf32>
    %broadcast_in_dim3A_657 = vector.shape_cast %reduce_sum3A_656 : vector<128xf32> to vector<128x1xf32>
    %div3A_658 = vector.broadcast %broadcast_in_dim3A_657 : vector<128x1xf32> to vector<128x128xf32>
    %div3A_659 = arith.divf %exp3A_654, %div3A_658 : vector<128x128xf32>
    %jit3A_660 = arith.constant 0.000000e+00 : f32
    %broadcast_in_dim3A_661 = vector.broadcast %jit3A_660 : f32 to vector<128x128xf32>
    %select_n3A_662 = arith.select %eq3A_203, %slice3A_582, %broadcast_in_dim3A_661 : vector<128x128xi1>, vector<128x128xf32>
    %dot_general3A_663 = arith.constant dense<0.000000e+00> : vector<128x128xf32>
    %dot_general3A_664 = tpu.matmul %div3A_659, %select_n3A_662, %dot_general3A_663 {dimension_numbers = #tpu.dot_dimension_numbers<[1], [0], [0], [1], [0, 0, 1, 1], [], []>, transpose_lhs_hint = false} : vector<128x128xf32>, vector<128x128xf32>, vector<128x128xf32> -> vector<128x128xf32>
    %add3A_665 = arith.addf %add3A_637, %dot_general3A_664 : vector<128x128xf32>
    %jit3A_666 = arith.constant 0.000000e+00 : f32
    %broadcast_in_dim3A_667 = vector.broadcast %jit3A_666 : f32 to vector<128x128xf32>
    %select_n3A_668 = arith.select %eq3A_237, %slice3A_581, %broadcast_in_dim3A_667 : vector<128x128xi1>, vector<128x128xf32>
    %dot_general3A_669 = arith.constant dense<0.000000e+00> : vector<128x128xf32>
    %dot_general3A_670 = tpu.matmul %slice3A_580, %select_n3A_668, %dot_general3A_669 {dimension_numbers = #tpu.dot_dimension_numbers<[1], [1], [0], [0], [0, 0, 1, 0], [], []>, transpose_lhs_hint = false} : vector<128x128xf32>, vector<128x128xf32>, vector<128x128xf32> -> vector<128x128xf32>
    %mul3A_671 = arith.constant 0.176776692 : f32
    %mul3A_672 = vector.broadcast %mul3A_671 : f32 to vector<128x128xf32>
    %mul3A_673 = arith.mulf %dot_general3A_670, %mul3A_672 : vector<128x128xf32>
    %jit3A_674 = arith.constant -1.000000e+30 : f32
    %broadcast_in_dim3A_675 = vector.broadcast %jit3A_674 : f32 to vector<128x128xf32>
    %select_n3A_676 = arith.select %ge3A_240, %broadcast_in_dim3A_675, %mul3A_673 : vector<128x128xi1>, vector<128x128xf32>
    %reduce_max3A_677 = arith.constant dense<0xFF800000> : vector<128xf32>
    %reduce_max3A_678 = vector.multi_reduction <maximumf>, %select_n3A_676, %reduce_max3A_677 [1] : vector<128x128xf32> to vector<128xf32>
    %broadcast_in_dim3A_679 = vector.shape_cast %reduce_max3A_678 : vector<128xf32> to vector<128x1xf32>
    %sub3A_680 = vector.broadcast %broadcast_in_dim3A_679 : vector<128x1xf32> to vector<128x128xf32>
    %sub3A_681 = arith.subf %select_n3A_676, %sub3A_680 : vector<128x128xf32>
    %exp3A_682 = math.exp %sub3A_681 : vector<128x128xf32>
    %reduce_sum3A_683 = arith.constant dense<0.000000e+00> : vector<128xf32>
    %reduce_sum3A_684 = vector.multi_reduction <add>, %exp3A_682, %reduce_sum3A_683 [1] : vector<128x128xf32> to vector<128xf32>
    %broadcast_in_dim3A_685 = vector.shape_cast %reduce_sum3A_684 : vector<128xf32> to vector<128x1xf32>
    %div3A_686 = vector.broadcast %broadcast_in_dim3A_685 : vector<128x1xf32> to vector<128x128xf32>
    %div3A_687 = arith.divf %exp3A_682, %div3A_686 : vector<128x128xf32>
    %jit3A_688 = arith.constant 0.000000e+00 : f32
    %broadcast_in_dim3A_689 = vector.broadcast %jit3A_688 : f32 to vector<128x128xf32>
    %select_n3A_690 = arith.select %eq3A_237, %slice3A_582, %broadcast_in_dim3A_689 : vector<128x128xi1>, vector<128x128xf32>
    %dot_general3A_691 = arith.constant dense<0.000000e+00> : vector<128x128xf32>
    %dot_general3A_692 = tpu.matmul %div3A_687, %select_n3A_690, %dot_general3A_691 {dimension_numbers = #tpu.dot_dimension_numbers<[1], [0], [0], [1], [0, 0, 1, 1], [], []>, transpose_lhs_hint = false} : vector<128x128xf32>, vector<128x128xf32>, vector<128x128xf32> -> vector<128x128xf32>
    %add3A_693 = arith.addf %add3A_665, %dot_general3A_692 : vector<128x128xf32>
    %slice3A_694 = vector.extract_strided_slice %add3A_86 {offsets = [512, 0], sizes = [128, 128], strides = [1, 1]} : vector<1280x128xf32> to vector<128x128xf32>
    %slice3A_695 = vector.extract_strided_slice %add3A_96 {offsets = [512, 0], sizes = [128, 128], strides = [1, 1]} : vector<1280x128xf32> to vector<128x128xf32>
    %slice3A_696 = vector.extract_strided_slice %add3A_106 {offsets = [512, 0], sizes = [128, 128], strides = [1, 1]} : vector<1280x128xf32> to vector<128x128xf32>
    %jit3A_697 = arith.constant 0.000000e+00 : f32
    %broadcast_in_dim3A_698 = vector.broadcast %jit3A_697 : f32 to vector<128x128xf32>
    %select_n3A_699 = arith.select %eq3A_135, %slice3A_695, %broadcast_in_dim3A_698 : vector<128x128xi1>, vector<128x128xf32>
    %dot_general3A_700 = arith.constant dense<0.000000e+00> : vector<128x128xf32>
    %dot_general3A_701 = tpu.matmul %slice3A_694, %select_n3A_699, %dot_general3A_700 {dimension_numbers = #tpu.dot_dimension_numbers<[1], [1], [0], [0], [0, 0, 1, 0], [], []>, transpose_lhs_hint = false} : vector<128x128xf32>, vector<128x128xf32>, vector<128x128xf32> -> vector<128x128xf32>
    %mul3A_702 = arith.constant 0.176776692 : f32
    %mul3A_703 = vector.broadcast %mul3A_702 : f32 to vector<128x128xf32>
    %mul3A_704 = arith.mulf %dot_general3A_701, %mul3A_703 : vector<128x128xf32>
    %jit3A_705 = arith.constant -1.000000e+30 : f32
    %broadcast_in_dim3A_706 = vector.broadcast %jit3A_705 : f32 to vector<128x128xf32>
    %select_n3A_707 = arith.select %ge3A_240, %broadcast_in_dim3A_706, %mul3A_704 : vector<128x128xi1>, vector<128x128xf32>
    %reduce_max3A_708 = arith.constant dense<0xFF800000> : vector<128xf32>
    %reduce_max3A_709 = vector.multi_reduction <maximumf>, %select_n3A_707, %reduce_max3A_708 [1] : vector<128x128xf32> to vector<128xf32>
    %broadcast_in_dim3A_710 = vector.shape_cast %reduce_max3A_709 : vector<128xf32> to vector<128x1xf32>
    %sub3A_711 = vector.broadcast %broadcast_in_dim3A_710 : vector<128x1xf32> to vector<128x128xf32>
    %sub3A_712 = arith.subf %select_n3A_707, %sub3A_711 : vector<128x128xf32>
    %exp3A_713 = math.exp %sub3A_712 : vector<128x128xf32>
    %reduce_sum3A_714 = arith.constant dense<0.000000e+00> : vector<128xf32>
    %reduce_sum3A_715 = vector.multi_reduction <add>, %exp3A_713, %reduce_sum3A_714 [1] : vector<128x128xf32> to vector<128xf32>
    %broadcast_in_dim3A_716 = vector.shape_cast %reduce_sum3A_715 : vector<128xf32> to vector<128x1xf32>
    %div3A_717 = vector.broadcast %broadcast_in_dim3A_716 : vector<128x1xf32> to vector<128x128xf32>
    %div3A_718 = arith.divf %exp3A_713, %div3A_717 : vector<128x128xf32>
    %jit3A_719 = arith.constant 0.000000e+00 : f32
    %broadcast_in_dim3A_720 = vector.broadcast %jit3A_719 : f32 to vector<128x128xf32>
    %select_n3A_721 = arith.select %eq3A_135, %slice3A_696, %broadcast_in_dim3A_720 : vector<128x128xi1>, vector<128x128xf32>
    %dot_general3A_722 = arith.constant dense<0.000000e+00> : vector<128x128xf32>
    %dot_general3A_723 = tpu.matmul %div3A_718, %select_n3A_721, %dot_general3A_722 {dimension_numbers = #tpu.dot_dimension_numbers<[1], [0], [0], [1], [0, 0, 1, 1], [], []>, transpose_lhs_hint = false} : vector<128x128xf32>, vector<128x128xf32>, vector<128x128xf32> -> vector<128x128xf32>
    %jit3A_724 = arith.constant 0.000000e+00 : f32
    %broadcast_in_dim3A_725 = vector.broadcast %jit3A_724 : f32 to vector<128x128xf32>
    %select_n3A_726 = arith.select %eq3A_169, %slice3A_695, %broadcast_in_dim3A_725 : vector<128x128xi1>, vector<128x128xf32>
    %dot_general3A_727 = arith.constant dense<0.000000e+00> : vector<128x128xf32>
    %dot_general3A_728 = tpu.matmul %slice3A_694, %select_n3A_726, %dot_general3A_727 {dimension_numbers = #tpu.dot_dimension_numbers<[1], [1], [0], [0], [0, 0, 1, 0], [], []>, transpose_lhs_hint = false} : vector<128x128xf32>, vector<128x128xf32>, vector<128x128xf32> -> vector<128x128xf32>
    %mul3A_729 = arith.constant 0.176776692 : f32
    %mul3A_730 = vector.broadcast %mul3A_729 : f32 to vector<128x128xf32>
    %mul3A_731 = arith.mulf %dot_general3A_728, %mul3A_730 : vector<128x128xf32>
    %jit3A_732 = arith.constant -1.000000e+30 : f32
    %broadcast_in_dim3A_733 = vector.broadcast %jit3A_732 : f32 to vector<128x128xf32>
    %select_n3A_734 = arith.select %ge3A_240, %broadcast_in_dim3A_733, %mul3A_731 : vector<128x128xi1>, vector<128x128xf32>
    %reduce_max3A_735 = arith.constant dense<0xFF800000> : vector<128xf32>
    %reduce_max3A_736 = vector.multi_reduction <maximumf>, %select_n3A_734, %reduce_max3A_735 [1] : vector<128x128xf32> to vector<128xf32>
    %broadcast_in_dim3A_737 = vector.shape_cast %reduce_max3A_736 : vector<128xf32> to vector<128x1xf32>
    %sub3A_738 = vector.broadcast %broadcast_in_dim3A_737 : vector<128x1xf32> to vector<128x128xf32>
    %sub3A_739 = arith.subf %select_n3A_734, %sub3A_738 : vector<128x128xf32>
    %exp3A_740 = math.exp %sub3A_739 : vector<128x128xf32>
    %reduce_sum3A_741 = arith.constant dense<0.000000e+00> : vector<128xf32>
    %reduce_sum3A_742 = vector.multi_reduction <add>, %exp3A_740, %reduce_sum3A_741 [1] : vector<128x128xf32> to vector<128xf32>
    %broadcast_in_dim3A_743 = vector.shape_cast %reduce_sum3A_742 : vector<128xf32> to vector<128x1xf32>
    %div3A_744 = vector.broadcast %broadcast_in_dim3A_743 : vector<128x1xf32> to vector<128x128xf32>
    %div3A_745 = arith.divf %exp3A_740, %div3A_744 : vector<128x128xf32>
    %jit3A_746 = arith.constant 0.000000e+00 : f32
    %broadcast_in_dim3A_747 = vector.broadcast %jit3A_746 : f32 to vector<128x128xf32>
    %select_n3A_748 = arith.select %eq3A_169, %slice3A_696, %broadcast_in_dim3A_747 : vector<128x128xi1>, vector<128x128xf32>
    %dot_general3A_749 = arith.constant dense<0.000000e+00> : vector<128x128xf32>
    %dot_general3A_750 = tpu.matmul %div3A_745, %select_n3A_748, %dot_general3A_749 {dimension_numbers = #tpu.dot_dimension_numbers<[1], [0], [0], [1], [0, 0, 1, 1], [], []>, transpose_lhs_hint = false} : vector<128x128xf32>, vector<128x128xf32>, vector<128x128xf32> -> vector<128x128xf32>
    %add3A_751 = arith.addf %dot_general3A_723, %dot_general3A_750 : vector<128x128xf32>
    %jit3A_752 = arith.constant 0.000000e+00 : f32
    %broadcast_in_dim3A_753 = vector.broadcast %jit3A_752 : f32 to vector<128x128xf32>
    %select_n3A_754 = arith.select %eq3A_203, %slice3A_695, %broadcast_in_dim3A_753 : vector<128x128xi1>, vector<128x128xf32>
    %dot_general3A_755 = arith.constant dense<0.000000e+00> : vector<128x128xf32>
    %dot_general3A_756 = tpu.matmul %slice3A_694, %select_n3A_754, %dot_general3A_755 {dimension_numbers = #tpu.dot_dimension_numbers<[1], [1], [0], [0], [0, 0, 1, 0], [], []>, transpose_lhs_hint = false} : vector<128x128xf32>, vector<128x128xf32>, vector<128x128xf32> -> vector<128x128xf32>
    %mul3A_757 = arith.constant 0.176776692 : f32
    %mul3A_758 = vector.broadcast %mul3A_757 : f32 to vector<128x128xf32>
    %mul3A_759 = arith.mulf %dot_general3A_756, %mul3A_758 : vector<128x128xf32>
    %jit3A_760 = arith.constant -1.000000e+30 : f32
    %broadcast_in_dim3A_761 = vector.broadcast %jit3A_760 : f32 to vector<128x128xf32>
    %select_n3A_762 = arith.select %ge3A_240, %broadcast_in_dim3A_761, %mul3A_759 : vector<128x128xi1>, vector<128x128xf32>
    %reduce_max3A_763 = arith.constant dense<0xFF800000> : vector<128xf32>
    %reduce_max3A_764 = vector.multi_reduction <maximumf>, %select_n3A_762, %reduce_max3A_763 [1] : vector<128x128xf32> to vector<128xf32>
    %broadcast_in_dim3A_765 = vector.shape_cast %reduce_max3A_764 : vector<128xf32> to vector<128x1xf32>
    %sub3A_766 = vector.broadcast %broadcast_in_dim3A_765 : vector<128x1xf32> to vector<128x128xf32>
    %sub3A_767 = arith.subf %select_n3A_762, %sub3A_766 : vector<128x128xf32>
    %exp3A_768 = math.exp %sub3A_767 : vector<128x128xf32>
    %reduce_sum3A_769 = arith.constant dense<0.000000e+00> : vector<128xf32>
    %reduce_sum3A_770 = vector.multi_reduction <add>, %exp3A_768, %reduce_sum3A_769 [1] : vector<128x128xf32> to vector<128xf32>
    %broadcast_in_dim3A_771 = vector.shape_cast %reduce_sum3A_770 : vector<128xf32> to vector<128x1xf32>
    %div3A_772 = vector.broadcast %broadcast_in_dim3A_771 : vector<128x1xf32> to vector<128x128xf32>
    %div3A_773 = arith.divf %exp3A_768, %div3A_772 : vector<128x128xf32>
    %jit3A_774 = arith.constant 0.000000e+00 : f32
    %broadcast_in_dim3A_775 = vector.broadcast %jit3A_774 : f32 to vector<128x128xf32>
    %select_n3A_776 = arith.select %eq3A_203, %slice3A_696, %broadcast_in_dim3A_775 : vector<128x128xi1>, vector<128x128xf32>
    %dot_general3A_777 = arith.constant dense<0.000000e+00> : vector<128x128xf32>
    %dot_general3A_778 = tpu.matmul %div3A_773, %select_n3A_776, %dot_general3A_777 {dimension_numbers = #tpu.dot_dimension_numbers<[1], [0], [0], [1], [0, 0, 1, 1], [], []>, transpose_lhs_hint = false} : vector<128x128xf32>, vector<128x128xf32>, vector<128x128xf32> -> vector<128x128xf32>
    %add3A_779 = arith.addf %add3A_751, %dot_general3A_778 : vector<128x128xf32>
    %jit3A_780 = arith.constant 0.000000e+00 : f32
    %broadcast_in_dim3A_781 = vector.broadcast %jit3A_780 : f32 to vector<128x128xf32>
    %select_n3A_782 = arith.select %eq3A_237, %slice3A_695, %broadcast_in_dim3A_781 : vector<128x128xi1>, vector<128x128xf32>
    %dot_general3A_783 = arith.constant dense<0.000000e+00> : vector<128x128xf32>
    %dot_general3A_784 = tpu.matmul %slice3A_694, %select_n3A_782, %dot_general3A_783 {dimension_numbers = #tpu.dot_dimension_numbers<[1], [1], [0], [0], [0, 0, 1, 0], [], []>, transpose_lhs_hint = false} : vector<128x128xf32>, vector<128x128xf32>, vector<128x128xf32> -> vector<128x128xf32>
    %mul3A_785 = arith.constant 0.176776692 : f32
    %mul3A_786 = vector.broadcast %mul3A_785 : f32 to vector<128x128xf32>
    %mul3A_787 = arith.mulf %dot_general3A_784, %mul3A_786 : vector<128x128xf32>
    %jit3A_788 = arith.constant -1.000000e+30 : f32
    %broadcast_in_dim3A_789 = vector.broadcast %jit3A_788 : f32 to vector<128x128xf32>
    %select_n3A_790 = arith.select %ge3A_240, %broadcast_in_dim3A_789, %mul3A_787 : vector<128x128xi1>, vector<128x128xf32>
    %reduce_max3A_791 = arith.constant dense<0xFF800000> : vector<128xf32>
    %reduce_max3A_792 = vector.multi_reduction <maximumf>, %select_n3A_790, %reduce_max3A_791 [1] : vector<128x128xf32> to vector<128xf32>
    %broadcast_in_dim3A_793 = vector.shape_cast %reduce_max3A_792 : vector<128xf32> to vector<128x1xf32>
    %sub3A_794 = vector.broadcast %broadcast_in_dim3A_793 : vector<128x1xf32> to vector<128x128xf32>
    %sub3A_795 = arith.subf %select_n3A_790, %sub3A_794 : vector<128x128xf32>
    %exp3A_796 = math.exp %sub3A_795 : vector<128x128xf32>
    %reduce_sum3A_797 = arith.constant dense<0.000000e+00> : vector<128xf32>
    %reduce_sum3A_798 = vector.multi_reduction <add>, %exp3A_796, %reduce_sum3A_797 [1] : vector<128x128xf32> to vector<128xf32>
    %broadcast_in_dim3A_799 = vector.shape_cast %reduce_sum3A_798 : vector<128xf32> to vector<128x1xf32>
    %div3A_800 = vector.broadcast %broadcast_in_dim3A_799 : vector<128x1xf32> to vector<128x128xf32>
    %div3A_801 = arith.divf %exp3A_796, %div3A_800 : vector<128x128xf32>
    %jit3A_802 = arith.constant 0.000000e+00 : f32
    %broadcast_in_dim3A_803 = vector.broadcast %jit3A_802 : f32 to vector<128x128xf32>
    %select_n3A_804 = arith.select %eq3A_237, %slice3A_696, %broadcast_in_dim3A_803 : vector<128x128xi1>, vector<128x128xf32>
    %dot_general3A_805 = arith.constant dense<0.000000e+00> : vector<128x128xf32>
    %dot_general3A_806 = tpu.matmul %div3A_801, %select_n3A_804, %dot_general3A_805 {dimension_numbers = #tpu.dot_dimension_numbers<[1], [0], [0], [1], [0, 0, 1, 1], [], []>, transpose_lhs_hint = false} : vector<128x128xf32>, vector<128x128xf32>, vector<128x128xf32> -> vector<128x128xf32>
    %add3A_807 = arith.addf %add3A_779, %dot_general3A_806 : vector<128x128xf32>
    %slice3A_808 = vector.extract_strided_slice %add3A_86 {offsets = [640, 0], sizes = [128, 128], strides = [1, 1]} : vector<1280x128xf32> to vector<128x128xf32>
    %slice3A_809 = vector.extract_strided_slice %add3A_96 {offsets = [640, 0], sizes = [128, 128], strides = [1, 1]} : vector<1280x128xf32> to vector<128x128xf32>
    %slice3A_810 = vector.extract_strided_slice %add3A_106 {offsets = [640, 0], sizes = [128, 128], strides = [1, 1]} : vector<1280x128xf32> to vector<128x128xf32>
    %jit3A_811 = arith.constant 0.000000e+00 : f32
    %broadcast_in_dim3A_812 = vector.broadcast %jit3A_811 : f32 to vector<128x128xf32>
    %select_n3A_813 = arith.select %eq3A_135, %slice3A_809, %broadcast_in_dim3A_812 : vector<128x128xi1>, vector<128x128xf32>
    %dot_general3A_814 = arith.constant dense<0.000000e+00> : vector<128x128xf32>
    %dot_general3A_815 = tpu.matmul %slice3A_808, %select_n3A_813, %dot_general3A_814 {dimension_numbers = #tpu.dot_dimension_numbers<[1], [1], [0], [0], [0, 0, 1, 0], [], []>, transpose_lhs_hint = false} : vector<128x128xf32>, vector<128x128xf32>, vector<128x128xf32> -> vector<128x128xf32>
    %mul3A_816 = arith.constant 0.176776692 : f32
    %mul3A_817 = vector.broadcast %mul3A_816 : f32 to vector<128x128xf32>
    %mul3A_818 = arith.mulf %dot_general3A_815, %mul3A_817 : vector<128x128xf32>
    %jit3A_819 = arith.constant -1.000000e+30 : f32
    %broadcast_in_dim3A_820 = vector.broadcast %jit3A_819 : f32 to vector<128x128xf32>
    %select_n3A_821 = arith.select %ge3A_240, %broadcast_in_dim3A_820, %mul3A_818 : vector<128x128xi1>, vector<128x128xf32>
    %reduce_max3A_822 = arith.constant dense<0xFF800000> : vector<128xf32>
    %reduce_max3A_823 = vector.multi_reduction <maximumf>, %select_n3A_821, %reduce_max3A_822 [1] : vector<128x128xf32> to vector<128xf32>
    %broadcast_in_dim3A_824 = vector.shape_cast %reduce_max3A_823 : vector<128xf32> to vector<128x1xf32>
    %sub3A_825 = vector.broadcast %broadcast_in_dim3A_824 : vector<128x1xf32> to vector<128x128xf32>
    %sub3A_826 = arith.subf %select_n3A_821, %sub3A_825 : vector<128x128xf32>
    %exp3A_827 = math.exp %sub3A_826 : vector<128x128xf32>
    %reduce_sum3A_828 = arith.constant dense<0.000000e+00> : vector<128xf32>
    %reduce_sum3A_829 = vector.multi_reduction <add>, %exp3A_827, %reduce_sum3A_828 [1] : vector<128x128xf32> to vector<128xf32>
    %broadcast_in_dim3A_830 = vector.shape_cast %reduce_sum3A_829 : vector<128xf32> to vector<128x1xf32>
    %div3A_831 = vector.broadcast %broadcast_in_dim3A_830 : vector<128x1xf32> to vector<128x128xf32>
    %div3A_832 = arith.divf %exp3A_827, %div3A_831 : vector<128x128xf32>
    %jit3A_833 = arith.constant 0.000000e+00 : f32
    %broadcast_in_dim3A_834 = vector.broadcast %jit3A_833 : f32 to vector<128x128xf32>
    %select_n3A_835 = arith.select %eq3A_135, %slice3A_810, %broadcast_in_dim3A_834 : vector<128x128xi1>, vector<128x128xf32>
    %dot_general3A_836 = arith.constant dense<0.000000e+00> : vector<128x128xf32>
    %dot_general3A_837 = tpu.matmul %div3A_832, %select_n3A_835, %dot_general3A_836 {dimension_numbers = #tpu.dot_dimension_numbers<[1], [0], [0], [1], [0, 0, 1, 1], [], []>, transpose_lhs_hint = false} : vector<128x128xf32>, vector<128x128xf32>, vector<128x128xf32> -> vector<128x128xf32>
    %jit3A_838 = arith.constant 0.000000e+00 : f32
    %broadcast_in_dim3A_839 = vector.broadcast %jit3A_838 : f32 to vector<128x128xf32>
    %select_n3A_840 = arith.select %eq3A_169, %slice3A_809, %broadcast_in_dim3A_839 : vector<128x128xi1>, vector<128x128xf32>
    %dot_general3A_841 = arith.constant dense<0.000000e+00> : vector<128x128xf32>
    %dot_general3A_842 = tpu.matmul %slice3A_808, %select_n3A_840, %dot_general3A_841 {dimension_numbers = #tpu.dot_dimension_numbers<[1], [1], [0], [0], [0, 0, 1, 0], [], []>, transpose_lhs_hint = false} : vector<128x128xf32>, vector<128x128xf32>, vector<128x128xf32> -> vector<128x128xf32>
    %mul3A_843 = arith.constant 0.176776692 : f32
    %mul3A_844 = vector.broadcast %mul3A_843 : f32 to vector<128x128xf32>
    %mul3A_845 = arith.mulf %dot_general3A_842, %mul3A_844 : vector<128x128xf32>
    %jit3A_846 = arith.constant -1.000000e+30 : f32
    %broadcast_in_dim3A_847 = vector.broadcast %jit3A_846 : f32 to vector<128x128xf32>
    %select_n3A_848 = arith.select %ge3A_240, %broadcast_in_dim3A_847, %mul3A_845 : vector<128x128xi1>, vector<128x128xf32>
    %reduce_max3A_849 = arith.constant dense<0xFF800000> : vector<128xf32>
    %reduce_max3A_850 = vector.multi_reduction <maximumf>, %select_n3A_848, %reduce_max3A_849 [1] : vector<128x128xf32> to vector<128xf32>
    %broadcast_in_dim3A_851 = vector.shape_cast %reduce_max3A_850 : vector<128xf32> to vector<128x1xf32>
    %sub3A_852 = vector.broadcast %broadcast_in_dim3A_851 : vector<128x1xf32> to vector<128x128xf32>
    %sub3A_853 = arith.subf %select_n3A_848, %sub3A_852 : vector<128x128xf32>
    %exp3A_854 = math.exp %sub3A_853 : vector<128x128xf32>
    %reduce_sum3A_855 = arith.constant dense<0.000000e+00> : vector<128xf32>
    %reduce_sum3A_856 = vector.multi_reduction <add>, %exp3A_854, %reduce_sum3A_855 [1] : vector<128x128xf32> to vector<128xf32>
    %broadcast_in_dim3A_857 = vector.shape_cast %reduce_sum3A_856 : vector<128xf32> to vector<128x1xf32>
    %div3A_858 = vector.broadcast %broadcast_in_dim3A_857 : vector<128x1xf32> to vector<128x128xf32>
    %div3A_859 = arith.divf %exp3A_854, %div3A_858 : vector<128x128xf32>
    %jit3A_860 = arith.constant 0.000000e+00 : f32
    %broadcast_in_dim3A_861 = vector.broadcast %jit3A_860 : f32 to vector<128x128xf32>
    %select_n3A_862 = arith.select %eq3A_169, %slice3A_810, %broadcast_in_dim3A_861 : vector<128x128xi1>, vector<128x128xf32>
    %dot_general3A_863 = arith.constant dense<0.000000e+00> : vector<128x128xf32>
    %dot_general3A_864 = tpu.matmul %div3A_859, %select_n3A_862, %dot_general3A_863 {dimension_numbers = #tpu.dot_dimension_numbers<[1], [0], [0], [1], [0, 0, 1, 1], [], []>, transpose_lhs_hint = false} : vector<128x128xf32>, vector<128x128xf32>, vector<128x128xf32> -> vector<128x128xf32>
    %add3A_865 = arith.addf %dot_general3A_837, %dot_general3A_864 : vector<128x128xf32>
    %jit3A_866 = arith.constant 0.000000e+00 : f32
    %broadcast_in_dim3A_867 = vector.broadcast %jit3A_866 : f32 to vector<128x128xf32>
    %select_n3A_868 = arith.select %eq3A_203, %slice3A_809, %broadcast_in_dim3A_867 : vector<128x128xi1>, vector<128x128xf32>
    %dot_general3A_869 = arith.constant dense<0.000000e+00> : vector<128x128xf32>
    %dot_general3A_870 = tpu.matmul %slice3A_808, %select_n3A_868, %dot_general3A_869 {dimension_numbers = #tpu.dot_dimension_numbers<[1], [1], [0], [0], [0, 0, 1, 0], [], []>, transpose_lhs_hint = false} : vector<128x128xf32>, vector<128x128xf32>, vector<128x128xf32> -> vector<128x128xf32>
    %mul3A_871 = arith.constant 0.176776692 : f32
    %mul3A_872 = vector.broadcast %mul3A_871 : f32 to vector<128x128xf32>
    %mul3A_873 = arith.mulf %dot_general3A_870, %mul3A_872 : vector<128x128xf32>
    %jit3A_874 = arith.constant -1.000000e+30 : f32
    %broadcast_in_dim3A_875 = vector.broadcast %jit3A_874 : f32 to vector<128x128xf32>
    %select_n3A_876 = arith.select %ge3A_240, %broadcast_in_dim3A_875, %mul3A_873 : vector<128x128xi1>, vector<128x128xf32>
    %reduce_max3A_877 = arith.constant dense<0xFF800000> : vector<128xf32>
    %reduce_max3A_878 = vector.multi_reduction <maximumf>, %select_n3A_876, %reduce_max3A_877 [1] : vector<128x128xf32> to vector<128xf32>
    %broadcast_in_dim3A_879 = vector.shape_cast %reduce_max3A_878 : vector<128xf32> to vector<128x1xf32>
    %sub3A_880 = vector.broadcast %broadcast_in_dim3A_879 : vector<128x1xf32> to vector<128x128xf32>
    %sub3A_881 = arith.subf %select_n3A_876, %sub3A_880 : vector<128x128xf32>
    %exp3A_882 = math.exp %sub3A_881 : vector<128x128xf32>
    %reduce_sum3A_883 = arith.constant dense<0.000000e+00> : vector<128xf32>
    %reduce_sum3A_884 = vector.multi_reduction <add>, %exp3A_882, %reduce_sum3A_883 [1] : vector<128x128xf32> to vector<128xf32>
    %broadcast_in_dim3A_885 = vector.shape_cast %reduce_sum3A_884 : vector<128xf32> to vector<128x1xf32>
    %div3A_886 = vector.broadcast %broadcast_in_dim3A_885 : vector<128x1xf32> to vector<128x128xf32>
    %div3A_887 = arith.divf %exp3A_882, %div3A_886 : vector<128x128xf32>
    %jit3A_888 = arith.constant 0.000000e+00 : f32
    %broadcast_in_dim3A_889 = vector.broadcast %jit3A_888 : f32 to vector<128x128xf32>
    %select_n3A_890 = arith.select %eq3A_203, %slice3A_810, %broadcast_in_dim3A_889 : vector<128x128xi1>, vector<128x128xf32>
    %dot_general3A_891 = arith.constant dense<0.000000e+00> : vector<128x128xf32>
    %dot_general3A_892 = tpu.matmul %div3A_887, %select_n3A_890, %dot_general3A_891 {dimension_numbers = #tpu.dot_dimension_numbers<[1], [0], [0], [1], [0, 0, 1, 1], [], []>, transpose_lhs_hint = false} : vector<128x128xf32>, vector<128x128xf32>, vector<128x128xf32> -> vector<128x128xf32>
    %add3A_893 = arith.addf %add3A_865, %dot_general3A_892 : vector<128x128xf32>
    %jit3A_894 = arith.constant 0.000000e+00 : f32
    %broadcast_in_dim3A_895 = vector.broadcast %jit3A_894 : f32 to vector<128x128xf32>
    %select_n3A_896 = arith.select %eq3A_237, %slice3A_809, %broadcast_in_dim3A_895 : vector<128x128xi1>, vector<128x128xf32>
    %dot_general3A_897 = arith.constant dense<0.000000e+00> : vector<128x128xf32>
    %dot_general3A_898 = tpu.matmul %slice3A_808, %select_n3A_896, %dot_general3A_897 {dimension_numbers = #tpu.dot_dimension_numbers<[1], [1], [0], [0], [0, 0, 1, 0], [], []>, transpose_lhs_hint = false} : vector<128x128xf32>, vector<128x128xf32>, vector<128x128xf32> -> vector<128x128xf32>
    %mul3A_899 = arith.constant 0.176776692 : f32
    %mul3A_900 = vector.broadcast %mul3A_899 : f32 to vector<128x128xf32>
    %mul3A_901 = arith.mulf %dot_general3A_898, %mul3A_900 : vector<128x128xf32>
    %jit3A_902 = arith.constant -1.000000e+30 : f32
    %broadcast_in_dim3A_903 = vector.broadcast %jit3A_902 : f32 to vector<128x128xf32>
    %select_n3A_904 = arith.select %ge3A_240, %broadcast_in_dim3A_903, %mul3A_901 : vector<128x128xi1>, vector<128x128xf32>
    %reduce_max3A_905 = arith.constant dense<0xFF800000> : vector<128xf32>
    %reduce_max3A_906 = vector.multi_reduction <maximumf>, %select_n3A_904, %reduce_max3A_905 [1] : vector<128x128xf32> to vector<128xf32>
    %broadcast_in_dim3A_907 = vector.shape_cast %reduce_max3A_906 : vector<128xf32> to vector<128x1xf32>
    %sub3A_908 = vector.broadcast %broadcast_in_dim3A_907 : vector<128x1xf32> to vector<128x128xf32>
    %sub3A_909 = arith.subf %select_n3A_904, %sub3A_908 : vector<128x128xf32>
    %exp3A_910 = math.exp %sub3A_909 : vector<128x128xf32>
    %reduce_sum3A_911 = arith.constant dense<0.000000e+00> : vector<128xf32>
    %reduce_sum3A_912 = vector.multi_reduction <add>, %exp3A_910, %reduce_sum3A_911 [1] : vector<128x128xf32> to vector<128xf32>
    %broadcast_in_dim3A_913 = vector.shape_cast %reduce_sum3A_912 : vector<128xf32> to vector<128x1xf32>
    %div3A_914 = vector.broadcast %broadcast_in_dim3A_913 : vector<128x1xf32> to vector<128x128xf32>
    %div3A_915 = arith.divf %exp3A_910, %div3A_914 : vector<128x128xf32>
    %jit3A_916 = arith.constant 0.000000e+00 : f32
    %broadcast_in_dim3A_917 = vector.broadcast %jit3A_916 : f32 to vector<128x128xf32>
    %select_n3A_918 = arith.select %eq3A_237, %slice3A_810, %broadcast_in_dim3A_917 : vector<128x128xi1>, vector<128x128xf32>
    %dot_general3A_919 = arith.constant dense<0.000000e+00> : vector<128x128xf32>
    %dot_general3A_920 = tpu.matmul %div3A_915, %select_n3A_918, %dot_general3A_919 {dimension_numbers = #tpu.dot_dimension_numbers<[1], [0], [0], [1], [0, 0, 1, 1], [], []>, transpose_lhs_hint = false} : vector<128x128xf32>, vector<128x128xf32>, vector<128x128xf32> -> vector<128x128xf32>
    %add3A_921 = arith.addf %add3A_893, %dot_general3A_920 : vector<128x128xf32>
    %slice3A_922 = vector.extract_strided_slice %add3A_86 {offsets = [768, 0], sizes = [128, 128], strides = [1, 1]} : vector<1280x128xf32> to vector<128x128xf32>
    %slice3A_923 = vector.extract_strided_slice %add3A_96 {offsets = [768, 0], sizes = [128, 128], strides = [1, 1]} : vector<1280x128xf32> to vector<128x128xf32>
    %slice3A_924 = vector.extract_strided_slice %add3A_106 {offsets = [768, 0], sizes = [128, 128], strides = [1, 1]} : vector<1280x128xf32> to vector<128x128xf32>
    %jit3A_925 = arith.constant 0.000000e+00 : f32
    %broadcast_in_dim3A_926 = vector.broadcast %jit3A_925 : f32 to vector<128x128xf32>
    %select_n3A_927 = arith.select %eq3A_135, %slice3A_923, %broadcast_in_dim3A_926 : vector<128x128xi1>, vector<128x128xf32>
    %dot_general3A_928 = arith.constant dense<0.000000e+00> : vector<128x128xf32>
    %dot_general3A_929 = tpu.matmul %slice3A_922, %select_n3A_927, %dot_general3A_928 {dimension_numbers = #tpu.dot_dimension_numbers<[1], [1], [0], [0], [0, 0, 1, 0], [], []>, transpose_lhs_hint = false} : vector<128x128xf32>, vector<128x128xf32>, vector<128x128xf32> -> vector<128x128xf32>
    %mul3A_930 = arith.constant 0.176776692 : f32
    %mul3A_931 = vector.broadcast %mul3A_930 : f32 to vector<128x128xf32>
    %mul3A_932 = arith.mulf %dot_general3A_929, %mul3A_931 : vector<128x128xf32>
    %jit3A_933 = arith.constant -1.000000e+30 : f32
    %broadcast_in_dim3A_934 = vector.broadcast %jit3A_933 : f32 to vector<128x128xf32>
    %select_n3A_935 = arith.select %ge3A_240, %broadcast_in_dim3A_934, %mul3A_932 : vector<128x128xi1>, vector<128x128xf32>
    %reduce_max3A_936 = arith.constant dense<0xFF800000> : vector<128xf32>
    %reduce_max3A_937 = vector.multi_reduction <maximumf>, %select_n3A_935, %reduce_max3A_936 [1] : vector<128x128xf32> to vector<128xf32>
    %broadcast_in_dim3A_938 = vector.shape_cast %reduce_max3A_937 : vector<128xf32> to vector<128x1xf32>
    %sub3A_939 = vector.broadcast %broadcast_in_dim3A_938 : vector<128x1xf32> to vector<128x128xf32>
    %sub3A_940 = arith.subf %select_n3A_935, %sub3A_939 : vector<128x128xf32>
    %exp3A_941 = math.exp %sub3A_940 : vector<128x128xf32>
    %reduce_sum3A_942 = arith.constant dense<0.000000e+00> : vector<128xf32>
    %reduce_sum3A_943 = vector.multi_reduction <add>, %exp3A_941, %reduce_sum3A_942 [1] : vector<128x128xf32> to vector<128xf32>
    %broadcast_in_dim3A_944 = vector.shape_cast %reduce_sum3A_943 : vector<128xf32> to vector<128x1xf32>
    %div3A_945 = vector.broadcast %broadcast_in_dim3A_944 : vector<128x1xf32> to vector<128x128xf32>
    %div3A_946 = arith.divf %exp3A_941, %div3A_945 : vector<128x128xf32>
    %jit3A_947 = arith.constant 0.000000e+00 : f32
    %broadcast_in_dim3A_948 = vector.broadcast %jit3A_947 : f32 to vector<128x128xf32>
    %select_n3A_949 = arith.select %eq3A_135, %slice3A_924, %broadcast_in_dim3A_948 : vector<128x128xi1>, vector<128x128xf32>
    %dot_general3A_950 = arith.constant dense<0.000000e+00> : vector<128x128xf32>
    %dot_general3A_951 = tpu.matmul %div3A_946, %select_n3A_949, %dot_general3A_950 {dimension_numbers = #tpu.dot_dimension_numbers<[1], [0], [0], [1], [0, 0, 1, 1], [], []>, transpose_lhs_hint = false} : vector<128x128xf32>, vector<128x128xf32>, vector<128x128xf32> -> vector<128x128xf32>
    %jit3A_952 = arith.constant 0.000000e+00 : f32
    %broadcast_in_dim3A_953 = vector.broadcast %jit3A_952 : f32 to vector<128x128xf32>
    %select_n3A_954 = arith.select %eq3A_169, %slice3A_923, %broadcast_in_dim3A_953 : vector<128x128xi1>, vector<128x128xf32>
    %dot_general3A_955 = arith.constant dense<0.000000e+00> : vector<128x128xf32>
    %dot_general3A_956 = tpu.matmul %slice3A_922, %select_n3A_954, %dot_general3A_955 {dimension_numbers = #tpu.dot_dimension_numbers<[1], [1], [0], [0], [0, 0, 1, 0], [], []>, transpose_lhs_hint = false} : vector<128x128xf32>, vector<128x128xf32>, vector<128x128xf32> -> vector<128x128xf32>
    %mul3A_957 = arith.constant 0.176776692 : f32
    %mul3A_958 = vector.broadcast %mul3A_957 : f32 to vector<128x128xf32>
    %mul3A_959 = arith.mulf %dot_general3A_956, %mul3A_958 : vector<128x128xf32>
    %jit3A_960 = arith.constant -1.000000e+30 : f32
    %broadcast_in_dim3A_961 = vector.broadcast %jit3A_960 : f32 to vector<128x128xf32>
    %select_n3A_962 = arith.select %ge3A_240, %broadcast_in_dim3A_961, %mul3A_959 : vector<128x128xi1>, vector<128x128xf32>
    %reduce_max3A_963 = arith.constant dense<0xFF800000> : vector<128xf32>
    %reduce_max3A_964 = vector.multi_reduction <maximumf>, %select_n3A_962, %reduce_max3A_963 [1] : vector<128x128xf32> to vector<128xf32>
    %broadcast_in_dim3A_965 = vector.shape_cast %reduce_max3A_964 : vector<128xf32> to vector<128x1xf32>
    %sub3A_966 = vector.broadcast %broadcast_in_dim3A_965 : vector<128x1xf32> to vector<128x128xf32>
    %sub3A_967 = arith.subf %select_n3A_962, %sub3A_966 : vector<128x128xf32>
    %exp3A_968 = math.exp %sub3A_967 : vector<128x128xf32>
    %reduce_sum3A_969 = arith.constant dense<0.000000e+00> : vector<128xf32>
    %reduce_sum3A_970 = vector.multi_reduction <add>, %exp3A_968, %reduce_sum3A_969 [1] : vector<128x128xf32> to vector<128xf32>
    %broadcast_in_dim3A_971 = vector.shape_cast %reduce_sum3A_970 : vector<128xf32> to vector<128x1xf32>
    %div3A_972 = vector.broadcast %broadcast_in_dim3A_971 : vector<128x1xf32> to vector<128x128xf32>
    %div3A_973 = arith.divf %exp3A_968, %div3A_972 : vector<128x128xf32>
    %jit3A_974 = arith.constant 0.000000e+00 : f32
    %broadcast_in_dim3A_975 = vector.broadcast %jit3A_974 : f32 to vector<128x128xf32>
    %select_n3A_976 = arith.select %eq3A_169, %slice3A_924, %broadcast_in_dim3A_975 : vector<128x128xi1>, vector<128x128xf32>
    %dot_general3A_977 = arith.constant dense<0.000000e+00> : vector<128x128xf32>
    %dot_general3A_978 = tpu.matmul %div3A_973, %select_n3A_976, %dot_general3A_977 {dimension_numbers = #tpu.dot_dimension_numbers<[1], [0], [0], [1], [0, 0, 1, 1], [], []>, transpose_lhs_hint = false} : vector<128x128xf32>, vector<128x128xf32>, vector<128x128xf32> -> vector<128x128xf32>
    %add3A_979 = arith.addf %dot_general3A_951, %dot_general3A_978 : vector<128x128xf32>
    %jit3A_980 = arith.constant 0.000000e+00 : f32
    %broadcast_in_dim3A_981 = vector.broadcast %jit3A_980 : f32 to vector<128x128xf32>
    %select_n3A_982 = arith.select %eq3A_203, %slice3A_923, %broadcast_in_dim3A_981 : vector<128x128xi1>, vector<128x128xf32>
    %dot_general3A_983 = arith.constant dense<0.000000e+00> : vector<128x128xf32>
    %dot_general3A_984 = tpu.matmul %slice3A_922, %select_n3A_982, %dot_general3A_983 {dimension_numbers = #tpu.dot_dimension_numbers<[1], [1], [0], [0], [0, 0, 1, 0], [], []>, transpose_lhs_hint = false} : vector<128x128xf32>, vector<128x128xf32>, vector<128x128xf32> -> vector<128x128xf32>
    %mul3A_985 = arith.constant 0.176776692 : f32
    %mul3A_986 = vector.broadcast %mul3A_985 : f32 to vector<128x128xf32>
    %mul3A_987 = arith.mulf %dot_general3A_984, %mul3A_986 : vector<128x128xf32>
    %jit3A_988 = arith.constant -1.000000e+30 : f32
    %broadcast_in_dim3A_989 = vector.broadcast %jit3A_988 : f32 to vector<128x128xf32>
    %select_n3A_990 = arith.select %ge3A_240, %broadcast_in_dim3A_989, %mul3A_987 : vector<128x128xi1>, vector<128x128xf32>
    %reduce_max3A_991 = arith.constant dense<0xFF800000> : vector<128xf32>
    %reduce_max3A_992 = vector.multi_reduction <maximumf>, %select_n3A_990, %reduce_max3A_991 [1] : vector<128x128xf32> to vector<128xf32>
    %broadcast_in_dim3A_993 = vector.shape_cast %reduce_max3A_992 : vector<128xf32> to vector<128x1xf32>
    %sub3A_994 = vector.broadcast %broadcast_in_dim3A_993 : vector<128x1xf32> to vector<128x128xf32>
    %sub3A_995 = arith.subf %select_n3A_990, %sub3A_994 : vector<128x128xf32>
    %exp3A_996 = math.exp %sub3A_995 : vector<128x128xf32>
    %reduce_sum3A_997 = arith.constant dense<0.000000e+00> : vector<128xf32>
    %reduce_sum3A_998 = vector.multi_reduction <add>, %exp3A_996, %reduce_sum3A_997 [1] : vector<128x128xf32> to vector<128xf32>
    %broadcast_in_dim3A_999 = vector.shape_cast %reduce_sum3A_998 : vector<128xf32> to vector<128x1xf32>
    %div3A_1000 = vector.broadcast %broadcast_in_dim3A_999 : vector<128x1xf32> to vector<128x128xf32>
    %div3A_1001 = arith.divf %exp3A_996, %div3A_1000 : vector<128x128xf32>
    %jit3A_1002 = arith.constant 0.000000e+00 : f32
    %broadcast_in_dim3A_1003 = vector.broadcast %jit3A_1002 : f32 to vector<128x128xf32>
    %select_n3A_1004 = arith.select %eq3A_203, %slice3A_924, %broadcast_in_dim3A_1003 : vector<128x128xi1>, vector<128x128xf32>
    %dot_general3A_1005 = arith.constant dense<0.000000e+00> : vector<128x128xf32>
    %dot_general3A_1006 = tpu.matmul %div3A_1001, %select_n3A_1004, %dot_general3A_1005 {dimension_numbers = #tpu.dot_dimension_numbers<[1], [0], [0], [1], [0, 0, 1, 1], [], []>, transpose_lhs_hint = false} : vector<128x128xf32>, vector<128x128xf32>, vector<128x128xf32> -> vector<128x128xf32>
    %add3A_1007 = arith.addf %add3A_979, %dot_general3A_1006 : vector<128x128xf32>
    %jit3A_1008 = arith.constant 0.000000e+00 : f32
    %broadcast_in_dim3A_1009 = vector.broadcast %jit3A_1008 : f32 to vector<128x128xf32>
    %select_n3A_1010 = arith.select %eq3A_237, %slice3A_923, %broadcast_in_dim3A_1009 : vector<128x128xi1>, vector<128x128xf32>
    %dot_general3A_1011 = arith.constant dense<0.000000e+00> : vector<128x128xf32>
    %dot_general3A_1012 = tpu.matmul %slice3A_922, %select_n3A_1010, %dot_general3A_1011 {dimension_numbers = #tpu.dot_dimension_numbers<[1], [1], [0], [0], [0, 0, 1, 0], [], []>, transpose_lhs_hint = false} : vector<128x128xf32>, vector<128x128xf32>, vector<128x128xf32> -> vector<128x128xf32>
    %mul3A_1013 = arith.constant 0.176776692 : f32
    %mul3A_1014 = vector.broadcast %mul3A_1013 : f32 to vector<128x128xf32>
    %mul3A_1015 = arith.mulf %dot_general3A_1012, %mul3A_1014 : vector<128x128xf32>
    %jit3A_1016 = arith.constant -1.000000e+30 : f32
    %broadcast_in_dim3A_1017 = vector.broadcast %jit3A_1016 : f32 to vector<128x128xf32>
    %select_n3A_1018 = arith.select %ge3A_240, %broadcast_in_dim3A_1017, %mul3A_1015 : vector<128x128xi1>, vector<128x128xf32>
    %reduce_max3A_1019 = arith.constant dense<0xFF800000> : vector<128xf32>
    %reduce_max3A_1020 = vector.multi_reduction <maximumf>, %select_n3A_1018, %reduce_max3A_1019 [1] : vector<128x128xf32> to vector<128xf32>
    %broadcast_in_dim3A_1021 = vector.shape_cast %reduce_max3A_1020 : vector<128xf32> to vector<128x1xf32>
    %sub3A_1022 = vector.broadcast %broadcast_in_dim3A_1021 : vector<128x1xf32> to vector<128x128xf32>
    %sub3A_1023 = arith.subf %select_n3A_1018, %sub3A_1022 : vector<128x128xf32>
    %exp3A_1024 = math.exp %sub3A_1023 : vector<128x128xf32>
    %reduce_sum3A_1025 = arith.constant dense<0.000000e+00> : vector<128xf32>
    %reduce_sum3A_1026 = vector.multi_reduction <add>, %exp3A_1024, %reduce_sum3A_1025 [1] : vector<128x128xf32> to vector<128xf32>
    %broadcast_in_dim3A_1027 = vector.shape_cast %reduce_sum3A_1026 : vector<128xf32> to vector<128x1xf32>
    %div3A_1028 = vector.broadcast %broadcast_in_dim3A_1027 : vector<128x1xf32> to vector<128x128xf32>
    %div3A_1029 = arith.divf %exp3A_1024, %div3A_1028 : vector<128x128xf32>
    %jit3A_1030 = arith.constant 0.000000e+00 : f32
    %broadcast_in_dim3A_1031 = vector.broadcast %jit3A_1030 : f32 to vector<128x128xf32>
    %select_n3A_1032 = arith.select %eq3A_237, %slice3A_924, %broadcast_in_dim3A_1031 : vector<128x128xi1>, vector<128x128xf32>
    %dot_general3A_1033 = arith.constant dense<0.000000e+00> : vector<128x128xf32>
    %dot_general3A_1034 = tpu.matmul %div3A_1029, %select_n3A_1032, %dot_general3A_1033 {dimension_numbers = #tpu.dot_dimension_numbers<[1], [0], [0], [1], [0, 0, 1, 1], [], []>, transpose_lhs_hint = false} : vector<128x128xf32>, vector<128x128xf32>, vector<128x128xf32> -> vector<128x128xf32>
    %add3A_1035 = arith.addf %add3A_1007, %dot_general3A_1034 : vector<128x128xf32>
    %slice3A_1036 = vector.extract_strided_slice %add3A_86 {offsets = [896, 0], sizes = [128, 128], strides = [1, 1]} : vector<1280x128xf32> to vector<128x128xf32>
    %slice3A_1037 = vector.extract_strided_slice %add3A_96 {offsets = [896, 0], sizes = [128, 128], strides = [1, 1]} : vector<1280x128xf32> to vector<128x128xf32>
    %slice3A_1038 = vector.extract_strided_slice %add3A_106 {offsets = [896, 0], sizes = [128, 128], strides = [1, 1]} : vector<1280x128xf32> to vector<128x128xf32>
    %jit3A_1039 = arith.constant 0.000000e+00 : f32
    %broadcast_in_dim3A_1040 = vector.broadcast %jit3A_1039 : f32 to vector<128x128xf32>
    %select_n3A_1041 = arith.select %eq3A_135, %slice3A_1037, %broadcast_in_dim3A_1040 : vector<128x128xi1>, vector<128x128xf32>
    %dot_general3A_1042 = arith.constant dense<0.000000e+00> : vector<128x128xf32>
    %dot_general3A_1043 = tpu.matmul %slice3A_1036, %select_n3A_1041, %dot_general3A_1042 {dimension_numbers = #tpu.dot_dimension_numbers<[1], [1], [0], [0], [0, 0, 1, 0], [], []>, transpose_lhs_hint = false} : vector<128x128xf32>, vector<128x128xf32>, vector<128x128xf32> -> vector<128x128xf32>
    %mul3A_1044 = arith.constant 0.176776692 : f32
    %mul3A_1045 = vector.broadcast %mul3A_1044 : f32 to vector<128x128xf32>
    %mul3A_1046 = arith.mulf %dot_general3A_1043, %mul3A_1045 : vector<128x128xf32>
    %jit3A_1047 = arith.constant -1.000000e+30 : f32
    %broadcast_in_dim3A_1048 = vector.broadcast %jit3A_1047 : f32 to vector<128x128xf32>
    %select_n3A_1049 = arith.select %ge3A_240, %broadcast_in_dim3A_1048, %mul3A_1046 : vector<128x128xi1>, vector<128x128xf32>
    %reduce_max3A_1050 = arith.constant dense<0xFF800000> : vector<128xf32>
    %reduce_max3A_1051 = vector.multi_reduction <maximumf>, %select_n3A_1049, %reduce_max3A_1050 [1] : vector<128x128xf32> to vector<128xf32>
    %broadcast_in_dim3A_1052 = vector.shape_cast %reduce_max3A_1051 : vector<128xf32> to vector<128x1xf32>
    %sub3A_1053 = vector.broadcast %broadcast_in_dim3A_1052 : vector<128x1xf32> to vector<128x128xf32>
    %sub3A_1054 = arith.subf %select_n3A_1049, %sub3A_1053 : vector<128x128xf32>
    %exp3A_1055 = math.exp %sub3A_1054 : vector<128x128xf32>
    %reduce_sum3A_1056 = arith.constant dense<0.000000e+00> : vector<128xf32>
    %reduce_sum3A_1057 = vector.multi_reduction <add>, %exp3A_1055, %reduce_sum3A_1056 [1] : vector<128x128xf32> to vector<128xf32>
    %broadcast_in_dim3A_1058 = vector.shape_cast %reduce_sum3A_1057 : vector<128xf32> to vector<128x1xf32>
    %div3A_1059 = vector.broadcast %broadcast_in_dim3A_1058 : vector<128x1xf32> to vector<128x128xf32>
    %div3A_1060 = arith.divf %exp3A_1055, %div3A_1059 : vector<128x128xf32>
    %jit3A_1061 = arith.constant 0.000000e+00 : f32
    %broadcast_in_dim3A_1062 = vector.broadcast %jit3A_1061 : f32 to vector<128x128xf32>
    %select_n3A_1063 = arith.select %eq3A_135, %slice3A_1038, %broadcast_in_dim3A_1062 : vector<128x128xi1>, vector<128x128xf32>
    %dot_general3A_1064 = arith.constant dense<0.000000e+00> : vector<128x128xf32>
    %dot_general3A_1065 = tpu.matmul %div3A_1060, %select_n3A_1063, %dot_general3A_1064 {dimension_numbers = #tpu.dot_dimension_numbers<[1], [0], [0], [1], [0, 0, 1, 1], [], []>, transpose_lhs_hint = false} : vector<128x128xf32>, vector<128x128xf32>, vector<128x128xf32> -> vector<128x128xf32>
    %jit3A_1066 = arith.constant 0.000000e+00 : f32
    %broadcast_in_dim3A_1067 = vector.broadcast %jit3A_1066 : f32 to vector<128x128xf32>
    %select_n3A_1068 = arith.select %eq3A_169, %slice3A_1037, %broadcast_in_dim3A_1067 : vector<128x128xi1>, vector<128x128xf32>
    %dot_general3A_1069 = arith.constant dense<0.000000e+00> : vector<128x128xf32>
    %dot_general3A_1070 = tpu.matmul %slice3A_1036, %select_n3A_1068, %dot_general3A_1069 {dimension_numbers = #tpu.dot_dimension_numbers<[1], [1], [0], [0], [0, 0, 1, 0], [], []>, transpose_lhs_hint = false} : vector<128x128xf32>, vector<128x128xf32>, vector<128x128xf32> -> vector<128x128xf32>
    %mul3A_1071 = arith.constant 0.176776692 : f32
    %mul3A_1072 = vector.broadcast %mul3A_1071 : f32 to vector<128x128xf32>
    %mul3A_1073 = arith.mulf %dot_general3A_1070, %mul3A_1072 : vector<128x128xf32>
    %jit3A_1074 = arith.constant -1.000000e+30 : f32
    %broadcast_in_dim3A_1075 = vector.broadcast %jit3A_1074 : f32 to vector<128x128xf32>
    %select_n3A_1076 = arith.select %ge3A_240, %broadcast_in_dim3A_1075, %mul3A_1073 : vector<128x128xi1>, vector<128x128xf32>
    %reduce_max3A_1077 = arith.constant dense<0xFF800000> : vector<128xf32>
    %reduce_max3A_1078 = vector.multi_reduction <maximumf>, %select_n3A_1076, %reduce_max3A_1077 [1] : vector<128x128xf32> to vector<128xf32>
    %broadcast_in_dim3A_1079 = vector.shape_cast %reduce_max3A_1078 : vector<128xf32> to vector<128x1xf32>
    %sub3A_1080 = vector.broadcast %broadcast_in_dim3A_1079 : vector<128x1xf32> to vector<128x128xf32>
    %sub3A_1081 = arith.subf %select_n3A_1076, %sub3A_1080 : vector<128x128xf32>
    %exp3A_1082 = math.exp %sub3A_1081 : vector<128x128xf32>
    %reduce_sum3A_1083 = arith.constant dense<0.000000e+00> : vector<128xf32>
    %reduce_sum3A_1084 = vector.multi_reduction <add>, %exp3A_1082, %reduce_sum3A_1083 [1] : vector<128x128xf32> to vector<128xf32>
    %broadcast_in_dim3A_1085 = vector.shape_cast %reduce_sum3A_1084 : vector<128xf32> to vector<128x1xf32>
    %div3A_1086 = vector.broadcast %broadcast_in_dim3A_1085 : vector<128x1xf32> to vector<128x128xf32>
    %div3A_1087 = arith.divf %exp3A_1082, %div3A_1086 : vector<128x128xf32>
    %jit3A_1088 = arith.constant 0.000000e+00 : f32
    %broadcast_in_dim3A_1089 = vector.broadcast %jit3A_1088 : f32 to vector<128x128xf32>
    %select_n3A_1090 = arith.select %eq3A_169, %slice3A_1038, %broadcast_in_dim3A_1089 : vector<128x128xi1>, vector<128x128xf32>
    %dot_general3A_1091 = arith.constant dense<0.000000e+00> : vector<128x128xf32>
    %dot_general3A_1092 = tpu.matmul %div3A_1087, %select_n3A_1090, %dot_general3A_1091 {dimension_numbers = #tpu.dot_dimension_numbers<[1], [0], [0], [1], [0, 0, 1, 1], [], []>, transpose_lhs_hint = false} : vector<128x128xf32>, vector<128x128xf32>, vector<128x128xf32> -> vector<128x128xf32>
    %add3A_1093 = arith.addf %dot_general3A_1065, %dot_general3A_1092 : vector<128x128xf32>
    %jit3A_1094 = arith.constant 0.000000e+00 : f32
    %broadcast_in_dim3A_1095 = vector.broadcast %jit3A_1094 : f32 to vector<128x128xf32>
    %select_n3A_1096 = arith.select %eq3A_203, %slice3A_1037, %broadcast_in_dim3A_1095 : vector<128x128xi1>, vector<128x128xf32>
    %dot_general3A_1097 = arith.constant dense<0.000000e+00> : vector<128x128xf32>
    %dot_general3A_1098 = tpu.matmul %slice3A_1036, %select_n3A_1096, %dot_general3A_1097 {dimension_numbers = #tpu.dot_dimension_numbers<[1], [1], [0], [0], [0, 0, 1, 0], [], []>, transpose_lhs_hint = false} : vector<128x128xf32>, vector<128x128xf32>, vector<128x128xf32> -> vector<128x128xf32>
    %mul3A_1099 = arith.constant 0.176776692 : f32
    %mul3A_1100 = vector.broadcast %mul3A_1099 : f32 to vector<128x128xf32>
    %mul3A_1101 = arith.mulf %dot_general3A_1098, %mul3A_1100 : vector<128x128xf32>
    %jit3A_1102 = arith.constant -1.000000e+30 : f32
    %broadcast_in_dim3A_1103 = vector.broadcast %jit3A_1102 : f32 to vector<128x128xf32>
    %select_n3A_1104 = arith.select %ge3A_240, %broadcast_in_dim3A_1103, %mul3A_1101 : vector<128x128xi1>, vector<128x128xf32>
    %reduce_max3A_1105 = arith.constant dense<0xFF800000> : vector<128xf32>
    %reduce_max3A_1106 = vector.multi_reduction <maximumf>, %select_n3A_1104, %reduce_max3A_1105 [1] : vector<128x128xf32> to vector<128xf32>
    %broadcast_in_dim3A_1107 = vector.shape_cast %reduce_max3A_1106 : vector<128xf32> to vector<128x1xf32>
    %sub3A_1108 = vector.broadcast %broadcast_in_dim3A_1107 : vector<128x1xf32> to vector<128x128xf32>
    %sub3A_1109 = arith.subf %select_n3A_1104, %sub3A_1108 : vector<128x128xf32>
    %exp3A_1110 = math.exp %sub3A_1109 : vector<128x128xf32>
    %reduce_sum3A_1111 = arith.constant dense<0.000000e+00> : vector<128xf32>
    %reduce_sum3A_1112 = vector.multi_reduction <add>, %exp3A_1110, %reduce_sum3A_1111 [1] : vector<128x128xf32> to vector<128xf32>
    %broadcast_in_dim3A_1113 = vector.shape_cast %reduce_sum3A_1112 : vector<128xf32> to vector<128x1xf32>
    %div3A_1114 = vector.broadcast %broadcast_in_dim3A_1113 : vector<128x1xf32> to vector<128x128xf32>
    %div3A_1115 = arith.divf %exp3A_1110, %div3A_1114 : vector<128x128xf32>
    %jit3A_1116 = arith.constant 0.000000e+00 : f32
    %broadcast_in_dim3A_1117 = vector.broadcast %jit3A_1116 : f32 to vector<128x128xf32>
    %select_n3A_1118 = arith.select %eq3A_203, %slice3A_1038, %broadcast_in_dim3A_1117 : vector<128x128xi1>, vector<128x128xf32>
    %dot_general3A_1119 = arith.constant dense<0.000000e+00> : vector<128x128xf32>
    %dot_general3A_1120 = tpu.matmul %div3A_1115, %select_n3A_1118, %dot_general3A_1119 {dimension_numbers = #tpu.dot_dimension_numbers<[1], [0], [0], [1], [0, 0, 1, 1], [], []>, transpose_lhs_hint = false} : vector<128x128xf32>, vector<128x128xf32>, vector<128x128xf32> -> vector<128x128xf32>
    %add3A_1121 = arith.addf %add3A_1093, %dot_general3A_1120 : vector<128x128xf32>
    %jit3A_1122 = arith.constant 0.000000e+00 : f32
    %broadcast_in_dim3A_1123 = vector.broadcast %jit3A_1122 : f32 to vector<128x128xf32>
    %select_n3A_1124 = arith.select %eq3A_237, %slice3A_1037, %broadcast_in_dim3A_1123 : vector<128x128xi1>, vector<128x128xf32>
    %dot_general3A_1125 = arith.constant dense<0.000000e+00> : vector<128x128xf32>
    %dot_general3A_1126 = tpu.matmul %slice3A_1036, %select_n3A_1124, %dot_general3A_1125 {dimension_numbers = #tpu.dot_dimension_numbers<[1], [1], [0], [0], [0, 0, 1, 0], [], []>, transpose_lhs_hint = false} : vector<128x128xf32>, vector<128x128xf32>, vector<128x128xf32> -> vector<128x128xf32>
    %mul3A_1127 = arith.constant 0.176776692 : f32
    %mul3A_1128 = vector.broadcast %mul3A_1127 : f32 to vector<128x128xf32>
    %mul3A_1129 = arith.mulf %dot_general3A_1126, %mul3A_1128 : vector<128x128xf32>
    %jit3A_1130 = arith.constant -1.000000e+30 : f32
    %broadcast_in_dim3A_1131 = vector.broadcast %jit3A_1130 : f32 to vector<128x128xf32>
    %select_n3A_1132 = arith.select %ge3A_240, %broadcast_in_dim3A_1131, %mul3A_1129 : vector<128x128xi1>, vector<128x128xf32>
    %reduce_max3A_1133 = arith.constant dense<0xFF800000> : vector<128xf32>
    %reduce_max3A_1134 = vector.multi_reduction <maximumf>, %select_n3A_1132, %reduce_max3A_1133 [1] : vector<128x128xf32> to vector<128xf32>
    %broadcast_in_dim3A_1135 = vector.shape_cast %reduce_max3A_1134 : vector<128xf32> to vector<128x1xf32>
    %sub3A_1136 = vector.broadcast %broadcast_in_dim3A_1135 : vector<128x1xf32> to vector<128x128xf32>
    %sub3A_1137 = arith.subf %select_n3A_1132, %sub3A_1136 : vector<128x128xf32>
    %exp3A_1138 = math.exp %sub3A_1137 : vector<128x128xf32>
    %reduce_sum3A_1139 = arith.constant dense<0.000000e+00> : vector<128xf32>
    %reduce_sum3A_1140 = vector.multi_reduction <add>, %exp3A_1138, %reduce_sum3A_1139 [1] : vector<128x128xf32> to vector<128xf32>
    %broadcast_in_dim3A_1141 = vector.shape_cast %reduce_sum3A_1140 : vector<128xf32> to vector<128x1xf32>
    %div3A_1142 = vector.broadcast %broadcast_in_dim3A_1141 : vector<128x1xf32> to vector<128x128xf32>
    %div3A_1143 = arith.divf %exp3A_1138, %div3A_1142 : vector<128x128xf32>
    %jit3A_1144 = arith.constant 0.000000e+00 : f32
    %broadcast_in_dim3A_1145 = vector.broadcast %jit3A_1144 : f32 to vector<128x128xf32>
    %select_n3A_1146 = arith.select %eq3A_237, %slice3A_1038, %broadcast_in_dim3A_1145 : vector<128x128xi1>, vector<128x128xf32>
    %dot_general3A_1147 = arith.constant dense<0.000000e+00> : vector<128x128xf32>
    %dot_general3A_1148 = tpu.matmul %div3A_1143, %select_n3A_1146, %dot_general3A_1147 {dimension_numbers = #tpu.dot_dimension_numbers<[1], [0], [0], [1], [0, 0, 1, 1], [], []>, transpose_lhs_hint = false} : vector<128x128xf32>, vector<128x128xf32>, vector<128x128xf32> -> vector<128x128xf32>
    %add3A_1149 = arith.addf %add3A_1121, %dot_general3A_1148 : vector<128x128xf32>
    %slice3A_1150 = vector.extract_strided_slice %add3A_86 {offsets = [1024, 0], sizes = [128, 128], strides = [1, 1]} : vector<1280x128xf32> to vector<128x128xf32>
    %slice3A_1151 = vector.extract_strided_slice %add3A_96 {offsets = [1024, 0], sizes = [128, 128], strides = [1, 1]} : vector<1280x128xf32> to vector<128x128xf32>
    %slice3A_1152 = vector.extract_strided_slice %add3A_106 {offsets = [1024, 0], sizes = [128, 128], strides = [1, 1]} : vector<1280x128xf32> to vector<128x128xf32>
    %jit3A_1153 = arith.constant 0.000000e+00 : f32
    %broadcast_in_dim3A_1154 = vector.broadcast %jit3A_1153 : f32 to vector<128x128xf32>
    %select_n3A_1155 = arith.select %eq3A_135, %slice3A_1151, %broadcast_in_dim3A_1154 : vector<128x128xi1>, vector<128x128xf32>
    %dot_general3A_1156 = arith.constant dense<0.000000e+00> : vector<128x128xf32>
    %dot_general3A_1157 = tpu.matmul %slice3A_1150, %select_n3A_1155, %dot_general3A_1156 {dimension_numbers = #tpu.dot_dimension_numbers<[1], [1], [0], [0], [0, 0, 1, 0], [], []>, transpose_lhs_hint = false} : vector<128x128xf32>, vector<128x128xf32>, vector<128x128xf32> -> vector<128x128xf32>
    %mul3A_1158 = arith.constant 0.176776692 : f32
    %mul3A_1159 = vector.broadcast %mul3A_1158 : f32 to vector<128x128xf32>
    %mul3A_1160 = arith.mulf %dot_general3A_1157, %mul3A_1159 : vector<128x128xf32>
    %jit3A_1161 = arith.constant -1.000000e+30 : f32
    %broadcast_in_dim3A_1162 = vector.broadcast %jit3A_1161 : f32 to vector<128x128xf32>
    %select_n3A_1163 = arith.select %ge3A_240, %broadcast_in_dim3A_1162, %mul3A_1160 : vector<128x128xi1>, vector<128x128xf32>
    %reduce_max3A_1164 = arith.constant dense<0xFF800000> : vector<128xf32>
    %reduce_max3A_1165 = vector.multi_reduction <maximumf>, %select_n3A_1163, %reduce_max3A_1164 [1] : vector<128x128xf32> to vector<128xf32>
    %broadcast_in_dim3A_1166 = vector.shape_cast %reduce_max3A_1165 : vector<128xf32> to vector<128x1xf32>
    %sub3A_1167 = vector.broadcast %broadcast_in_dim3A_1166 : vector<128x1xf32> to vector<128x128xf32>
    %sub3A_1168 = arith.subf %select_n3A_1163, %sub3A_1167 : vector<128x128xf32>
    %exp3A_1169 = math.exp %sub3A_1168 : vector<128x128xf32>
    %reduce_sum3A_1170 = arith.constant dense<0.000000e+00> : vector<128xf32>
    %reduce_sum3A_1171 = vector.multi_reduction <add>, %exp3A_1169, %reduce_sum3A_1170 [1] : vector<128x128xf32> to vector<128xf32>
    %broadcast_in_dim3A_1172 = vector.shape_cast %reduce_sum3A_1171 : vector<128xf32> to vector<128x1xf32>
    %div3A_1173 = vector.broadcast %broadcast_in_dim3A_1172 : vector<128x1xf32> to vector<128x128xf32>
    %div3A_1174 = arith.divf %exp3A_1169, %div3A_1173 : vector<128x128xf32>
    %jit3A_1175 = arith.constant 0.000000e+00 : f32
    %broadcast_in_dim3A_1176 = vector.broadcast %jit3A_1175 : f32 to vector<128x128xf32>
    %select_n3A_1177 = arith.select %eq3A_135, %slice3A_1152, %broadcast_in_dim3A_1176 : vector<128x128xi1>, vector<128x128xf32>
    %dot_general3A_1178 = arith.constant dense<0.000000e+00> : vector<128x128xf32>
    %dot_general3A_1179 = tpu.matmul %div3A_1174, %select_n3A_1177, %dot_general3A_1178 {dimension_numbers = #tpu.dot_dimension_numbers<[1], [0], [0], [1], [0, 0, 1, 1], [], []>, transpose_lhs_hint = false} : vector<128x128xf32>, vector<128x128xf32>, vector<128x128xf32> -> vector<128x128xf32>
    %jit3A_1180 = arith.constant 0.000000e+00 : f32
    %broadcast_in_dim3A_1181 = vector.broadcast %jit3A_1180 : f32 to vector<128x128xf32>
    %select_n3A_1182 = arith.select %eq3A_169, %slice3A_1151, %broadcast_in_dim3A_1181 : vector<128x128xi1>, vector<128x128xf32>
    %dot_general3A_1183 = arith.constant dense<0.000000e+00> : vector<128x128xf32>
    %dot_general3A_1184 = tpu.matmul %slice3A_1150, %select_n3A_1182, %dot_general3A_1183 {dimension_numbers = #tpu.dot_dimension_numbers<[1], [1], [0], [0], [0, 0, 1, 0], [], []>, transpose_lhs_hint = false} : vector<128x128xf32>, vector<128x128xf32>, vector<128x128xf32> -> vector<128x128xf32>
    %mul3A_1185 = arith.constant 0.176776692 : f32
    %mul3A_1186 = vector.broadcast %mul3A_1185 : f32 to vector<128x128xf32>
    %mul3A_1187 = arith.mulf %dot_general3A_1184, %mul3A_1186 : vector<128x128xf32>
    %jit3A_1188 = arith.constant -1.000000e+30 : f32
    %broadcast_in_dim3A_1189 = vector.broadcast %jit3A_1188 : f32 to vector<128x128xf32>
    %select_n3A_1190 = arith.select %ge3A_240, %broadcast_in_dim3A_1189, %mul3A_1187 : vector<128x128xi1>, vector<128x128xf32>
    %reduce_max3A_1191 = arith.constant dense<0xFF800000> : vector<128xf32>
    %reduce_max3A_1192 = vector.multi_reduction <maximumf>, %select_n3A_1190, %reduce_max3A_1191 [1] : vector<128x128xf32> to vector<128xf32>
    %broadcast_in_dim3A_1193 = vector.shape_cast %reduce_max3A_1192 : vector<128xf32> to vector<128x1xf32>
    %sub3A_1194 = vector.broadcast %broadcast_in_dim3A_1193 : vector<128x1xf32> to vector<128x128xf32>
    %sub3A_1195 = arith.subf %select_n3A_1190, %sub3A_1194 : vector<128x128xf32>
    %exp3A_1196 = math.exp %sub3A_1195 : vector<128x128xf32>
    %reduce_sum3A_1197 = arith.constant dense<0.000000e+00> : vector<128xf32>
    %reduce_sum3A_1198 = vector.multi_reduction <add>, %exp3A_1196, %reduce_sum3A_1197 [1] : vector<128x128xf32> to vector<128xf32>
    %broadcast_in_dim3A_1199 = vector.shape_cast %reduce_sum3A_1198 : vector<128xf32> to vector<128x1xf32>
    %div3A_1200 = vector.broadcast %broadcast_in_dim3A_1199 : vector<128x1xf32> to vector<128x128xf32>
    %div3A_1201 = arith.divf %exp3A_1196, %div3A_1200 : vector<128x128xf32>
    %jit3A_1202 = arith.constant 0.000000e+00 : f32
    %broadcast_in_dim3A_1203 = vector.broadcast %jit3A_1202 : f32 to vector<128x128xf32>
    %select_n3A_1204 = arith.select %eq3A_169, %slice3A_1152, %broadcast_in_dim3A_1203 : vector<128x128xi1>, vector<128x128xf32>
    %dot_general3A_1205 = arith.constant dense<0.000000e+00> : vector<128x128xf32>
    %dot_general3A_1206 = tpu.matmul %div3A_1201, %select_n3A_1204, %dot_general3A_1205 {dimension_numbers = #tpu.dot_dimension_numbers<[1], [0], [0], [1], [0, 0, 1, 1], [], []>, transpose_lhs_hint = false} : vector<128x128xf32>, vector<128x128xf32>, vector<128x128xf32> -> vector<128x128xf32>
    %add3A_1207 = arith.addf %dot_general3A_1179, %dot_general3A_1206 : vector<128x128xf32>
    %jit3A_1208 = arith.constant 0.000000e+00 : f32
    %broadcast_in_dim3A_1209 = vector.broadcast %jit3A_1208 : f32 to vector<128x128xf32>
    %select_n3A_1210 = arith.select %eq3A_203, %slice3A_1151, %broadcast_in_dim3A_1209 : vector<128x128xi1>, vector<128x128xf32>
    %dot_general3A_1211 = arith.constant dense<0.000000e+00> : vector<128x128xf32>
    %dot_general3A_1212 = tpu.matmul %slice3A_1150, %select_n3A_1210, %dot_general3A_1211 {dimension_numbers = #tpu.dot_dimension_numbers<[1], [1], [0], [0], [0, 0, 1, 0], [], []>, transpose_lhs_hint = false} : vector<128x128xf32>, vector<128x128xf32>, vector<128x128xf32> -> vector<128x128xf32>
    %mul3A_1213 = arith.constant 0.176776692 : f32
    %mul3A_1214 = vector.broadcast %mul3A_1213 : f32 to vector<128x128xf32>
    %mul3A_1215 = arith.mulf %dot_general3A_1212, %mul3A_1214 : vector<128x128xf32>
    %jit3A_1216 = arith.constant -1.000000e+30 : f32
    %broadcast_in_dim3A_1217 = vector.broadcast %jit3A_1216 : f32 to vector<128x128xf32>
    %select_n3A_1218 = arith.select %ge3A_240, %broadcast_in_dim3A_1217, %mul3A_1215 : vector<128x128xi1>, vector<128x128xf32>
    %reduce_max3A_1219 = arith.constant dense<0xFF800000> : vector<128xf32>
    %reduce_max3A_1220 = vector.multi_reduction <maximumf>, %select_n3A_1218, %reduce_max3A_1219 [1] : vector<128x128xf32> to vector<128xf32>
    %broadcast_in_dim3A_1221 = vector.shape_cast %reduce_max3A_1220 : vector<128xf32> to vector<128x1xf32>
    %sub3A_1222 = vector.broadcast %broadcast_in_dim3A_1221 : vector<128x1xf32> to vector<128x128xf32>
    %sub3A_1223 = arith.subf %select_n3A_1218, %sub3A_1222 : vector<128x128xf32>
    %exp3A_1224 = math.exp %sub3A_1223 : vector<128x128xf32>
    %reduce_sum3A_1225 = arith.constant dense<0.000000e+00> : vector<128xf32>
    %reduce_sum3A_1226 = vector.multi_reduction <add>, %exp3A_1224, %reduce_sum3A_1225 [1] : vector<128x128xf32> to vector<128xf32>
    %broadcast_in_dim3A_1227 = vector.shape_cast %reduce_sum3A_1226 : vector<128xf32> to vector<128x1xf32>
    %div3A_1228 = vector.broadcast %broadcast_in_dim3A_1227 : vector<128x1xf32> to vector<128x128xf32>
    %div3A_1229 = arith.divf %exp3A_1224, %div3A_1228 : vector<128x128xf32>
    %jit3A_1230 = arith.constant 0.000000e+00 : f32
    %broadcast_in_dim3A_1231 = vector.broadcast %jit3A_1230 : f32 to vector<128x128xf32>
    %select_n3A_1232 = arith.select %eq3A_203, %slice3A_1152, %broadcast_in_dim3A_1231 : vector<128x128xi1>, vector<128x128xf32>
    %dot_general3A_1233 = arith.constant dense<0.000000e+00> : vector<128x128xf32>
    %dot_general3A_1234 = tpu.matmul %div3A_1229, %select_n3A_1232, %dot_general3A_1233 {dimension_numbers = #tpu.dot_dimension_numbers<[1], [0], [0], [1], [0, 0, 1, 1], [], []>, transpose_lhs_hint = false} : vector<128x128xf32>, vector<128x128xf32>, vector<128x128xf32> -> vector<128x128xf32>
    %add3A_1235 = arith.addf %add3A_1207, %dot_general3A_1234 : vector<128x128xf32>
    %jit3A_1236 = arith.constant 0.000000e+00 : f32
    %broadcast_in_dim3A_1237 = vector.broadcast %jit3A_1236 : f32 to vector<128x128xf32>
    %select_n3A_1238 = arith.select %eq3A_237, %slice3A_1151, %broadcast_in_dim3A_1237 : vector<128x128xi1>, vector<128x128xf32>
    %dot_general3A_1239 = arith.constant dense<0.000000e+00> : vector<128x128xf32>
    %dot_general3A_1240 = tpu.matmul %slice3A_1150, %select_n3A_1238, %dot_general3A_1239 {dimension_numbers = #tpu.dot_dimension_numbers<[1], [1], [0], [0], [0, 0, 1, 0], [], []>, transpose_lhs_hint = false} : vector<128x128xf32>, vector<128x128xf32>, vector<128x128xf32> -> vector<128x128xf32>
    %mul3A_1241 = arith.constant 0.176776692 : f32
    %mul3A_1242 = vector.broadcast %mul3A_1241 : f32 to vector<128x128xf32>
    %mul3A_1243 = arith.mulf %dot_general3A_1240, %mul3A_1242 : vector<128x128xf32>
    %jit3A_1244 = arith.constant -1.000000e+30 : f32
    %broadcast_in_dim3A_1245 = vector.broadcast %jit3A_1244 : f32 to vector<128x128xf32>
    %select_n3A_1246 = arith.select %ge3A_240, %broadcast_in_dim3A_1245, %mul3A_1243 : vector<128x128xi1>, vector<128x128xf32>
    %reduce_max3A_1247 = arith.constant dense<0xFF800000> : vector<128xf32>
    %reduce_max3A_1248 = vector.multi_reduction <maximumf>, %select_n3A_1246, %reduce_max3A_1247 [1] : vector<128x128xf32> to vector<128xf32>
    %broadcast_in_dim3A_1249 = vector.shape_cast %reduce_max3A_1248 : vector<128xf32> to vector<128x1xf32>
    %sub3A_1250 = vector.broadcast %broadcast_in_dim3A_1249 : vector<128x1xf32> to vector<128x128xf32>
    %sub3A_1251 = arith.subf %select_n3A_1246, %sub3A_1250 : vector<128x128xf32>
    %exp3A_1252 = math.exp %sub3A_1251 : vector<128x128xf32>
    %reduce_sum3A_1253 = arith.constant dense<0.000000e+00> : vector<128xf32>
    %reduce_sum3A_1254 = vector.multi_reduction <add>, %exp3A_1252, %reduce_sum3A_1253 [1] : vector<128x128xf32> to vector<128xf32>
    %broadcast_in_dim3A_1255 = vector.shape_cast %reduce_sum3A_1254 : vector<128xf32> to vector<128x1xf32>
    %div3A_1256 = vector.broadcast %broadcast_in_dim3A_1255 : vector<128x1xf32> to vector<128x128xf32>
    %div3A_1257 = arith.divf %exp3A_1252, %div3A_1256 : vector<128x128xf32>
    %jit3A_1258 = arith.constant 0.000000e+00 : f32
    %broadcast_in_dim3A_1259 = vector.broadcast %jit3A_1258 : f32 to vector<128x128xf32>
    %select_n3A_1260 = arith.select %eq3A_237, %slice3A_1152, %broadcast_in_dim3A_1259 : vector<128x128xi1>, vector<128x128xf32>
    %dot_general3A_1261 = arith.constant dense<0.000000e+00> : vector<128x128xf32>
    %dot_general3A_1262 = tpu.matmul %div3A_1257, %select_n3A_1260, %dot_general3A_1261 {dimension_numbers = #tpu.dot_dimension_numbers<[1], [0], [0], [1], [0, 0, 1, 1], [], []>, transpose_lhs_hint = false} : vector<128x128xf32>, vector<128x128xf32>, vector<128x128xf32> -> vector<128x128xf32>
    %add3A_1263 = arith.addf %add3A_1235, %dot_general3A_1262 : vector<128x128xf32>
    %slice3A_1264 = vector.extract_strided_slice %add3A_86 {offsets = [1152, 0], sizes = [128, 128], strides = [1, 1]} : vector<1280x128xf32> to vector<128x128xf32>
    %slice3A_1265 = vector.extract_strided_slice %add3A_96 {offsets = [1152, 0], sizes = [128, 128], strides = [1, 1]} : vector<1280x128xf32> to vector<128x128xf32>
    %slice3A_1266 = vector.extract_strided_slice %add3A_106 {offsets = [1152, 0], sizes = [128, 128], strides = [1, 1]} : vector<1280x128xf32> to vector<128x128xf32>
    %jit3A_1267 = arith.constant 0.000000e+00 : f32
    %broadcast_in_dim3A_1268 = vector.broadcast %jit3A_1267 : f32 to vector<128x128xf32>
    %select_n3A_1269 = arith.select %eq3A_135, %slice3A_1265, %broadcast_in_dim3A_1268 : vector<128x128xi1>, vector<128x128xf32>
    %dot_general3A_1270 = arith.constant dense<0.000000e+00> : vector<128x128xf32>
    %dot_general3A_1271 = tpu.matmul %slice3A_1264, %select_n3A_1269, %dot_general3A_1270 {dimension_numbers = #tpu.dot_dimension_numbers<[1], [1], [0], [0], [0, 0, 1, 0], [], []>, transpose_lhs_hint = false} : vector<128x128xf32>, vector<128x128xf32>, vector<128x128xf32> -> vector<128x128xf32>
    %mul3A_1272 = arith.constant 0.176776692 : f32
    %mul3A_1273 = vector.broadcast %mul3A_1272 : f32 to vector<128x128xf32>
    %mul3A_1274 = arith.mulf %dot_general3A_1271, %mul3A_1273 : vector<128x128xf32>
    %jit3A_1275 = arith.constant -1.000000e+30 : f32
    %broadcast_in_dim3A_1276 = vector.broadcast %jit3A_1275 : f32 to vector<128x128xf32>
    %select_n3A_1277 = arith.select %ge3A_240, %broadcast_in_dim3A_1276, %mul3A_1274 : vector<128x128xi1>, vector<128x128xf32>
    %reduce_max3A_1278 = arith.constant dense<0xFF800000> : vector<128xf32>
    %reduce_max3A_1279 = vector.multi_reduction <maximumf>, %select_n3A_1277, %reduce_max3A_1278 [1] : vector<128x128xf32> to vector<128xf32>
    %broadcast_in_dim3A_1280 = vector.shape_cast %reduce_max3A_1279 : vector<128xf32> to vector<128x1xf32>
    %sub3A_1281 = vector.broadcast %broadcast_in_dim3A_1280 : vector<128x1xf32> to vector<128x128xf32>
    %sub3A_1282 = arith.subf %select_n3A_1277, %sub3A_1281 : vector<128x128xf32>
    %exp3A_1283 = math.exp %sub3A_1282 : vector<128x128xf32>
    %reduce_sum3A_1284 = arith.constant dense<0.000000e+00> : vector<128xf32>
    %reduce_sum3A_1285 = vector.multi_reduction <add>, %exp3A_1283, %reduce_sum3A_1284 [1] : vector<128x128xf32> to vector<128xf32>
    %broadcast_in_dim3A_1286 = vector.shape_cast %reduce_sum3A_1285 : vector<128xf32> to vector<128x1xf32>
    %div3A_1287 = vector.broadcast %broadcast_in_dim3A_1286 : vector<128x1xf32> to vector<128x128xf32>
    %div3A_1288 = arith.divf %exp3A_1283, %div3A_1287 : vector<128x128xf32>
    %jit3A_1289 = arith.constant 0.000000e+00 : f32
    %broadcast_in_dim3A_1290 = vector.broadcast %jit3A_1289 : f32 to vector<128x128xf32>
    %select_n3A_1291 = arith.select %eq3A_135, %slice3A_1266, %broadcast_in_dim3A_1290 : vector<128x128xi1>, vector<128x128xf32>
    %dot_general3A_1292 = arith.constant dense<0.000000e+00> : vector<128x128xf32>
    %dot_general3A_1293 = tpu.matmul %div3A_1288, %select_n3A_1291, %dot_general3A_1292 {dimension_numbers = #tpu.dot_dimension_numbers<[1], [0], [0], [1], [0, 0, 1, 1], [], []>, transpose_lhs_hint = false} : vector<128x128xf32>, vector<128x128xf32>, vector<128x128xf32> -> vector<128x128xf32>
    %jit3A_1294 = arith.constant 0.000000e+00 : f32
    %broadcast_in_dim3A_1295 = vector.broadcast %jit3A_1294 : f32 to vector<128x128xf32>
    %select_n3A_1296 = arith.select %eq3A_169, %slice3A_1265, %broadcast_in_dim3A_1295 : vector<128x128xi1>, vector<128x128xf32>
    %dot_general3A_1297 = arith.constant dense<0.000000e+00> : vector<128x128xf32>
    %dot_general3A_1298 = tpu.matmul %slice3A_1264, %select_n3A_1296, %dot_general3A_1297 {dimension_numbers = #tpu.dot_dimension_numbers<[1], [1], [0], [0], [0, 0, 1, 0], [], []>, transpose_lhs_hint = false} : vector<128x128xf32>, vector<128x128xf32>, vector<128x128xf32> -> vector<128x128xf32>
    %mul3A_1299 = arith.constant 0.176776692 : f32
    %mul3A_1300 = vector.broadcast %mul3A_1299 : f32 to vector<128x128xf32>
    %mul3A_1301 = arith.mulf %dot_general3A_1298, %mul3A_1300 : vector<128x128xf32>
    %jit3A_1302 = arith.constant -1.000000e+30 : f32
    %broadcast_in_dim3A_1303 = vector.broadcast %jit3A_1302 : f32 to vector<128x128xf32>
    %select_n3A_1304 = arith.select %ge3A_240, %broadcast_in_dim3A_1303, %mul3A_1301 : vector<128x128xi1>, vector<128x128xf32>
    %reduce_max3A_1305 = arith.constant dense<0xFF800000> : vector<128xf32>
    %reduce_max3A_1306 = vector.multi_reduction <maximumf>, %select_n3A_1304, %reduce_max3A_1305 [1] : vector<128x128xf32> to vector<128xf32>
    %broadcast_in_dim3A_1307 = vector.shape_cast %reduce_max3A_1306 : vector<128xf32> to vector<128x1xf32>
    %sub3A_1308 = vector.broadcast %broadcast_in_dim3A_1307 : vector<128x1xf32> to vector<128x128xf32>
    %sub3A_1309 = arith.subf %select_n3A_1304, %sub3A_1308 : vector<128x128xf32>
    %exp3A_1310 = math.exp %sub3A_1309 : vector<128x128xf32>
    %reduce_sum3A_1311 = arith.constant dense<0.000000e+00> : vector<128xf32>
    %reduce_sum3A_1312 = vector.multi_reduction <add>, %exp3A_1310, %reduce_sum3A_1311 [1] : vector<128x128xf32> to vector<128xf32>
    %broadcast_in_dim3A_1313 = vector.shape_cast %reduce_sum3A_1312 : vector<128xf32> to vector<128x1xf32>
    %div3A_1314 = vector.broadcast %broadcast_in_dim3A_1313 : vector<128x1xf32> to vector<128x128xf32>
    %div3A_1315 = arith.divf %exp3A_1310, %div3A_1314 : vector<128x128xf32>
    %jit3A_1316 = arith.constant 0.000000e+00 : f32
    %broadcast_in_dim3A_1317 = vector.broadcast %jit3A_1316 : f32 to vector<128x128xf32>
    %select_n3A_1318 = arith.select %eq3A_169, %slice3A_1266, %broadcast_in_dim3A_1317 : vector<128x128xi1>, vector<128x128xf32>
    %dot_general3A_1319 = arith.constant dense<0.000000e+00> : vector<128x128xf32>
    %dot_general3A_1320 = tpu.matmul %div3A_1315, %select_n3A_1318, %dot_general3A_1319 {dimension_numbers = #tpu.dot_dimension_numbers<[1], [0], [0], [1], [0, 0, 1, 1], [], []>, transpose_lhs_hint = false} : vector<128x128xf32>, vector<128x128xf32>, vector<128x128xf32> -> vector<128x128xf32>
    %add3A_1321 = arith.addf %dot_general3A_1293, %dot_general3A_1320 : vector<128x128xf32>
    %jit3A_1322 = arith.constant 0.000000e+00 : f32
    %broadcast_in_dim3A_1323 = vector.broadcast %jit3A_1322 : f32 to vector<128x128xf32>
    %select_n3A_1324 = arith.select %eq3A_203, %slice3A_1265, %broadcast_in_dim3A_1323 : vector<128x128xi1>, vector<128x128xf32>
    %dot_general3A_1325 = arith.constant dense<0.000000e+00> : vector<128x128xf32>
    %dot_general3A_1326 = tpu.matmul %slice3A_1264, %select_n3A_1324, %dot_general3A_1325 {dimension_numbers = #tpu.dot_dimension_numbers<[1], [1], [0], [0], [0, 0, 1, 0], [], []>, transpose_lhs_hint = false} : vector<128x128xf32>, vector<128x128xf32>, vector<128x128xf32> -> vector<128x128xf32>
    %mul3A_1327 = arith.constant 0.176776692 : f32
    %mul3A_1328 = vector.broadcast %mul3A_1327 : f32 to vector<128x128xf32>
    %mul3A_1329 = arith.mulf %dot_general3A_1326, %mul3A_1328 : vector<128x128xf32>
    %jit3A_1330 = arith.constant -1.000000e+30 : f32
    %broadcast_in_dim3A_1331 = vector.broadcast %jit3A_1330 : f32 to vector<128x128xf32>
    %select_n3A_1332 = arith.select %ge3A_240, %broadcast_in_dim3A_1331, %mul3A_1329 : vector<128x128xi1>, vector<128x128xf32>
    %reduce_max3A_1333 = arith.constant dense<0xFF800000> : vector<128xf32>
    %reduce_max3A_1334 = vector.multi_reduction <maximumf>, %select_n3A_1332, %reduce_max3A_1333 [1] : vector<128x128xf32> to vector<128xf32>
    %broadcast_in_dim3A_1335 = vector.shape_cast %reduce_max3A_1334 : vector<128xf32> to vector<128x1xf32>
    %sub3A_1336 = vector.broadcast %broadcast_in_dim3A_1335 : vector<128x1xf32> to vector<128x128xf32>
    %sub3A_1337 = arith.subf %select_n3A_1332, %sub3A_1336 : vector<128x128xf32>
    %exp3A_1338 = math.exp %sub3A_1337 : vector<128x128xf32>
    %reduce_sum3A_1339 = arith.constant dense<0.000000e+00> : vector<128xf32>
    %reduce_sum3A_1340 = vector.multi_reduction <add>, %exp3A_1338, %reduce_sum3A_1339 [1] : vector<128x128xf32> to vector<128xf32>
    %broadcast_in_dim3A_1341 = vector.shape_cast %reduce_sum3A_1340 : vector<128xf32> to vector<128x1xf32>
    %div3A_1342 = vector.broadcast %broadcast_in_dim3A_1341 : vector<128x1xf32> to vector<128x128xf32>
    %div3A_1343 = arith.divf %exp3A_1338, %div3A_1342 : vector<128x128xf32>
    %jit3A_1344 = arith.constant 0.000000e+00 : f32
    %broadcast_in_dim3A_1345 = vector.broadcast %jit3A_1344 : f32 to vector<128x128xf32>
    %select_n3A_1346 = arith.select %eq3A_203, %slice3A_1266, %broadcast_in_dim3A_1345 : vector<128x128xi1>, vector<128x128xf32>
    %dot_general3A_1347 = arith.constant dense<0.000000e+00> : vector<128x128xf32>
    %dot_general3A_1348 = tpu.matmul %div3A_1343, %select_n3A_1346, %dot_general3A_1347 {dimension_numbers = #tpu.dot_dimension_numbers<[1], [0], [0], [1], [0, 0, 1, 1], [], []>, transpose_lhs_hint = false} : vector<128x128xf32>, vector<128x128xf32>, vector<128x128xf32> -> vector<128x128xf32>
    %add3A_1349 = arith.addf %add3A_1321, %dot_general3A_1348 : vector<128x128xf32>
    %jit3A_1350 = arith.constant 0.000000e+00 : f32
    %broadcast_in_dim3A_1351 = vector.broadcast %jit3A_1350 : f32 to vector<128x128xf32>
    %select_n3A_1352 = arith.select %eq3A_237, %slice3A_1265, %broadcast_in_dim3A_1351 : vector<128x128xi1>, vector<128x128xf32>
    %dot_general3A_1353 = arith.constant dense<0.000000e+00> : vector<128x128xf32>
    %dot_general3A_1354 = tpu.matmul %slice3A_1264, %select_n3A_1352, %dot_general3A_1353 {dimension_numbers = #tpu.dot_dimension_numbers<[1], [1], [0], [0], [0, 0, 1, 0], [], []>, transpose_lhs_hint = false} : vector<128x128xf32>, vector<128x128xf32>, vector<128x128xf32> -> vector<128x128xf32>
    %mul3A_1355 = arith.constant 0.176776692 : f32
    %mul3A_1356 = vector.broadcast %mul3A_1355 : f32 to vector<128x128xf32>
    %mul3A_1357 = arith.mulf %dot_general3A_1354, %mul3A_1356 : vector<128x128xf32>
    %jit3A_1358 = arith.constant -1.000000e+30 : f32
    %broadcast_in_dim3A_1359 = vector.broadcast %jit3A_1358 : f32 to vector<128x128xf32>
    %select_n3A_1360 = arith.select %ge3A_240, %broadcast_in_dim3A_1359, %mul3A_1357 : vector<128x128xi1>, vector<128x128xf32>
    %reduce_max3A_1361 = arith.constant dense<0xFF800000> : vector<128xf32>
    %reduce_max3A_1362 = vector.multi_reduction <maximumf>, %select_n3A_1360, %reduce_max3A_1361 [1] : vector<128x128xf32> to vector<128xf32>
    %broadcast_in_dim3A_1363 = vector.shape_cast %reduce_max3A_1362 : vector<128xf32> to vector<128x1xf32>
    %sub3A_1364 = vector.broadcast %broadcast_in_dim3A_1363 : vector<128x1xf32> to vector<128x128xf32>
    %sub3A_1365 = arith.subf %select_n3A_1360, %sub3A_1364 : vector<128x128xf32>
    %exp3A_1366 = math.exp %sub3A_1365 : vector<128x128xf32>
    %reduce_sum3A_1367 = arith.constant dense<0.000000e+00> : vector<128xf32>
    %reduce_sum3A_1368 = vector.multi_reduction <add>, %exp3A_1366, %reduce_sum3A_1367 [1] : vector<128x128xf32> to vector<128xf32>
    %broadcast_in_dim3A_1369 = vector.shape_cast %reduce_sum3A_1368 : vector<128xf32> to vector<128x1xf32>
    %div3A_1370 = vector.broadcast %broadcast_in_dim3A_1369 : vector<128x1xf32> to vector<128x128xf32>
    %div3A_1371 = arith.divf %exp3A_1366, %div3A_1370 : vector<128x128xf32>
    %jit3A_1372 = arith.constant 0.000000e+00 : f32
    %broadcast_in_dim3A_1373 = vector.broadcast %jit3A_1372 : f32 to vector<128x128xf32>
    %select_n3A_1374 = arith.select %eq3A_237, %slice3A_1266, %broadcast_in_dim3A_1373 : vector<128x128xi1>, vector<128x128xf32>
    %dot_general3A_1375 = arith.constant dense<0.000000e+00> : vector<128x128xf32>
    %dot_general3A_1376 = tpu.matmul %div3A_1371, %select_n3A_1374, %dot_general3A_1375 {dimension_numbers = #tpu.dot_dimension_numbers<[1], [0], [0], [1], [0, 0, 1, 1], [], []>, transpose_lhs_hint = false} : vector<128x128xf32>, vector<128x128xf32>, vector<128x128xf32> -> vector<128x128xf32>
    %add3A_1377 = arith.addf %add3A_1349, %dot_general3A_1376 : vector<128x128xf32>
    %concatenate3A = tpu.concatenate %add3A_351, %add3A_465, %add3A_579, %add3A_693, %add3A_807, %add3A_921, %add3A_1035, %add3A_1149, %add3A_1263, %add3A_1377 in 0 : vector<128x128xf32>, vector<128x128xf32>, vector<128x128xf32>, vector<128x128xf32>, vector<128x128xf32>, vector<128x128xf32>, vector<128x128xf32>, vector<128x128xf32>, vector<128x128xf32>, vector<128x128xf32> -> vector<1280x128xf32>
    %get3A_1378 = arith.constant 0 : index
    %get3A_1379 = arith.constant 0 : index
    %get3A_1380 = vector.load %arg14[%get3A_1378, %get3A_1379] : memref<128x128xf32, #tpu.memory_space<vmem>>, vector<128x128xf32>
    %dot_general3A_1381 = arith.constant dense<0.000000e+00> : vector<1280x128xf32>
    %dot_general3A_1382 = tpu.matmul %concatenate3A, %get3A_1380, %dot_general3A_1381 {dimension_numbers = #tpu.dot_dimension_numbers<[1], [0], [0], [1], [0, 0, 1, 1], [], []>, transpose_lhs_hint = false} : vector<1280x128xf32>, vector<128x128xf32>, vector<1280x128xf32> -> vector<1280x128xf32>
    %get3A_1383 = arith.constant 0 : index
    %get3A_1384 = arith.constant 0 : index
    %get3A_1385 = vector.load %arg15[%get3A_1383, %get3A_1384] : memref<1x128xf32, #tpu.memory_space<vmem>>, vector<1x128xf32>
    %add3A_1386 = vector.broadcast %get3A_1385 : vector<1x128xf32> to vector<1280x128xf32>
    %add3A_1387 = arith.addf %dot_general3A_1382, %add3A_1386 : vector<1280x128xf32>
    %add3A_1388 = arith.addf %add3A_1387, %get3A_1 : vector<1280x128xf32>
    %get3A_1389 = arith.constant 0 : index
    %get3A_1390 = arith.constant 0 : index
    %get3A_1391 = vector.load %arg22[%get3A_1389, %get3A_1390] : memref<1x128xf32, #tpu.memory_space<vmem>>, vector<1x128xf32>
    %get3A_1392 = arith.constant 0 : index
    %get3A_1393 = arith.constant 0 : index
    %get3A_1394 = vector.load %arg23[%get3A_1392, %get3A_1393] : memref<1x128xf32, #tpu.memory_space<vmem>>, vector<1x128xf32>
    %reduce_sum3A_1395 = arith.constant dense<0.000000e+00> : vector<1280xf32>
    %reduce_sum3A_1396 = vector.multi_reduction <add>, %add3A_1388, %reduce_sum3A_1395 [1] : vector<1280x128xf32> to vector<1280xf32>
    %broadcast_in_dim3A_1397 = vector.shape_cast %reduce_sum3A_1396 : vector<1280xf32> to vector<1280x1xf32>
    %div3A_1398 = arith.constant 1.280000e+02 : f32
    %div3A_1399 = vector.broadcast %div3A_1398 : f32 to vector<1280x1xf32>
    %div3A_1400 = arith.divf %broadcast_in_dim3A_1397, %div3A_1399 : vector<1280x1xf32>
    %jit3A_1401 = arith.constant 0 : i32
    %reduce_sum3A_1402 = arith.constant dense<0.000000e+00> : vector<1280xf32>
    %reduce_sum3A_1403 = vector.multi_reduction <add>, %add3A_1388, %reduce_sum3A_1402 [1] : vector<1280x128xf32> to vector<1280xf32>
    %broadcast_in_dim3A_1404 = vector.shape_cast %reduce_sum3A_1403 : vector<1280xf32> to vector<1280x1xf32>
    %div3A_1405 = arith.constant 1.280000e+02 : f32
    %div3A_1406 = vector.broadcast %div3A_1405 : f32 to vector<1280x1xf32>
    %div3A_1407 = arith.divf %broadcast_in_dim3A_1404, %div3A_1406 : vector<1280x1xf32>
    %sub3A_1408 = vector.broadcast %div3A_1407 : vector<1280x1xf32> to vector<1280x128xf32>
    %sub3A_1409 = arith.subf %add3A_1388, %sub3A_1408 : vector<1280x128xf32>
    %square3A_1410 = arith.mulf %sub3A_1409, %sub3A_1409 : vector<1280x128xf32>
    %convert_element_type3A_1411 = arith.sitofp %jit3A_1401 : i32 to f32
    %sub3A_1412 = arith.constant 1.280000e+02 : f32
    %sub3A_1413 = arith.subf %sub3A_1412, %convert_element_type3A_1411 : f32
    %reduce_sum3A_1414 = arith.constant dense<0.000000e+00> : vector<1280xf32>
    %reduce_sum3A_1415 = vector.multi_reduction <add>, %square3A_1410, %reduce_sum3A_1414 [1] : vector<1280x128xf32> to vector<1280xf32>
    %broadcast_in_dim3A_1416 = vector.shape_cast %reduce_sum3A_1415 : vector<1280xf32> to vector<1280x1xf32>
    %div3A_1417 = vector.broadcast %sub3A_1413 : f32 to vector<1280x1xf32>
    %div3A_1418 = arith.divf %broadcast_in_dim3A_1416, %div3A_1417 : vector<1280x1xf32>
    %gt3A_1419 = arith.constant 0.000000e+00 : f32
    %gt3A_1420 = arith.cmpf ogt, %sub3A_1413, %gt3A_1419 : f32
    %jit3A_1421 = arith.constant 0x7FC00000 : f32
    %broadcast_in_dim3A_1422 = vector.broadcast %jit3A_1421 : f32 to vector<1280x1xf32>
    %select_n3A_1423 = arith.select %gt3A_1420, %div3A_1418, %broadcast_in_dim3A_1422 : vector<1280x1xf32>
    %sub3A_1424 = vector.broadcast %div3A_1400 : vector<1280x1xf32> to vector<1280x128xf32>
    %sub3A_1425 = arith.subf %add3A_1388, %sub3A_1424 : vector<1280x128xf32>
    %add3A_1426 = arith.constant 9.99999974E-6 : f32
    %add3A_1427 = vector.broadcast %add3A_1426 : f32 to vector<1280x1xf32>
    %add3A_1428 = arith.addf %select_n3A_1423, %add3A_1427 : vector<1280x1xf32>
    %sqrt3A_1429 = math.sqrt %add3A_1428 : vector<1280x1xf32>
    %div3A_1430 = vector.broadcast %sqrt3A_1429 : vector<1280x1xf32> to vector<1280x128xf32>
    %div3A_1431 = arith.divf %sub3A_1425, %div3A_1430 : vector<1280x128xf32>
    %mul3A_1432 = vector.broadcast %get3A_1391 : vector<1x128xf32> to vector<1280x128xf32>
    %mul3A_1433 = arith.mulf %div3A_1431, %mul3A_1432 : vector<1280x128xf32>
    %add3A_1434 = vector.broadcast %get3A_1394 : vector<1x128xf32> to vector<1280x128xf32>
    %add3A_1435 = arith.addf %mul3A_1433, %add3A_1434 : vector<1280x128xf32>
    %add3A_1436 = arith.addf %add3A_76, %add3A_1435 : vector<1280x128xf32>
    %get3A_1437 = arith.constant 0 : index
    %get3A_1438 = arith.constant 0 : index
    %get3A_1439 = vector.load %arg16[%get3A_1437, %get3A_1438] : memref<128x256xf32, #tpu.memory_space<vmem>>, vector<128x256xf32>
    %dot_general3A_1440 = arith.constant dense<0.000000e+00> : vector<1280x256xf32>
    %dot_general3A_1441 = tpu.matmul %add3A_1436, %get3A_1439, %dot_general3A_1440 {dimension_numbers = #tpu.dot_dimension_numbers<[1], [0], [0], [1], [0, 0, 1, 1], [], []>, transpose_lhs_hint = false} : vector<1280x128xf32>, vector<128x256xf32>, vector<1280x256xf32> -> vector<1280x256xf32>
    %get3A_1442 = arith.constant 0 : index
    %get3A_1443 = arith.constant 0 : index
    %get3A_1444 = vector.load %arg17[%get3A_1442, %get3A_1443] : memref<1x256xf32, #tpu.memory_space<vmem>>, vector<1x256xf32>
    %add3A_1445 = vector.broadcast %get3A_1444 : vector<1x256xf32> to vector<1280x256xf32>
    %add3A_1446 = arith.addf %dot_general3A_1441, %add3A_1445 : vector<1280x256xf32>
    %max3A_1447 = arith.constant 0.000000e+00 : f32
    %max3A_1448 = vector.broadcast %max3A_1447 : f32 to vector<1280x256xf32>
    %max3A_1449 = arith.maximumf %add3A_1446, %max3A_1448 : vector<1280x256xf32>
    %get3A_1450 = arith.constant 0 : index
    %get3A_1451 = arith.constant 0 : index
    %get3A_1452 = vector.load %arg18[%get3A_1450, %get3A_1451] : memref<256x128xf32, #tpu.memory_space<vmem>>, vector<256x128xf32>
    %dot_general3A_1453 = arith.constant dense<0.000000e+00> : vector<1280x128xf32>
    %dot_general3A_1454 = tpu.matmul %max3A_1449, %get3A_1452, %dot_general3A_1453 {dimension_numbers = #tpu.dot_dimension_numbers<[1], [0], [0], [1], [0, 0, 1, 1], [], []>, transpose_lhs_hint = false} : vector<1280x256xf32>, vector<256x128xf32>, vector<1280x128xf32> -> vector<1280x128xf32>
    %add3A_1455 = arith.addf %add3A_1436, %dot_general3A_1454 : vector<1280x128xf32>
    %get3A_1456 = arith.constant 0 : index
    %get3A_1457 = arith.constant 0 : index
    %get3A_1458 = vector.load %arg19[%get3A_1456, %get3A_1457] : memref<1x128xf32, #tpu.memory_space<vmem>>, vector<1x128xf32>
    %add3A_1459 = vector.broadcast %get3A_1458 : vector<1x128xf32> to vector<1280x128xf32>
    %add3A_1460 = arith.addf %add3A_1455, %add3A_1459 : vector<1280x128xf32>
    %get3A_1461 = arith.constant 0 : index
    %get3A_1462 = arith.constant 0 : index
    %get3A_1463 = vector.load %arg24[%get3A_1461, %get3A_1462] : memref<1x128xf32, #tpu.memory_space<vmem>>, vector<1x128xf32>
    %get3A_1464 = arith.constant 0 : index
    %get3A_1465 = arith.constant 0 : index
    %get3A_1466 = vector.load %arg25[%get3A_1464, %get3A_1465] : memref<1x128xf32, #tpu.memory_space<vmem>>, vector<1x128xf32>
    %reduce_sum3A_1467 = arith.constant dense<0.000000e+00> : vector<1280xf32>
    %reduce_sum3A_1468 = vector.multi_reduction <add>, %add3A_1460, %reduce_sum3A_1467 [1] : vector<1280x128xf32> to vector<1280xf32>
    %broadcast_in_dim3A_1469 = vector.shape_cast %reduce_sum3A_1468 : vector<1280xf32> to vector<1280x1xf32>
    %div3A_1470 = arith.constant 1.280000e+02 : f32
    %div3A_1471 = vector.broadcast %div3A_1470 : f32 to vector<1280x1xf32>
    %div3A_1472 = arith.divf %broadcast_in_dim3A_1469, %div3A_1471 : vector<1280x1xf32>
    %jit3A_1473 = arith.constant 0 : i32
    %reduce_sum3A_1474 = arith.constant dense<0.000000e+00> : vector<1280xf32>
    %reduce_sum3A_1475 = vector.multi_reduction <add>, %add3A_1460, %reduce_sum3A_1474 [1] : vector<1280x128xf32> to vector<1280xf32>
    %broadcast_in_dim3A_1476 = vector.shape_cast %reduce_sum3A_1475 : vector<1280xf32> to vector<1280x1xf32>
    %div3A_1477 = arith.constant 1.280000e+02 : f32
    %div3A_1478 = vector.broadcast %div3A_1477 : f32 to vector<1280x1xf32>
    %div3A_1479 = arith.divf %broadcast_in_dim3A_1476, %div3A_1478 : vector<1280x1xf32>
    %sub3A_1480 = vector.broadcast %div3A_1479 : vector<1280x1xf32> to vector<1280x128xf32>
    %sub3A_1481 = arith.subf %add3A_1460, %sub3A_1480 : vector<1280x128xf32>
    %square3A_1482 = arith.mulf %sub3A_1481, %sub3A_1481 : vector<1280x128xf32>
    %convert_element_type3A_1483 = arith.sitofp %jit3A_1473 : i32 to f32
    %sub3A_1484 = arith.constant 1.280000e+02 : f32
    %sub3A_1485 = arith.subf %sub3A_1484, %convert_element_type3A_1483 : f32
    %reduce_sum3A_1486 = arith.constant dense<0.000000e+00> : vector<1280xf32>
    %reduce_sum3A_1487 = vector.multi_reduction <add>, %square3A_1482, %reduce_sum3A_1486 [1] : vector<1280x128xf32> to vector<1280xf32>
    %broadcast_in_dim3A_1488 = vector.shape_cast %reduce_sum3A_1487 : vector<1280xf32> to vector<1280x1xf32>
    %div3A_1489 = vector.broadcast %sub3A_1485 : f32 to vector<1280x1xf32>
    %div3A_1490 = arith.divf %broadcast_in_dim3A_1488, %div3A_1489 : vector<1280x1xf32>
    %gt3A_1491 = arith.constant 0.000000e+00 : f32
    %gt3A_1492 = arith.cmpf ogt, %sub3A_1485, %gt3A_1491 : f32
    %jit3A_1493 = arith.constant 0x7FC00000 : f32
    %broadcast_in_dim3A_1494 = vector.broadcast %jit3A_1493 : f32 to vector<1280x1xf32>
    %select_n3A_1495 = arith.select %gt3A_1492, %div3A_1490, %broadcast_in_dim3A_1494 : vector<1280x1xf32>
    %sub3A_1496 = vector.broadcast %div3A_1472 : vector<1280x1xf32> to vector<1280x128xf32>
    %sub3A_1497 = arith.subf %add3A_1460, %sub3A_1496 : vector<1280x128xf32>
    %add3A_1498 = arith.constant 9.99999974E-6 : f32
    %add3A_1499 = vector.broadcast %add3A_1498 : f32 to vector<1280x1xf32>
    %add3A_1500 = arith.addf %select_n3A_1495, %add3A_1499 : vector<1280x1xf32>
    %sqrt3A_1501 = math.sqrt %add3A_1500 : vector<1280x1xf32>
    %div3A_1502 = vector.broadcast %sqrt3A_1501 : vector<1280x1xf32> to vector<1280x128xf32>
    %div3A_1503 = arith.divf %sub3A_1497, %div3A_1502 : vector<1280x128xf32>
    %mul3A_1504 = vector.broadcast %get3A_1463 : vector<1x128xf32> to vector<1280x128xf32>
    %mul3A_1505 = arith.mulf %div3A_1503, %mul3A_1504 : vector<1280x128xf32>
    %add3A_1506 = vector.broadcast %get3A_1466 : vector<1x128xf32> to vector<1280x128xf32>
    %add3A_1507 = arith.addf %mul3A_1505, %add3A_1506 : vector<1280x128xf32>
    %swap3A = arith.constant 0 : index
    %swap3A_1508 = arith.constant 0 : index
    %swap3A_1509 = vector.load %arg26[%swap3A, %swap3A_1508] : memref<1280x128xf32, #tpu.memory_space<vmem>>, vector<1280x128xf32>
    tpu.vector_store %arg26[%swap3A, %swap3A_1508], %add3A_1507 {strides = array<i32>} : memref<1280x128xf32, #tpu.memory_space<vmem>>, vector<1280x128xf32>,
    return
  }
  func.func @transform_0(%arg0: i32) -> i32 {
    %c0_i32 = arith.constant 0 : i32
    %c0_i32_0 = arith.constant 0 : i32
    return %c0_i32 : i32
  }
  func.func @transform_1(%arg0: i32) -> (i32, i32) {
    %c0_i32 = arith.constant 0 : i32
    %c0_i32_0 = arith.constant 0 : i32
    return %arg0, %c0_i32 : i32, i32
  }
  func.func @transform_2(%arg0: i32) -> (i32, i32, i32) {
    %c0_i32 = arith.constant 0 : i32
    %c0_i32_0 = arith.constant 0 : i32
    %c0_i32_1 = arith.constant 0 : i32
    return %c0_i32, %arg0, %c0_i32_0 : i32, i32, i32
  }
  func.func @transform_3(%arg0: i32) -> (i32, i32) {
    %c0_i32 = arith.constant 0 : i32
    %c0_i32_0 = arith.constant 0 : i32
    %c0_i32_1 = arith.constant 0 : i32
    return %c0_i32, %c0_i32_0 : i32, i32
  }
  func.func @transform_4(%arg0: i32) -> (i32, i32) {
    %c0_i32 = arith.constant 0 : i32
    %c0_i32_0 = arith.constant 0 : i32
    %c0_i32_1 = arith.constant 0 : i32
    return %c0_i32, %c0_i32_0 : i32, i32
  }
  func.func @transform_5(%arg0: i32) -> (i32, i32) {
    %c0_i32 = arith.constant 0 : i32
    %c0_i32_0 = arith.constant 0 : i32
    %c0_i32_1 = arith.constant 0 : i32
    return %c0_i32, %c0_i32_0 : i32, i32
  }
  func.func @transform_6(%arg0: i32) -> (i32, i32) {
    %c0_i32 = arith.constant 0 : i32
    %c0_i32_0 = arith.constant 0 : i32
    %c0_i32_1 = arith.constant 0 : i32
    return %c0_i32, %c0_i32_0 : i32, i32
  }
  func.func @transform_7(%arg0: i32) -> (i32, i32) {
    %c0_i32 = arith.constant 0 : i32
    %c0_i32_0 = arith.constant 0 : i32
    %c0_i32_1 = arith.constant 0 : i32
    return %c0_i32, %c0_i32_0 : i32, i32
  }
  func.func @transform_8(%arg0: i32) -> (i32, i32) {
    %c0_i32 = arith.constant 0 : i32
    %c0_i32_0 = arith.constant 0 : i32
    %c0_i32_1 = arith.constant 0 : i32
    return %c0_i32, %c0_i32_0 : i32, i32
  }
  func.func @transform_9(%arg0: i32) -> (i32, i32) {
    %c0_i32 = arith.constant 0 : i32
    %c0_i32_0 = arith.constant 0 : i32
    %c0_i32_1 = arith.constant 0 : i32
    return %c0_i32, %c0_i32_0 : i32, i32
  }
  func.func @transform_10(%arg0: i32) -> (i32, i32) {
    %c0_i32 = arith.constant 0 : i32
    %c0_i32_0 = arith.constant 0 : i32
    %c0_i32_1 = arith.constant 0 : i32
    return %c0_i32, %c0_i32_0 : i32, i32
  }
  func.func @transform_11(%arg0: i32) -> (i32, i32) {
    %c0_i32 = arith.constant 0 : i32
    %c0_i32_0 = arith.constant 0 : i32
    %c0_i32_1 = arith.constant 0 : i32
    return %c0_i32, %c0_i32_0 : i32, i32
  }
  func.func @transform_12(%arg0: i32) -> (i32, i32) {
    %c0_i32 = arith.constant 0 : i32
    %c0_i32_0 = arith.constant 0 : i32
    %c0_i32_1 = arith.constant 0 : i32
    return %c0_i32, %c0_i32_0 : i32, i32
  }
  func.func @transform_13(%arg0: i32) -> (i32, i32) {
    %c0_i32 = arith.constant 0 : i32
    %c0_i32_0 = arith.constant 0 : i32
    %c0_i32_1 = arith.constant 0 : i32
    return %c0_i32, %c0_i32_0 : i32, i32
  }
  func.func @transform_14(%arg0: i32) -> (i32, i32) {
    %c0_i32 = arith.constant 0 : i32
    %c0_i32_0 = arith.constant 0 : i32
    %c0_i32_1 = arith.constant 0 : i32
    return %c0_i32, %c0_i32_0 : i32, i32
  }
  func.func @transform_15(%arg0: i32) -> (i32, i32) {
    %c0_i32 = arith.constant 0 : i32
    %c0_i32_0 = arith.constant 0 : i32
    %c0_i32_1 = arith.constant 0 : i32
    return %c0_i32, %c0_i32_0 : i32, i32
  }
  func.func @transform_16(%arg0: i32) -> (i32, i32) {
    %c0_i32 = arith.constant 0 : i32
    %c0_i32_0 = arith.constant 0 : i32
    %c0_i32_1 = arith.constant 0 : i32
    return %c0_i32, %c0_i32_0 : i32, i32
  }
  func.func @transform_17(%arg0: i32) -> (i32, i32) {
    %c0_i32 = arith.constant 0 : i32
    %c0_i32_0 = arith.constant 0 : i32
    %c0_i32_1 = arith.constant 0 : i32
    return %c0_i32, %c0_i32_0 : i32, i32
  }
  func.func @transform_18(%arg0: i32) -> (i32, i32) {
    %c0_i32 = arith.constant 0 : i32
    %c0_i32_0 = arith.constant 0 : i32
    %c0_i32_1 = arith.constant 0 : i32
    return %c0_i32, %c0_i32_0 : i32, i32
  }
  func.func @transform_19(%arg0: i32) -> (i32, i32) {
    %c0_i32 = arith.constant 0 : i32
    %c0_i32_0 = arith.constant 0 : i32
    %c0_i32_1 = arith.constant 0 : i32
    return %c0_i32, %c0_i32_0 : i32, i32
  }
  func.func @transform_20(%arg0: i32) -> (i32, i32) {
    %c0_i32 = arith.constant 0 : i32
    %c0_i32_0 = arith.constant 0 : i32
    %c0_i32_1 = arith.constant 0 : i32
    return %c0_i32, %c0_i32_0 : i32, i32
  }
  func.func @transform_21(%arg0: i32) -> (i32, i32) {
    %c0_i32 = arith.constant 0 : i32
    %c0_i32_0 = arith.constant 0 : i32
    %c0_i32_1 = arith.constant 0 : i32
    return %c0_i32, %c0_i32_0 : i32, i32
  }
  func.func @transform_22(%arg0: i32) -> (i32, i32) {
    %c0_i32 = arith.constant 0 : i32
    %c0_i32_0 = arith.constant 0 : i32
    %c0_i32_1 = arith.constant 0 : i32
    return %c0_i32, %c0_i32_0 : i32, i32
  }
  func.func @transform_23(%arg0: i32) -> (i32, i32) {
    %c0_i32 = arith.constant 0 : i32
    %c0_i32_0 = arith.constant 0 : i32
    %c0_i32_1 = arith.constant 0 : i32
    return %c0_i32, %c0_i32_0 : i32, i32
  }
  func.func @transform_24(%arg0: i32) -> (i32, i32) {
    %c0_i32 = arith.constant 0 : i32
    %c0_i32_0 = arith.constant 0 : i32
    %c0_i32_1 = arith.constant 0 : i32
    return %c0_i32, %c0_i32_0 : i32, i32
  }
  func.func @transform_25(%arg0: i32) -> (i32, i32) {
    %c0_i32 = arith.constant 0 : i32
    %c0_i32_0 = arith.constant 0 : i32
    return %arg0, %c0_i32 : i32, i32
  }
}

</mosaic_0001>

<sc_bundles>
// kernel: kernel.21.cloned.1.call-start
scs
__scs_entry_jumppad:
0x0: {  	(pc) =	sbr.rel $0x88, $3  }
0x1: {  	(tag) =	ssettag $0x0;
	lr =	simm.s32 $0x1  }
0x2: {  	[smem:$0x3F7F] =	sst lr;
	_ =	strace $0xD0000000  }
0x3: {  	_ = 	snop  }
0x4: {  	_ = 	snop  }
0x5: {  	_ = 	snop  }
0x6: {  	_ = 	snop  }
0x7: {  	_ = 	snop  }
__scs_overlays_trampoline_lowered:
0x8: {  	[smem:$0x3F8E] =	sst s0  }
0x9: {  	[smem:$0x3F8F] =	sst s1  }
0xa: {  	[smem:$0x3F90] =	sst s2  }
0xb: {  	[smem:$0x3F91] =	sst s3  }
0xc: {  	[smem:$0x3F92] =	sst s4  }
0xd: {  	[smem:$0x3F93] =	sst s5  }
0xe: {  	[smem:$0x3F94] =	sst s6  }
0xf: {  	[smem:$0x3F95] =	sst s7  }
0x10: {  	[smem:$0x3F96] =	sst s8  }
0x11: {  	[smem:$0x3F97] =	sst s9;
	s0 =	simm.s32 @!p0 $0x0  }
0x12: {  	s1 =	sld [smem:$0x3F7D];
	s0 =	simm.s32 @p0 $0x1  }
0x13: {  	[smem:$0x3F98] =	sst s0;
	s0 =	simm.s32 @!p1 $0x0  }
0x14: {  	s2 =	sld [smem:$0x3F7C];
	s0 =	simm.s32 @p1 $0x1  }
0x15: {  	[smem:$0x3F99] =	sst s0;
	s0 =	simm.s32 @!p2 $0x0  }
0x16: {  	s3 =	sld [smem:$0x3FDB];
	s0 =	simm.s32 @p2 $0x1  }
0x17: {  	s4 =	simm.s32 $0x1BF5;
	[smem:$0x3F9B] =	sst s0  }
0x18: {  	s0 =	sld [smem:$0x3F7E];
	_ =	swait.ge [sflag:s4], $0x0  }
0x19: {  	s7 =	sld [smem:$0x3F7F]  }
0x1a: {  	s8 =	sadd.s32 $0xFFFFE003, lr  }
0x1b: {  	s9 =	sadd.s32 $0xFFFFFEF7, lr;
	s5 =	simm.s32 $0xFFFFFFFF;
	p2 =	slt.u32 s8, $0xFFFFF086  }
0x1c: {  	p1 =	slt.u32 s9, $0xF7A;
	s5 =	simm.s32 @!p2 $0x0  }
0x1d: {  	s5 =	simm.s32 @p1 $0x1;
	p0 =	seq.s32 s7, s2  }
0x1e: {  	s7 =	smul.u32 @!p0 $0xF7A, s2;
	p2 =	seq.s32 @!p0 s5, $0x0  }
0x1f: {  	s9 =	smul.u32 $0xF7A, s1;
	s8 =	simm.s32 @!p0 $0x1BF5;
	p2 =	por !p2, p0  }
0x20: {  	[sflag:s8] =	ssyncset.s32 @!p0 $0xFFFFF086;
	s6 =	sadd.s32 @!p0 s3, s7;
	s7 =	simm.s32 @!p0 $0x108  }
0x21: {  	s3 =	sadd.s32 s3, s9;
	s6 =	sadd.s32 @!p0 $0x88, s6;
	s7 =	simm.s32 @p2 $0x1082  }
0x22: {  	[simem:s7], [sflag:s8] =	dma.local @!p0 [hbm:s6], $0xF7A  }
0x23: {  	s9 =	sor.u32 $0xD0000000, s2;
	s6 =	simm.s32 $0x108;
	_ =	swait.ge @!p0 [sflag:s8], $0x0  }
0x24: {  	s3 =	sadd.s32 $0x88, s3;
	s6 =	simm.s32 @!p1 $0x1082;
	[sflag:s4] =	ssyncset.s32 $0xFFFFF086  }
0x25: {  	[simem:s6], [sflag:s4] =	dma.local [hbm:s3], $0xF7A  }
0x26: {  	[smem:$0x3F7F] =	sst s1;
	(tag) =	ssettag s2;
	_ =	strace s9  }
0x27: {  	s1 =	sld [smem:$0x3F8F]  }
0x28: {  	s2 =	sld [smem:$0x3F90]  }
0x29: {  	s4 =	sld [smem:$0x3F92]  }
0x2a: {  	p0 =	seq.s32 s5, $0x0;
	s5 =	sld [smem:$0x3F93]  }
0x2b: {  	s6 =	sld [smem:$0x3F94]  }
0x2c: {  	s7 =	sld [smem:$0x3F95]  }
0x2d: {  	s3 =	simm.s32 $0x108;
	s8 =	sld [smem:$0x3F96]  }
0x2e: {  	s3 =	simm.s32 @!p0 $0x1082;
	s9 =	sld [smem:$0x3F97]  }
0x2f: {  	lr =	sadd.s32 s0, s3;
	s0 =	sld [smem:$0x3F8E]  }
0x30: {  	s3 =	sld [smem:$0x3F91]  }
0x31: {  	[smem:$0x3F9A] =	sst s10  }
0x32: {  	s10 =	sld [smem:$0x3F98];
	_ =	sdelay $0x3  }
0x33: {  	p0 =	seq.s32 s10, $0x1;
	s10 =	sld [smem:$0x3F9A];
	_ =	sdelay $0x3  }
0x34: {  	[smem:$0x3F9A] =	sst s10  }
0x35: {  	s10 =	sld [smem:$0x3F99];
	_ =	sdelay $0x3  }
0x36: {  	p1 =	seq.s32 s10, $0x1;
	s10 =	sld [smem:$0x3F9A];
	_ =	sdelay $0x3  }
0x37: {  	[smem:$0x3F9A] =	sst s10  }
0x38: {  	s10 =	sld [smem:$0x3F9B]  }
0x39: {  	_ = 	snop;
	(pc) =	sbr.ind lr, $3  }
0x3a: {  	_ = 	snop  }
0x3b: {  	_ = 	snop  }
0x3c: {  	p2 =	seq.s32 s10, $0x1;
	s10 =	sld [smem:$0x3F9A]  }
0x3d: {  	_ =	shalt  }
0x3e: {  	_ =	shalt  }
0x3f: {  	_ =	shalt  }
0x40: {  	_ =	shalt  }
0x41: {  	_ =	shalt  }
0x42: {  	_ =	shalt  }
0x43: {  	_ =	shalt  }
0x44: {  	_ =	shalt  }
0x45: {  	_ =	shalt  }
0x46: {  	_ =	shalt  }
0x47: {  	_ =	shalt  }
0x48: {  	_ =	shalt  }
0x49: {  	_ =	shalt  }
0x4a: {  	_ =	shalt  }
0x4b: {  	_ =	shalt  }
0x4c: {  	_ =	shalt  }
0x4d: {  	_ =	shalt  }
0x4e: {  	_ =	shalt  }
0x4f: {  	_ =	shalt  }
0x50: {  	_ =	shalt  }
0x51: {  	_ =	shalt  }
0x52: {  	_ =	shalt  }
0x53: {  	_ =	shalt  }
0x54: {  	_ =	shalt  }
0x55: {  	_ =	shalt  }
0x56: {  	_ =	shalt  }
0x57: {  	_ =	shalt  }
0x58: {  	_ =	shalt  }
0x59: {  	_ =	shalt  }
0x5a: {  	_ =	shalt  }
0x5b: {  	_ =	shalt  }
0x5c: {  	_ =	shalt  }
0x5d: {  	_ =	shalt  }
0x5e: {  	_ =	shalt  }
0x5f: {  	_ =	shalt  }
0x60: {  	_ =	shalt  }
0x61: {  	_ =	shalt  }
0x62: {  	_ =	shalt  }
0x63: {  	_ =	shalt  }
0x64: {  	_ =	shalt  }
0x65: {  	_ =	shalt  }
0x66: {  	_ =	shalt  }
0x67: {  	_ =	shalt  }
0x68: {  	_ =	shalt  }
0x69: {  	_ =	shalt  }
0x6a: {  	_ =	shalt  }
0x6b: {  	_ =	shalt  }
0x6c: {  	_ =	shalt  }
0x6d: {  	_ =	shalt  }
0x6e: {  	_ =	shalt  }
0x6f: {  	_ =	shalt  }
0x70: {  	_ =	shalt  }
0x71: {  	_ =	shalt  }
0x72: {  	_ =	shalt  }
0x73: {  	_ =	shalt  }
0x74: {  	_ =	shalt  }
0x75: {  	_ =	shalt  }
0x76: {  	_ =	shalt  }
0x77: {  	_ =	shalt  }
0x78: {  	_ =	shalt  }
0x79: {  	_ =	shalt  }
0x7a: {  	_ =	shalt  }
0x7b: {  	_ =	shalt  }
0x7c: {  	_ =	shalt  }
0x7d: {  	_ =	shalt  }
0x7e: {  	_ =	shalt  }
0x7f: {  	_ =	shalt  }
0x80: {  	_ =	shalt  }
0x81: {  	_ =	shalt  }
0x82: {  	_ =	shalt  }
0x83: {  	_ =	shalt  }
0x84: {  	_ =	shalt  }
0x85: {  	_ =	shalt  }
0x86: {  	_ =	shalt  }
0x87: {  	_ =	shalt  }
.Lfunc_end0:
.L_simem_size_0:
called_computation_lowered:
.L_overlay_start_0:
0x88: {  	s2 =	sld [smem:$0x3FD9]  }
0x89: {  	s3 =	sld [smem:$0x3FFE];
	_ =	sdelay $0x1  }
0x8a: {  	s1 =	srdreg.scid  }
0x8b: {  	s0 =	sand.u32 $0x1, s1  }
0x8c: {  	s17 =	sshll.u32 s0, $0xA;
	s2 =	sadd.s32 s3, s2  }
0x8d: {  	s2 =	sadd.s32 s2, s17  }
0x8e: {  	[smem:$0x3FA6] =	sst s2  }
0x8f: {  	_ = 	snop  }
0x90: {  	s2 =	sld [smem:$0x3FD0];
	(tm) =	ssettm $0x1  }
0x91: {  	s18 =	sld [smem:$0x3FFB];
	_ =	sdelay $0x3  }
0x92: {  	_ =	strace s18  }
0x93: {  	s3 =	sld [smem:$0x3FFC];
	_ =	sdelay $0x3  }
0x94: {  	_ =	strace s3  }
0x95: {  	s3 =	sld [smem:$0x3FFD];
	_ =	sdelay $0x3  }
0x96: {  	_ =	strace s3  }
0x97: {  	_ =	strace $0x8FFFFFFF  }
0x98: {  	s19 =	sld [smem:$0x3FDB];
	_ =	sdelay $0x1  }
0x99: {  	s4 =	simm.s32 $_scs_section_size  }
0x9a: {  	s5 =	simm.s32 $_size__tile_overlayer_lowered;
	s6 =	simm.s32 $_tile_overlayer_lowered  }
0x9b: {  	s22 =	simm.s32 $0x1BFF;
	s21 =	sshll.u32 s6, $0x1;
	s3 =	sadd.s32 s4, s19  }
0x9c: {  	s7 =	simm.s32 $0x0;
	s20 =	sshll.u32 s5, $0x1;
	s5 =	sadd.s32 s21, s3  }
0x9d: {  	[timem:s7], [sflag:s22] =	dma.local [hbm:s5], s20  }
0x9e: {  	_ =	swait.ge [sflag:s22], s20  }
0x9f: {  	s4 =	ssub.s32 $0x0, s20;
	[sflag:s22] =	ssyncset.done $0x0  }
0xa0: {  	[sflag:s22] =	ssyncadd.s32 s4;
	_ =	sdelay $0x1  }
0xa1: {  	s23 =	simm.s32 $0x1B8B  }
0xa2: {  	_ =	swait.ge [sflag:s23], $0x1  }
0xa3: {  	[sflag:s23] =	ssyncset.done $0x0  }
0xa4: {  	s25 =	simm.s32 $0x1B8E;
	s24 =	sld [smem:$0x3FFE];
	[sflag:s23] =	ssyncadd.s32 $0xFFFFFFFF  }
0xa5: {  	s26 =	simm.s32 $execute0_lowered;
	[smem:$0x3FD2] =	sst s25  }
0xa6: {  	s5 =	sshll.u32 s26, $0x1;
	_ =	strace $0x80000046;
	[dreg:$0x1] =	wrdreg $0xFFFFFFFF  }
0xa7: {  	s28 =	simm.s32 $_size_execute0_lowered;
	s3 =	sadd.s32 s3, s5;
	[dreg:$0x0] =	wrdreg $0x0  }
0xa8: {  	s5 =	sshll.u32 s28, $0x1;
	[dreg:$0x2] =	wrdreg s3  }
0xa9: {  	[dreg:$0x3] =	wrdreg s5  }
0xaa: {  	[dreg:$0x4] =	wrdreg $0xC0  }
0xab: {  	_ =	task [dreg:s7], $0x5FFFF  }
0xac: {  	[dreg:$0x1] =	wrdreg $0xFFFFFFFF  }
0xad: {  	[dreg:$0x0] =	wrdreg $0x60  }
0xae: {  	[dreg:$0x2] =	wrdreg s24  }
0xaf: {  	[dreg:$0x3] =	wrdreg s2  }
0xb0: {  	[dreg:$0x4] =	wrdreg $0x60000  }
0xb1: {  	[dreg:$0x5] =	wrdreg $0x9  }
0xb2: {  	_ =	task.clear_ibuf [dreg:s7], $0x6FFFF;
	_ =	strace $0x90000046  }
0xb3: {  	s29 =	simm.s32 $0x9;
	_ =	strace $0x80000048  }
0xb4: {  	_ =	swait.ge [sflag:s29], $0x1  }
0xb5: {  	[sflag:s29] =	ssyncadd.s32 $0xFFFFFFFF  }
0xb6: {  	_ =	strace $0x90000048  }
0xb7: {  	_ =	sfence  }
0xb8: {  	s30 =	sld [smem:$0x0];
	_ =	sdelay $0x2  }
0xb9: {  	s31 =	sshll.u32 s1, $0xD;
	s1 =	sshrl.u32 s1, $0x2  }
0xba: {  	s3 =	sand.u32 $0x4000, s31;
	s1 =	sadd.s32 s1, s30  }
0xbb: {  	s0 =	sor.u32 s3, s0;
	s1 =	sshll.u32 s1, $0x11  }
0xbc: {  	s0 =	sor.u32 s1, s0  }
0xbd: {  	s0 =	sadd.s32 $0x8F2B, s0  }
0xbe: {  	[sflag:s0] =	ssyncadd.remote.s32 $0x1  }
0xbf: {  	_ =	sfence.sel $0xFFFF  }
0xc0: {  	[dreg:$0x0] =	wrdreg $0xFFFFFFFF;
	(pc) =	sbr.abs _section_cstart, $3  }
0xc1: {  	[dreg:$0x1] =	wrdreg $0xFFFFFFFF  }
0xc2: {  	_ =	task.clear_ibuf [dreg:s7], $0x2FFFF;
	_ =	strace $0x9FFFFFFF  }
0xc3: {  	(tm) =	ssettm $0x7FFFFFFF  }
tec
execute0_lowered:
.L_overlay_start_1:
0x0: {  	(tag) =	ssettag $0x1  }
0x1: {  	s9 =	rddreg [dreg:$0x0]  }
0x2: {  	s1 =	rddreg [dreg:$0x1]  }
0x3: {  	s2 =	rddreg [dreg:$0x2];
	s3 =	srdreg.scid  }
0x4: {  	s0 =	rddreg [dreg:$0x3];
	s4 =	simm.s32 $0x0;
	s17 =	simm.s32 $0x1  }
0x5: {  	s18 =	simm.s32 $0x2;
	s19 =	simm.s32 $0x80;
	s10 =	sand.u32 $0x1, s3  }
0x6: {  	s20 =	simm.s32 $0x2000;
	s3 =	stileid.u32;
	s6 =	smul.u32 $0x190000, s10  }
0x7: {  	s22 =	simm.s32 $0x0;
	[smem:$0x7FF] =	sst s4;
	s7 =	smul.u32 $0x19000, s3  }
0x8: {  	s5 =	sadd.s32 $0x1AC00, s9;
	_ =	strace $0x80000047;
	s13 =	smul.u32 $0x65000, s3  }
0x9: {  	s8 =	sshll.u32 s10, $0x4;
	s26 =	ssub.s32 $0x2, s10;
	s15 =	smul.u32 $0x64000, s3  }
0xa: {  	s30 =	sshll.u32 s3, $0x6;
	s8 =	sor.u32 s3, s8;
	s10 =	sshrl.u32 s26, $0x1  }
0xb: {  	s7 =	sadd.s32 s7, s6;
	s6 =	sadd.s32 $0x10C00, s9;
	s14 =	ssub.s32 s26, s10  }
0xc: {  	s29 =	sshrl.u32 s13, $0x2;
	s31 =	sshrl.u32 s15, $0x2;
	s11 =	sshrl.u32 s7, $0x3  }
0xd: {  	s7 =	smul.u32 $0x2800, s8;
	s8 =	sadd.s32 $0x4CC00, s9;
	s16 =	sadd.s32 s29, s2  }
0xe: {  	s21 =	sadd.s32 s31, s2;
	s13 =	smax.u32 s14, $0x1;
	s14 =	simm.s32 $0x1000  }
0xf: {  	s12 =	sadd.s32 s11, s9;
	s11 =	sor.u32 $0x1C03, s30;
	s15 =	sshrl.u32 s16, $0x3  }
0x10: {  	s16 =	simm.s32 $0x3;
	s21 =	sshrl.u32 s21, $0x3;
	s28 =	sshrl.u32 s7, $0x3  }
0x11: {  	s12 =	sadd.s32 $0x50000, s12;
	s9 =	sadd.s32 s1, s28;
	s10 =	sadd.s32 s6, s28  }
.LBB2_1:
0x12: {  	[tilespmem:s4], [sflag:$0x2] =	stream.linear.gather [hbm4b:s9+s4], $0x800, $0x38;
	[tilespmem:$0x1F400] =	vst v63  }
0x13: {  	_ = 	snop  }
0x14: {  	[tilespmem:s14], [sflag:$0x2] =	stream.linear.gather [hbm4b:s10+s4], $0x800, $0x38;
	[tilespmem:$0x1F400] =	vst v63  }
0x15: {  	[spmem:s15], [sflag:s11] =	dma.local [hbm:s8], $0x3280  }
0x16: {  	_ =	swait.ge [sflag:s16], $0x3280  }
0x17: {  	[sflag:s16] =	ssyncset.done $0x0  }
0x18: {  	[sflag:s16] =	ssyncadd.s32 $0xFFFFCD80  }
0x19: {  	p0 =	por $0x0, $0x0;
	s23 =	simm.s32 $0x0;
	[bflag:$0x0] =	sbarrier.arrive $0xFFFF  }
.LBB2_3:
0x1a: {  	_ =	swait.ge [sflag:s18], $0x800;
	s24 =	smov.u32 s23  }
0x1b: {  	s23 =	sadd.s32 $0x1, s23;
	[sflag:s18] =	ssyncset.done $0x0;
	p1 =	seq.s32 s24, $0x4  }
0x1c: {  	s25 =	simm.s32 $0x1;
	[sflag:s18] =	ssyncadd.s32 $0xFFFFF800;
	s24 =	sshll.u32 @!p1 s23, $0xB  }
0x1d: {  	s25 =	simm.s32 @!p0 $0x0;
	_ =	swait.ge [sflag:s18], $0x800;
	s26 =	sadd.s32 @!p1 s7, s24  }
0x1e: {  	s29 =	simm.s32 @!p1 $0x0;
	[sflag:s18] =	ssyncset.done $0x0;
	s26 =	sshrl.u32 @!p1 s26, $0x3  }
0x1f: {  	s28 =	sand.u32 @!p1 $0x800, s24;
	[sflag:s18] =	ssyncadd.s32 $0xFFFFF800;
	s24 =	sadd.s32 @!p1 s1, s26  }
0x20: {  	[tilespmem:s28], [sflag:$0x2] =	stream.linear.gather @!p1 [hbm4b:s24+s29], $0x800, $0x38;
	[tilespmem:$0x1F400] =	vst v63  }
0x21: {  	s26 =	sadd.s32 @!p1 s6, s26;
	s24 =	sshll.u32 s25, $0xB;
	s25 =	sor.u32 @!p1 $0x1000, s28  }
0x22: {  	[tilespmem:s25], [sflag:$0x2] =	stream.linear.gather @!p1 [hbm4b:s26+s29], $0x800, $0x38;
	[tilespmem:$0x1F400] =	vst v63  }
0x23: {  	s30 =	sadd.s32 $0x0, s24  }
0x24: {  	[tilespmem:s20], [sflag:$0x1] =	stream.indirect.gather [hbm4b:s5+s19], $0x80, s30, s19, $0xb8;
	[tilespmem:$0x1F400] =	vst v63  }
0x25: {  	_ =	swait.ge [sflag:s17], $0x4000  }
0x26: {  	s25 =	sor.u32 $0x1000, s24;
	[sflag:s17] =	ssyncset.done $0x0  }
0x27: {  	s31 =	sadd.s32 $0x0, s25;
	[sflag:s17] =	ssyncadd.s32 $0xFFFFC000  }
0x28: {  	[spmem:s2] =	stream.indirect.scatter.add.f32 [tilespmem:s20], [sflag:$0x3], $0x80, s31, s19, $0xb8;
	[tilespmem:$0x1F400] =	vst v63  }
0x29: {  	_ =	swait.ge [sflag:s16], $0x4000  }
0x2a: {  	s28 =	simm.s32 $0x400;
	s26 =	simm.s32 $0x80;
	[sflag:s16] =	ssyncset.done $0x0  }
.LBB2_4:
0x2b: {  	s29 =	sadd.s32 s26, s24  }
0x2c: {  	[sflag:s16] =	ssyncadd.s32 $0xFFFFC000;
	s30 =	smov.u32 s28;
	s31 =	sadd.s32 $0x200, s28  }
0x2d: {  	[tilespmem:s20], [sflag:$0x1] =	stream.indirect.gather [hbm4b:s5+s19], $0x80, s29, s19, $0xb8;
	[tilespmem:$0x1F400] =	vst v63  }
0x2e: {  	p1 =	seq.s32 s28, $0x1E00;
	_ =	swait.ge [sflag:s17], $0x4000  }
.Ltmp0:
0x2f: {  	[sflag:s17] =	ssyncset.done $0x0;
	(pc) =	sbr.rel @!p1 .LBB2_4-.Ltmp0, $4  }
0x30: {  	s26 =	sadd.s32 s26, s25;
	[sflag:s17] =	ssyncadd.s32 $0xFFFFC000  }
0x31: {  	[spmem:s2] =	stream.indirect.scatter.add.f32 [tilespmem:s20], [sflag:$0x3], $0x80, s26, s19, $0xb8;
	[tilespmem:$0x1F400] =	vst v63  }
0x32: {  	_ =	swait.ge [sflag:s16], $0x4000  }
0x33: {  	s28 =	smov.u32 s31;
	s26 =	sshra.s32 s30, $0x2;
	[sflag:s16] =	ssyncset.done $0x0  }
0x34: {  	s24 =	sadd.s32 s26, s24;
	[sflag:s16] =	ssyncadd.s32 $0xFFFFC000  }
0x35: {  	[tilespmem:s20], [sflag:$0x1] =	stream.indirect.gather [hbm4b:s5+s19], $0x80, s24, s19, $0xb8;
	[tilespmem:$0x1F400] =	vst v63  }
0x36: {  	_ =	swait.ge [sflag:s17], $0x4000  }
0x37: {  	[sflag:s17] =	ssyncset.done $0x0  }
0x38: {  	s31 =	sadd.s32 s26, s25;
	[sflag:s17] =	ssyncadd.s32 $0xFFFFC000  }
0x39: {  	[spmem:s2] =	stream.indirect.scatter.add.f32 [tilespmem:s20], [sflag:$0x3], $0x80, s31, s19, $0xb8;
	[tilespmem:$0x1F400] =	vst v63  }
0x3a: {  	_ =	swait.ge [sflag:s16], $0x4000  }
0x3b: {  	[sflag:s16] =	ssyncset.done $0x0  }
0x3c: {  	[sflag:s16] =	ssyncadd.s32 $0xFFFFC000  }
0x3d: {  	p1 =	seq.s32 s23, $0x5  }
.Ltmp1:
0x3e: {  	_ = 	snop;
	(pc) =	sbr.rel @!p1 .LBB2_3-.Ltmp1, $2  }
0x3f: {  	_ =	sdelay $0x2  }
0x40: {  	p0 =	por !p0, !p0  }
0x41: {  	s22 =	sadd.s32 $0x1, s22  }
0x42: {  	p0 =	sne.s32 s22, s13  }
.Ltmp2:
0x43: {  	[bflag:$0x0] =	sbarrier.arrive $0xFFFF;
	(pc) =	sbr.rel @p0 .LBB2_1-.Ltmp2, $4  }
0x44: {  	[hbm:s12], [sflag:s11] =	dma.local [spmem:s21], $0x3200  }
0x45: {  	_ =	swait.ge [sflag:s16], $0x3200  }
0x46: {  	[sflag:s16] =	ssyncset.done $0x0  }
0x47: {  	[sflag:s16] =	ssyncadd.s32 $0xFFFFCE00  }
0x48: {  	_ =	sfence.sel $0x180000  }
0x49: {  	[bflag:$0x0] =	sbarrier.arrive $0xFFFF  }
0x4a: {  	p0 =	sne.s32 s3, $0x0;
	_ =	strace $0x90000047  }
0x4b: {  	s0 =	sadd.s32 @!p0 $0x100000, s0;
	[bflag:$0x2] =	sbarrier.arrive $0xFFFF  }
0x4c: {  	[sflag:s0] =	ssyncadd.tile.s32 @!p0 $0x1;
	_ =	shalt  }
.Lfunc_end2:
_tile_overlayer_lowered:
.L_overlay_start_2:
0x4d: {  	(tag) =	ssettag $0x2  }
0x4e: {  	s0 =	rddreg [dreg:$0x0];
	s2 =	stileid.u32  }
0x4f: {  	s1 =	rddreg [dreg:$0x1];
	p0 =	sne.s32 s2, $0x0  }
0x50: {  	s3 =	rddreg [dreg:$0x2];
	[bflag:$0x3] =	sbarrier.arrive $0xFFFF;
	s2 =	simm.s32 @!p0 $0x1C03  }
0x51: {  	[timem:s3], [sflag:s2] =	dma.local @!p0 [hbm:s0], s1  }
0x52: {  	s0 =	simm.s32 @!p0 $0x3  }
0x53: {  	_ =	swait.ge @!p0 [sflag:s0], s1  }
0x54: {  	s1 =	ssub.s32 @!p0 $0x0, s1;
	[sflag:s0] =	ssyncset.done @!p0 $0x0  }
0x55: {  	[sflag:s0] =	ssyncadd.s32 @!p0 s1  }
0x56: {  	[bflag:$0x3] =	sbarrier.arrive $0xFFFF  }
0x57: {  	_ =	shalt  }

// kernel: kernel.24.cloned.1.call-start
scs
__scs_entry_jumppad:
0x0: {  	(pc) =	sbr.rel $0x88, $3  }
0x1: {  	(tag) =	ssettag $0x0;
	lr =	simm.s32 $0x1  }
0x2: {  	[smem:$0x3F7F] =	sst lr;
	_ =	strace $0xD0000000  }
0x3: {  	_ = 	snop  }
0x4: {  	_ = 	snop  }
0x5: {  	_ = 	snop  }
0x6: {  	_ = 	snop  }
0x7: {  	_ = 	snop  }
__scs_overlays_trampoline_lowered:
0x8: {  	[smem:$0x3F8E] =	sst s0  }
0x9: {  	[smem:$0x3F8F] =	sst s1  }
0xa: {  	[smem:$0x3F90] =	sst s2  }
0xb: {  	[smem:$0x3F91] =	sst s3  }
0xc: {  	[smem:$0x3F92] =	sst s4  }
0xd: {  	[smem:$0x3F93] =	sst s5  }
0xe: {  	[smem:$0x3F94] =	sst s6  }
0xf: {  	[smem:$0x3F95] =	sst s7  }
0x10: {  	[smem:$0x3F96] =	sst s8  }
0x11: {  	[smem:$0x3F97] =	sst s9;
	s0 =	simm.s32 @!p0 $0x0  }
0x12: {  	s1 =	sld [smem:$0x3F7D];
	s0 =	simm.s32 @p0 $0x1  }
0x13: {  	[smem:$0x3F98] =	sst s0;
	s0 =	simm.s32 @!p1 $0x0  }
0x14: {  	s2 =	sld [smem:$0x3F7C];
	s0 =	simm.s32 @p1 $0x1  }
0x15: {  	[smem:$0x3F99] =	sst s0;
	s0 =	simm.s32 @!p2 $0x0  }
0x16: {  	s3 =	sld [smem:$0x3FDB];
	s0 =	simm.s32 @p2 $0x1  }
0x17: {  	s4 =	simm.s32 $0x1BF5;
	[smem:$0x3F9B] =	sst s0  }
0x18: {  	s0 =	sld [smem:$0x3F7E];
	_ =	swait.ge [sflag:s4], $0x0  }
0x19: {  	s7 =	sld [smem:$0x3F7F]  }
0x1a: {  	s8 =	sadd.s32 $0xFFFFE003, lr  }
0x1b: {  	s9 =	sadd.s32 $0xFFFFFEF7, lr;
	s5 =	simm.s32 $0xFFFFFFFF;
	p2 =	slt.u32 s8, $0xFFFFF086  }
0x1c: {  	p1 =	slt.u32 s9, $0xF7A;
	s5 =	simm.s32 @!p2 $0x0  }
0x1d: {  	s5 =	simm.s32 @p1 $0x1;
	p0 =	seq.s32 s7, s2  }
0x1e: {  	s7 =	smul.u32 @!p0 $0xF7A, s2;
	p2 =	seq.s32 @!p0 s5, $0x0  }
0x1f: {  	s9 =	smul.u32 $0xF7A, s1;
	s8 =	simm.s32 @!p0 $0x1BF5;
	p2 =	por !p2, p0  }
0x20: {  	[sflag:s8] =	ssyncset.s32 @!p0 $0xFFFFF086;
	s6 =	sadd.s32 @!p0 s3, s7;
	s7 =	simm.s32 @!p0 $0x108  }
0x21: {  	s3 =	sadd.s32 s3, s9;
	s6 =	sadd.s32 @!p0 $0x88, s6;
	s7 =	simm.s32 @p2 $0x1082  }
0x22: {  	[simem:s7], [sflag:s8] =	dma.local @!p0 [hbm:s6], $0xF7A  }
0x23: {  	s9 =	sor.u32 $0xD0000000, s2;
	s6 =	simm.s32 $0x108;
	_ =	swait.ge @!p0 [sflag:s8], $0x0  }
0x24: {  	s3 =	sadd.s32 $0x88, s3;
	s6 =	simm.s32 @!p1 $0x1082;
	[sflag:s4] =	ssyncset.s32 $0xFFFFF086  }
0x25: {  	[simem:s6], [sflag:s4] =	dma.local [hbm:s3], $0xF7A  }
0x26: {  	[smem:$0x3F7F] =	sst s1;
	(tag) =	ssettag s2;
	_ =	strace s9  }
0x27: {  	s1 =	sld [smem:$0x3F8F]  }
0x28: {  	s2 =	sld [smem:$0x3F90]  }
0x29: {  	s4 =	sld [smem:$0x3F92]  }
0x2a: {  	p0 =	seq.s32 s5, $0x0;
	s5 =	sld [smem:$0x3F93]  }
0x2b: {  	s6 =	sld [smem:$0x3F94]  }
0x2c: {  	s7 =	sld [smem:$0x3F95]  }
0x2d: {  	s3 =	simm.s32 $0x108;
	s8 =	sld [smem:$0x3F96]  }
0x2e: {  	s3 =	simm.s32 @!p0 $0x1082;
	s9 =	sld [smem:$0x3F97]  }
0x2f: {  	lr =	sadd.s32 s0, s3;
	s0 =	sld [smem:$0x3F8E]  }
0x30: {  	s3 =	sld [smem:$0x3F91]  }
0x31: {  	[smem:$0x3F9A] =	sst s10  }
0x32: {  	s10 =	sld [smem:$0x3F98];
	_ =	sdelay $0x3  }
0x33: {  	p0 =	seq.s32 s10, $0x1;
	s10 =	sld [smem:$0x3F9A];
	_ =	sdelay $0x3  }
0x34: {  	[smem:$0x3F9A] =	sst s10  }
0x35: {  	s10 =	sld [smem:$0x3F99];
	_ =	sdelay $0x3  }
0x36: {  	p1 =	seq.s32 s10, $0x1;
	s10 =	sld [smem:$0x3F9A];
	_ =	sdelay $0x3  }
0x37: {  	[smem:$0x3F9A] =	sst s10  }
0x38: {  	s10 =	sld [smem:$0x3F9B]  }
0x39: {  	_ = 	snop;
	(pc) =	sbr.ind lr, $3  }
0x3a: {  	_ = 	snop  }
0x3b: {  	_ = 	snop  }
0x3c: {  	p2 =	seq.s32 s10, $0x1;
	s10 =	sld [smem:$0x3F9A]  }
0x3d: {  	_ =	shalt  }
0x3e: {  	_ =	shalt  }
0x3f: {  	_ =	shalt  }
0x40: {  	_ =	shalt  }
0x41: {  	_ =	shalt  }
0x42: {  	_ =	shalt  }
0x43: {  	_ =	shalt  }
0x44: {  	_ =	shalt  }
0x45: {  	_ =	shalt  }
0x46: {  	_ =	shalt  }
0x47: {  	_ =	shalt  }
0x48: {  	_ =	shalt  }
0x49: {  	_ =	shalt  }
0x4a: {  	_ =	shalt  }
0x4b: {  	_ =	shalt  }
0x4c: {  	_ =	shalt  }
0x4d: {  	_ =	shalt  }
0x4e: {  	_ =	shalt  }
0x4f: {  	_ =	shalt  }
0x50: {  	_ =	shalt  }
0x51: {  	_ =	shalt  }
0x52: {  	_ =	shalt  }
0x53: {  	_ =	shalt  }
0x54: {  	_ =	shalt  }
0x55: {  	_ =	shalt  }
0x56: {  	_ =	shalt  }
0x57: {  	_ =	shalt  }
0x58: {  	_ =	shalt  }
0x59: {  	_ =	shalt  }
0x5a: {  	_ =	shalt  }
0x5b: {  	_ =	shalt  }
0x5c: {  	_ =	shalt  }
0x5d: {  	_ =	shalt  }
0x5e: {  	_ =	shalt  }
0x5f: {  	_ =	shalt  }
0x60: {  	_ =	shalt  }
0x61: {  	_ =	shalt  }
0x62: {  	_ =	shalt  }
0x63: {  	_ =	shalt  }
0x64: {  	_ =	shalt  }
0x65: {  	_ =	shalt  }
0x66: {  	_ =	shalt  }
0x67: {  	_ =	shalt  }
0x68: {  	_ =	shalt  }
0x69: {  	_ =	shalt  }
0x6a: {  	_ =	shalt  }
0x6b: {  	_ =	shalt  }
0x6c: {  	_ =	shalt  }
0x6d: {  	_ =	shalt  }
0x6e: {  	_ =	shalt  }
0x6f: {  	_ =	shalt  }
0x70: {  	_ =	shalt  }
0x71: {  	_ =	shalt  }
0x72: {  	_ =	shalt  }
0x73: {  	_ =	shalt  }
0x74: {  	_ =	shalt  }
0x75: {  	_ =	shalt  }
0x76: {  	_ =	shalt  }
0x77: {  	_ =	shalt  }
0x78: {  	_ =	shalt  }
0x79: {  	_ =	shalt  }
0x7a: {  	_ =	shalt  }
0x7b: {  	_ =	shalt  }
0x7c: {  	_ =	shalt  }
0x7d: {  	_ =	shalt  }
0x7e: {  	_ =	shalt  }
0x7f: {  	_ =	shalt  }
0x80: {  	_ =	shalt  }
0x81: {  	_ =	shalt  }
0x82: {  	_ =	shalt  }
0x83: {  	_ =	shalt  }
0x84: {  	_ =	shalt  }
0x85: {  	_ =	shalt  }
0x86: {  	_ =	shalt  }
0x87: {  	_ =	shalt  }
.Lfunc_end0:
.L_simem_size_0:
called_computation.1_lowered:
.L_overlay_start_0:
0x88: {  	s2 =	sld [smem:$0x3FD9]  }
0x89: {  	s3 =	sld [smem:$0x3FFE];
	_ =	sdelay $0x1  }
0x8a: {  	s1 =	srdreg.scid  }
0x8b: {  	s0 =	sand.u32 $0x1, s1  }
0x8c: {  	s17 =	sshll.u32 s0, $0xA;
	s2 =	sadd.s32 s3, s2  }
0x8d: {  	s2 =	sadd.s32 s2, s17  }
0x8e: {  	[smem:$0x3FA6] =	sst s2  }
0x8f: {  	_ = 	snop  }
0x90: {  	s2 =	sld [smem:$0x3FD0];
	(tm) =	ssettm $0x1  }
0x91: {  	s18 =	sld [smem:$0x3FFB];
	_ =	sdelay $0x3  }
0x92: {  	_ =	strace s18  }
0x93: {  	s3 =	sld [smem:$0x3FFC];
	_ =	sdelay $0x3  }
0x94: {  	_ =	strace s3  }
0x95: {  	s3 =	sld [smem:$0x3FFD];
	_ =	sdelay $0x3  }
0x96: {  	_ =	strace s3  }
0x97: {  	_ =	strace $0x8FFFFFFF  }
0x98: {  	s19 =	sld [smem:$0x3FDB];
	_ =	sdelay $0x1  }
0x99: {  	s4 =	simm.s32 $_scs_section_size  }
0x9a: {  	s5 =	simm.s32 $_size__tile_overlayer_lowered;
	s6 =	simm.s32 $_tile_overlayer_lowered  }
0x9b: {  	s22 =	simm.s32 $0x1BFF;
	s21 =	sshll.u32 s6, $0x1;
	s3 =	sadd.s32 s4, s19  }
0x9c: {  	s7 =	simm.s32 $0x0;
	s20 =	sshll.u32 s5, $0x1;
	s5 =	sadd.s32 s21, s3  }
0x9d: {  	[timem:s7], [sflag:s22] =	dma.local [hbm:s5], s20  }
0x9e: {  	_ =	swait.ge [sflag:s22], s20  }
0x9f: {  	s4 =	ssub.s32 $0x0, s20;
	[sflag:s22] =	ssyncset.done $0x0  }
0xa0: {  	[sflag:s22] =	ssyncadd.s32 s4;
	_ =	sdelay $0x1  }
0xa1: {  	s23 =	simm.s32 $0x1B8B  }
0xa2: {  	_ =	swait.ge [sflag:s23], $0x1  }
0xa3: {  	[sflag:s23] =	ssyncset.done $0x0  }
0xa4: {  	s25 =	simm.s32 $0x1B8E;
	s24 =	sld [smem:$0x3FFE];
	[sflag:s23] =	ssyncadd.s32 $0xFFFFFFFF  }
0xa5: {  	s26 =	simm.s32 $execute0_lowered;
	[smem:$0x3FD2] =	sst s25  }
0xa6: {  	s5 =	sshll.u32 s26, $0x1;
	_ =	strace $0x80000049;
	[dreg:$0x1] =	wrdreg $0xFFFFFFFF  }
0xa7: {  	s28 =	simm.s32 $_size_execute0_lowered;
	s3 =	sadd.s32 s3, s5;
	[dreg:$0x0] =	wrdreg $0x0  }
0xa8: {  	s5 =	sshll.u32 s28, $0x1;
	[dreg:$0x2] =	wrdreg s3  }
0xa9: {  	[dreg:$0x3] =	wrdreg s5  }
0xaa: {  	[dreg:$0x4] =	wrdreg $0xC0  }
0xab: {  	_ =	task [dreg:s7], $0x5FFFF  }
0xac: {  	[dreg:$0x1] =	wrdreg $0xFFFFFFFF  }
0xad: {  	[dreg:$0x0] =	wrdreg $0x60  }
0xae: {  	[dreg:$0x2] =	wrdreg s24  }
0xaf: {  	[dreg:$0x3] =	wrdreg s2  }
0xb0: {  	[dreg:$0x4] =	wrdreg $0x60000  }
0xb1: {  	[dreg:$0x5] =	wrdreg $0x9  }
0xb2: {  	_ =	task.clear_ibuf [dreg:s7], $0x6FFFF;
	_ =	strace $0x90000049  }
0xb3: {  	s29 =	simm.s32 $0x9;
	_ =	strace $0x8000004B  }
0xb4: {  	_ =	swait.ge [sflag:s29], $0x1  }
0xb5: {  	[sflag:s29] =	ssyncadd.s32 $0xFFFFFFFF  }
0xb6: {  	_ =	strace $0x9000004B  }
0xb7: {  	_ =	sfence  }
0xb8: {  	s30 =	sld [smem:$0x0];
	_ =	sdelay $0x2  }
0xb9: {  	s31 =	sshll.u32 s1, $0xD;
	s1 =	sshrl.u32 s1, $0x2  }
0xba: {  	s3 =	sand.u32 $0x4000, s31;
	s1 =	sadd.s32 s1, s30  }
0xbb: {  	s0 =	sor.u32 s3, s0;
	s1 =	sshll.u32 s1, $0x11  }
0xbc: {  	s0 =	sor.u32 s1, s0  }
0xbd: {  	s0 =	sadd.s32 $0x8F2B, s0  }
0xbe: {  	[sflag:s0] =	ssyncadd.remote.s32 $0x1  }
0xbf: {  	_ =	sfence.sel $0xFFFF  }
0xc0: {  	[dreg:$0x0] =	wrdreg $0xFFFFFFFF;
	(pc) =	sbr.abs _section_cstart, $3  }
0xc1: {  	[dreg:$0x1] =	wrdreg $0xFFFFFFFF  }
0xc2: {  	_ =	task.clear_ibuf [dreg:s7], $0x2FFFF;
	_ =	strace $0x9FFFFFFF  }
0xc3: {  	(tm) =	ssettm $0x7FFFFFFF  }
tec
execute0_lowered:
.L_overlay_start_1:
0x0: {  	(tag) =	ssettag $0x1  }
0x1: {  	s9 =	rddreg [dreg:$0x0]  }
0x2: {  	s1 =	rddreg [dreg:$0x1]  }
0x3: {  	s2 =	rddreg [dreg:$0x2];
	s3 =	srdreg.scid  }
0x4: {  	s0 =	rddreg [dreg:$0x3];
	s4 =	simm.s32 $0x0;
	s17 =	simm.s32 $0x1  }
0x5: {  	s18 =	simm.s32 $0x2;
	s19 =	simm.s32 $0x80;
	s10 =	sand.u32 $0x1, s3  }
0x6: {  	s20 =	simm.s32 $0x2000;
	s3 =	stileid.u32;
	s6 =	smul.u32 $0x190000, s10  }
0x7: {  	s22 =	simm.s32 $0x0;
	[smem:$0x7FF] =	sst s4;
	s7 =	smul.u32 $0x19000, s3  }
0x8: {  	s5 =	sadd.s32 $0x1AC00, s9;
	_ =	strace $0x8000004A;
	s13 =	smul.u32 $0x65000, s3  }
0x9: {  	s8 =	sshll.u32 s10, $0x4;
	s26 =	ssub.s32 $0x2, s10;
	s15 =	smul.u32 $0x64000, s3  }
0xa: {  	s30 =	sshll.u32 s3, $0x6;
	s8 =	sor.u32 s3, s8;
	s10 =	sshrl.u32 s26, $0x1  }
0xb: {  	s7 =	sadd.s32 s7, s6;
	s6 =	sadd.s32 $0x10C00, s9;
	s14 =	ssub.s32 s26, s10  }
0xc: {  	s29 =	sshrl.u32 s13, $0x2;
	s31 =	sshrl.u32 s15, $0x2;
	s11 =	sshrl.u32 s7, $0x3  }
0xd: {  	s7 =	smul.u32 $0x2800, s8;
	s8 =	sadd.s32 $0x4CC00, s9;
	s16 =	sadd.s32 s29, s2  }
0xe: {  	s21 =	sadd.s32 s31, s2;
	s13 =	smax.u32 s14, $0x1;
	s14 =	simm.s32 $0x1000  }
0xf: {  	s12 =	sadd.s32 s11, s9;
	s11 =	sor.u32 $0x1C03, s30;
	s15 =	sshrl.u32 s16, $0x3  }
0x10: {  	s16 =	simm.s32 $0x3;
	s21 =	sshrl.u32 s21, $0x3;
	s28 =	sshrl.u32 s7, $0x3  }
0x11: {  	s12 =	sadd.s32 $0x50000, s12;
	s9 =	sadd.s32 s1, s28;
	s10 =	sadd.s32 s6, s28  }
.LBB2_1:
0x12: {  	[tilespmem:s4], [sflag:$0x2] =	stream.linear.gather [hbm4b:s9+s4], $0x800, $0x38;
	[tilespmem:$0x1F400] =	vst v63  }
0x13: {  	_ = 	snop  }
0x14: {  	[tilespmem:s14], [sflag:$0x2] =	stream.linear.gather [hbm4b:s10+s4], $0x800, $0x38;
	[tilespmem:$0x1F400] =	vst v63  }
0x15: {  	[spmem:s15], [sflag:s11] =	dma.local [hbm:s8], $0x3280  }
0x16: {  	_ =	swait.ge [sflag:s16], $0x3280  }
0x17: {  	[sflag:s16] =	ssyncset.done $0x0  }
0x18: {  	[sflag:s16] =	ssyncadd.s32 $0xFFFFCD80  }
0x19: {  	p0 =	por $0x0, $0x0;
	s23 =	simm.s32 $0x0;
	[bflag:$0x0] =	sbarrier.arrive $0xFFFF  }
.LBB2_3:
0x1a: {  	_ =	swait.ge [sflag:s18], $0x800;
	s24 =	smov.u32 s23  }
0x1b: {  	s23 =	sadd.s32 $0x1, s23;
	[sflag:s18] =	ssyncset.done $0x0;
	p1 =	seq.s32 s24, $0x4  }
0x1c: {  	s25 =	simm.s32 $0x1;
	[sflag:s18] =	ssyncadd.s32 $0xFFFFF800;
	s24 =	sshll.u32 @!p1 s23, $0xB  }
0x1d: {  	s25 =	simm.s32 @!p0 $0x0;
	_ =	swait.ge [sflag:s18], $0x800;
	s26 =	sadd.s32 @!p1 s7, s24  }
0x1e: {  	s29 =	simm.s32 @!p1 $0x0;
	[sflag:s18] =	ssyncset.done $0x0;
	s26 =	sshrl.u32 @!p1 s26, $0x3  }
0x1f: {  	s28 =	sand.u32 @!p1 $0x800, s24;
	[sflag:s18] =	ssyncadd.s32 $0xFFFFF800;
	s24 =	sadd.s32 @!p1 s1, s26  }
0x20: {  	[tilespmem:s28], [sflag:$0x2] =	stream.linear.gather @!p1 [hbm4b:s24+s29], $0x800, $0x38;
	[tilespmem:$0x1F400] =	vst v63  }
0x21: {  	s26 =	sadd.s32 @!p1 s6, s26;
	s24 =	sshll.u32 s25, $0xB;
	s25 =	sor.u32 @!p1 $0x1000, s28  }
0x22: {  	[tilespmem:s25], [sflag:$0x2] =	stream.linear.gather @!p1 [hbm4b:s26+s29], $0x800, $0x38;
	[tilespmem:$0x1F400] =	vst v63  }
0x23: {  	s30 =	sadd.s32 $0x0, s24  }
0x24: {  	[tilespmem:s20], [sflag:$0x1] =	stream.indirect.gather [hbm4b:s5+s19], $0x80, s30, s19, $0xb8;
	[tilespmem:$0x1F400] =	vst v63  }
0x25: {  	_ =	swait.ge [sflag:s17], $0x4000  }
0x26: {  	s25 =	sor.u32 $0x1000, s24;
	[sflag:s17] =	ssyncset.done $0x0  }
0x27: {  	s31 =	sadd.s32 $0x0, s25;
	[sflag:s17] =	ssyncadd.s32 $0xFFFFC000  }
0x28: {  	[spmem:s2] =	stream.indirect.scatter.add.f32 [tilespmem:s20], [sflag:$0x3], $0x80, s31, s19, $0xb8;
	[tilespmem:$0x1F400] =	vst v63  }
0x29: {  	_ =	swait.ge [sflag:s16], $0x4000  }
0x2a: {  	s28 =	simm.s32 $0x400;
	s26 =	simm.s32 $0x80;
	[sflag:s16] =	ssyncset.done $0x0  }
.LBB2_4:
0x2b: {  	s29 =	sadd.s32 s26, s24  }
0x2c: {  	[sflag:s16] =	ssyncadd.s32 $0xFFFFC000;
	s30 =	smov.u32 s28;
	s31 =	sadd.s32 $0x200, s28  }
0x2d: {  	[tilespmem:s20], [sflag:$0x1] =	stream.indirect.gather [hbm4b:s5+s19], $0x80, s29, s19, $0xb8;
	[tilespmem:$0x1F400] =	vst v63  }
0x2e: {  	p1 =	seq.s32 s28, $0x1E00;
	_ =	swait.ge [sflag:s17], $0x4000  }
.Ltmp0:
0x2f: {  	[sflag:s17] =	ssyncset.done $0x0;
	(pc) =	sbr.rel @!p1 .LBB2_4-.Ltmp0, $4  }
0x30: {  	s26 =	sadd.s32 s26, s25;
	[sflag:s17] =	ssyncadd.s32 $0xFFFFC000  }
0x31: {  	[spmem:s2] =	stream.indirect.scatter.add.f32 [tilespmem:s20], [sflag:$0x3], $0x80, s26, s19, $0xb8;
	[tilespmem:$0x1F400] =	vst v63  }
0x32: {  	_ =	swait.ge [sflag:s16], $0x4000  }
0x33: {  	s28 =	smov.u32 s31;
	s26 =	sshra.s32 s30, $0x2;
	[sflag:s16] =	ssyncset.done $0x0  }
0x34: {  	s24 =	sadd.s32 s26, s24;
	[sflag:s16] =	ssyncadd.s32 $0xFFFFC000  }
0x35: {  	[tilespmem:s20], [sflag:$0x1] =	stream.indirect.gather [hbm4b:s5+s19], $0x80, s24, s19, $0xb8;
	[tilespmem:$0x1F400] =	vst v63  }
0x36: {  	_ =	swait.ge [sflag:s17], $0x4000  }
0x37: {  	[sflag:s17] =	ssyncset.done $0x0  }
0x38: {  	s31 =	sadd.s32 s26, s25;
	[sflag:s17] =	ssyncadd.s32 $0xFFFFC000  }
0x39: {  	[spmem:s2] =	stream.indirect.scatter.add.f32 [tilespmem:s20], [sflag:$0x3], $0x80, s31, s19, $0xb8;
	[tilespmem:$0x1F400] =	vst v63  }
0x3a: {  	_ =	swait.ge [sflag:s16], $0x4000  }
0x3b: {  	[sflag:s16] =	ssyncset.done $0x0  }
0x3c: {  	[sflag:s16] =	ssyncadd.s32 $0xFFFFC000  }
0x3d: {  	p1 =	seq.s32 s23, $0x5  }
.Ltmp1:
0x3e: {  	_ = 	snop;
	(pc) =	sbr.rel @!p1 .LBB2_3-.Ltmp1, $2  }
0x3f: {  	_ =	sdelay $0x2  }
0x40: {  	p0 =	por !p0, !p0  }
0x41: {  	s22 =	sadd.s32 $0x1, s22  }
0x42: {  	p0 =	sne.s32 s22, s13  }
.Ltmp2:
0x43: {  	[bflag:$0x0] =	sbarrier.arrive $0xFFFF;
	(pc) =	sbr.rel @p0 .LBB2_1-.Ltmp2, $4  }
0x44: {  	[hbm:s12], [sflag:s11] =	dma.local [spmem:s21], $0x3200  }
0x45: {  	_ =	swait.ge [sflag:s16], $0x3200  }
0x46: {  	[sflag:s16] =	ssyncset.done $0x0  }
0x47: {  	[sflag:s16] =	ssyncadd.s32 $0xFFFFCE00  }
0x48: {  	_ =	sfence.sel $0x180000  }
0x49: {  	[bflag:$0x0] =	sbarrier.arrive $0xFFFF  }
0x4a: {  	p0 =	sne.s32 s3, $0x0;
	_ =	strace $0x9000004A  }
0x4b: {  	s0 =	sadd.s32 @!p0 $0x100000, s0;
	[bflag:$0x2] =	sbarrier.arrive $0xFFFF  }
0x4c: {  	[sflag:s0] =	ssyncadd.tile.s32 @!p0 $0x1;
	_ =	shalt  }
.Lfunc_end2:
_tile_overlayer_lowered:
.L_overlay_start_2:
0x4d: {  	(tag) =	ssettag $0x2  }
0x4e: {  	s0 =	rddreg [dreg:$0x0];
	s2 =	stileid.u32  }
0x4f: {  	s1 =	rddreg [dreg:$0x1];
	p0 =	sne.s32 s2, $0x0  }
0x50: {  	s3 =	rddreg [dreg:$0x2];
	[bflag:$0x3] =	sbarrier.arrive $0xFFFF;
	s2 =	simm.s32 @!p0 $0x1C03  }
0x51: {  	[timem:s3], [sflag:s2] =	dma.local @!p0 [hbm:s0], s1  }
0x52: {  	s0 =	simm.s32 @!p0 $0x3  }
0x53: {  	_ =	swait.ge @!p0 [sflag:s0], s1  }
0x54: {  	s1 =	ssub.s32 @!p0 $0x0, s1;
	[sflag:s0] =	ssyncset.done @!p0 $0x0  }
0x55: {  	[sflag:s0] =	ssyncadd.s32 @!p0 s1  }
0x56: {  	[bflag:$0x3] =	sbarrier.arrive $0xFFFF  }
0x57: {  	_ =	shalt  }

// kernel: kernel.27.cloned.1.call-start
scs
__scs_entry_jumppad:
0x0: {  	(pc) =	sbr.rel $0x88, $3  }
0x1: {  	(tag) =	ssettag $0x0;
	lr =	simm.s32 $0x1  }
0x2: {  	[smem:$0x3F7F] =	sst lr;
	_ =	strace $0xD0000000  }
0x3: {  	_ = 	snop  }
0x4: {  	_ = 	snop  }
0x5: {  	_ = 	snop  }
0x6: {  	_ = 	snop  }
0x7: {  	_ = 	snop  }
__scs_overlays_trampoline_lowered:
0x8: {  	[smem:$0x3F8E] =	sst s0  }
0x9: {  	[smem:$0x3F8F] =	sst s1  }
0xa: {  	[smem:$0x3F90] =	sst s2  }
0xb: {  	[smem:$0x3F91] =	sst s3  }
0xc: {  	[smem:$0x3F92] =	sst s4  }
0xd: {  	[smem:$0x3F93] =	sst s5  }
0xe: {  	[smem:$0x3F94] =	sst s6  }
0xf: {  	[smem:$0x3F95] =	sst s7  }
0x10: {  	[smem:$0x3F96] =	sst s8  }
0x11: {  	[smem:$0x3F97] =	sst s9;
	s0 =	simm.s32 @!p0 $0x0  }
0x12: {  	s1 =	sld [smem:$0x3F7D];
	s0 =	simm.s32 @p0 $0x1  }
0x13: {  	[smem:$0x3F98] =	sst s0;
	s0 =	simm.s32 @!p1 $0x0  }
0x14: {  	s2 =	sld [smem:$0x3F7C];
	s0 =	simm.s32 @p1 $0x1  }
0x15: {  	[smem:$0x3F99] =	sst s0;
	s0 =	simm.s32 @!p2 $0x0  }
0x16: {  	s3 =	sld [smem:$0x3FDB];
	s0 =	simm.s32 @p2 $0x1  }
0x17: {  	s4 =	simm.s32 $0x1BF5;
	[smem:$0x3F9B] =	sst s0  }
0x18: {  	s0 =	sld [smem:$0x3F7E];
	_ =	swait.ge [sflag:s4], $0x0  }
0x19: {  	s7 =	sld [smem:$0x3F7F]  }
0x1a: {  	s8 =	sadd.s32 $0xFFFFE003, lr  }
0x1b: {  	s9 =	sadd.s32 $0xFFFFFEF7, lr;
	s5 =	simm.s32 $0xFFFFFFFF;
	p2 =	slt.u32 s8, $0xFFFFF086  }
0x1c: {  	p1 =	slt.u32 s9, $0xF7A;
	s5 =	simm.s32 @!p2 $0x0  }
0x1d: {  	s5 =	simm.s32 @p1 $0x1;
	p0 =	seq.s32 s7, s2  }
0x1e: {  	s7 =	smul.u32 @!p0 $0xF7A, s2;
	p2 =	seq.s32 @!p0 s5, $0x0  }
0x1f: {  	s9 =	smul.u32 $0xF7A, s1;
	s8 =	simm.s32 @!p0 $0x1BF5;
	p2 =	por !p2, p0  }
0x20: {  	[sflag:s8] =	ssyncset.s32 @!p0 $0xFFFFF086;
	s6 =	sadd.s32 @!p0 s3, s7;
	s7 =	simm.s32 @!p0 $0x108  }
0x21: {  	s3 =	sadd.s32 s3, s9;
	s6 =	sadd.s32 @!p0 $0x88, s6;
	s7 =	simm.s32 @p2 $0x1082  }
0x22: {  	[simem:s7], [sflag:s8] =	dma.local @!p0 [hbm:s6], $0xF7A  }
0x23: {  	s9 =	sor.u32 $0xD0000000, s2;
	s6 =	simm.s32 $0x108;
	_ =	swait.ge @!p0 [sflag:s8], $0x0  }
0x24: {  	s3 =	sadd.s32 $0x88, s3;
	s6 =	simm.s32 @!p1 $0x1082;
	[sflag:s4] =	ssyncset.s32 $0xFFFFF086  }
0x25: {  	[simem:s6], [sflag:s4] =	dma.local [hbm:s3], $0xF7A  }
0x26: {  	[smem:$0x3F7F] =	sst s1;
	(tag) =	ssettag s2;
	_ =	strace s9  }
0x27: {  	s1 =	sld [smem:$0x3F8F]  }
0x28: {  	s2 =	sld [smem:$0x3F90]  }
0x29: {  	s4 =	sld [smem:$0x3F92]  }
0x2a: {  	p0 =	seq.s32 s5, $0x0;
	s5 =	sld [smem:$0x3F93]  }
0x2b: {  	s6 =	sld [smem:$0x3F94]  }
0x2c: {  	s7 =	sld [smem:$0x3F95]  }
0x2d: {  	s3 =	simm.s32 $0x108;
	s8 =	sld [smem:$0x3F96]  }
0x2e: {  	s3 =	simm.s32 @!p0 $0x1082;
	s9 =	sld [smem:$0x3F97]  }
0x2f: {  	lr =	sadd.s32 s0, s3;
	s0 =	sld [smem:$0x3F8E]  }
0x30: {  	s3 =	sld [smem:$0x3F91]  }
0x31: {  	[smem:$0x3F9A] =	sst s10  }
0x32: {  	s10 =	sld [smem:$0x3F98];
	_ =	sdelay $0x3  }
0x33: {  	p0 =	seq.s32 s10, $0x1;
	s10 =	sld [smem:$0x3F9A];
	_ =	sdelay $0x3  }
0x34: {  	[smem:$0x3F9A] =	sst s10  }
0x35: {  	s10 =	sld [smem:$0x3F99];
	_ =	sdelay $0x3  }
0x36: {  	p1 =	seq.s32 s10, $0x1;
	s10 =	sld [smem:$0x3F9A];
	_ =	sdelay $0x3  }
0x37: {  	[smem:$0x3F9A] =	sst s10  }
0x38: {  	s10 =	sld [smem:$0x3F9B]  }
0x39: {  	_ = 	snop;
	(pc) =	sbr.ind lr, $3  }
0x3a: {  	_ = 	snop  }
0x3b: {  	_ = 	snop  }
0x3c: {  	p2 =	seq.s32 s10, $0x1;
	s10 =	sld [smem:$0x3F9A]  }
0x3d: {  	_ =	shalt  }
0x3e: {  	_ =	shalt  }
0x3f: {  	_ =	shalt  }
0x40: {  	_ =	shalt  }
0x41: {  	_ =	shalt  }
0x42: {  	_ =	shalt  }
0x43: {  	_ =	shalt  }
0x44: {  	_ =	shalt  }
0x45: {  	_ =	shalt  }
0x46: {  	_ =	shalt  }
0x47: {  	_ =	shalt  }
0x48: {  	_ =	shalt  }
0x49: {  	_ =	shalt  }
0x4a: {  	_ =	shalt  }
0x4b: {  	_ =	shalt  }
0x4c: {  	_ =	shalt  }
0x4d: {  	_ =	shalt  }
0x4e: {  	_ =	shalt  }
0x4f: {  	_ =	shalt  }
0x50: {  	_ =	shalt  }
0x51: {  	_ =	shalt  }
0x52: {  	_ =	shalt  }
0x53: {  	_ =	shalt  }
0x54: {  	_ =	shalt  }
0x55: {  	_ =	shalt  }
0x56: {  	_ =	shalt  }
0x57: {  	_ =	shalt  }
0x58: {  	_ =	shalt  }
0x59: {  	_ =	shalt  }
0x5a: {  	_ =	shalt  }
0x5b: {  	_ =	shalt  }
0x5c: {  	_ =	shalt  }
0x5d: {  	_ =	shalt  }
0x5e: {  	_ =	shalt  }
0x5f: {  	_ =	shalt  }
0x60: {  	_ =	shalt  }
0x61: {  	_ =	shalt  }
0x62: {  	_ =	shalt  }
0x63: {  	_ =	shalt  }
0x64: {  	_ =	shalt  }
0x65: {  	_ =	shalt  }
0x66: {  	_ =	shalt  }
0x67: {  	_ =	shalt  }
0x68: {  	_ =	shalt  }
0x69: {  	_ =	shalt  }
0x6a: {  	_ =	shalt  }
0x6b: {  	_ =	shalt  }
0x6c: {  	_ =	shalt  }
0x6d: {  	_ =	shalt  }
0x6e: {  	_ =	shalt  }
0x6f: {  	_ =	shalt  }
0x70: {  	_ =	shalt  }
0x71: {  	_ =	shalt  }
0x72: {  	_ =	shalt  }
0x73: {  	_ =	shalt  }
0x74: {  	_ =	shalt  }
0x75: {  	_ =	shalt  }
0x76: {  	_ =	shalt  }
0x77: {  	_ =	shalt  }
0x78: {  	_ =	shalt  }
0x79: {  	_ =	shalt  }
0x7a: {  	_ =	shalt  }
0x7b: {  	_ =	shalt  }
0x7c: {  	_ =	shalt  }
0x7d: {  	_ =	shalt  }
0x7e: {  	_ =	shalt  }
0x7f: {  	_ =	shalt  }
0x80: {  	_ =	shalt  }
0x81: {  	_ =	shalt  }
0x82: {  	_ =	shalt  }
0x83: {  	_ =	shalt  }
0x84: {  	_ =	shalt  }
0x85: {  	_ =	shalt  }
0x86: {  	_ =	shalt  }
0x87: {  	_ =	shalt  }
.Lfunc_end0:
.L_simem_size_0:
called_computation.2_lowered:
.L_overlay_start_0:
0x88: {  	s2 =	sld [smem:$0x3FD9]  }
0x89: {  	s3 =	sld [smem:$0x3FFE];
	_ =	sdelay $0x1  }
0x8a: {  	s1 =	srdreg.scid  }
0x8b: {  	s0 =	sand.u32 $0x1, s1  }
0x8c: {  	s17 =	sshll.u32 s0, $0xA;
	s2 =	sadd.s32 s3, s2  }
0x8d: {  	s2 =	sadd.s32 s2, s17  }
0x8e: {  	[smem:$0x3FA6] =	sst s2  }
0x8f: {  	_ = 	snop  }
0x90: {  	s2 =	sld [smem:$0x3FD0];
	(tm) =	ssettm $0x1  }
0x91: {  	s18 =	sld [smem:$0x3FFB];
	_ =	sdelay $0x3  }
0x92: {  	_ =	strace s18  }
0x93: {  	s3 =	sld [smem:$0x3FFC];
	_ =	sdelay $0x3  }
0x94: {  	_ =	strace s3  }
0x95: {  	s3 =	sld [smem:$0x3FFD];
	_ =	sdelay $0x3  }
0x96: {  	_ =	strace s3  }
0x97: {  	_ =	strace $0x8FFFFFFF  }
0x98: {  	s19 =	sld [smem:$0x3FDB];
	_ =	sdelay $0x1  }
0x99: {  	s4 =	simm.s32 $_scs_section_size  }
0x9a: {  	s5 =	simm.s32 $_size__tile_overlayer_lowered;
	s6 =	simm.s32 $_tile_overlayer_lowered  }
0x9b: {  	s22 =	simm.s32 $0x1BFF;
	s21 =	sshll.u32 s6, $0x1;
	s3 =	sadd.s32 s4, s19  }
0x9c: {  	s7 =	simm.s32 $0x0;
	s20 =	sshll.u32 s5, $0x1;
	s5 =	sadd.s32 s21, s3  }
0x9d: {  	[timem:s7], [sflag:s22] =	dma.local [hbm:s5], s20  }
0x9e: {  	_ =	swait.ge [sflag:s22], s20  }
0x9f: {  	s4 =	ssub.s32 $0x0, s20;
	[sflag:s22] =	ssyncset.done $0x0  }
0xa0: {  	[sflag:s22] =	ssyncadd.s32 s4;
	_ =	sdelay $0x1  }
0xa1: {  	s23 =	simm.s32 $0x1B8B  }
0xa2: {  	_ =	swait.ge [sflag:s23], $0x1  }
0xa3: {  	[sflag:s23] =	ssyncset.done $0x0  }
0xa4: {  	s25 =	simm.s32 $0x1B8E;
	s24 =	sld [smem:$0x3FFE];
	[sflag:s23] =	ssyncadd.s32 $0xFFFFFFFF  }
0xa5: {  	s26 =	simm.s32 $execute0_lowered;
	[smem:$0x3FD2] =	sst s25  }
0xa6: {  	s5 =	sshll.u32 s26, $0x1;
	_ =	strace $0x8000004C;
	[dreg:$0x1] =	wrdreg $0xFFFFFFFF  }
0xa7: {  	s28 =	simm.s32 $_size_execute0_lowered;
	s3 =	sadd.s32 s3, s5;
	[dreg:$0x0] =	wrdreg $0x0  }
0xa8: {  	s5 =	sshll.u32 s28, $0x1;
	[dreg:$0x2] =	wrdreg s3  }
0xa9: {  	[dreg:$0x3] =	wrdreg s5  }
0xaa: {  	[dreg:$0x4] =	wrdreg $0xC0  }
0xab: {  	_ =	task [dreg:s7], $0x5FFFF  }
0xac: {  	[dreg:$0x1] =	wrdreg $0xFFFFFFFF  }
0xad: {  	[dreg:$0x0] =	wrdreg $0x60  }
0xae: {  	[dreg:$0x2] =	wrdreg s24  }
0xaf: {  	[dreg:$0x3] =	wrdreg s2  }
0xb0: {  	[dreg:$0x4] =	wrdreg $0x60000  }
0xb1: {  	[dreg:$0x5] =	wrdreg $0x9  }
0xb2: {  	_ =	task.clear_ibuf [dreg:s7], $0x6FFFF;
	_ =	strace $0x9000004C  }
0xb3: {  	s29 =	simm.s32 $0x9;
	_ =	strace $0x8000004E  }
0xb4: {  	_ =	swait.ge [sflag:s29], $0x1  }
0xb5: {  	[sflag:s29] =	ssyncadd.s32 $0xFFFFFFFF  }
0xb6: {  	_ =	strace $0x9000004E  }
0xb7: {  	_ =	sfence  }
0xb8: {  	s30 =	sld [smem:$0x0];
	_ =	sdelay $0x2  }
0xb9: {  	s31 =	sshll.u32 s1, $0xD;
	s1 =	sshrl.u32 s1, $0x2  }
0xba: {  	s3 =	sand.u32 $0x4000, s31;
	s1 =	sadd.s32 s1, s30  }
0xbb: {  	s0 =	sor.u32 s3, s0;
	s1 =	sshll.u32 s1, $0x11  }
0xbc: {  	s0 =	sor.u32 s1, s0  }
0xbd: {  	s0 =	sadd.s32 $0x8F2B, s0  }
0xbe: {  	[sflag:s0] =	ssyncadd.remote.s32 $0x1  }
0xbf: {  	_ =	sfence.sel $0xFFFF  }
0xc0: {  	[dreg:$0x0] =	wrdreg $0xFFFFFFFF;
	(pc) =	sbr.abs _section_cstart, $3  }
0xc1: {  	[dreg:$0x1] =	wrdreg $0xFFFFFFFF  }
0xc2: {  	_ =	task.clear_ibuf [dreg:s7], $0x2FFFF;
	_ =	strace $0x9FFFFFFF  }
0xc3: {  	(tm) =	ssettm $0x7FFFFFFF  }
tec
execute0_lowered:
.L_overlay_start_1:
0x0: {  	(tag) =	ssettag $0x1  }
0x1: {  	s9 =	rddreg [dreg:$0x0]  }
0x2: {  	s1 =	rddreg [dreg:$0x1]  }
0x3: {  	s2 =	rddreg [dreg:$0x2];
	s3 =	srdreg.scid  }
0x4: {  	s0 =	rddreg [dreg:$0x3];
	s4 =	simm.s32 $0x0;
	s17 =	simm.s32 $0x1  }
0x5: {  	s18 =	simm.s32 $0x2;
	s19 =	simm.s32 $0x80;
	s10 =	sand.u32 $0x1, s3  }
0x6: {  	s20 =	simm.s32 $0x2000;
	s3 =	stileid.u32;
	s6 =	smul.u32 $0x190000, s10  }
0x7: {  	s22 =	simm.s32 $0x0;
	[smem:$0x7FF] =	sst s4;
	s7 =	smul.u32 $0x19000, s3  }
0x8: {  	s5 =	sadd.s32 $0x1AC00, s9;
	_ =	strace $0x8000004D;
	s13 =	smul.u32 $0x65000, s3  }
0x9: {  	s8 =	sshll.u32 s10, $0x4;
	s26 =	ssub.s32 $0x2, s10;
	s15 =	smul.u32 $0x64000, s3  }
0xa: {  	s30 =	sshll.u32 s3, $0x6;
	s8 =	sor.u32 s3, s8;
	s10 =	sshrl.u32 s26, $0x1  }
0xb: {  	s7 =	sadd.s32 s7, s6;
	s6 =	sadd.s32 $0x10C00, s9;
	s14 =	ssub.s32 s26, s10  }
0xc: {  	s29 =	sshrl.u32 s13, $0x2;
	s31 =	sshrl.u32 s15, $0x2;
	s11 =	sshrl.u32 s7, $0x3  }
0xd: {  	s7 =	smul.u32 $0x2800, s8;
	s8 =	sadd.s32 $0x4CC00, s9;
	s16 =	sadd.s32 s29, s2  }
0xe: {  	s21 =	sadd.s32 s31, s2;
	s13 =	smax.u32 s14, $0x1;
	s14 =	simm.s32 $0x1000  }
0xf: {  	s12 =	sadd.s32 s11, s9;
	s11 =	sor.u32 $0x1C03, s30;
	s15 =	sshrl.u32 s16, $0x3  }
0x10: {  	s16 =	simm.s32 $0x3;
	s21 =	sshrl.u32 s21, $0x3;
	s28 =	sshrl.u32 s7, $0x3  }
0x11: {  	s12 =	sadd.s32 $0x50000, s12;
	s9 =	sadd.s32 s1, s28;
	s10 =	sadd.s32 s6, s28  }
.LBB2_1:
0x12: {  	[tilespmem:s4], [sflag:$0x2] =	stream.linear.gather [hbm4b:s9+s4], $0x800, $0x38;
	[tilespmem:$0x1F400] =	vst v63  }
0x13: {  	_ = 	snop  }
0x14: {  	[tilespmem:s14], [sflag:$0x2] =	stream.linear.gather [hbm4b:s10+s4], $0x800, $0x38;
	[tilespmem:$0x1F400] =	vst v63  }
0x15: {  	[spmem:s15], [sflag:s11] =	dma.local [hbm:s8], $0x3280  }
0x16: {  	_ =	swait.ge [sflag:s16], $0x3280  }
0x17: {  	[sflag:s16] =	ssyncset.done $0x0  }
0x18: {  	[sflag:s16] =	ssyncadd.s32 $0xFFFFCD80  }
0x19: {  	p0 =	por $0x0, $0x0;
	s23 =	simm.s32 $0x0;
	[bflag:$0x0] =	sbarrier.arrive $0xFFFF  }
.LBB2_3:
0x1a: {  	_ =	swait.ge [sflag:s18], $0x800;
	s24 =	smov.u32 s23  }
0x1b: {  	s23 =	sadd.s32 $0x1, s23;
	[sflag:s18] =	ssyncset.done $0x0;
	p1 =	seq.s32 s24, $0x4  }
0x1c: {  	s25 =	simm.s32 $0x1;
	[sflag:s18] =	ssyncadd.s32 $0xFFFFF800;
	s24 =	sshll.u32 @!p1 s23, $0xB  }
0x1d: {  	s25 =	simm.s32 @!p0 $0x0;
	_ =	swait.ge [sflag:s18], $0x800;
	s26 =	sadd.s32 @!p1 s7, s24  }
0x1e: {  	s29 =	simm.s32 @!p1 $0x0;
	[sflag:s18] =	ssyncset.done $0x0;
	s26 =	sshrl.u32 @!p1 s26, $0x3  }
0x1f: {  	s28 =	sand.u32 @!p1 $0x800, s24;
	[sflag:s18] =	ssyncadd.s32 $0xFFFFF800;
	s24 =	sadd.s32 @!p1 s1, s26  }
0x20: {  	[tilespmem:s28], [sflag:$0x2] =	stream.linear.gather @!p1 [hbm4b:s24+s29], $0x800, $0x38;
	[tilespmem:$0x1F400] =	vst v63  }
0x21: {  	s26 =	sadd.s32 @!p1 s6, s26;
	s24 =	sshll.u32 s25, $0xB;
	s25 =	sor.u32 @!p1 $0x1000, s28  }
0x22: {  	[tilespmem:s25], [sflag:$0x2] =	stream.linear.gather @!p1 [hbm4b:s26+s29], $0x800, $0x38;
	[tilespmem:$0x1F400] =	vst v63  }
0x23: {  	s30 =	sadd.s32 $0x0, s24  }
0x24: {  	[tilespmem:s20], [sflag:$0x1] =	stream.indirect.gather [hbm4b:s5+s19], $0x80, s30, s19, $0xb8;
	[tilespmem:$0x1F400] =	vst v63  }
0x25: {  	_ =	swait.ge [sflag:s17], $0x4000  }
0x26: {  	s25 =	sor.u32 $0x1000, s24;
	[sflag:s17] =	ssyncset.done $0x0  }
0x27: {  	s31 =	sadd.s32 $0x0, s25;
	[sflag:s17] =	ssyncadd.s32 $0xFFFFC000  }
0x28: {  	[spmem:s2] =	stream.indirect.scatter.add.f32 [tilespmem:s20], [sflag:$0x3], $0x80, s31, s19, $0xb8;
	[tilespmem:$0x1F400] =	vst v63  }
0x29: {  	_ =	swait.ge [sflag:s16], $0x4000  }
0x2a: {  	s28 =	simm.s32 $0x400;
	s26 =	simm.s32 $0x80;
	[sflag:s16] =	ssyncset.done $0x0  }
.LBB2_4:
0x2b: {  	s29 =	sadd.s32 s26, s24  }
0x2c: {  	[sflag:s16] =	ssyncadd.s32 $0xFFFFC000;
	s30 =	smov.u32 s28;
	s31 =	sadd.s32 $0x200, s28  }
0x2d: {  	[tilespmem:s20], [sflag:$0x1] =	stream.indirect.gather [hbm4b:s5+s19], $0x80, s29, s19, $0xb8;
	[tilespmem:$0x1F400] =	vst v63  }
0x2e: {  	p1 =	seq.s32 s28, $0x1E00;
	_ =	swait.ge [sflag:s17], $0x4000  }
.Ltmp0:
0x2f: {  	[sflag:s17] =	ssyncset.done $0x0;
	(pc) =	sbr.rel @!p1 .LBB2_4-.Ltmp0, $4  }
0x30: {  	s26 =	sadd.s32 s26, s25;
	[sflag:s17] =	ssyncadd.s32 $0xFFFFC000  }
0x31: {  	[spmem:s2] =	stream.indirect.scatter.add.f32 [tilespmem:s20], [sflag:$0x3], $0x80, s26, s19, $0xb8;
	[tilespmem:$0x1F400] =	vst v63  }
0x32: {  	_ =	swait.ge [sflag:s16], $0x4000  }
0x33: {  	s28 =	smov.u32 s31;
	s26 =	sshra.s32 s30, $0x2;
	[sflag:s16] =	ssyncset.done $0x0  }
0x34: {  	s24 =	sadd.s32 s26, s24;
	[sflag:s16] =	ssyncadd.s32 $0xFFFFC000  }
0x35: {  	[tilespmem:s20], [sflag:$0x1] =	stream.indirect.gather [hbm4b:s5+s19], $0x80, s24, s19, $0xb8;
	[tilespmem:$0x1F400] =	vst v63  }
0x36: {  	_ =	swait.ge [sflag:s17], $0x4000  }
0x37: {  	[sflag:s17] =	ssyncset.done $0x0  }
0x38: {  	s31 =	sadd.s32 s26, s25;
	[sflag:s17] =	ssyncadd.s32 $0xFFFFC000  }
0x39: {  	[spmem:s2] =	stream.indirect.scatter.add.f32 [tilespmem:s20], [sflag:$0x3], $0x80, s31, s19, $0xb8;
	[tilespmem:$0x1F400] =	vst v63  }
0x3a: {  	_ =	swait.ge [sflag:s16], $0x4000  }
0x3b: {  	[sflag:s16] =	ssyncset.done $0x0  }
0x3c: {  	[sflag:s16] =	ssyncadd.s32 $0xFFFFC000  }
0x3d: {  	p1 =	seq.s32 s23, $0x5  }
.Ltmp1:
0x3e: {  	_ = 	snop;
	(pc) =	sbr.rel @!p1 .LBB2_3-.Ltmp1, $2  }
0x3f: {  	_ =	sdelay $0x2  }
0x40: {  	p0 =	por !p0, !p0  }
0x41: {  	s22 =	sadd.s32 $0x1, s22  }
0x42: {  	p0 =	sne.s32 s22, s13  }
.Ltmp2:
0x43: {  	[bflag:$0x0] =	sbarrier.arrive $0xFFFF;
	(pc) =	sbr.rel @p0 .LBB2_1-.Ltmp2, $4  }
0x44: {  	[hbm:s12], [sflag:s11] =	dma.local [spmem:s21], $0x3200  }
0x45: {  	_ =	swait.ge [sflag:s16], $0x3200  }
0x46: {  	[sflag:s16] =	ssyncset.done $0x0  }
0x47: {  	[sflag:s16] =	ssyncadd.s32 $0xFFFFCE00  }
0x48: {  	_ =	sfence.sel $0x180000  }
0x49: {  	[bflag:$0x0] =	sbarrier.arrive $0xFFFF  }
0x4a: {  	p0 =	sne.s32 s3, $0x0;
	_ =	strace $0x9000004D  }
0x4b: {  	s0 =	sadd.s32 @!p0 $0x100000, s0;
	[bflag:$0x2] =	sbarrier.arrive $0xFFFF  }
0x4c: {  	[sflag:s0] =	ssyncadd.tile.s32 @!p0 $0x1;
	_ =	shalt  }
.Lfunc_end2:
_tile_overlayer_lowered:
.L_overlay_start_2:
0x4d: {  	(tag) =	ssettag $0x2  }
0x4e: {  	s0 =	rddreg [dreg:$0x0];
	s2 =	stileid.u32  }
0x4f: {  	s1 =	rddreg [dreg:$0x1];
	p0 =	sne.s32 s2, $0x0  }
0x50: {  	s3 =	rddreg [dreg:$0x2];
	[bflag:$0x3] =	sbarrier.arrive $0xFFFF;
	s2 =	simm.s32 @!p0 $0x1C03  }
0x51: {  	[timem:s3], [sflag:s2] =	dma.local @!p0 [hbm:s0], s1  }
0x52: {  	s0 =	simm.s32 @!p0 $0x3  }
0x53: {  	_ =	swait.ge @!p0 [sflag:s0], s1  }
0x54: {  	s1 =	ssub.s32 @!p0 $0x0, s1;
	[sflag:s0] =	ssyncset.done @!p0 $0x0  }
0x55: {  	[sflag:s0] =	ssyncadd.s32 @!p0 s1  }
0x56: {  	[bflag:$0x3] =	sbarrier.arrive $0xFFFF  }
0x57: {  	_ =	shalt  }

// kernel: kernel.30.cloned.1.call-start
scs
__scs_entry_jumppad:
0x0: {  	(pc) =	sbr.rel $0x88, $3  }
0x1: {  	(tag) =	ssettag $0x0;
	lr =	simm.s32 $0x1  }
0x2: {  	[smem:$0x3F7F] =	sst lr;
	_ =	strace $0xD0000000  }
0x3: {  	_ = 	snop  }
0x4: {  	_ = 	snop  }
0x5: {  	_ = 	snop  }
0x6: {  	_ = 	snop  }
0x7: {  	_ = 	snop  }
__scs_overlays_trampoline_lowered:
0x8: {  	[smem:$0x3F8E] =	sst s0  }
0x9: {  	[smem:$0x3F8F] =	sst s1  }
0xa: {  	[smem:$0x3F90] =	sst s2  }
0xb: {  	[smem:$0x3F91] =	sst s3  }
0xc: {  	[smem:$0x3F92] =	sst s4  }
0xd: {  	[smem:$0x3F93] =	sst s5  }
0xe: {  	[smem:$0x3F94] =	sst s6  }
0xf: {  	[smem:$0x3F95] =	sst s7  }
0x10: {  	[smem:$0x3F96] =	sst s8  }
0x11: {  	[smem:$0x3F97] =	sst s9;
	s0 =	simm.s32 @!p0 $0x0  }
0x12: {  	s1 =	sld [smem:$0x3F7D];
	s0 =	simm.s32 @p0 $0x1  }
0x13: {  	[smem:$0x3F98] =	sst s0;
	s0 =	simm.s32 @!p1 $0x0  }
0x14: {  	s2 =	sld [smem:$0x3F7C];
	s0 =	simm.s32 @p1 $0x1  }
0x15: {  	[smem:$0x3F99] =	sst s0;
	s0 =	simm.s32 @!p2 $0x0  }
0x16: {  	s3 =	sld [smem:$0x3FDB];
	s0 =	simm.s32 @p2 $0x1  }
0x17: {  	s4 =	simm.s32 $0x1BF5;
	[smem:$0x3F9B] =	sst s0  }
0x18: {  	s0 =	sld [smem:$0x3F7E];
	_ =	swait.ge [sflag:s4], $0x0  }
0x19: {  	s7 =	sld [smem:$0x3F7F]  }
0x1a: {  	s8 =	sadd.s32 $0xFFFFE003, lr  }
0x1b: {  	s9 =	sadd.s32 $0xFFFFFEF7, lr;
	s5 =	simm.s32 $0xFFFFFFFF;
	p2 =	slt.u32 s8, $0xFFFFF086  }
0x1c: {  	p1 =	slt.u32 s9, $0xF7A;
	s5 =	simm.s32 @!p2 $0x0  }
0x1d: {  	s5 =	simm.s32 @p1 $0x1;
	p0 =	seq.s32 s7, s2  }
0x1e: {  	s7 =	smul.u32 @!p0 $0xF7A, s2;
	p2 =	seq.s32 @!p0 s5, $0x0  }
0x1f: {  	s9 =	smul.u32 $0xF7A, s1;
	s8 =	simm.s32 @!p0 $0x1BF5;
	p2 =	por !p2, p0  }
0x20: {  	[sflag:s8] =	ssyncset.s32 @!p0 $0xFFFFF086;
	s6 =	sadd.s32 @!p0 s3, s7;
	s7 =	simm.s32 @!p0 $0x108  }
0x21: {  	s3 =	sadd.s32 s3, s9;
	s6 =	sadd.s32 @!p0 $0x88, s6;
	s7 =	simm.s32 @p2 $0x1082  }
0x22: {  	[simem:s7], [sflag:s8] =	dma.local @!p0 [hbm:s6], $0xF7A  }
0x23: {  	s9 =	sor.u32 $0xD0000000, s2;
	s6 =	simm.s32 $0x108;
	_ =	swait.ge @!p0 [sflag:s8], $0x0  }
0x24: {  	s3 =	sadd.s32 $0x88, s3;
	s6 =	simm.s32 @!p1 $0x1082;
	[sflag:s4] =	ssyncset.s32 $0xFFFFF086  }
0x25: {  	[simem:s6], [sflag:s4] =	dma.local [hbm:s3], $0xF7A  }
0x26: {  	[smem:$0x3F7F] =	sst s1;
	(tag) =	ssettag s2;
	_ =	strace s9  }
0x27: {  	s1 =	sld [smem:$0x3F8F]  }
0x28: {  	s2 =	sld [smem:$0x3F90]  }
0x29: {  	s4 =	sld [smem:$0x3F92]  }
0x2a: {  	p0 =	seq.s32 s5, $0x0;
	s5 =	sld [smem:$0x3F93]  }
0x2b: {  	s6 =	sld [smem:$0x3F94]  }
0x2c: {  	s7 =	sld [smem:$0x3F95]  }
0x2d: {  	s3 =	simm.s32 $0x108;
	s8 =	sld [smem:$0x3F96]  }
0x2e: {  	s3 =	simm.s32 @!p0 $0x1082;
	s9 =	sld [smem:$0x3F97]  }
0x2f: {  	lr =	sadd.s32 s0, s3;
	s0 =	sld [smem:$0x3F8E]  }
0x30: {  	s3 =	sld [smem:$0x3F91]  }
0x31: {  	[smem:$0x3F9A] =	sst s10  }
0x32: {  	s10 =	sld [smem:$0x3F98];
	_ =	sdelay $0x3  }
0x33: {  	p0 =	seq.s32 s10, $0x1;
	s10 =	sld [smem:$0x3F9A];
	_ =	sdelay $0x3  }
0x34: {  	[smem:$0x3F9A] =	sst s10  }
0x35: {  	s10 =	sld [smem:$0x3F99];
	_ =	sdelay $0x3  }
0x36: {  	p1 =	seq.s32 s10, $0x1;
	s10 =	sld [smem:$0x3F9A];
	_ =	sdelay $0x3  }
0x37: {  	[smem:$0x3F9A] =	sst s10  }
0x38: {  	s10 =	sld [smem:$0x3F9B]  }
0x39: {  	_ = 	snop;
	(pc) =	sbr.ind lr, $3  }
0x3a: {  	_ = 	snop  }
0x3b: {  	_ = 	snop  }
0x3c: {  	p2 =	seq.s32 s10, $0x1;
	s10 =	sld [smem:$0x3F9A]  }
0x3d: {  	_ =	shalt  }
0x3e: {  	_ =	shalt  }
0x3f: {  	_ =	shalt  }
0x40: {  	_ =	shalt  }
0x41: {  	_ =	shalt  }
0x42: {  	_ =	shalt  }
0x43: {  	_ =	shalt  }
0x44: {  	_ =	shalt  }
0x45: {  	_ =	shalt  }
0x46: {  	_ =	shalt  }
0x47: {  	_ =	shalt  }
0x48: {  	_ =	shalt  }
0x49: {  	_ =	shalt  }
0x4a: {  	_ =	shalt  }
0x4b: {  	_ =	shalt  }
0x4c: {  	_ =	shalt  }
0x4d: {  	_ =	shalt  }
0x4e: {  	_ =	shalt  }
0x4f: {  	_ =	shalt  }
0x50: {  	_ =	shalt  }
0x51: {  	_ =	shalt  }
0x52: {  	_ =	shalt  }
0x53: {  	_ =	shalt  }
0x54: {  	_ =	shalt  }
0x55: {  	_ =	shalt  }
0x56: {  	_ =	shalt  }
0x57: {  	_ =	shalt  }
0x58: {  	_ =	shalt  }
0x59: {  	_ =	shalt  }
0x5a: {  	_ =	shalt  }
0x5b: {  	_ =	shalt  }
0x5c: {  	_ =	shalt  }
0x5d: {  	_ =	shalt  }
0x5e: {  	_ =	shalt  }
0x5f: {  	_ =	shalt  }
0x60: {  	_ =	shalt  }
0x61: {  	_ =	shalt  }
0x62: {  	_ =	shalt  }
0x63: {  	_ =	shalt  }
0x64: {  	_ =	shalt  }
0x65: {  	_ =	shalt  }
0x66: {  	_ =	shalt  }
0x67: {  	_ =	shalt  }
0x68: {  	_ =	shalt  }
0x69: {  	_ =	shalt  }
0x6a: {  	_ =	shalt  }
0x6b: {  	_ =	shalt  }
0x6c: {  	_ =	shalt  }
0x6d: {  	_ =	shalt  }
0x6e: {  	_ =	shalt  }
0x6f: {  	_ =	shalt  }
0x70: {  	_ =	shalt  }
0x71: {  	_ =	shalt  }
0x72: {  	_ =	shalt  }
0x73: {  	_ =	shalt  }
0x74: {  	_ =	shalt  }
0x75: {  	_ =	shalt  }
0x76: {  	_ =	shalt  }
0x77: {  	_ =	shalt  }
0x78: {  	_ =	shalt  }
0x79: {  	_ =	shalt  }
0x7a: {  	_ =	shalt  }
0x7b: {  	_ =	shalt  }
0x7c: {  	_ =	shalt  }
0x7d: {  	_ =	shalt  }
0x7e: {  	_ =	shalt  }
0x7f: {  	_ =	shalt  }
0x80: {  	_ =	shalt  }
0x81: {  	_ =	shalt  }
0x82: {  	_ =	shalt  }
0x83: {  	_ =	shalt  }
0x84: {  	_ =	shalt  }
0x85: {  	_ =	shalt  }
0x86: {  	_ =	shalt  }
0x87: {  	_ =	shalt  }
.Lfunc_end0:
.L_simem_size_0:
called_computation.3_lowered:
.L_overlay_start_0:
0x88: {  	s2 =	sld [smem:$0x3FD9]  }
0x89: {  	s3 =	sld [smem:$0x3FFE];
	_ =	sdelay $0x1  }
0x8a: {  	s1 =	srdreg.scid  }
0x8b: {  	s0 =	sand.u32 $0x1, s1  }
0x8c: {  	s17 =	sshll.u32 s0, $0xA;
	s2 =	sadd.s32 s3, s2  }
0x8d: {  	s2 =	sadd.s32 s2, s17  }
0x8e: {  	[smem:$0x3FA6] =	sst s2  }
0x8f: {  	_ = 	snop  }
0x90: {  	s2 =	sld [smem:$0x3FD0];
	(tm) =	ssettm $0x1  }
0x91: {  	s18 =	sld [smem:$0x3FFB];
	_ =	sdelay $0x3  }
0x92: {  	_ =	strace s18  }
0x93: {  	s3 =	sld [smem:$0x3FFC];
	_ =	sdelay $0x3  }
0x94: {  	_ =	strace s3  }
0x95: {  	s3 =	sld [smem:$0x3FFD];
	_ =	sdelay $0x3  }
0x96: {  	_ =	strace s3  }
0x97: {  	_ =	strace $0x8FFFFFFF  }
0x98: {  	s19 =	sld [smem:$0x3FDB];
	_ =	sdelay $0x1  }
0x99: {  	s4 =	simm.s32 $_scs_section_size  }
0x9a: {  	s5 =	simm.s32 $_size__tile_overlayer_lowered;
	s6 =	simm.s32 $_tile_overlayer_lowered  }
0x9b: {  	s22 =	simm.s32 $0x1BFF;
	s21 =	sshll.u32 s6, $0x1;
	s3 =	sadd.s32 s4, s19  }
0x9c: {  	s7 =	simm.s32 $0x0;
	s20 =	sshll.u32 s5, $0x1;
	s5 =	sadd.s32 s21, s3  }
0x9d: {  	[timem:s7], [sflag:s22] =	dma.local [hbm:s5], s20  }
0x9e: {  	_ =	swait.ge [sflag:s22], s20  }
0x9f: {  	s4 =	ssub.s32 $0x0, s20;
	[sflag:s22] =	ssyncset.done $0x0  }
0xa0: {  	[sflag:s22] =	ssyncadd.s32 s4;
	_ =	sdelay $0x1  }
0xa1: {  	s23 =	simm.s32 $0x1B8B  }
0xa2: {  	_ =	swait.ge [sflag:s23], $0x1  }
0xa3: {  	[sflag:s23] =	ssyncset.done $0x0  }
0xa4: {  	s25 =	simm.s32 $0x1B8E;
	s24 =	sld [smem:$0x3FFE];
	[sflag:s23] =	ssyncadd.s32 $0xFFFFFFFF  }
0xa5: {  	s26 =	simm.s32 $execute0_lowered;
	[smem:$0x3FD2] =	sst s25  }
0xa6: {  	s5 =	sshll.u32 s26, $0x1;
	_ =	strace $0x8000004F;
	[dreg:$0x1] =	wrdreg $0xFFFFFFFF  }
0xa7: {  	s28 =	simm.s32 $_size_execute0_lowered;
	s3 =	sadd.s32 s3, s5;
	[dreg:$0x0] =	wrdreg $0x0  }
0xa8: {  	s5 =	sshll.u32 s28, $0x1;
	[dreg:$0x2] =	wrdreg s3  }
0xa9: {  	[dreg:$0x3] =	wrdreg s5  }
0xaa: {  	[dreg:$0x4] =	wrdreg $0xC0  }
0xab: {  	_ =	task [dreg:s7], $0x5FFFF  }
0xac: {  	[dreg:$0x1] =	wrdreg $0xFFFFFFFF  }
0xad: {  	[dreg:$0x0] =	wrdreg $0x60  }
0xae: {  	[dreg:$0x2] =	wrdreg s24  }
0xaf: {  	[dreg:$0x3] =	wrdreg s2  }
0xb0: {  	[dreg:$0x4] =	wrdreg $0x60000  }
0xb1: {  	[dreg:$0x5] =	wrdreg $0x9  }
0xb2: {  	_ =	task.clear_ibuf [dreg:s7], $0x6FFFF;
	_ =	strace $0x9000004F  }
0xb3: {  	s29 =	simm.s32 $0x9;
	_ =	strace $0x80000051  }
0xb4: {  	_ =	swait.ge [sflag:s29], $0x1  }
0xb5: {  	[sflag:s29] =	ssyncadd.s32 $0xFFFFFFFF  }
0xb6: {  	_ =	strace $0x90000051  }
0xb7: {  	_ =	sfence  }
0xb8: {  	s30 =	sld [smem:$0x0];
	_ =	sdelay $0x2  }
0xb9: {  	s31 =	sshll.u32 s1, $0xD;
	s1 =	sshrl.u32 s1, $0x2  }
0xba: {  	s3 =	sand.u32 $0x4000, s31;
	s1 =	sadd.s32 s1, s30  }
0xbb: {  	s0 =	sor.u32 s3, s0;
	s1 =	sshll.u32 s1, $0x11  }
0xbc: {  	s0 =	sor.u32 s1, s0  }
0xbd: {  	s0 =	sadd.s32 $0x8F2B, s0  }
0xbe: {  	[sflag:s0] =	ssyncadd.remote.s32 $0x1  }
0xbf: {  	_ =	sfence.sel $0xFFFF  }
0xc0: {  	[dreg:$0x0] =	wrdreg $0xFFFFFFFF;
	(pc) =	sbr.abs _section_cstart, $3  }
0xc1: {  	[dreg:$0x1] =	wrdreg $0xFFFFFFFF  }
0xc2: {  	_ =	task.clear_ibuf [dreg:s7], $0x2FFFF;
	_ =	strace $0x9FFFFFFF  }
0xc3: {  	(tm) =	ssettm $0x7FFFFFFF  }
tec
execute0_lowered:
.L_overlay_start_1:
0x0: {  	(tag) =	ssettag $0x1  }
0x1: {  	s9 =	rddreg [dreg:$0x0]  }
0x2: {  	s1 =	rddreg [dreg:$0x1]  }
0x3: {  	s2 =	rddreg [dreg:$0x2];
	s3 =	srdreg.scid  }
0x4: {  	s0 =	rddreg [dreg:$0x3];
	s4 =	simm.s32 $0x0;
	s17 =	simm.s32 $0x1  }
0x5: {  	s18 =	simm.s32 $0x2;
	s19 =	simm.s32 $0x80;
	s10 =	sand.u32 $0x1, s3  }
0x6: {  	s20 =	simm.s32 $0x2000;
	s3 =	stileid.u32;
	s6 =	smul.u32 $0x190000, s10  }
0x7: {  	s22 =	simm.s32 $0x0;
	[smem:$0x7FF] =	sst s4;
	s7 =	smul.u32 $0x19000, s3  }
0x8: {  	s5 =	sadd.s32 $0x1AC00, s9;
	_ =	strace $0x80000050;
	s13 =	smul.u32 $0x65000, s3  }
0x9: {  	s8 =	sshll.u32 s10, $0x4;
	s26 =	ssub.s32 $0x2, s10;
	s15 =	smul.u32 $0x64000, s3  }
0xa: {  	s30 =	sshll.u32 s3, $0x6;
	s8 =	sor.u32 s3, s8;
	s10 =	sshrl.u32 s26, $0x1  }
0xb: {  	s7 =	sadd.s32 s7, s6;
	s6 =	sadd.s32 $0x10C00, s9;
	s14 =	ssub.s32 s26, s10  }
0xc: {  	s29 =	sshrl.u32 s13, $0x2;
	s31 =	sshrl.u32 s15, $0x2;
	s11 =	sshrl.u32 s7, $0x3  }
0xd: {  	s7 =	smul.u32 $0x2800, s8;
	s8 =	sadd.s32 $0x4CC00, s9;
	s16 =	sadd.s32 s29, s2  }
0xe: {  	s21 =	sadd.s32 s31, s2;
	s13 =	smax.u32 s14, $0x1;
	s14 =	simm.s32 $0x1000  }
0xf: {  	s12 =	sadd.s32 s11, s9;
	s11 =	sor.u32 $0x1C03, s30;
	s15 =	sshrl.u32 s16, $0x3  }
0x10: {  	s16 =	simm.s32 $0x3;
	s21 =	sshrl.u32 s21, $0x3;
	s28 =	sshrl.u32 s7, $0x3  }
0x11: {  	s12 =	sadd.s32 $0x50000, s12;
	s9 =	sadd.s32 s1, s28;
	s10 =	sadd.s32 s6, s28  }
.LBB2_1:
0x12: {  	[tilespmem:s4], [sflag:$0x2] =	stream.linear.gather [hbm4b:s9+s4], $0x800, $0x38;
	[tilespmem:$0x1F400] =	vst v63  }
0x13: {  	_ = 	snop  }
0x14: {  	[tilespmem:s14], [sflag:$0x2] =	stream.linear.gather [hbm4b:s10+s4], $0x800, $0x38;
	[tilespmem:$0x1F400] =	vst v63  }
0x15: {  	[spmem:s15], [sflag:s11] =	dma.local [hbm:s8], $0x3280  }
0x16: {  	_ =	swait.ge [sflag:s16], $0x3280  }
0x17: {  	[sflag:s16] =	ssyncset.done $0x0  }
0x18: {  	[sflag:s16] =	ssyncadd.s32 $0xFFFFCD80  }
0x19: {  	p0 =	por $0x0, $0x0;
	s23 =	simm.s32 $0x0;
	[bflag:$0x0] =	sbarrier.arrive $0xFFFF  }
.LBB2_3:
0x1a: {  	_ =	swait.ge [sflag:s18], $0x800;
	s24 =	smov.u32 s23  }
0x1b: {  	s23 =	sadd.s32 $0x1, s23;
	[sflag:s18] =	ssyncset.done $0x0;
	p1 =	seq.s32 s24, $0x4  }
0x1c: {  	s25 =	simm.s32 $0x1;
	[sflag:s18] =	ssyncadd.s32 $0xFFFFF800;
	s24 =	sshll.u32 @!p1 s23, $0xB  }
0x1d: {  	s25 =	simm.s32 @!p0 $0x0;
	_ =	swait.ge [sflag:s18], $0x800;
	s26 =	sadd.s32 @!p1 s7, s24  }
0x1e: {  	s29 =	simm.s32 @!p1 $0x0;
	[sflag:s18] =	ssyncset.done $0x0;
	s26 =	sshrl.u32 @!p1 s26, $0x3  }
0x1f: {  	s28 =	sand.u32 @!p1 $0x800, s24;
	[sflag:s18] =	ssyncadd.s32 $0xFFFFF800;
	s24 =	sadd.s32 @!p1 s1, s26  }
0x20: {  	[tilespmem:s28], [sflag:$0x2] =	stream.linear.gather @!p1 [hbm4b:s24+s29], $0x800, $0x38;
	[tilespmem:$0x1F400] =	vst v63  }
0x21: {  	s26 =	sadd.s32 @!p1 s6, s26;
	s24 =	sshll.u32 s25, $0xB;
	s25 =	sor.u32 @!p1 $0x1000, s28  }
0x22: {  	[tilespmem:s25], [sflag:$0x2] =	stream.linear.gather @!p1 [hbm4b:s26+s29], $0x800, $0x38;
	[tilespmem:$0x1F400] =	vst v63  }
0x23: {  	s30 =	sadd.s32 $0x0, s24  }
0x24: {  	[tilespmem:s20], [sflag:$0x1] =	stream.indirect.gather [hbm4b:s5+s19], $0x80, s30, s19, $0xb8;
	[tilespmem:$0x1F400] =	vst v63  }
0x25: {  	_ =	swait.ge [sflag:s17], $0x4000  }
0x26: {  	s25 =	sor.u32 $0x1000, s24;
	[sflag:s17] =	ssyncset.done $0x0  }
0x27: {  	s31 =	sadd.s32 $0x0, s25;
	[sflag:s17] =	ssyncadd.s32 $0xFFFFC000  }
0x28: {  	[spmem:s2] =	stream.indirect.scatter.add.f32 [tilespmem:s20], [sflag:$0x3], $0x80, s31, s19, $0xb8;
	[tilespmem:$0x1F400] =	vst v63  }
0x29: {  	_ =	swait.ge [sflag:s16], $0x4000  }
0x2a: {  	s28 =	simm.s32 $0x400;
	s26 =	simm.s32 $0x80;
	[sflag:s16] =	ssyncset.done $0x0  }
.LBB2_4:
0x2b: {  	s29 =	sadd.s32 s26, s24  }
0x2c: {  	[sflag:s16] =	ssyncadd.s32 $0xFFFFC000;
	s30 =	smov.u32 s28;
	s31 =	sadd.s32 $0x200, s28  }
0x2d: {  	[tilespmem:s20], [sflag:$0x1] =	stream.indirect.gather [hbm4b:s5+s19], $0x80, s29, s19, $0xb8;
	[tilespmem:$0x1F400] =	vst v63  }
0x2e: {  	p1 =	seq.s32 s28, $0x1E00;
	_ =	swait.ge [sflag:s17], $0x4000  }
.Ltmp0:
0x2f: {  	[sflag:s17] =	ssyncset.done $0x0;
	(pc) =	sbr.rel @!p1 .LBB2_4-.Ltmp0, $4  }
0x30: {  	s26 =	sadd.s32 s26, s25;
	[sflag:s17] =	ssyncadd.s32 $0xFFFFC000  }
0x31: {  	[spmem:s2] =	stream.indirect.scatter.add.f32 [tilespmem:s20], [sflag:$0x3], $0x80, s26, s19, $0xb8;
	[tilespmem:$0x1F400] =	vst v63  }
0x32: {  	_ =	swait.ge [sflag:s16], $0x4000  }
0x33: {  	s28 =	smov.u32 s31;
	s26 =	sshra.s32 s30, $0x2;
	[sflag:s16] =	ssyncset.done $0x0  }
0x34: {  	s24 =	sadd.s32 s26, s24;
	[sflag:s16] =	ssyncadd.s32 $0xFFFFC000  }
0x35: {  	[tilespmem:s20], [sflag:$0x1] =	stream.indirect.gather [hbm4b:s5+s19], $0x80, s24, s19, $0xb8;
	[tilespmem:$0x1F400] =	vst v63  }
0x36: {  	_ =	swait.ge [sflag:s17], $0x4000  }
0x37: {  	[sflag:s17] =	ssyncset.done $0x0  }
0x38: {  	s31 =	sadd.s32 s26, s25;
	[sflag:s17] =	ssyncadd.s32 $0xFFFFC000  }
0x39: {  	[spmem:s2] =	stream.indirect.scatter.add.f32 [tilespmem:s20], [sflag:$0x3], $0x80, s31, s19, $0xb8;
	[tilespmem:$0x1F400] =	vst v63  }
0x3a: {  	_ =	swait.ge [sflag:s16], $0x4000  }
0x3b: {  	[sflag:s16] =	ssyncset.done $0x0  }
0x3c: {  	[sflag:s16] =	ssyncadd.s32 $0xFFFFC000  }
0x3d: {  	p1 =	seq.s32 s23, $0x5  }
.Ltmp1:
0x3e: {  	_ = 	snop;
	(pc) =	sbr.rel @!p1 .LBB2_3-.Ltmp1, $2  }
0x3f: {  	_ =	sdelay $0x2  }
0x40: {  	p0 =	por !p0, !p0  }
0x41: {  	s22 =	sadd.s32 $0x1, s22  }
0x42: {  	p0 =	sne.s32 s22, s13  }
.Ltmp2:
0x43: {  	[bflag:$0x0] =	sbarrier.arrive $0xFFFF;
	(pc) =	sbr.rel @p0 .LBB2_1-.Ltmp2, $4  }
0x44: {  	[hbm:s12], [sflag:s11] =	dma.local [spmem:s21], $0x3200  }
0x45: {  	_ =	swait.ge [sflag:s16], $0x3200  }
0x46: {  	[sflag:s16] =	ssyncset.done $0x0  }
0x47: {  	[sflag:s16] =	ssyncadd.s32 $0xFFFFCE00  }
0x48: {  	_ =	sfence.sel $0x180000  }
0x49: {  	[bflag:$0x0] =	sbarrier.arrive $0xFFFF  }
0x4a: {  	p0 =	sne.s32 s3, $0x0;
	_ =	strace $0x90000050  }
0x4b: {  	s0 =	sadd.s32 @!p0 $0x100000, s0;
	[bflag:$0x2] =	sbarrier.arrive $0xFFFF  }
0x4c: {  	[sflag:s0] =	ssyncadd.tile.s32 @!p0 $0x1;
	_ =	shalt  }
.Lfunc_end2:
_tile_overlayer_lowered:
.L_overlay_start_2:
0x4d: {  	(tag) =	ssettag $0x2  }
0x4e: {  	s0 =	rddreg [dreg:$0x0];
	s2 =	stileid.u32  }
0x4f: {  	s1 =	rddreg [dreg:$0x1];
	p0 =	sne.s32 s2, $0x0  }
0x50: {  	s3 =	rddreg [dreg:$0x2];
	[bflag:$0x3] =	sbarrier.arrive $0xFFFF;
	s2 =	simm.s32 @!p0 $0x1C03  }
0x51: {  	[timem:s3], [sflag:s2] =	dma.local @!p0 [hbm:s0], s1  }
0x52: {  	s0 =	simm.s32 @!p0 $0x3  }
0x53: {  	_ =	swait.ge @!p0 [sflag:s0], s1  }
0x54: {  	s1 =	ssub.s32 @!p0 $0x0, s1;
	[sflag:s0] =	ssyncset.done @!p0 $0x0  }
0x55: {  	[sflag:s0] =	ssyncadd.s32 @!p0 s1  }
0x56: {  	[bflag:$0x3] =	sbarrier.arrive $0xFFFF  }
0x57: {  	_ =	shalt  }

// kernel: kernel.33.cloned.1.call-start
scs
__scs_entry_jumppad:
0x0: {  	(pc) =	sbr.rel $0x88, $3  }
0x1: {  	(tag) =	ssettag $0x0;
	lr =	simm.s32 $0x1  }
0x2: {  	[smem:$0x3F7F] =	sst lr;
	_ =	strace $0xD0000000  }
0x3: {  	_ = 	snop  }
0x4: {  	_ = 	snop  }
0x5: {  	_ = 	snop  }
0x6: {  	_ = 	snop  }
0x7: {  	_ = 	snop  }
__scs_overlays_trampoline_lowered:
0x8: {  	[smem:$0x3F8E] =	sst s0  }
0x9: {  	[smem:$0x3F8F] =	sst s1  }
0xa: {  	[smem:$0x3F90] =	sst s2  }
0xb: {  	[smem:$0x3F91] =	sst s3  }
0xc: {  	[smem:$0x3F92] =	sst s4  }
0xd: {  	[smem:$0x3F93] =	sst s5  }
0xe: {  	[smem:$0x3F94] =	sst s6  }
0xf: {  	[smem:$0x3F95] =	sst s7  }
0x10: {  	[smem:$0x3F96] =	sst s8  }
0x11: {  	[smem:$0x3F97] =	sst s9;
	s0 =	simm.s32 @!p0 $0x0  }
0x12: {  	s1 =	sld [smem:$0x3F7D];
	s0 =	simm.s32 @p0 $0x1  }
0x13: {  	[smem:$0x3F98] =	sst s0;
	s0 =	simm.s32 @!p1 $0x0  }
0x14: {  	s2 =	sld [smem:$0x3F7C];
	s0 =	simm.s32 @p1 $0x1  }
0x15: {  	[smem:$0x3F99] =	sst s0;
	s0 =	simm.s32 @!p2 $0x0  }
0x16: {  	s3 =	sld [smem:$0x3FDB];
	s0 =	simm.s32 @p2 $0x1  }
0x17: {  	s4 =	simm.s32 $0x1BF5;
	[smem:$0x3F9B] =	sst s0  }
0x18: {  	s0 =	sld [smem:$0x3F7E];
	_ =	swait.ge [sflag:s4], $0x0  }
0x19: {  	s7 =	sld [smem:$0x3F7F]  }
0x1a: {  	s8 =	sadd.s32 $0xFFFFE003, lr  }
0x1b: {  	s9 =	sadd.s32 $0xFFFFFEF7, lr;
	s5 =	simm.s32 $0xFFFFFFFF;
	p2 =	slt.u32 s8, $0xFFFFF086  }
0x1c: {  	p1 =	slt.u32 s9, $0xF7A;
	s5 =	simm.s32 @!p2 $0x0  }
0x1d: {  	s5 =	simm.s32 @p1 $0x1;
	p0 =	seq.s32 s7, s2  }
0x1e: {  	s7 =	smul.u32 @!p0 $0xF7A, s2;
	p2 =	seq.s32 @!p0 s5, $0x0  }
0x1f: {  	s9 =	smul.u32 $0xF7A, s1;
	s8 =	simm.s32 @!p0 $0x1BF5;
	p2 =	por !p2, p0  }
0x20: {  	[sflag:s8] =	ssyncset.s32 @!p0 $0xFFFFF086;
	s6 =	sadd.s32 @!p0 s3, s7;
	s7 =	simm.s32 @!p0 $0x108  }
0x21: {  	s3 =	sadd.s32 s3, s9;
	s6 =	sadd.s32 @!p0 $0x88, s6;
	s7 =	simm.s32 @p2 $0x1082  }
0x22: {  	[simem:s7], [sflag:s8] =	dma.local @!p0 [hbm:s6], $0xF7A  }
0x23: {  	s9 =	sor.u32 $0xD0000000, s2;
	s6 =	simm.s32 $0x108;
	_ =	swait.ge @!p0 [sflag:s8], $0x0  }
0x24: {  	s3 =	sadd.s32 $0x88, s3;
	s6 =	simm.s32 @!p1 $0x1082;
	[sflag:s4] =	ssyncset.s32 $0xFFFFF086  }
0x25: {  	[simem:s6], [sflag:s4] =	dma.local [hbm:s3], $0xF7A  }
0x26: {  	[smem:$0x3F7F] =	sst s1;
	(tag) =	ssettag s2;
	_ =	strace s9  }
0x27: {  	s1 =	sld [smem:$0x3F8F]  }
0x28: {  	s2 =	sld [smem:$0x3F90]  }
0x29: {  	s4 =	sld [smem:$0x3F92]  }
0x2a: {  	p0 =	seq.s32 s5, $0x0;
	s5 =	sld [smem:$0x3F93]  }
0x2b: {  	s6 =	sld [smem:$0x3F94]  }
0x2c: {  	s7 =	sld [smem:$0x3F95]  }
0x2d: {  	s3 =	simm.s32 $0x108;
	s8 =	sld [smem:$0x3F96]  }
0x2e: {  	s3 =	simm.s32 @!p0 $0x1082;
	s9 =	sld [smem:$0x3F97]  }
0x2f: {  	lr =	sadd.s32 s0, s3;
	s0 =	sld [smem:$0x3F8E]  }
0x30: {  	s3 =	sld [smem:$0x3F91]  }
0x31: {  	[smem:$0x3F9A] =	sst s10  }
0x32: {  	s10 =	sld [smem:$0x3F98];
	_ =	sdelay $0x3  }
0x33: {  	p0 =	seq.s32 s10, $0x1;
	s10 =	sld [smem:$0x3F9A];
	_ =	sdelay $0x3  }
0x34: {  	[smem:$0x3F9A] =	sst s10  }
0x35: {  	s10 =	sld [smem:$0x3F99];
	_ =	sdelay $0x3  }
0x36: {  	p1 =	seq.s32 s10, $0x1;
	s10 =	sld [smem:$0x3F9A];
	_ =	sdelay $0x3  }
0x37: {  	[smem:$0x3F9A] =	sst s10  }
0x38: {  	s10 =	sld [smem:$0x3F9B]  }
0x39: {  	_ = 	snop;
	(pc) =	sbr.ind lr, $3  }
0x3a: {  	_ = 	snop  }
0x3b: {  	_ = 	snop  }
0x3c: {  	p2 =	seq.s32 s10, $0x1;
	s10 =	sld [smem:$0x3F9A]  }
0x3d: {  	_ =	shalt  }
0x3e: {  	_ =	shalt  }
0x3f: {  	_ =	shalt  }
0x40: {  	_ =	shalt  }
0x41: {  	_ =	shalt  }
0x42: {  	_ =	shalt  }
0x43: {  	_ =	shalt  }
0x44: {  	_ =	shalt  }
0x45: {  	_ =	shalt  }
0x46: {  	_ =	shalt  }
0x47: {  	_ =	shalt  }
0x48: {  	_ =	shalt  }
0x49: {  	_ =	shalt  }
0x4a: {  	_ =	shalt  }
0x4b: {  	_ =	shalt  }
0x4c: {  	_ =	shalt  }
0x4d: {  	_ =	shalt  }
0x4e: {  	_ =	shalt  }
0x4f: {  	_ =	shalt  }
0x50: {  	_ =	shalt  }
0x51: {  	_ =	shalt  }
0x52: {  	_ =	shalt  }
0x53: {  	_ =	shalt  }
0x54: {  	_ =	shalt  }
0x55: {  	_ =	shalt  }
0x56: {  	_ =	shalt  }
0x57: {  	_ =	shalt  }
0x58: {  	_ =	shalt  }
0x59: {  	_ =	shalt  }
0x5a: {  	_ =	shalt  }
0x5b: {  	_ =	shalt  }
0x5c: {  	_ =	shalt  }
0x5d: {  	_ =	shalt  }
0x5e: {  	_ =	shalt  }
0x5f: {  	_ =	shalt  }
0x60: {  	_ =	shalt  }
0x61: {  	_ =	shalt  }
0x62: {  	_ =	shalt  }
0x63: {  	_ =	shalt  }
0x64: {  	_ =	shalt  }
0x65: {  	_ =	shalt  }
0x66: {  	_ =	shalt  }
0x67: {  	_ =	shalt  }
0x68: {  	_ =	shalt  }
0x69: {  	_ =	shalt  }
0x6a: {  	_ =	shalt  }
0x6b: {  	_ =	shalt  }
0x6c: {  	_ =	shalt  }
0x6d: {  	_ =	shalt  }
0x6e: {  	_ =	shalt  }
0x6f: {  	_ =	shalt  }
0x70: {  	_ =	shalt  }
0x71: {  	_ =	shalt  }
0x72: {  	_ =	shalt  }
0x73: {  	_ =	shalt  }
0x74: {  	_ =	shalt  }
0x75: {  	_ =	shalt  }
0x76: {  	_ =	shalt  }
0x77: {  	_ =	shalt  }
0x78: {  	_ =	shalt  }
0x79: {  	_ =	shalt  }
0x7a: {  	_ =	shalt  }
0x7b: {  	_ =	shalt  }
0x7c: {  	_ =	shalt  }
0x7d: {  	_ =	shalt  }
0x7e: {  	_ =	shalt  }
0x7f: {  	_ =	shalt  }
0x80: {  	_ =	shalt  }
0x81: {  	_ =	shalt  }
0x82: {  	_ =	shalt  }
0x83: {  	_ =	shalt  }
0x84: {  	_ =	shalt  }
0x85: {  	_ =	shalt  }
0x86: {  	_ =	shalt  }
0x87: {  	_ =	shalt  }
.Lfunc_end0:
.L_simem_size_0:
called_computation.4_lowered:
.L_overlay_start_0:
0x88: {  	s2 =	sld [smem:$0x3FD9]  }
0x89: {  	s3 =	sld [smem:$0x3FFE];
	_ =	sdelay $0x1  }
0x8a: {  	s1 =	srdreg.scid  }
0x8b: {  	s0 =	sand.u32 $0x1, s1  }
0x8c: {  	s17 =	sshll.u32 s0, $0xA;
	s2 =	sadd.s32 s3, s2  }
0x8d: {  	s2 =	sadd.s32 s2, s17  }
0x8e: {  	[smem:$0x3FA6] =	sst s2  }
0x8f: {  	_ = 	snop  }
0x90: {  	s2 =	sld [smem:$0x3FD0];
	(tm) =	ssettm $0x1  }
0x91: {  	s18 =	sld [smem:$0x3FFB];
	_ =	sdelay $0x3  }
0x92: {  	_ =	strace s18  }
0x93: {  	s3 =	sld [smem:$0x3FFC];
	_ =	sdelay $0x3  }
0x94: {  	_ =	strace s3  }
0x95: {  	s3 =	sld [smem:$0x3FFD];
	_ =	sdelay $0x3  }
0x96: {  	_ =	strace s3  }
0x97: {  	_ =	strace $0x8FFFFFFF  }
0x98: {  	s19 =	sld [smem:$0x3FDB];
	_ =	sdelay $0x1  }
0x99: {  	s4 =	simm.s32 $_scs_section_size  }
0x9a: {  	s5 =	simm.s32 $_size__tile_overlayer_lowered;
	s6 =	simm.s32 $_tile_overlayer_lowered  }
0x9b: {  	s22 =	simm.s32 $0x1BFF;
	s21 =	sshll.u32 s6, $0x1;
	s3 =	sadd.s32 s4, s19  }
0x9c: {  	s7 =	simm.s32 $0x0;
	s20 =	sshll.u32 s5, $0x1;
	s5 =	sadd.s32 s21, s3  }
0x9d: {  	[timem:s7], [sflag:s22] =	dma.local [hbm:s5], s20  }
0x9e: {  	_ =	swait.ge [sflag:s22], s20  }
0x9f: {  	s4 =	ssub.s32 $0x0, s20;
	[sflag:s22] =	ssyncset.done $0x0  }
0xa0: {  	[sflag:s22] =	ssyncadd.s32 s4;
	_ =	sdelay $0x1  }
0xa1: {  	s23 =	simm.s32 $0x1B8B  }
0xa2: {  	_ =	swait.ge [sflag:s23], $0x1  }
0xa3: {  	[sflag:s23] =	ssyncset.done $0x0  }
0xa4: {  	s25 =	simm.s32 $0x1B8E;
	s24 =	sld [smem:$0x3FFE];
	[sflag:s23] =	ssyncadd.s32 $0xFFFFFFFF  }
0xa5: {  	s26 =	simm.s32 $execute0_lowered;
	[smem:$0x3FD2] =	sst s25  }
0xa6: {  	s5 =	sshll.u32 s26, $0x1;
	_ =	strace $0x80000052;
	[dreg:$0x1] =	wrdreg $0xFFFFFFFF  }
0xa7: {  	s28 =	simm.s32 $_size_execute0_lowered;
	s3 =	sadd.s32 s3, s5;
	[dreg:$0x0] =	wrdreg $0x0  }
0xa8: {  	s5 =	sshll.u32 s28, $0x1;
	[dreg:$0x2] =	wrdreg s3  }
0xa9: {  	[dreg:$0x3] =	wrdreg s5  }
0xaa: {  	[dreg:$0x4] =	wrdreg $0xC0  }
0xab: {  	_ =	task [dreg:s7], $0x5FFFF  }
0xac: {  	[dreg:$0x1] =	wrdreg $0xFFFFFFFF  }
0xad: {  	[dreg:$0x0] =	wrdreg $0x60  }
0xae: {  	[dreg:$0x2] =	wrdreg s24  }
0xaf: {  	[dreg:$0x3] =	wrdreg s2  }
0xb0: {  	[dreg:$0x4] =	wrdreg $0x60000  }
0xb1: {  	[dreg:$0x5] =	wrdreg $0x9  }
0xb2: {  	_ =	task.clear_ibuf [dreg:s7], $0x6FFFF;
	_ =	strace $0x90000052  }
0xb3: {  	s29 =	simm.s32 $0x9;
	_ =	strace $0x80000054  }
0xb4: {  	_ =	swait.ge [sflag:s29], $0x1  }
0xb5: {  	[sflag:s29] =	ssyncadd.s32 $0xFFFFFFFF  }
0xb6: {  	_ =	strace $0x90000054  }
0xb7: {  	_ =	sfence  }
0xb8: {  	s30 =	sld [smem:$0x0];
	_ =	sdelay $0x2  }
0xb9: {  	s31 =	sshll.u32 s1, $0xD;
	s1 =	sshrl.u32 s1, $0x2  }
0xba: {  	s3 =	sand.u32 $0x4000, s31;
	s1 =	sadd.s32 s1, s30  }
0xbb: {  	s0 =	sor.u32 s3, s0;
	s1 =	sshll.u32 s1, $0x11  }
0xbc: {  	s0 =	sor.u32 s1, s0  }
0xbd: {  	s0 =	sadd.s32 $0x8F2B, s0  }
0xbe: {  	[sflag:s0] =	ssyncadd.remote.s32 $0x1  }
0xbf: {  	_ =	sfence.sel $0xFFFF  }
0xc0: {  	[dreg:$0x0] =	wrdreg $0xFFFFFFFF;
	(pc) =	sbr.abs _section_cstart, $3  }
0xc1: {  	[dreg:$0x1] =	wrdreg $0xFFFFFFFF  }
0xc2: {  	_ =	task.clear_ibuf [dreg:s7], $0x2FFFF;
	_ =	strace $0x9FFFFFFF  }
0xc3: {  	(tm) =	ssettm $0x7FFFFFFF  }
tec
execute0_lowered:
.L_overlay_start_1:
0x0: {  	(tag) =	ssettag $0x1  }
0x1: {  	s9 =	rddreg [dreg:$0x0]  }
0x2: {  	s1 =	rddreg [dreg:$0x1]  }
0x3: {  	s2 =	rddreg [dreg:$0x2];
	s3 =	srdreg.scid  }
0x4: {  	s0 =	rddreg [dreg:$0x3];
	s4 =	simm.s32 $0x0;
	s17 =	simm.s32 $0x1  }
0x5: {  	s18 =	simm.s32 $0x2;
	s19 =	simm.s32 $0x80;
	s10 =	sand.u32 $0x1, s3  }
0x6: {  	s20 =	simm.s32 $0x2000;
	s3 =	stileid.u32;
	s6 =	smul.u32 $0x190000, s10  }
0x7: {  	s22 =	simm.s32 $0x0;
	[smem:$0x7FF] =	sst s4;
	s7 =	smul.u32 $0x19000, s3  }
0x8: {  	s5 =	sadd.s32 $0x1AC00, s9;
	_ =	strace $0x80000053;
	s13 =	smul.u32 $0x65000, s3  }
0x9: {  	s8 =	sshll.u32 s10, $0x4;
	s26 =	ssub.s32 $0x2, s10;
	s15 =	smul.u32 $0x64000, s3  }
0xa: {  	s30 =	sshll.u32 s3, $0x6;
	s8 =	sor.u32 s3, s8;
	s10 =	sshrl.u32 s26, $0x1  }
0xb: {  	s7 =	sadd.s32 s7, s6;
	s6 =	sadd.s32 $0x10C00, s9;
	s14 =	ssub.s32 s26, s10  }
0xc: {  	s29 =	sshrl.u32 s13, $0x2;
	s31 =	sshrl.u32 s15, $0x2;
	s11 =	sshrl.u32 s7, $0x3  }
0xd: {  	s7 =	smul.u32 $0x2800, s8;
	s8 =	sadd.s32 $0x4CC00, s9;
	s16 =	sadd.s32 s29, s2  }
0xe: {  	s21 =	sadd.s32 s31, s2;
	s13 =	smax.u32 s14, $0x1;
	s14 =	simm.s32 $0x1000  }
0xf: {  	s12 =	sadd.s32 s11, s9;
	s11 =	sor.u32 $0x1C03, s30;
	s15 =	sshrl.u32 s16, $0x3  }
0x10: {  	s16 =	simm.s32 $0x3;
	s21 =	sshrl.u32 s21, $0x3;
	s28 =	sshrl.u32 s7, $0x3  }
0x11: {  	s12 =	sadd.s32 $0x50000, s12;
	s9 =	sadd.s32 s1, s28;
	s10 =	sadd.s32 s6, s28  }
.LBB2_1:
0x12: {  	[tilespmem:s4], [sflag:$0x2] =	stream.linear.gather [hbm4b:s9+s4], $0x800, $0x38;
	[tilespmem:$0x1F400] =	vst v63  }
0x13: {  	_ = 	snop  }
0x14: {  	[tilespmem:s14], [sflag:$0x2] =	stream.linear.gather [hbm4b:s10+s4], $0x800, $0x38;
	[tilespmem:$0x1F400] =	vst v63  }
0x15: {  	[spmem:s15], [sflag:s11] =	dma.local [hbm:s8], $0x3280  }
0x16: {  	_ =	swait.ge [sflag:s16], $0x3280  }
0x17: {  	[sflag:s16] =	ssyncset.done $0x0  }
0x18: {  	[sflag:s16] =	ssyncadd.s32 $0xFFFFCD80  }
0x19: {  	p0 =	por $0x0, $0x0;
	s23 =	simm.s32 $0x0;
	[bflag:$0x0] =	sbarrier.arrive $0xFFFF  }
.LBB2_3:
0x1a: {  	_ =	swait.ge [sflag:s18], $0x800;
	s24 =	smov.u32 s23  }
0x1b: {  	s23 =	sadd.s32 $0x1, s23;
	[sflag:s18] =	ssyncset.done $0x0;
	p1 =	seq.s32 s24, $0x4  }
0x1c: {  	s25 =	simm.s32 $0x1;
	[sflag:s18] =	ssyncadd.s32 $0xFFFFF800;
	s24 =	sshll.u32 @!p1 s23, $0xB  }
0x1d: {  	s25 =	simm.s32 @!p0 $0x0;
	_ =	swait.ge [sflag:s18], $0x800;
	s26 =	sadd.s32 @!p1 s7, s24  }
0x1e: {  	s29 =	simm.s32 @!p1 $0x0;
	[sflag:s18] =	ssyncset.done $0x0;
	s26 =	sshrl.u32 @!p1 s26, $0x3  }
0x1f: {  	s28 =	sand.u32 @!p1 $0x800, s24;
	[sflag:s18] =	ssyncadd.s32 $0xFFFFF800;
	s24 =	sadd.s32 @!p1 s1, s26  }
0x20: {  	[tilespmem:s28], [sflag:$0x2] =	stream.linear.gather @!p1 [hbm4b:s24+s29], $0x800, $0x38;
	[tilespmem:$0x1F400] =	vst v63  }
0x21: {  	s26 =	sadd.s32 @!p1 s6, s26;
	s24 =	sshll.u32 s25, $0xB;
	s25 =	sor.u32 @!p1 $0x1000, s28  }
0x22: {  	[tilespmem:s25], [sflag:$0x2] =	stream.linear.gather @!p1 [hbm4b:s26+s29], $0x800, $0x38;
	[tilespmem:$0x1F400] =	vst v63  }
0x23: {  	s30 =	sadd.s32 $0x0, s24  }
0x24: {  	[tilespmem:s20], [sflag:$0x1] =	stream.indirect.gather [hbm4b:s5+s19], $0x80, s30, s19, $0xb8;
	[tilespmem:$0x1F400] =	vst v63  }
0x25: {  	_ =	swait.ge [sflag:s17], $0x4000  }
0x26: {  	s25 =	sor.u32 $0x1000, s24;
	[sflag:s17] =	ssyncset.done $0x0  }
0x27: {  	s31 =	sadd.s32 $0x0, s25;
	[sflag:s17] =	ssyncadd.s32 $0xFFFFC000  }
0x28: {  	[spmem:s2] =	stream.indirect.scatter.add.f32 [tilespmem:s20], [sflag:$0x3], $0x80, s31, s19, $0xb8;
	[tilespmem:$0x1F400] =	vst v63  }
0x29: {  	_ =	swait.ge [sflag:s16], $0x4000  }
0x2a: {  	s28 =	simm.s32 $0x400;
	s26 =	simm.s32 $0x80;
	[sflag:s16] =	ssyncset.done $0x0  }
.LBB2_4:
0x2b: {  	s29 =	sadd.s32 s26, s24  }
0x2c: {  	[sflag:s16] =	ssyncadd.s32 $0xFFFFC000;
	s30 =	smov.u32 s28;
	s31 =	sadd.s32 $0x200, s28  }
0x2d: {  	[tilespmem:s20], [sflag:$0x1] =	stream.indirect.gather [hbm4b:s5+s19], $0x80, s29, s19, $0xb8;
	[tilespmem:$0x1F400] =	vst v63  }
0x2e: {  	p1 =	seq.s32 s28, $0x1E00;
	_ =	swait.ge [sflag:s17], $0x4000  }
.Ltmp0:
0x2f: {  	[sflag:s17] =	ssyncset.done $0x0;
	(pc) =	sbr.rel @!p1 .LBB2_4-.Ltmp0, $4  }
0x30: {  	s26 =	sadd.s32 s26, s25;
	[sflag:s17] =	ssyncadd.s32 $0xFFFFC000  }
0x31: {  	[spmem:s2] =	stream.indirect.scatter.add.f32 [tilespmem:s20], [sflag:$0x3], $0x80, s26, s19, $0xb8;
	[tilespmem:$0x1F400] =	vst v63  }
0x32: {  	_ =	swait.ge [sflag:s16], $0x4000  }
0x33: {  	s28 =	smov.u32 s31;
	s26 =	sshra.s32 s30, $0x2;
	[sflag:s16] =	ssyncset.done $0x0  }
0x34: {  	s24 =	sadd.s32 s26, s24;
	[sflag:s16] =	ssyncadd.s32 $0xFFFFC000  }
0x35: {  	[tilespmem:s20], [sflag:$0x1] =	stream.indirect.gather [hbm4b:s5+s19], $0x80, s24, s19, $0xb8;
	[tilespmem:$0x1F400] =	vst v63  }
0x36: {  	_ =	swait.ge [sflag:s17], $0x4000  }
0x37: {  	[sflag:s17] =	ssyncset.done $0x0  }
0x38: {  	s31 =	sadd.s32 s26, s25;
	[sflag:s17] =	ssyncadd.s32 $0xFFFFC000  }
0x39: {  	[spmem:s2] =	stream.indirect.scatter.add.f32 [tilespmem:s20], [sflag:$0x3], $0x80, s31, s19, $0xb8;
	[tilespmem:$0x1F400] =	vst v63  }
0x3a: {  	_ =	swait.ge [sflag:s16], $0x4000  }
0x3b: {  	[sflag:s16] =	ssyncset.done $0x0  }
0x3c: {  	[sflag:s16] =	ssyncadd.s32 $0xFFFFC000  }
0x3d: {  	p1 =	seq.s32 s23, $0x5  }
.Ltmp1:
0x3e: {  	_ = 	snop;
	(pc) =	sbr.rel @!p1 .LBB2_3-.Ltmp1, $2  }
0x3f: {  	_ =	sdelay $0x2  }
0x40: {  	p0 =	por !p0, !p0  }
0x41: {  	s22 =	sadd.s32 $0x1, s22  }
0x42: {  	p0 =	sne.s32 s22, s13  }
.Ltmp2:
0x43: {  	[bflag:$0x0] =	sbarrier.arrive $0xFFFF;
	(pc) =	sbr.rel @p0 .LBB2_1-.Ltmp2, $4  }
0x44: {  	[hbm:s12], [sflag:s11] =	dma.local [spmem:s21], $0x3200  }
0x45: {  	_ =	swait.ge [sflag:s16], $0x3200  }
0x46: {  	[sflag:s16] =	ssyncset.done $0x0  }
0x47: {  	[sflag:s16] =	ssyncadd.s32 $0xFFFFCE00  }
0x48: {  	_ =	sfence.sel $0x180000  }
0x49: {  	[bflag:$0x0] =	sbarrier.arrive $0xFFFF  }
0x4a: {  	p0 =	sne.s32 s3, $0x0;
	_ =	strace $0x90000053  }
0x4b: {  	s0 =	sadd.s32 @!p0 $0x100000, s0;
	[bflag:$0x2] =	sbarrier.arrive $0xFFFF  }
0x4c: {  	[sflag:s0] =	ssyncadd.tile.s32 @!p0 $0x1;
	_ =	shalt  }
.Lfunc_end2:
_tile_overlayer_lowered:
.L_overlay_start_2:
0x4d: {  	(tag) =	ssettag $0x2  }
0x4e: {  	s0 =	rddreg [dreg:$0x0];
	s2 =	stileid.u32  }
0x4f: {  	s1 =	rddreg [dreg:$0x1];
	p0 =	sne.s32 s2, $0x0  }
0x50: {  	s3 =	rddreg [dreg:$0x2];
	[bflag:$0x3] =	sbarrier.arrive $0xFFFF;
	s2 =	simm.s32 @!p0 $0x1C03  }
0x51: {  	[timem:s3], [sflag:s2] =	dma.local @!p0 [hbm:s0], s1  }
0x52: {  	s0 =	simm.s32 @!p0 $0x3  }
0x53: {  	_ =	swait.ge @!p0 [sflag:s0], s1  }
0x54: {  	s1 =	ssub.s32 @!p0 $0x0, s1;
	[sflag:s0] =	ssyncset.done @!p0 $0x0  }
0x55: {  	[sflag:s0] =	ssyncadd.s32 @!p0 s1  }
0x56: {  	[bflag:$0x3] =	sbarrier.arrive $0xFFFF  }
0x57: {  	_ =	shalt  }

// kernel: kernel.36.cloned.1.call-start
scs
__scs_entry_jumppad:
0x0: {  	(pc) =	sbr.rel $0x88, $3  }
0x1: {  	(tag) =	ssettag $0x0;
	lr =	simm.s32 $0x1  }
0x2: {  	[smem:$0x3F7F] =	sst lr;
	_ =	strace $0xD0000000  }
0x3: {  	_ = 	snop  }
0x4: {  	_ = 	snop  }
0x5: {  	_ = 	snop  }
0x6: {  	_ = 	snop  }
0x7: {  	_ = 	snop  }
__scs_overlays_trampoline_lowered:
0x8: {  	[smem:$0x3F8E] =	sst s0  }
0x9: {  	[smem:$0x3F8F] =	sst s1  }
0xa: {  	[smem:$0x3F90] =	sst s2  }
0xb: {  	[smem:$0x3F91] =	sst s3  }
0xc: {  	[smem:$0x3F92] =	sst s4  }
0xd: {  	[smem:$0x3F93] =	sst s5  }
0xe: {  	[smem:$0x3F94] =	sst s6  }
0xf: {  	[smem:$0x3F95] =	sst s7  }
0x10: {  	[smem:$0x3F96] =	sst s8  }
0x11: {  	[smem:$0x3F97] =	sst s9;
	s0 =	simm.s32 @!p0 $0x0  }
0x12: {  	s1 =	sld [smem:$0x3F7D];
	s0 =	simm.s32 @p0 $0x1  }
0x13: {  	[smem:$0x3F98] =	sst s0;
	s0 =	simm.s32 @!p1 $0x0  }
0x14: {  	s2 =	sld [smem:$0x3F7C];
	s0 =	simm.s32 @p1 $0x1  }
0x15: {  	[smem:$0x3F99] =	sst s0;
	s0 =	simm.s32 @!p2 $0x0  }
0x16: {  	s3 =	sld [smem:$0x3FDB];
	s0 =	simm.s32 @p2 $0x1  }
0x17: {  	s4 =	simm.s32 $0x1BF5;
	[smem:$0x3F9B] =	sst s0  }
0x18: {  	s0 =	sld [smem:$0x3F7E];
	_ =	swait.ge [sflag:s4], $0x0  }
0x19: {  	s7 =	sld [smem:$0x3F7F]  }
0x1a: {  	s8 =	sadd.s32 $0xFFFFE003, lr  }
0x1b: {  	s9 =	sadd.s32 $0xFFFFFEF7, lr;
	s5 =	simm.s32 $0xFFFFFFFF;
	p2 =	slt.u32 s8, $0xFFFFF086  }
0x1c: {  	p1 =	slt.u32 s9, $0xF7A;
	s5 =	simm.s32 @!p2 $0x0  }
0x1d: {  	s5 =	simm.s32 @p1 $0x1;
	p0 =	seq.s32 s7, s2  }
0x1e: {  	s7 =	smul.u32 @!p0 $0xF7A, s2;
	p2 =	seq.s32 @!p0 s5, $0x0  }
0x1f: {  	s9 =	smul.u32 $0xF7A, s1;
	s8 =	simm.s32 @!p0 $0x1BF5;
	p2 =	por !p2, p0  }
0x20: {  	[sflag:s8] =	ssyncset.s32 @!p0 $0xFFFFF086;
	s6 =	sadd.s32 @!p0 s3, s7;
	s7 =	simm.s32 @!p0 $0x108  }
0x21: {  	s3 =	sadd.s32 s3, s9;
	s6 =	sadd.s32 @!p0 $0x88, s6;
	s7 =	simm.s32 @p2 $0x1082  }
0x22: {  	[simem:s7], [sflag:s8] =	dma.local @!p0 [hbm:s6], $0xF7A  }
0x23: {  	s9 =	sor.u32 $0xD0000000, s2;
	s6 =	simm.s32 $0x108;
	_ =	swait.ge @!p0 [sflag:s8], $0x0  }
0x24: {  	s3 =	sadd.s32 $0x88, s3;
	s6 =	simm.s32 @!p1 $0x1082;
	[sflag:s4] =	ssyncset.s32 $0xFFFFF086  }
0x25: {  	[simem:s6], [sflag:s4] =	dma.local [hbm:s3], $0xF7A  }
0x26: {  	[smem:$0x3F7F] =	sst s1;
	(tag) =	ssettag s2;
	_ =	strace s9  }
0x27: {  	s1 =	sld [smem:$0x3F8F]  }
0x28: {  	s2 =	sld [smem:$0x3F90]  }
0x29: {  	s4 =	sld [smem:$0x3F92]  }
0x2a: {  	p0 =	seq.s32 s5, $0x0;
	s5 =	sld [smem:$0x3F93]  }
0x2b: {  	s6 =	sld [smem:$0x3F94]  }
0x2c: {  	s7 =	sld [smem:$0x3F95]  }
0x2d: {  	s3 =	simm.s32 $0x108;
	s8 =	sld [smem:$0x3F96]  }
0x2e: {  	s3 =	simm.s32 @!p0 $0x1082;
	s9 =	sld [smem:$0x3F97]  }
0x2f: {  	lr =	sadd.s32 s0, s3;
	s0 =	sld [smem:$0x3F8E]  }
0x30: {  	s3 =	sld [smem:$0x3F91]  }
0x31: {  	[smem:$0x3F9A] =	sst s10  }
0x32: {  	s10 =	sld [smem:$0x3F98];
	_ =	sdelay $0x3  }
0x33: {  	p0 =	seq.s32 s10, $0x1;
	s10 =	sld [smem:$0x3F9A];
	_ =	sdelay $0x3  }
0x34: {  	[smem:$0x3F9A] =	sst s10  }
0x35: {  	s10 =	sld [smem:$0x3F99];
	_ =	sdelay $0x3  }
0x36: {  	p1 =	seq.s32 s10, $0x1;
	s10 =	sld [smem:$0x3F9A];
	_ =	sdelay $0x3  }
0x37: {  	[smem:$0x3F9A] =	sst s10  }
0x38: {  	s10 =	sld [smem:$0x3F9B]  }
0x39: {  	_ = 	snop;
	(pc) =	sbr.ind lr, $3  }
0x3a: {  	_ = 	snop  }
0x3b: {  	_ = 	snop  }
0x3c: {  	p2 =	seq.s32 s10, $0x1;
	s10 =	sld [smem:$0x3F9A]  }
0x3d: {  	_ =	shalt  }
0x3e: {  	_ =	shalt  }
0x3f: {  	_ =	shalt  }
0x40: {  	_ =	shalt  }
0x41: {  	_ =	shalt  }
0x42: {  	_ =	shalt  }
0x43: {  	_ =	shalt  }
0x44: {  	_ =	shalt  }
0x45: {  	_ =	shalt  }
0x46: {  	_ =	shalt  }
0x47: {  	_ =	shalt  }
0x48: {  	_ =	shalt  }
0x49: {  	_ =	shalt  }
0x4a: {  	_ =	shalt  }
0x4b: {  	_ =	shalt  }
0x4c: {  	_ =	shalt  }
0x4d: {  	_ =	shalt  }
0x4e: {  	_ =	shalt  }
0x4f: {  	_ =	shalt  }
0x50: {  	_ =	shalt  }
0x51: {  	_ =	shalt  }
0x52: {  	_ =	shalt  }
0x53: {  	_ =	shalt  }
0x54: {  	_ =	shalt  }
0x55: {  	_ =	shalt  }
0x56: {  	_ =	shalt  }
0x57: {  	_ =	shalt  }
0x58: {  	_ =	shalt  }
0x59: {  	_ =	shalt  }
0x5a: {  	_ =	shalt  }
0x5b: {  	_ =	shalt  }
0x5c: {  	_ =	shalt  }
0x5d: {  	_ =	shalt  }
0x5e: {  	_ =	shalt  }
0x5f: {  	_ =	shalt  }
0x60: {  	_ =	shalt  }
0x61: {  	_ =	shalt  }
0x62: {  	_ =	shalt  }
0x63: {  	_ =	shalt  }
0x64: {  	_ =	shalt  }
0x65: {  	_ =	shalt  }
0x66: {  	_ =	shalt  }
0x67: {  	_ =	shalt  }
0x68: {  	_ =	shalt  }
0x69: {  	_ =	shalt  }
0x6a: {  	_ =	shalt  }
0x6b: {  	_ =	shalt  }
0x6c: {  	_ =	shalt  }
0x6d: {  	_ =	shalt  }
0x6e: {  	_ =	shalt  }
0x6f: {  	_ =	shalt  }
0x70: {  	_ =	shalt  }
0x71: {  	_ =	shalt  }
0x72: {  	_ =	shalt  }
0x73: {  	_ =	shalt  }
0x74: {  	_ =	shalt  }
0x75: {  	_ =	shalt  }
0x76: {  	_ =	shalt  }
0x77: {  	_ =	shalt  }
0x78: {  	_ =	shalt  }
0x79: {  	_ =	shalt  }
0x7a: {  	_ =	shalt  }
0x7b: {  	_ =	shalt  }
0x7c: {  	_ =	shalt  }
0x7d: {  	_ =	shalt  }
0x7e: {  	_ =	shalt  }
0x7f: {  	_ =	shalt  }
0x80: {  	_ =	shalt  }
0x81: {  	_ =	shalt  }
0x82: {  	_ =	shalt  }
0x83: {  	_ =	shalt  }
0x84: {  	_ =	shalt  }
0x85: {  	_ =	shalt  }
0x86: {  	_ =	shalt  }
0x87: {  	_ =	shalt  }
.Lfunc_end0:
.L_simem_size_0:
called_computation.5_lowered:
.L_overlay_start_0:
0x88: {  	s2 =	sld [smem:$0x3FD9]  }
0x89: {  	s3 =	sld [smem:$0x3FFE];
	_ =	sdelay $0x1  }
0x8a: {  	s1 =	srdreg.scid  }
0x8b: {  	s0 =	sand.u32 $0x1, s1  }
0x8c: {  	s17 =	sshll.u32 s0, $0xA;
	s2 =	sadd.s32 s3, s2  }
0x8d: {  	s2 =	sadd.s32 s2, s17  }
0x8e: {  	[smem:$0x3FA6] =	sst s2  }
0x8f: {  	_ = 	snop  }
0x90: {  	s2 =	sld [smem:$0x3FD0];
	(tm) =	ssettm $0x1  }
0x91: {  	s18 =	sld [smem:$0x3FFB];
	_ =	sdelay $0x3  }
0x92: {  	_ =	strace s18  }
0x93: {  	s3 =	sld [smem:$0x3FFC];
	_ =	sdelay $0x3  }
0x94: {  	_ =	strace s3  }
0x95: {  	s3 =	sld [smem:$0x3FFD];
	_ =	sdelay $0x3  }
0x96: {  	_ =	strace s3  }
0x97: {  	_ =	strace $0x8FFFFFFF  }
0x98: {  	s19 =	sld [smem:$0x3FDB];
	_ =	sdelay $0x1  }
0x99: {  	s4 =	simm.s32 $_scs_section_size  }
0x9a: {  	s5 =	simm.s32 $_size__tile_overlayer_lowered;
	s6 =	simm.s32 $_tile_overlayer_lowered  }
0x9b: {  	s22 =	simm.s32 $0x1BFF;
	s21 =	sshll.u32 s6, $0x1;
	s3 =	sadd.s32 s4, s19  }
0x9c: {  	s7 =	simm.s32 $0x0;
	s20 =	sshll.u32 s5, $0x1;
	s5 =	sadd.s32 s21, s3  }
0x9d: {  	[timem:s7], [sflag:s22] =	dma.local [hbm:s5], s20  }
0x9e: {  	_ =	swait.ge [sflag:s22], s20  }
0x9f: {  	s4 =	ssub.s32 $0x0, s20;
	[sflag:s22] =	ssyncset.done $0x0  }
0xa0: {  	[sflag:s22] =	ssyncadd.s32 s4;
	_ =	sdelay $0x1  }
0xa1: {  	s23 =	simm.s32 $0x1B8B  }
0xa2: {  	_ =	swait.ge [sflag:s23], $0x1  }
0xa3: {  	[sflag:s23] =	ssyncset.done $0x0  }
0xa4: {  	s25 =	simm.s32 $0x1B8E;
	s24 =	sld [smem:$0x3FFE];
	[sflag:s23] =	ssyncadd.s32 $0xFFFFFFFF  }
0xa5: {  	s26 =	simm.s32 $execute0_lowered;
	[smem:$0x3FD2] =	sst s25  }
0xa6: {  	s5 =	sshll.u32 s26, $0x1;
	_ =	strace $0x80000055;
	[dreg:$0x1] =	wrdreg $0xFFFFFFFF  }
0xa7: {  	s28 =	simm.s32 $_size_execute0_lowered;
	s3 =	sadd.s32 s3, s5;
	[dreg:$0x0] =	wrdreg $0x0  }
0xa8: {  	s5 =	sshll.u32 s28, $0x1;
	[dreg:$0x2] =	wrdreg s3  }
0xa9: {  	[dreg:$0x3] =	wrdreg s5  }
0xaa: {  	[dreg:$0x4] =	wrdreg $0xC0  }
0xab: {  	_ =	task [dreg:s7], $0x5FFFF  }
0xac: {  	[dreg:$0x1] =	wrdreg $0xFFFFFFFF  }
0xad: {  	[dreg:$0x0] =	wrdreg $0x60  }
0xae: {  	[dreg:$0x2] =	wrdreg s24  }
0xaf: {  	[dreg:$0x3] =	wrdreg s2  }
0xb0: {  	[dreg:$0x4] =	wrdreg $0x60000  }
0xb1: {  	[dreg:$0x5] =	wrdreg $0x9  }
0xb2: {  	_ =	task.clear_ibuf [dreg:s7], $0x6FFFF;
	_ =	strace $0x90000055  }
0xb3: {  	s29 =	simm.s32 $0x9;
	_ =	strace $0x80000057  }
0xb4: {  	_ =	swait.ge [sflag:s29], $0x1  }
0xb5: {  	[sflag:s29] =	ssyncadd.s32 $0xFFFFFFFF  }
0xb6: {  	_ =	strace $0x90000057  }
0xb7: {  	_ =	sfence  }
0xb8: {  	s30 =	sld [smem:$0x0];
	_ =	sdelay $0x2  }
0xb9: {  	s31 =	sshll.u32 s1, $0xD;
	s1 =	sshrl.u32 s1, $0x2  }
0xba: {  	s3 =	sand.u32 $0x4000, s31;
	s1 =	sadd.s32 s1, s30  }
0xbb: {  	s0 =	sor.u32 s3, s0;
	s1 =	sshll.u32 s1, $0x11  }
0xbc: {  	s0 =	sor.u32 s1, s0  }
0xbd: {  	s0 =	sadd.s32 $0x8F2B, s0  }
0xbe: {  	[sflag:s0] =	ssyncadd.remote.s32 $0x1  }
0xbf: {  	_ =	sfence.sel $0xFFFF  }
0xc0: {  	[dreg:$0x0] =	wrdreg $0xFFFFFFFF;
	(pc) =	sbr.abs _section_cstart, $3  }
0xc1: {  	[dreg:$0x1] =	wrdreg $0xFFFFFFFF  }
0xc2: {  	_ =	task.clear_ibuf [dreg:s7], $0x2FFFF;
	_ =	strace $0x9FFFFFFF  }
0xc3: {  	(tm) =	ssettm $0x7FFFFFFF  }
tec
execute0_lowered:
.L_overlay_start_1:
0x0: {  	(tag) =	ssettag $0x1  }
0x1: {  	s9 =	rddreg [dreg:$0x0]  }
0x2: {  	s1 =	rddreg [dreg:$0x1]  }
0x3: {  	s2 =	rddreg [dreg:$0x2];
	s3 =	srdreg.scid  }
0x4: {  	s0 =	rddreg [dreg:$0x3];
	s4 =	simm.s32 $0x0;
	s17 =	simm.s32 $0x1  }
0x5: {  	s18 =	simm.s32 $0x2;
	s19 =	simm.s32 $0x80;
	s10 =	sand.u32 $0x1, s3  }
0x6: {  	s20 =	simm.s32 $0x2000;
	s3 =	stileid.u32;
	s6 =	smul.u32 $0x190000, s10  }
0x7: {  	s22 =	simm.s32 $0x0;
	[smem:$0x7FF] =	sst s4;
	s7 =	smul.u32 $0x19000, s3  }
0x8: {  	s5 =	sadd.s32 $0x1AC00, s9;
	_ =	strace $0x80000056;
	s13 =	smul.u32 $0x65000, s3  }
0x9: {  	s8 =	sshll.u32 s10, $0x4;
	s26 =	ssub.s32 $0x2, s10;
	s15 =	smul.u32 $0x64000, s3  }
0xa: {  	s30 =	sshll.u32 s3, $0x6;
	s8 =	sor.u32 s3, s8;
	s10 =	sshrl.u32 s26, $0x1  }
0xb: {  	s7 =	sadd.s32 s7, s6;
	s6 =	sadd.s32 $0x10C00, s9;
	s14 =	ssub.s32 s26, s10  }
0xc: {  	s29 =	sshrl.u32 s13, $0x2;
	s31 =	sshrl.u32 s15, $0x2;
	s11 =	sshrl.u32 s7, $0x3  }
0xd: {  	s7 =	smul.u32 $0x2800, s8;
	s8 =	sadd.s32 $0x4CC00, s9;
	s16 =	sadd.s32 s29, s2  }
0xe: {  	s21 =	sadd.s32 s31, s2;
	s13 =	smax.u32 s14, $0x1;
	s14 =	simm.s32 $0x1000  }
0xf: {  	s12 =	sadd.s32 s11, s9;
	s11 =	sor.u32 $0x1C03, s30;
	s15 =	sshrl.u32 s16, $0x3  }
0x10: {  	s16 =	simm.s32 $0x3;
	s21 =	sshrl.u32 s21, $0x3;
	s28 =	sshrl.u32 s7, $0x3  }
0x11: {  	s12 =	sadd.s32 $0x50000, s12;
	s9 =	sadd.s32 s1, s28;
	s10 =	sadd.s32 s6, s28  }
.LBB2_1:
0x12: {  	[tilespmem:s4], [sflag:$0x2] =	stream.linear.gather [hbm4b:s9+s4], $0x800, $0x38;
	[tilespmem:$0x1F400] =	vst v63  }
0x13: {  	_ = 	snop  }
0x14: {  	[tilespmem:s14], [sflag:$0x2] =	stream.linear.gather [hbm4b:s10+s4], $0x800, $0x38;
	[tilespmem:$0x1F400] =	vst v63  }
0x15: {  	[spmem:s15], [sflag:s11] =	dma.local [hbm:s8], $0x3280  }
0x16: {  	_ =	swait.ge [sflag:s16], $0x3280  }
0x17: {  	[sflag:s16] =	ssyncset.done $0x0  }
0x18: {  	[sflag:s16] =	ssyncadd.s32 $0xFFFFCD80  }
0x19: {  	p0 =	por $0x0, $0x0;
	s23 =	simm.s32 $0x0;
	[bflag:$0x0] =	sbarrier.arrive $0xFFFF  }
.LBB2_3:
0x1a: {  	_ =	swait.ge [sflag:s18], $0x800;
	s24 =	smov.u32 s23  }
0x1b: {  	s23 =	sadd.s32 $0x1, s23;
	[sflag:s18] =	ssyncset.done $0x0;
	p1 =	seq.s32 s24, $0x4  }
0x1c: {  	s25 =	simm.s32 $0x1;
	[sflag:s18] =	ssyncadd.s32 $0xFFFFF800;
	s24 =	sshll.u32 @!p1 s23, $0xB  }
0x1d: {  	s25 =	simm.s32 @!p0 $0x0;
	_ =	swait.ge [sflag:s18], $0x800;
	s26 =	sadd.s32 @!p1 s7, s24  }
0x1e: {  	s29 =	simm.s32 @!p1 $0x0;
	[sflag:s18] =	ssyncset.done $0x0;
	s26 =	sshrl.u32 @!p1 s26, $0x3  }
0x1f: {  	s28 =	sand.u32 @!p1 $0x800, s24;
	[sflag:s18] =	ssyncadd.s32 $0xFFFFF800;
	s24 =	sadd.s32 @!p1 s1, s26  }
0x20: {  	[tilespmem:s28], [sflag:$0x2] =	stream.linear.gather @!p1 [hbm4b:s24+s29], $0x800, $0x38;
	[tilespmem:$0x1F400] =	vst v63  }
0x21: {  	s26 =	sadd.s32 @!p1 s6, s26;
	s24 =	sshll.u32 s25, $0xB;
	s25 =	sor.u32 @!p1 $0x1000, s28  }
0x22: {  	[tilespmem:s25], [sflag:$0x2] =	stream.linear.gather @!p1 [hbm4b:s26+s29], $0x800, $0x38;
	[tilespmem:$0x1F400] =	vst v63  }
0x23: {  	s30 =	sadd.s32 $0x0, s24  }
0x24: {  	[tilespmem:s20], [sflag:$0x1] =	stream.indirect.gather [hbm4b:s5+s19], $0x80, s30, s19, $0xb8;
	[tilespmem:$0x1F400] =	vst v63  }
0x25: {  	_ =	swait.ge [sflag:s17], $0x4000  }
0x26: {  	s25 =	sor.u32 $0x1000, s24;
	[sflag:s17] =	ssyncset.done $0x0  }
0x27: {  	s31 =	sadd.s32 $0x0, s25;
	[sflag:s17] =	ssyncadd.s32 $0xFFFFC000  }
0x28: {  	[spmem:s2] =	stream.indirect.scatter.add.f32 [tilespmem:s20], [sflag:$0x3], $0x80, s31, s19, $0xb8;
	[tilespmem:$0x1F400] =	vst v63  }
0x29: {  	_ =	swait.ge [sflag:s16], $0x4000  }
0x2a: {  	s28 =	simm.s32 $0x400;
	s26 =	simm.s32 $0x80;
	[sflag:s16] =	ssyncset.done $0x0  }
.LBB2_4:
0x2b: {  	s29 =	sadd.s32 s26, s24  }
0x2c: {  	[sflag:s16] =	ssyncadd.s32 $0xFFFFC000;
	s30 =	smov.u32 s28;
	s31 =	sadd.s32 $0x200, s28  }
0x2d: {  	[tilespmem:s20], [sflag:$0x1] =	stream.indirect.gather [hbm4b:s5+s19], $0x80, s29, s19, $0xb8;
	[tilespmem:$0x1F400] =	vst v63  }
0x2e: {  	p1 =	seq.s32 s28, $0x1E00;
	_ =	swait.ge [sflag:s17], $0x4000  }
.Ltmp0:
0x2f: {  	[sflag:s17] =	ssyncset.done $0x0;
	(pc) =	sbr.rel @!p1 .LBB2_4-.Ltmp0, $4  }
0x30: {  	s26 =	sadd.s32 s26, s25;
	[sflag:s17] =	ssyncadd.s32 $0xFFFFC000  }
0x31: {  	[spmem:s2] =	stream.indirect.scatter.add.f32 [tilespmem:s20], [sflag:$0x3], $0x80, s26, s19, $0xb8;
	[tilespmem:$0x1F400] =	vst v63  }
0x32: {  	_ =	swait.ge [sflag:s16], $0x4000  }
0x33: {  	s28 =	smov.u32 s31;
	s26 =	sshra.s32 s30, $0x2;
	[sflag:s16] =	ssyncset.done $0x0  }
0x34: {  	s24 =	sadd.s32 s26, s24;
	[sflag:s16] =	ssyncadd.s32 $0xFFFFC000  }
0x35: {  	[tilespmem:s20], [sflag:$0x1] =	stream.indirect.gather [hbm4b:s5+s19], $0x80, s24, s19, $0xb8;
	[tilespmem:$0x1F400] =	vst v63  }
0x36: {  	_ =	swait.ge [sflag:s17], $0x4000  }
0x37: {  	[sflag:s17] =	ssyncset.done $0x0  }
0x38: {  	s31 =	sadd.s32 s26, s25;
	[sflag:s17] =	ssyncadd.s32 $0xFFFFC000  }
0x39: {  	[spmem:s2] =	stream.indirect.scatter.add.f32 [tilespmem:s20], [sflag:$0x3], $0x80, s31, s19, $0xb8;
	[tilespmem:$0x1F400] =	vst v63  }
0x3a: {  	_ =	swait.ge [sflag:s16], $0x4000  }
0x3b: {  	[sflag:s16] =	ssyncset.done $0x0  }
0x3c: {  	[sflag:s16] =	ssyncadd.s32 $0xFFFFC000  }
0x3d: {  	p1 =	seq.s32 s23, $0x5  }
.Ltmp1:
0x3e: {  	_ = 	snop;
	(pc) =	sbr.rel @!p1 .LBB2_3-.Ltmp1, $2  }
0x3f: {  	_ =	sdelay $0x2  }
0x40: {  	p0 =	por !p0, !p0  }
0x41: {  	s22 =	sadd.s32 $0x1, s22  }
0x42: {  	p0 =	sne.s32 s22, s13  }
.Ltmp2:
0x43: {  	[bflag:$0x0] =	sbarrier.arrive $0xFFFF;
	(pc) =	sbr.rel @p0 .LBB2_1-.Ltmp2, $4  }
0x44: {  	[hbm:s12], [sflag:s11] =	dma.local [spmem:s21], $0x3200  }
0x45: {  	_ =	swait.ge [sflag:s16], $0x3200  }
0x46: {  	[sflag:s16] =	ssyncset.done $0x0  }
0x47: {  	[sflag:s16] =	ssyncadd.s32 $0xFFFFCE00  }
0x48: {  	_ =	sfence.sel $0x180000  }
0x49: {  	[bflag:$0x0] =	sbarrier.arrive $0xFFFF  }
0x4a: {  	p0 =	sne.s32 s3, $0x0;
	_ =	strace $0x90000056  }
0x4b: {  	s0 =	sadd.s32 @!p0 $0x100000, s0;
	[bflag:$0x2] =	sbarrier.arrive $0xFFFF  }
0x4c: {  	[sflag:s0] =	ssyncadd.tile.s32 @!p0 $0x1;
	_ =	shalt  }
.Lfunc_end2:
_tile_overlayer_lowered:
.L_overlay_start_2:
0x4d: {  	(tag) =	ssettag $0x2  }
0x4e: {  	s0 =	rddreg [dreg:$0x0];
	s2 =	stileid.u32  }
0x4f: {  	s1 =	rddreg [dreg:$0x1];
	p0 =	sne.s32 s2, $0x0  }
0x50: {  	s3 =	rddreg [dreg:$0x2];
	[bflag:$0x3] =	sbarrier.arrive $0xFFFF;
	s2 =	simm.s32 @!p0 $0x1C03  }
0x51: {  	[timem:s3], [sflag:s2] =	dma.local @!p0 [hbm:s0], s1  }
0x52: {  	s0 =	simm.s32 @!p0 $0x3  }
0x53: {  	_ =	swait.ge @!p0 [sflag:s0], s1  }
0x54: {  	s1 =	ssub.s32 @!p0 $0x0, s1;
	[sflag:s0] =	ssyncset.done @!p0 $0x0  }
0x55: {  	[sflag:s0] =	ssyncadd.s32 @!p0 s1  }
0x56: {  	[bflag:$0x3] =	sbarrier.arrive $0xFFFF  }
0x57: {  	_ =	shalt  }

// kernel: kernel.39.cloned.1.call-start
scs
__scs_entry_jumppad:
0x0: {  	(pc) =	sbr.rel $0x88, $3  }
0x1: {  	(tag) =	ssettag $0x0;
	lr =	simm.s32 $0x1  }
0x2: {  	[smem:$0x3F7F] =	sst lr;
	_ =	strace $0xD0000000  }
0x3: {  	_ = 	snop  }
0x4: {  	_ = 	snop  }
0x5: {  	_ = 	snop  }
0x6: {  	_ = 	snop  }
0x7: {  	_ = 	snop  }
__scs_overlays_trampoline_lowered:
0x8: {  	[smem:$0x3F8E] =	sst s0  }
0x9: {  	[smem:$0x3F8F] =	sst s1  }
0xa: {  	[smem:$0x3F90] =	sst s2  }
0xb: {  	[smem:$0x3F91] =	sst s3  }
0xc: {  	[smem:$0x3F92] =	sst s4  }
0xd: {  	[smem:$0x3F93] =	sst s5  }
0xe: {  	[smem:$0x3F94] =	sst s6  }
0xf: {  	[smem:$0x3F95] =	sst s7  }
0x10: {  	[smem:$0x3F96] =	sst s8  }
0x11: {  	[smem:$0x3F97] =	sst s9;
	s0 =	simm.s32 @!p0 $0x0  }
0x12: {  	s1 =	sld [smem:$0x3F7D];
	s0 =	simm.s32 @p0 $0x1  }
0x13: {  	[smem:$0x3F98] =	sst s0;
	s0 =	simm.s32 @!p1 $0x0  }
0x14: {  	s2 =	sld [smem:$0x3F7C];
	s0 =	simm.s32 @p1 $0x1  }
0x15: {  	[smem:$0x3F99] =	sst s0;
	s0 =	simm.s32 @!p2 $0x0  }
0x16: {  	s3 =	sld [smem:$0x3FDB];
	s0 =	simm.s32 @p2 $0x1  }
0x17: {  	s4 =	simm.s32 $0x1BF5;
	[smem:$0x3F9B] =	sst s0  }
0x18: {  	s0 =	sld [smem:$0x3F7E];
	_ =	swait.ge [sflag:s4], $0x0  }
0x19: {  	s7 =	sld [smem:$0x3F7F]  }
0x1a: {  	s8 =	sadd.s32 $0xFFFFE003, lr  }
0x1b: {  	s9 =	sadd.s32 $0xFFFFFEF7, lr;
	s5 =	simm.s32 $0xFFFFFFFF;
	p2 =	slt.u32 s8, $0xFFFFF086  }
0x1c: {  	p1 =	slt.u32 s9, $0xF7A;
	s5 =	simm.s32 @!p2 $0x0  }
0x1d: {  	s5 =	simm.s32 @p1 $0x1;
	p0 =	seq.s32 s7, s2  }
0x1e: {  	s7 =	smul.u32 @!p0 $0xF7A, s2;
	p2 =	seq.s32 @!p0 s5, $0x0  }
0x1f: {  	s9 =	smul.u32 $0xF7A, s1;
	s8 =	simm.s32 @!p0 $0x1BF5;
	p2 =	por !p2, p0  }
0x20: {  	[sflag:s8] =	ssyncset.s32 @!p0 $0xFFFFF086;
	s6 =	sadd.s32 @!p0 s3, s7;
	s7 =	simm.s32 @!p0 $0x108  }
0x21: {  	s3 =	sadd.s32 s3, s9;
	s6 =	sadd.s32 @!p0 $0x88, s6;
	s7 =	simm.s32 @p2 $0x1082  }
0x22: {  	[simem:s7], [sflag:s8] =	dma.local @!p0 [hbm:s6], $0xF7A  }
0x23: {  	s9 =	sor.u32 $0xD0000000, s2;
	s6 =	simm.s32 $0x108;
	_ =	swait.ge @!p0 [sflag:s8], $0x0  }
0x24: {  	s3 =	sadd.s32 $0x88, s3;
	s6 =	simm.s32 @!p1 $0x1082;
	[sflag:s4] =	ssyncset.s32 $0xFFFFF086  }
0x25: {  	[simem:s6], [sflag:s4] =	dma.local [hbm:s3], $0xF7A  }
0x26: {  	[smem:$0x3F7F] =	sst s1;
	(tag) =	ssettag s2;
	_ =	strace s9  }
0x27: {  	s1 =	sld [smem:$0x3F8F]  }
0x28: {  	s2 =	sld [smem:$0x3F90]  }
0x29: {  	s4 =	sld [smem:$0x3F92]  }
0x2a: {  	p0 =	seq.s32 s5, $0x0;
	s5 =	sld [smem:$0x3F93]  }
0x2b: {  	s6 =	sld [smem:$0x3F94]  }
0x2c: {  	s7 =	sld [smem:$0x3F95]  }
0x2d: {  	s3 =	simm.s32 $0x108;
	s8 =	sld [smem:$0x3F96]  }
0x2e: {  	s3 =	simm.s32 @!p0 $0x1082;
	s9 =	sld [smem:$0x3F97]  }
0x2f: {  	lr =	sadd.s32 s0, s3;
	s0 =	sld [smem:$0x3F8E]  }
0x30: {  	s3 =	sld [smem:$0x3F91]  }
0x31: {  	[smem:$0x3F9A] =	sst s10  }
0x32: {  	s10 =	sld [smem:$0x3F98];
	_ =	sdelay $0x3  }
0x33: {  	p0 =	seq.s32 s10, $0x1;
	s10 =	sld [smem:$0x3F9A];
	_ =	sdelay $0x3  }
0x34: {  	[smem:$0x3F9A] =	sst s10  }
0x35: {  	s10 =	sld [smem:$0x3F99];
	_ =	sdelay $0x3  }
0x36: {  	p1 =	seq.s32 s10, $0x1;
	s10 =	sld [smem:$0x3F9A];
	_ =	sdelay $0x3  }
0x37: {  	[smem:$0x3F9A] =	sst s10  }
0x38: {  	s10 =	sld [smem:$0x3F9B]  }
0x39: {  	_ = 	snop;
	(pc) =	sbr.ind lr, $3  }
0x3a: {  	_ = 	snop  }
0x3b: {  	_ = 	snop  }
0x3c: {  	p2 =	seq.s32 s10, $0x1;
	s10 =	sld [smem:$0x3F9A]  }
0x3d: {  	_ =	shalt  }
0x3e: {  	_ =	shalt  }
0x3f: {  	_ =	shalt  }
0x40: {  	_ =	shalt  }
0x41: {  	_ =	shalt  }
0x42: {  	_ =	shalt  }
0x43: {  	_ =	shalt  }
0x44: {  	_ =	shalt  }
0x45: {  	_ =	shalt  }
0x46: {  	_ =	shalt  }
0x47: {  	_ =	shalt  }
0x48: {  	_ =	shalt  }
0x49: {  	_ =	shalt  }
0x4a: {  	_ =	shalt  }
0x4b: {  	_ =	shalt  }
0x4c: {  	_ =	shalt  }
0x4d: {  	_ =	shalt  }
0x4e: {  	_ =	shalt  }
0x4f: {  	_ =	shalt  }
0x50: {  	_ =	shalt  }
0x51: {  	_ =	shalt  }
0x52: {  	_ =	shalt  }
0x53: {  	_ =	shalt  }
0x54: {  	_ =	shalt  }
0x55: {  	_ =	shalt  }
0x56: {  	_ =	shalt  }
0x57: {  	_ =	shalt  }
0x58: {  	_ =	shalt  }
0x59: {  	_ =	shalt  }
0x5a: {  	_ =	shalt  }
0x5b: {  	_ =	shalt  }
0x5c: {  	_ =	shalt  }
0x5d: {  	_ =	shalt  }
0x5e: {  	_ =	shalt  }
0x5f: {  	_ =	shalt  }
0x60: {  	_ =	shalt  }
0x61: {  	_ =	shalt  }
0x62: {  	_ =	shalt  }
0x63: {  	_ =	shalt  }
0x64: {  	_ =	shalt  }
0x65: {  	_ =	shalt  }
0x66: {  	_ =	shalt  }
0x67: {  	_ =	shalt  }
0x68: {  	_ =	shalt  }
0x69: {  	_ =	shalt  }
0x6a: {  	_ =	shalt  }
0x6b: {  	_ =	shalt  }
0x6c: {  	_ =	shalt  }
0x6d: {  	_ =	shalt  }
0x6e: {  	_ =	shalt  }
0x6f: {  	_ =	shalt  }
0x70: {  	_ =	shalt  }
0x71: {  	_ =	shalt  }
0x72: {  	_ =	shalt  }
0x73: {  	_ =	shalt  }
0x74: {  	_ =	shalt  }
0x75: {  	_ =	shalt  }
0x76: {  	_ =	shalt  }
0x77: {  	_ =	shalt  }
0x78: {  	_ =	shalt  }
0x79: {  	_ =	shalt  }
0x7a: {  	_ =	shalt  }
0x7b: {  	_ =	shalt  }
0x7c: {  	_ =	shalt  }
0x7d: {  	_ =	shalt  }
0x7e: {  	_ =	shalt  }
0x7f: {  	_ =	shalt  }
0x80: {  	_ =	shalt  }
0x81: {  	_ =	shalt  }
0x82: {  	_ =	shalt  }
0x83: {  	_ =	shalt  }
0x84: {  	_ =	shalt  }
0x85: {  	_ =	shalt  }
0x86: {  	_ =	shalt  }
0x87: {  	_ =	shalt  }
.Lfunc_end0:
.L_simem_size_0:
called_computation.6_lowered:
.L_overlay_start_0:
0x88: {  	s2 =	sld [smem:$0x3FD9]  }
0x89: {  	s3 =	sld [smem:$0x3FFE];
	_ =	sdelay $0x1  }
0x8a: {  	s1 =	srdreg.scid  }
0x8b: {  	s0 =	sand.u32 $0x1, s1  }
0x8c: {  	s17 =	sshll.u32 s0, $0xA;
	s2 =	sadd.s32 s3, s2  }
0x8d: {  	s2 =	sadd.s32 s2, s17  }
0x8e: {  	[smem:$0x3FA6] =	sst s2  }
0x8f: {  	_ = 	snop  }
0x90: {  	s2 =	sld [smem:$0x3FD0];
	(tm) =	ssettm $0x1  }
0x91: {  	s18 =	sld [smem:$0x3FFB];
	_ =	sdelay $0x3  }
0x92: {  	_ =	strace s18  }
0x93: {  	s3 =	sld [smem:$0x3FFC];
	_ =	sdelay $0x3  }
0x94: {  	_ =	strace s3  }
0x95: {  	s3 =	sld [smem:$0x3FFD];
	_ =	sdelay $0x3  }
0x96: {  	_ =	strace s3  }
0x97: {  	_ =	strace $0x8FFFFFFF  }
0x98: {  	s19 =	sld [smem:$0x3FDB];
	_ =	sdelay $0x1  }
0x99: {  	s4 =	simm.s32 $_scs_section_size  }
0x9a: {  	s5 =	simm.s32 $_size__tile_overlayer_lowered;
	s6 =	simm.s32 $_tile_overlayer_lowered  }
0x9b: {  	s22 =	simm.s32 $0x1BFF;
	s21 =	sshll.u32 s6, $0x1;
	s3 =	sadd.s32 s4, s19  }
0x9c: {  	s7 =	simm.s32 $0x0;
	s20 =	sshll.u32 s5, $0x1;
	s5 =	sadd.s32 s21, s3  }
0x9d: {  	[timem:s7], [sflag:s22] =	dma.local [hbm:s5], s20  }
0x9e: {  	_ =	swait.ge [sflag:s22], s20  }
0x9f: {  	s4 =	ssub.s32 $0x0, s20;
	[sflag:s22] =	ssyncset.done $0x0  }
0xa0: {  	[sflag:s22] =	ssyncadd.s32 s4;
	_ =	sdelay $0x1  }
0xa1: {  	s23 =	simm.s32 $0x1B8B  }
0xa2: {  	_ =	swait.ge [sflag:s23], $0x1  }
0xa3: {  	[sflag:s23] =	ssyncset.done $0x0  }
0xa4: {  	s25 =	simm.s32 $0x1B8E;
	s24 =	sld [smem:$0x3FFE];
	[sflag:s23] =	ssyncadd.s32 $0xFFFFFFFF  }
0xa5: {  	s26 =	simm.s32 $execute0_lowered;
	[smem:$0x3FD2] =	sst s25  }
0xa6: {  	s5 =	sshll.u32 s26, $0x1;
	_ =	strace $0x80000058;
	[dreg:$0x1] =	wrdreg $0xFFFFFFFF  }
0xa7: {  	s28 =	simm.s32 $_size_execute0_lowered;
	s3 =	sadd.s32 s3, s5;
	[dreg:$0x0] =	wrdreg $0x0  }
0xa8: {  	s5 =	sshll.u32 s28, $0x1;
	[dreg:$0x2] =	wrdreg s3  }
0xa9: {  	[dreg:$0x3] =	wrdreg s5  }
0xaa: {  	[dreg:$0x4] =	wrdreg $0xC0  }
0xab: {  	_ =	task [dreg:s7], $0x5FFFF  }
0xac: {  	[dreg:$0x1] =	wrdreg $0xFFFFFFFF  }
0xad: {  	[dreg:$0x0] =	wrdreg $0x60  }
0xae: {  	[dreg:$0x2] =	wrdreg s24  }
0xaf: {  	[dreg:$0x3] =	wrdreg s2  }
0xb0: {  	[dreg:$0x4] =	wrdreg $0x60000  }
0xb1: {  	[dreg:$0x5] =	wrdreg $0x9  }
0xb2: {  	_ =	task.clear_ibuf [dreg:s7], $0x6FFFF;
	_ =	strace $0x90000058  }
0xb3: {  	s29 =	simm.s32 $0x9;
	_ =	strace $0x8000005A  }
0xb4: {  	_ =	swait.ge [sflag:s29], $0x1  }
0xb5: {  	[sflag:s29] =	ssyncadd.s32 $0xFFFFFFFF  }
0xb6: {  	_ =	strace $0x9000005A  }
0xb7: {  	_ =	sfence  }
0xb8: {  	s30 =	sld [smem:$0x0];
	_ =	sdelay $0x2  }
0xb9: {  	s31 =	sshll.u32 s1, $0xD;
	s1 =	sshrl.u32 s1, $0x2  }
0xba: {  	s3 =	sand.u32 $0x4000, s31;
	s1 =	sadd.s32 s1, s30  }
0xbb: {  	s0 =	sor.u32 s3, s0;
	s1 =	sshll.u32 s1, $0x11  }
0xbc: {  	s0 =	sor.u32 s1, s0  }
0xbd: {  	s0 =	sadd.s32 $0x8F2B, s0  }
0xbe: {  	[sflag:s0] =	ssyncadd.remote.s32 $0x1  }
0xbf: {  	_ =	sfence.sel $0xFFFF  }
0xc0: {  	[dreg:$0x0] =	wrdreg $0xFFFFFFFF;
	(pc) =	sbr.abs _section_cstart, $3  }
0xc1: {  	[dreg:$0x1] =	wrdreg $0xFFFFFFFF  }
0xc2: {  	_ =	task.clear_ibuf [dreg:s7], $0x2FFFF;
	_ =	strace $0x9FFFFFFF  }
0xc3: {  	(tm) =	ssettm $0x7FFFFFFF  }
tec
execute0_lowered:
.L_overlay_start_1:
0x0: {  	(tag) =	ssettag $0x1  }
0x1: {  	s9 =	rddreg [dreg:$0x0]  }
0x2: {  	s1 =	rddreg [dreg:$0x1]  }
0x3: {  	s2 =	rddreg [dreg:$0x2];
	s3 =	srdreg.scid  }
0x4: {  	s0 =	rddreg [dreg:$0x3];
	s4 =	simm.s32 $0x0;
	s17 =	simm.s32 $0x1  }
0x5: {  	s18 =	simm.s32 $0x2;
	s19 =	simm.s32 $0x80;
	s10 =	sand.u32 $0x1, s3  }
0x6: {  	s20 =	simm.s32 $0x2000;
	s3 =	stileid.u32;
	s6 =	smul.u32 $0x190000, s10  }
0x7: {  	s22 =	simm.s32 $0x0;
	[smem:$0x7FF] =	sst s4;
	s7 =	smul.u32 $0x19000, s3  }
0x8: {  	s5 =	sadd.s32 $0x1AC00, s9;
	_ =	strace $0x80000059;
	s13 =	smul.u32 $0x65000, s3  }
0x9: {  	s8 =	sshll.u32 s10, $0x4;
	s26 =	ssub.s32 $0x2, s10;
	s15 =	smul.u32 $0x64000, s3  }
0xa: {  	s30 =	sshll.u32 s3, $0x6;
	s8 =	sor.u32 s3, s8;
	s10 =	sshrl.u32 s26, $0x1  }
0xb: {  	s7 =	sadd.s32 s7, s6;
	s6 =	sadd.s32 $0x10C00, s9;
	s14 =	ssub.s32 s26, s10  }
0xc: {  	s29 =	sshrl.u32 s13, $0x2;
	s31 =	sshrl.u32 s15, $0x2;
	s11 =	sshrl.u32 s7, $0x3  }
0xd: {  	s7 =	smul.u32 $0x2800, s8;
	s8 =	sadd.s32 $0x4CC00, s9;
	s16 =	sadd.s32 s29, s2  }
0xe: {  	s21 =	sadd.s32 s31, s2;
	s13 =	smax.u32 s14, $0x1;
	s14 =	simm.s32 $0x1000  }
0xf: {  	s12 =	sadd.s32 s11, s9;
	s11 =	sor.u32 $0x1C03, s30;
	s15 =	sshrl.u32 s16, $0x3  }
0x10: {  	s16 =	simm.s32 $0x3;
	s21 =	sshrl.u32 s21, $0x3;
	s28 =	sshrl.u32 s7, $0x3  }
0x11: {  	s12 =	sadd.s32 $0x50000, s12;
	s9 =	sadd.s32 s1, s28;
	s10 =	sadd.s32 s6, s28  }
.LBB2_1:
0x12: {  	[tilespmem:s4], [sflag:$0x2] =	stream.linear.gather [hbm4b:s9+s4], $0x800, $0x38;
	[tilespmem:$0x1F400] =	vst v63  }
0x13: {  	_ = 	snop  }
0x14: {  	[tilespmem:s14], [sflag:$0x2] =	stream.linear.gather [hbm4b:s10+s4], $0x800, $0x38;
	[tilespmem:$0x1F400] =	vst v63  }
0x15: {  	[spmem:s15], [sflag:s11] =	dma.local [hbm:s8], $0x3280  }
0x16: {  	_ =	swait.ge [sflag:s16], $0x3280  }
0x17: {  	[sflag:s16] =	ssyncset.done $0x0  }
0x18: {  	[sflag:s16] =	ssyncadd.s32 $0xFFFFCD80  }
0x19: {  	p0 =	por $0x0, $0x0;
	s23 =	simm.s32 $0x0;
	[bflag:$0x0] =	sbarrier.arrive $0xFFFF  }
.LBB2_3:
0x1a: {  	_ =	swait.ge [sflag:s18], $0x800;
	s24 =	smov.u32 s23  }
0x1b: {  	s23 =	sadd.s32 $0x1, s23;
	[sflag:s18] =	ssyncset.done $0x0;
	p1 =	seq.s32 s24, $0x4  }
0x1c: {  	s25 =	simm.s32 $0x1;
	[sflag:s18] =	ssyncadd.s32 $0xFFFFF800;
	s24 =	sshll.u32 @!p1 s23, $0xB  }
0x1d: {  	s25 =	simm.s32 @!p0 $0x0;
	_ =	swait.ge [sflag:s18], $0x800;
	s26 =	sadd.s32 @!p1 s7, s24  }
0x1e: {  	s29 =	simm.s32 @!p1 $0x0;
	[sflag:s18] =	ssyncset.done $0x0;
	s26 =	sshrl.u32 @!p1 s26, $0x3  }
0x1f: {  	s28 =	sand.u32 @!p1 $0x800, s24;
	[sflag:s18] =	ssyncadd.s32 $0xFFFFF800;
	s24 =	sadd.s32 @!p1 s1, s26  }
0x20: {  	[tilespmem:s28], [sflag:$0x2] =	stream.linear.gather @!p1 [hbm4b:s24+s29], $0x800, $0x38;
	[tilespmem:$0x1F400] =	vst v63  }
0x21: {  	s26 =	sadd.s32 @!p1 s6, s26;
	s24 =	sshll.u32 s25, $0xB;
	s25 =	sor.u32 @!p1 $0x1000, s28  }
0x22: {  	[tilespmem:s25], [sflag:$0x2] =	stream.linear.gather @!p1 [hbm4b:s26+s29], $0x800, $0x38;
	[tilespmem:$0x1F400] =	vst v63  }
0x23: {  	s30 =	sadd.s32 $0x0, s24  }
0x24: {  	[tilespmem:s20], [sflag:$0x1] =	stream.indirect.gather [hbm4b:s5+s19], $0x80, s30, s19, $0xb8;
	[tilespmem:$0x1F400] =	vst v63  }
0x25: {  	_ =	swait.ge [sflag:s17], $0x4000  }
0x26: {  	s25 =	sor.u32 $0x1000, s24;
	[sflag:s17] =	ssyncset.done $0x0  }
0x27: {  	s31 =	sadd.s32 $0x0, s25;
	[sflag:s17] =	ssyncadd.s32 $0xFFFFC000  }
0x28: {  	[spmem:s2] =	stream.indirect.scatter.add.f32 [tilespmem:s20], [sflag:$0x3], $0x80, s31, s19, $0xb8;
	[tilespmem:$0x1F400] =	vst v63  }
0x29: {  	_ =	swait.ge [sflag:s16], $0x4000  }
0x2a: {  	s28 =	simm.s32 $0x400;
	s26 =	simm.s32 $0x80;
	[sflag:s16] =	ssyncset.done $0x0  }
.LBB2_4:
0x2b: {  	s29 =	sadd.s32 s26, s24  }
0x2c: {  	[sflag:s16] =	ssyncadd.s32 $0xFFFFC000;
	s30 =	smov.u32 s28;
	s31 =	sadd.s32 $0x200, s28  }
0x2d: {  	[tilespmem:s20], [sflag:$0x1] =	stream.indirect.gather [hbm4b:s5+s19], $0x80, s29, s19, $0xb8;
	[tilespmem:$0x1F400] =	vst v63  }
0x2e: {  	p1 =	seq.s32 s28, $0x1E00;
	_ =	swait.ge [sflag:s17], $0x4000  }
.Ltmp0:
0x2f: {  	[sflag:s17] =	ssyncset.done $0x0;
	(pc) =	sbr.rel @!p1 .LBB2_4-.Ltmp0, $4  }
0x30: {  	s26 =	sadd.s32 s26, s25;
	[sflag:s17] =	ssyncadd.s32 $0xFFFFC000  }
0x31: {  	[spmem:s2] =	stream.indirect.scatter.add.f32 [tilespmem:s20], [sflag:$0x3], $0x80, s26, s19, $0xb8;
	[tilespmem:$0x1F400] =	vst v63  }
0x32: {  	_ =	swait.ge [sflag:s16], $0x4000  }
0x33: {  	s28 =	smov.u32 s31;
	s26 =	sshra.s32 s30, $0x2;
	[sflag:s16] =	ssyncset.done $0x0  }
0x34: {  	s24 =	sadd.s32 s26, s24;
	[sflag:s16] =	ssyncadd.s32 $0xFFFFC000  }
0x35: {  	[tilespmem:s20], [sflag:$0x1] =	stream.indirect.gather [hbm4b:s5+s19], $0x80, s24, s19, $0xb8;
	[tilespmem:$0x1F400] =	vst v63  }
0x36: {  	_ =	swait.ge [sflag:s17], $0x4000  }
0x37: {  	[sflag:s17] =	ssyncset.done $0x0  }
0x38: {  	s31 =	sadd.s32 s26, s25;
	[sflag:s17] =	ssyncadd.s32 $0xFFFFC000  }
0x39: {  	[spmem:s2] =	stream.indirect.scatter.add.f32 [tilespmem:s20], [sflag:$0x3], $0x80, s31, s19, $0xb8;
	[tilespmem:$0x1F400] =	vst v63  }
0x3a: {  	_ =	swait.ge [sflag:s16], $0x4000  }
0x3b: {  	[sflag:s16] =	ssyncset.done $0x0  }
0x3c: {  	[sflag:s16] =	ssyncadd.s32 $0xFFFFC000  }
0x3d: {  	p1 =	seq.s32 s23, $0x5  }
.Ltmp1:
0x3e: {  	_ = 	snop;
	(pc) =	sbr.rel @!p1 .LBB2_3-.Ltmp1, $2  }
0x3f: {  	_ =	sdelay $0x2  }
0x40: {  	p0 =	por !p0, !p0  }
0x41: {  	s22 =	sadd.s32 $0x1, s22  }
0x42: {  	p0 =	sne.s32 s22, s13  }
.Ltmp2:
0x43: {  	[bflag:$0x0] =	sbarrier.arrive $0xFFFF;
	(pc) =	sbr.rel @p0 .LBB2_1-.Ltmp2, $4  }
0x44: {  	[hbm:s12], [sflag:s11] =	dma.local [spmem:s21], $0x3200  }
0x45: {  	_ =	swait.ge [sflag:s16], $0x3200  }
0x46: {  	[sflag:s16] =	ssyncset.done $0x0  }
0x47: {  	[sflag:s16] =	ssyncadd.s32 $0xFFFFCE00  }
0x48: {  	_ =	sfence.sel $0x180000  }
0x49: {  	[bflag:$0x0] =	sbarrier.arrive $0xFFFF  }
0x4a: {  	p0 =	sne.s32 s3, $0x0;
	_ =	strace $0x90000059  }
0x4b: {  	s0 =	sadd.s32 @!p0 $0x100000, s0;
	[bflag:$0x2] =	sbarrier.arrive $0xFFFF  }
0x4c: {  	[sflag:s0] =	ssyncadd.tile.s32 @!p0 $0x1;
	_ =	shalt  }
.Lfunc_end2:
_tile_overlayer_lowered:
.L_overlay_start_2:
0x4d: {  	(tag) =	ssettag $0x2  }
0x4e: {  	s0 =	rddreg [dreg:$0x0];
	s2 =	stileid.u32  }
0x4f: {  	s1 =	rddreg [dreg:$0x1];
	p0 =	sne.s32 s2, $0x0  }
0x50: {  	s3 =	rddreg [dreg:$0x2];
	[bflag:$0x3] =	sbarrier.arrive $0xFFFF;
	s2 =	simm.s32 @!p0 $0x1C03  }
0x51: {  	[timem:s3], [sflag:s2] =	dma.local @!p0 [hbm:s0], s1  }
0x52: {  	s0 =	simm.s32 @!p0 $0x3  }
0x53: {  	_ =	swait.ge @!p0 [sflag:s0], s1  }
0x54: {  	s1 =	ssub.s32 @!p0 $0x0, s1;
	[sflag:s0] =	ssyncset.done @!p0 $0x0  }
0x55: {  	[sflag:s0] =	ssyncadd.s32 @!p0 s1  }
0x56: {  	[bflag:$0x3] =	sbarrier.arrive $0xFFFF  }
0x57: {  	_ =	shalt  }

// kernel: kernel.42.cloned.1.call-start
scs
__scs_entry_jumppad:
0x0: {  	(pc) =	sbr.rel $0x88, $3  }
0x1: {  	(tag) =	ssettag $0x0;
	lr =	simm.s32 $0x1  }
0x2: {  	[smem:$0x3F7F] =	sst lr;
	_ =	strace $0xD0000000  }
0x3: {  	_ = 	snop  }
0x4: {  	_ = 	snop  }
0x5: {  	_ = 	snop  }
0x6: {  	_ = 	snop  }
0x7: {  	_ = 	snop  }
__scs_overlays_trampoline_lowered:
0x8: {  	[smem:$0x3F8E] =	sst s0  }
0x9: {  	[smem:$0x3F8F] =	sst s1  }
0xa: {  	[smem:$0x3F90] =	sst s2  }
0xb: {  	[smem:$0x3F91] =	sst s3  }
0xc: {  	[smem:$0x3F92] =	sst s4  }
0xd: {  	[smem:$0x3F93] =	sst s5  }
0xe: {  	[smem:$0x3F94] =	sst s6  }
0xf: {  	[smem:$0x3F95] =	sst s7  }
0x10: {  	[smem:$0x3F96] =	sst s8  }
0x11: {  	[smem:$0x3F97] =	sst s9;
	s0 =	simm.s32 @!p0 $0x0  }
0x12: {  	s1 =	sld [smem:$0x3F7D];
	s0 =	simm.s32 @p0 $0x1  }
0x13: {  	[smem:$0x3F98] =	sst s0;
	s0 =	simm.s32 @!p1 $0x0  }
0x14: {  	s2 =	sld [smem:$0x3F7C];
	s0 =	simm.s32 @p1 $0x1  }
0x15: {  	[smem:$0x3F99] =	sst s0;
	s0 =	simm.s32 @!p2 $0x0  }
0x16: {  	s3 =	sld [smem:$0x3FDB];
	s0 =	simm.s32 @p2 $0x1  }
0x17: {  	s4 =	simm.s32 $0x1BF5;
	[smem:$0x3F9B] =	sst s0  }
0x18: {  	s0 =	sld [smem:$0x3F7E];
	_ =	swait.ge [sflag:s4], $0x0  }
0x19: {  	s7 =	sld [smem:$0x3F7F]  }
0x1a: {  	s8 =	sadd.s32 $0xFFFFE003, lr  }
0x1b: {  	s9 =	sadd.s32 $0xFFFFFEF7, lr;
	s5 =	simm.s32 $0xFFFFFFFF;
	p2 =	slt.u32 s8, $0xFFFFF086  }
0x1c: {  	p1 =	slt.u32 s9, $0xF7A;
	s5 =	simm.s32 @!p2 $0x0  }
0x1d: {  	s5 =	simm.s32 @p1 $0x1;
	p0 =	seq.s32 s7, s2  }
0x1e: {  	s7 =	smul.u32 @!p0 $0xF7A, s2;
	p2 =	seq.s32 @!p0 s5, $0x0  }
0x1f: {  	s9 =	smul.u32 $0xF7A, s1;
	s8 =	simm.s32 @!p0 $0x1BF5;
	p2 =	por !p2, p0  }
0x20: {  	[sflag:s8] =	ssyncset.s32 @!p0 $0xFFFFF086;
	s6 =	sadd.s32 @!p0 s3, s7;
	s7 =	simm.s32 @!p0 $0x108  }
0x21: {  	s3 =	sadd.s32 s3, s9;
	s6 =	sadd.s32 @!p0 $0x88, s6;
	s7 =	simm.s32 @p2 $0x1082  }
0x22: {  	[simem:s7], [sflag:s8] =	dma.local @!p0 [hbm:s6], $0xF7A  }
0x23: {  	s9 =	sor.u32 $0xD0000000, s2;
	s6 =	simm.s32 $0x108;
	_ =	swait.ge @!p0 [sflag:s8], $0x0  }
0x24: {  	s3 =	sadd.s32 $0x88, s3;
	s6 =	simm.s32 @!p1 $0x1082;
	[sflag:s4] =	ssyncset.s32 $0xFFFFF086  }
0x25: {  	[simem:s6], [sflag:s4] =	dma.local [hbm:s3], $0xF7A  }
0x26: {  	[smem:$0x3F7F] =	sst s1;
	(tag) =	ssettag s2;
	_ =	strace s9  }
0x27: {  	s1 =	sld [smem:$0x3F8F]  }
0x28: {  	s2 =	sld [smem:$0x3F90]  }
0x29: {  	s4 =	sld [smem:$0x3F92]  }
0x2a: {  	p0 =	seq.s32 s5, $0x0;
	s5 =	sld [smem:$0x3F93]  }
0x2b: {  	s6 =	sld [smem:$0x3F94]  }
0x2c: {  	s7 =	sld [smem:$0x3F95]  }
0x2d: {  	s3 =	simm.s32 $0x108;
	s8 =	sld [smem:$0x3F96]  }
0x2e: {  	s3 =	simm.s32 @!p0 $0x1082;
	s9 =	sld [smem:$0x3F97]  }
0x2f: {  	lr =	sadd.s32 s0, s3;
	s0 =	sld [smem:$0x3F8E]  }
0x30: {  	s3 =	sld [smem:$0x3F91]  }
0x31: {  	[smem:$0x3F9A] =	sst s10  }
0x32: {  	s10 =	sld [smem:$0x3F98];
	_ =	sdelay $0x3  }
0x33: {  	p0 =	seq.s32 s10, $0x1;
	s10 =	sld [smem:$0x3F9A];
	_ =	sdelay $0x3  }
0x34: {  	[smem:$0x3F9A] =	sst s10  }
0x35: {  	s10 =	sld [smem:$0x3F99];
	_ =	sdelay $0x3  }
0x36: {  	p1 =	seq.s32 s10, $0x1;
	s10 =	sld [smem:$0x3F9A];
	_ =	sdelay $0x3  }
0x37: {  	[smem:$0x3F9A] =	sst s10  }
0x38: {  	s10 =	sld [smem:$0x3F9B]  }
0x39: {  	_ = 	snop;
	(pc) =	sbr.ind lr, $3  }
0x3a: {  	_ = 	snop  }
0x3b: {  	_ = 	snop  }
0x3c: {  	p2 =	seq.s32 s10, $0x1;
	s10 =	sld [smem:$0x3F9A]  }
0x3d: {  	_ =	shalt  }
0x3e: {  	_ =	shalt  }
0x3f: {  	_ =	shalt  }
0x40: {  	_ =	shalt  }
0x41: {  	_ =	shalt  }
0x42: {  	_ =	shalt  }
0x43: {  	_ =	shalt  }
0x44: {  	_ =	shalt  }
0x45: {  	_ =	shalt  }
0x46: {  	_ =	shalt  }
0x47: {  	_ =	shalt  }
0x48: {  	_ =	shalt  }
0x49: {  	_ =	shalt  }
0x4a: {  	_ =	shalt  }
0x4b: {  	_ =	shalt  }
0x4c: {  	_ =	shalt  }
0x4d: {  	_ =	shalt  }
0x4e: {  	_ =	shalt  }
0x4f: {  	_ =	shalt  }
0x50: {  	_ =	shalt  }
0x51: {  	_ =	shalt  }
0x52: {  	_ =	shalt  }
0x53: {  	_ =	shalt  }
0x54: {  	_ =	shalt  }
0x55: {  	_ =	shalt  }
0x56: {  	_ =	shalt  }
0x57: {  	_ =	shalt  }
0x58: {  	_ =	shalt  }
0x59: {  	_ =	shalt  }
0x5a: {  	_ =	shalt  }
0x5b: {  	_ =	shalt  }
0x5c: {  	_ =	shalt  }
0x5d: {  	_ =	shalt  }
0x5e: {  	_ =	shalt  }
0x5f: {  	_ =	shalt  }
0x60: {  	_ =	shalt  }
0x61: {  	_ =	shalt  }
0x62: {  	_ =	shalt  }
0x63: {  	_ =	shalt  }
0x64: {  	_ =	shalt  }
0x65: {  	_ =	shalt  }
0x66: {  	_ =	shalt  }
0x67: {  	_ =	shalt  }
0x68: {  	_ =	shalt  }
0x69: {  	_ =	shalt  }
0x6a: {  	_ =	shalt  }
0x6b: {  	_ =	shalt  }
0x6c: {  	_ =	shalt  }
0x6d: {  	_ =	shalt  }
0x6e: {  	_ =	shalt  }
0x6f: {  	_ =	shalt  }
0x70: {  	_ =	shalt  }
0x71: {  	_ =	shalt  }
0x72: {  	_ =	shalt  }
0x73: {  	_ =	shalt  }
0x74: {  	_ =	shalt  }
0x75: {  	_ =	shalt  }
0x76: {  	_ =	shalt  }
0x77: {  	_ =	shalt  }
0x78: {  	_ =	shalt  }
0x79: {  	_ =	shalt  }
0x7a: {  	_ =	shalt  }
0x7b: {  	_ =	shalt  }
0x7c: {  	_ =	shalt  }
0x7d: {  	_ =	shalt  }
0x7e: {  	_ =	shalt  }
0x7f: {  	_ =	shalt  }
0x80: {  	_ =	shalt  }
0x81: {  	_ =	shalt  }
0x82: {  	_ =	shalt  }
0x83: {  	_ =	shalt  }
0x84: {  	_ =	shalt  }
0x85: {  	_ =	shalt  }
0x86: {  	_ =	shalt  }
0x87: {  	_ =	shalt  }
.Lfunc_end0:
.L_simem_size_0:
called_computation.7_lowered:
.L_overlay_start_0:
0x88: {  	s2 =	sld [smem:$0x3FD9]  }
0x89: {  	s3 =	sld [smem:$0x3FFE];
	_ =	sdelay $0x1  }
0x8a: {  	s1 =	srdreg.scid  }
0x8b: {  	s0 =	sand.u32 $0x1, s1  }
0x8c: {  	s17 =	sshll.u32 s0, $0xA;
	s2 =	sadd.s32 s3, s2  }
0x8d: {  	s2 =	sadd.s32 s2, s17  }
0x8e: {  	[smem:$0x3FA6] =	sst s2  }
0x8f: {  	_ = 	snop  }
0x90: {  	s2 =	sld [smem:$0x3FD0];
	(tm) =	ssettm $0x1  }
0x91: {  	s18 =	sld [smem:$0x3FFB];
	_ =	sdelay $0x3  }
0x92: {  	_ =	strace s18  }
0x93: {  	s3 =	sld [smem:$0x3FFC];
	_ =	sdelay $0x3  }
0x94: {  	_ =	strace s3  }
0x95: {  	s3 =	sld [smem:$0x3FFD];
	_ =	sdelay $0x3  }
0x96: {  	_ =	strace s3  }
0x97: {  	_ =	strace $0x8FFFFFFF  }
0x98: {  	s19 =	sld [smem:$0x3FDB];
	_ =	sdelay $0x1  }
0x99: {  	s4 =	simm.s32 $_scs_section_size  }
0x9a: {  	s5 =	simm.s32 $_size__tile_overlayer_lowered;
	s6 =	simm.s32 $_tile_overlayer_lowered  }
0x9b: {  	s22 =	simm.s32 $0x1BFF;
	s21 =	sshll.u32 s6, $0x1;
	s3 =	sadd.s32 s4, s19  }
0x9c: {  	s7 =	simm.s32 $0x0;
	s20 =	sshll.u32 s5, $0x1;
	s5 =	sadd.s32 s21, s3  }
0x9d: {  	[timem:s7], [sflag:s22] =	dma.local [hbm:s5], s20  }
0x9e: {  	_ =	swait.ge [sflag:s22], s20  }
0x9f: {  	s4 =	ssub.s32 $0x0, s20;
	[sflag:s22] =	ssyncset.done $0x0  }
0xa0: {  	[sflag:s22] =	ssyncadd.s32 s4;
	_ =	sdelay $0x1  }
0xa1: {  	s23 =	simm.s32 $0x1B8B  }
0xa2: {  	_ =	swait.ge [sflag:s23], $0x1  }
0xa3: {  	[sflag:s23] =	ssyncset.done $0x0  }
0xa4: {  	s25 =	simm.s32 $0x1B8E;
	s24 =	sld [smem:$0x3FFE];
	[sflag:s23] =	ssyncadd.s32 $0xFFFFFFFF  }
0xa5: {  	s26 =	simm.s32 $execute0_lowered;
	[smem:$0x3FD2] =	sst s25  }
0xa6: {  	s5 =	sshll.u32 s26, $0x1;
	_ =	strace $0x8000005B;
	[dreg:$0x1] =	wrdreg $0xFFFFFFFF  }
0xa7: {  	s28 =	simm.s32 $_size_execute0_lowered;
	s3 =	sadd.s32 s3, s5;
	[dreg:$0x0] =	wrdreg $0x0  }
0xa8: {  	s5 =	sshll.u32 s28, $0x1;
	[dreg:$0x2] =	wrdreg s3  }
0xa9: {  	[dreg:$0x3] =	wrdreg s5  }
0xaa: {  	[dreg:$0x4] =	wrdreg $0xC0  }
0xab: {  	_ =	task [dreg:s7], $0x5FFFF  }
0xac: {  	[dreg:$0x1] =	wrdreg $0xFFFFFFFF  }
0xad: {  	[dreg:$0x0] =	wrdreg $0x60  }
0xae: {  	[dreg:$0x2] =	wrdreg s24  }
0xaf: {  	[dreg:$0x3] =	wrdreg s2  }
0xb0: {  	[dreg:$0x4] =	wrdreg $0x60000  }
0xb1: {  	[dreg:$0x5] =	wrdreg $0x9  }
0xb2: {  	_ =	task.clear_ibuf [dreg:s7], $0x6FFFF;
	_ =	strace $0x9000005B  }
0xb3: {  	s29 =	simm.s32 $0x9;
	_ =	strace $0x8000005D  }
0xb4: {  	_ =	swait.ge [sflag:s29], $0x1  }
0xb5: {  	[sflag:s29] =	ssyncadd.s32 $0xFFFFFFFF  }
0xb6: {  	_ =	strace $0x9000005D  }
0xb7: {  	_ =	sfence  }
0xb8: {  	s30 =	sld [smem:$0x0];
	_ =	sdelay $0x2  }
0xb9: {  	s31 =	sshll.u32 s1, $0xD;
	s1 =	sshrl.u32 s1, $0x2  }
0xba: {  	s3 =	sand.u32 $0x4000, s31;
	s1 =	sadd.s32 s1, s30  }
0xbb: {  	s0 =	sor.u32 s3, s0;
	s1 =	sshll.u32 s1, $0x11  }
0xbc: {  	s0 =	sor.u32 s1, s0  }
0xbd: {  	s0 =	sadd.s32 $0x8F2B, s0  }
0xbe: {  	[sflag:s0] =	ssyncadd.remote.s32 $0x1  }
0xbf: {  	_ =	sfence.sel $0xFFFF  }
0xc0: {  	[dreg:$0x0] =	wrdreg $0xFFFFFFFF;
	(pc) =	sbr.abs _section_cstart, $3  }
0xc1: {  	[dreg:$0x1] =	wrdreg $0xFFFFFFFF  }
0xc2: {  	_ =	task.clear_ibuf [dreg:s7], $0x2FFFF;
	_ =	strace $0x9FFFFFFF  }
0xc3: {  	(tm) =	ssettm $0x7FFFFFFF  }
tec
execute0_lowered:
.L_overlay_start_1:
0x0: {  	(tag) =	ssettag $0x1  }
0x1: {  	s9 =	rddreg [dreg:$0x0]  }
0x2: {  	s1 =	rddreg [dreg:$0x1]  }
0x3: {  	s2 =	rddreg [dreg:$0x2];
	s3 =	srdreg.scid  }
0x4: {  	s0 =	rddreg [dreg:$0x3];
	s4 =	simm.s32 $0x0;
	s17 =	simm.s32 $0x1  }
0x5: {  	s18 =	simm.s32 $0x2;
	s19 =	simm.s32 $0x80;
	s10 =	sand.u32 $0x1, s3  }
0x6: {  	s20 =	simm.s32 $0x2000;
	s3 =	stileid.u32;
	s6 =	smul.u32 $0x190000, s10  }
0x7: {  	s22 =	simm.s32 $0x0;
	[smem:$0x7FF] =	sst s4;
	s7 =	smul.u32 $0x19000, s3  }
0x8: {  	s5 =	sadd.s32 $0x1AC00, s9;
	_ =	strace $0x8000005C;
	s13 =	smul.u32 $0x65000, s3  }
0x9: {  	s8 =	sshll.u32 s10, $0x4;
	s26 =	ssub.s32 $0x2, s10;
	s15 =	smul.u32 $0x64000, s3  }
0xa: {  	s30 =	sshll.u32 s3, $0x6;
	s8 =	sor.u32 s3, s8;
	s10 =	sshrl.u32 s26, $0x1  }
0xb: {  	s7 =	sadd.s32 s7, s6;
	s6 =	sadd.s32 $0x10C00, s9;
	s14 =	ssub.s32 s26, s10  }
0xc: {  	s29 =	sshrl.u32 s13, $0x2;
	s31 =	sshrl.u32 s15, $0x2;
	s11 =	sshrl.u32 s7, $0x3  }
0xd: {  	s7 =	smul.u32 $0x2800, s8;
	s8 =	sadd.s32 $0x4CC00, s9;
	s16 =	sadd.s32 s29, s2  }
0xe: {  	s21 =	sadd.s32 s31, s2;
	s13 =	smax.u32 s14, $0x1;
	s14 =	simm.s32 $0x1000  }
0xf: {  	s12 =	sadd.s32 s11, s9;
	s11 =	sor.u32 $0x1C03, s30;
	s15 =	sshrl.u32 s16, $0x3  }
0x10: {  	s16 =	simm.s32 $0x3;
	s21 =	sshrl.u32 s21, $0x3;
	s28 =	sshrl.u32 s7, $0x3  }
0x11: {  	s12 =	sadd.s32 $0x50000, s12;
	s9 =	sadd.s32 s1, s28;
	s10 =	sadd.s32 s6, s28  }
.LBB2_1:
0x12: {  	[tilespmem:s4], [sflag:$0x2] =	stream.linear.gather [hbm4b:s9+s4], $0x800, $0x38;
	[tilespmem:$0x1F400] =	vst v63  }
0x13: {  	_ = 	snop  }
0x14: {  	[tilespmem:s14], [sflag:$0x2] =	stream.linear.gather [hbm4b:s10+s4], $0x800, $0x38;
	[tilespmem:$0x1F400] =	vst v63  }
0x15: {  	[spmem:s15], [sflag:s11] =	dma.local [hbm:s8], $0x3280  }
0x16: {  	_ =	swait.ge [sflag:s16], $0x3280  }
0x17: {  	[sflag:s16] =	ssyncset.done $0x0  }
0x18: {  	[sflag:s16] =	ssyncadd.s32 $0xFFFFCD80  }
0x19: {  	p0 =	por $0x0, $0x0;
	s23 =	simm.s32 $0x0;
	[bflag:$0x0] =	sbarrier.arrive $0xFFFF  }
.LBB2_3:
0x1a: {  	_ =	swait.ge [sflag:s18], $0x800;
	s24 =	smov.u32 s23  }
0x1b: {  	s23 =	sadd.s32 $0x1, s23;
	[sflag:s18] =	ssyncset.done $0x0;
	p1 =	seq.s32 s24, $0x4  }
0x1c: {  	s25 =	simm.s32 $0x1;
	[sflag:s18] =	ssyncadd.s32 $0xFFFFF800;
	s24 =	sshll.u32 @!p1 s23, $0xB  }
0x1d: {  	s25 =	simm.s32 @!p0 $0x0;
	_ =	swait.ge [sflag:s18], $0x800;
	s26 =	sadd.s32 @!p1 s7, s24  }
0x1e: {  	s29 =	simm.s32 @!p1 $0x0;
	[sflag:s18] =	ssyncset.done $0x0;
	s26 =	sshrl.u32 @!p1 s26, $0x3  }
0x1f: {  	s28 =	sand.u32 @!p1 $0x800, s24;
	[sflag:s18] =	ssyncadd.s32 $0xFFFFF800;
	s24 =	sadd.s32 @!p1 s1, s26  }
0x20: {  	[tilespmem:s28], [sflag:$0x2] =	stream.linear.gather @!p1 [hbm4b:s24+s29], $0x800, $0x38;
	[tilespmem:$0x1F400] =	vst v63  }
0x21: {  	s26 =	sadd.s32 @!p1 s6, s26;
	s24 =	sshll.u32 s25, $0xB;
	s25 =	sor.u32 @!p1 $0x1000, s28  }
0x22: {  	[tilespmem:s25], [sflag:$0x2] =	stream.linear.gather @!p1 [hbm4b:s26+s29], $0x800, $0x38;
	[tilespmem:$0x1F400] =	vst v63  }
0x23: {  	s30 =	sadd.s32 $0x0, s24  }
0x24: {  	[tilespmem:s20], [sflag:$0x1] =	stream.indirect.gather [hbm4b:s5+s19], $0x80, s30, s19, $0xb8;
	[tilespmem:$0x1F400] =	vst v63  }
0x25: {  	_ =	swait.ge [sflag:s17], $0x4000  }
0x26: {  	s25 =	sor.u32 $0x1000, s24;
	[sflag:s17] =	ssyncset.done $0x0  }
0x27: {  	s31 =	sadd.s32 $0x0, s25;
	[sflag:s17] =	ssyncadd.s32 $0xFFFFC000  }
0x28: {  	[spmem:s2] =	stream.indirect.scatter.add.f32 [tilespmem:s20], [sflag:$0x3], $0x80, s31, s19, $0xb8;
	[tilespmem:$0x1F400] =	vst v63  }
0x29: {  	_ =	swait.ge [sflag:s16], $0x4000  }
0x2a: {  	s28 =	simm.s32 $0x400;
	s26 =	simm.s32 $0x80;
	[sflag:s16] =	ssyncset.done $0x0  }
.LBB2_4:
0x2b: {  	s29 =	sadd.s32 s26, s24  }
0x2c: {  	[sflag:s16] =	ssyncadd.s32 $0xFFFFC000;
	s30 =	smov.u32 s28;
	s31 =	sadd.s32 $0x200, s28  }
0x2d: {  	[tilespmem:s20], [sflag:$0x1] =	stream.indirect.gather [hbm4b:s5+s19], $0x80, s29, s19, $0xb8;
	[tilespmem:$0x1F400] =	vst v63  }
0x2e: {  	p1 =	seq.s32 s28, $0x1E00;
	_ =	swait.ge [sflag:s17], $0x4000  }
.Ltmp0:
0x2f: {  	[sflag:s17] =	ssyncset.done $0x0;
	(pc) =	sbr.rel @!p1 .LBB2_4-.Ltmp0, $4  }
0x30: {  	s26 =	sadd.s32 s26, s25;
	[sflag:s17] =	ssyncadd.s32 $0xFFFFC000  }
0x31: {  	[spmem:s2] =	stream.indirect.scatter.add.f32 [tilespmem:s20], [sflag:$0x3], $0x80, s26, s19, $0xb8;
	[tilespmem:$0x1F400] =	vst v63  }
0x32: {  	_ =	swait.ge [sflag:s16], $0x4000  }
0x33: {  	s28 =	smov.u32 s31;
	s26 =	sshra.s32 s30, $0x2;
	[sflag:s16] =	ssyncset.done $0x0  }
0x34: {  	s24 =	sadd.s32 s26, s24;
	[sflag:s16] =	ssyncadd.s32 $0xFFFFC000  }
0x35: {  	[tilespmem:s20], [sflag:$0x1] =	stream.indirect.gather [hbm4b:s5+s19], $0x80, s24, s19, $0xb8;
	[tilespmem:$0x1F400] =	vst v63  }
0x36: {  	_ =	swait.ge [sflag:s17], $0x4000  }
0x37: {  	[sflag:s17] =	ssyncset.done $0x0  }
0x38: {  	s31 =	sadd.s32 s26, s25;
	[sflag:s17] =	ssyncadd.s32 $0xFFFFC000  }
0x39: {  	[spmem:s2] =	stream.indirect.scatter.add.f32 [tilespmem:s20], [sflag:$0x3], $0x80, s31, s19, $0xb8;
	[tilespmem:$0x1F400] =	vst v63  }
0x3a: {  	_ =	swait.ge [sflag:s16], $0x4000  }
0x3b: {  	[sflag:s16] =	ssyncset.done $0x0  }
0x3c: {  	[sflag:s16] =	ssyncadd.s32 $0xFFFFC000  }
0x3d: {  	p1 =	seq.s32 s23, $0x5  }
.Ltmp1:
0x3e: {  	_ = 	snop;
	(pc) =	sbr.rel @!p1 .LBB2_3-.Ltmp1, $2  }
0x3f: {  	_ =	sdelay $0x2  }
0x40: {  	p0 =	por !p0, !p0  }
0x41: {  	s22 =	sadd.s32 $0x1, s22  }
0x42: {  	p0 =	sne.s32 s22, s13  }
.Ltmp2:
0x43: {  	[bflag:$0x0] =	sbarrier.arrive $0xFFFF;
	(pc) =	sbr.rel @p0 .LBB2_1-.Ltmp2, $4  }
0x44: {  	[hbm:s12], [sflag:s11] =	dma.local [spmem:s21], $0x3200  }
0x45: {  	_ =	swait.ge [sflag:s16], $0x3200  }
0x46: {  	[sflag:s16] =	ssyncset.done $0x0  }
0x47: {  	[sflag:s16] =	ssyncadd.s32 $0xFFFFCE00  }
0x48: {  	_ =	sfence.sel $0x180000  }
0x49: {  	[bflag:$0x0] =	sbarrier.arrive $0xFFFF  }
0x4a: {  	p0 =	sne.s32 s3, $0x0;
	_ =	strace $0x9000005C  }
0x4b: {  	s0 =	sadd.s32 @!p0 $0x100000, s0;
	[bflag:$0x2] =	sbarrier.arrive $0xFFFF  }
0x4c: {  	[sflag:s0] =	ssyncadd.tile.s32 @!p0 $0x1;
	_ =	shalt  }
.Lfunc_end2:
_tile_overlayer_lowered:
.L_overlay_start_2:
0x4d: {  	(tag) =	ssettag $0x2  }
0x4e: {  	s0 =	rddreg [dreg:$0x0];
	s2 =	stileid.u32  }
0x4f: {  	s1 =	rddreg [dreg:$0x1];
	p0 =	sne.s32 s2, $0x0  }
0x50: {  	s3 =	rddreg [dreg:$0x2];
	[bflag:$0x3] =	sbarrier.arrive $0xFFFF;
	s2 =	simm.s32 @!p0 $0x1C03  }
0x51: {  	[timem:s3], [sflag:s2] =	dma.local @!p0 [hbm:s0], s1  }
0x52: {  	s0 =	simm.s32 @!p0 $0x3  }
0x53: {  	_ =	swait.ge @!p0 [sflag:s0], s1  }
0x54: {  	s1 =	ssub.s32 @!p0 $0x0, s1;
	[sflag:s0] =	ssyncset.done @!p0 $0x0  }
0x55: {  	[sflag:s0] =	ssyncadd.s32 @!p0 s1  }
0x56: {  	[bflag:$0x3] =	sbarrier.arrive $0xFFFF  }
0x57: {  	_ =	shalt  }

</sc_bundles>
